<compile_context>
chip_gen: v7x
topology: tpu7x:2x2x1
jax: 0.10.2.dev20260603
libtpu: 0.0.44.dev20260713+nightly
codegen_flags: <defaults>
</compile_context>

<pallas_src>
import functools

import jax
import jax.numpy as jnp
from jax import lax
from jax.experimental import pallas as pl
from jax.experimental.pallas import tpu as pltpu
from jax.experimental.pallas import tpu_sc as plsc

N = 100000
D = 128
H = 256
O = 10
G = 256

NC = 2
NS = 16
NW = NC * NS
RPW = N // NW
LANES = 16
GA = G + 1

GROUPS = (RPW + LANES - 1) // LANES
CHUNK = 320
GPC = CHUNK // LANES
NFULL = (GROUPS * LANES) // CHUNK
TAIL_ROWS = GROUPS * LANES - NFULL * CHUNK
TAIL_VALID = RPW - NFULL * CHUNK
TAIL_G = TAIL_ROWS // LANES
BAT_PAD = 3152


def _sc_segment_sum(x3, batch2):
  mesh = plsc.VectorSubcoreMesh(core_axis_name="c", subcore_axis_name="s")

  @functools.partial(
      pl.kernel,
      out_type=[
          jax.ShapeDtypeStruct((NW, G * D), jnp.float32),
          jax.ShapeDtypeStruct((NW, G, LANES), jnp.float32),
      ],
      mesh=mesh,
      compiler_params=pltpu.CompilerParams(use_tc_tiling_on_sc=False,
                                           needs_layout_passes=False),
      scratch_types=[
          pltpu.VMEM((GA * D,), jnp.float32),
          pltpu.VMEM((GA, LANES), jnp.float32),
          pltpu.VMEM((BAT_PAD,), jnp.int32),
          pltpu.VMEM((CHUNK, D), jnp.float32),
      ],
  )
  def seg_kernel(x_hbm, b_hbm, part_hbm, cnt_hbm, acc, cnt, bat, xbuf):
    wid = lax.axis_index("s") * NC + lax.axis_index("c")
    zeros = jnp.zeros((LANES,), jnp.float32)
    ones = jnp.ones((LANES,), jnp.float32)
    lane_iota = lax.iota(jnp.int32, LANES)
    sentinel = jnp.full((LANES,), G, jnp.int32)

    def zero_acc(i, _):
      acc[pl.ds(i * LANES, LANES)] = zeros
      return _
    lax.fori_loop(0, GA * D // LANES, zero_acc, 0)

    def zero_cnt(i, _):
      cnt[i, :] = zeros
      return _
    lax.fori_loop(0, GA, zero_cnt, 0)

    pltpu.sync_copy(b_hbm.at[wid], bat.at[pl.ds(0, RPW)])
    bat[pl.ds(RPW, LANES)] = sentinel

    def do_group(g, _):
      segv = bat[pl.ds(g * LANES, LANES)]
      basev = segv * D
      plsc.addupdate_scatter(cnt, [segv, lane_iota], ones)
      r0 = (g * LANES) % CHUNK
      for j in range(LANES):
        base = basev[j]
        r = r0 + j
        for k in range(D // LANES):
          v = xbuf[r, pl.ds(k * LANES, LANES)]
          plsc.addupdate(acc.at[pl.ds(base + k * LANES, LANES)], v)
      return _

    def do_chunk(c, _):
      pltpu.sync_copy(x_hbm.at[wid, pl.ds(c * CHUNK, CHUNK)], xbuf)
      lax.fori_loop(c * GPC, (c + 1) * GPC, do_group, 0)
      return _
    lax.fori_loop(0, NFULL, do_chunk, 0)

    pltpu.sync_copy(x_hbm.at[wid, pl.ds(NFULL * CHUNK, TAIL_VALID)],
                    xbuf.at[pl.ds(0, TAIL_VALID)])
    lax.fori_loop(NFULL * GPC, NFULL * GPC + TAIL_G, do_group, 0)

    pltpu.sync_copy(acc.at[pl.ds(0, G * D)], part_hbm.at[wid])
    pltpu.sync_copy(cnt.at[pl.ds(0, G)], cnt_hbm.at[wid])

  return seg_kernel(x3, batch2)


def _tc_pool_mlp(part, cnt, W1, b1, W2, b2, W3, b3):

  def body(part_ref, cnt_ref, w1_ref, b1_ref, w2_ref, b2_ref, w3_ref, b3_ref,
           out_ref):
    sums = jnp.sum(part_ref[...], axis=0)
    counts = jnp.sum(cnt_ref[...], axis=(0, 2))
    pooled = sums / jnp.clip(counts, 1.0)[:, None]
    h = jnp.maximum(
        jnp.dot(pooled, w1_ref[...], preferred_element_type=jnp.float32)
        + b1_ref[...], 0.0)
    h = jnp.maximum(
        jnp.dot(h, w2_ref[...], preferred_element_type=jnp.float32)
        + b2_ref[...], 0.0)
    out_ref[...] = (
        jnp.dot(h, w3_ref[...], preferred_element_type=jnp.float32)
        + b3_ref[...])

  return pl.pallas_call(
      body,
      out_shape=jax.ShapeDtypeStruct((G, O), jnp.float32),
  )(part, cnt, W1, b1.reshape(1, H), W2, b2.reshape(1, H), W3,
    b3.reshape(1, O))


def kernel(x, batch, W1, b1, W2, b2, W3, b3):
  x3 = x.reshape(NW, RPW, D)
  batch2 = batch.astype(jnp.int32).reshape(NW, RPW)
  part, cnt = _sc_segment_sum(x3, batch2)
  return _tc_pool_mlp(part.reshape(NW, G, D), cnt, W1, b1, W2, b2, W3, b3)

# --- scband reference (transcript-rebuilt; emitter-appended) ---
"""Pipeline reference for scband-graph-classifier-3058016715243 (READ-ONLY COPY).

The authoritative reference and input builder live on the scoring server;
editing this copy changes nothing except your own understanding.
"""

import jax, jax.numpy as jnp
import numpy as np

N = 100000
D = 128
H = 256
O = 10
G = 256  # number of graphs (segments)


def setup_inputs(seed: int = 0) -> dict:
    key = jax.random.key(seed)
    k1, k2, k3, k4, k5, k6, k7, k8 = jax.random.split(key, 8)
    x = jax.random.normal(k1, (N, D), dtype=jnp.float32)
    batch = jnp.sort(jax.random.randint(k2, (N,), 0, G))
    W1 = jax.random.normal(k3, (D, H), dtype=jnp.float32) * 0.02
    b1 = jnp.zeros((H,), dtype=jnp.float32)
    W2 = jax.random.normal(k4, (H, H), dtype=jnp.float32) * 0.02
    b2 = jnp.zeros((H,), dtype=jnp.float32)
    W3 = jax.random.normal(k5, (H, O), dtype=jnp.float32) * 0.02
    b3 = jnp.zeros((O,), dtype=jnp.float32)
    return {"x": x, "batch": batch, "W1": W1, "b1": b1, "W2": W2, "b2": b2, "W3": W3, "b3": b3}


def reference(x, batch, W1, b1, W2, b2, W3, b3):
    # global_mean_pool: segment mean over nodes grouped by graph id
    sums = jax.ops.segment_sum(x, batch, num_segments=G)
    counts = jax.ops.segment_sum(jnp.ones((x.shape[0],), dtype=jnp.float32), batch, num_segments=G)
    pooled = sums / jnp.clip(counts, 1.0)[:, None]
    # MLP (dropout is identity in eval mode)
    h = jax.nn.relu(pooled @ W1 + b1)
    h = jax.nn.relu(h @ W2 + b2)
    out = h @ W3 + b3
    return out

if __name__ == "__main__":
    import jax
    _d = setup_inputs()
    print(jax.jit(kernel)(*tuple(_d.values())))

</pallas_src>

<mosaic_0001>
#map = affine_map<(d0, d1) -> (0, 0, 0)>
#map1 = affine_map<(d0, d1) -> (0, 0)>
module attributes {stable_mosaic.version = 14 : i64} {
  func.func @seg_kernel(%arg0: i32, %arg1: i32, %arg2: memref<32x3125x128xf32, #tpu.memory_space<hbm>>, %arg3: memref<32x3125xi32, #tpu.memory_space<hbm>>, %arg4: memref<32x32768xf32, #tpu.memory_space<hbm>>, %arg5: memref<32x256x16xf32, #tpu.memory_space<hbm>>, %arg6: memref<32896xf32, #tpu.memory_space<vmem>>, %arg7: memref<257x16xf32, #tpu.memory_space<vmem>>, %arg8: memref<3152xi32, #tpu.memory_space<vmem>>, %arg9: memref<320x128xf32, #tpu.memory_space<vmem>>) attributes {dimension_semantics = [#tpu.dimension_semantics<core_parallel>, #tpu.dimension_semantics<subcore_parallel>], iteration_bounds = array<i64: 2, 16>, scalar_prefetch = 0 : i64, scratch_operands = 4 : i64, tpu.core_type = #tpu.core_type<sc_vector_subcore>, window_params = [{transform_indices = #map}, {transform_indices = #map1}, {transform_indices = #map1}, {transform_indices = #map}]} {
    %mul3A = arith.constant 2 : i32
    %mul3A_0 = arith.muli %arg1, %mul3A : i32
    %add3A = arith.addi %mul3A_0, %arg0 : i32
    %broadcast_in_dim3A = arith.constant 0.000000e+00 : f32
    %broadcast_in_dim3A_1 = vector.broadcast %broadcast_in_dim3A : f32 to vector<16xf32>
    %broadcast_in_dim3A_2 = arith.constant 1.000000e+00 : f32
    %broadcast_in_dim3A_3 = vector.broadcast %broadcast_in_dim3A_2 : f32 to vector<16xf32>
    %iota3A = tpu.iota {dimensions = array<i32: 0>} : vector<16xi32>
    %broadcast_in_dim3A_4 = arith.constant 256 : i32
    %broadcast_in_dim3A_5 = vector.broadcast %broadcast_in_dim3A_4 : i32 to vector<16xi32>
    %scan3A = arith.constant 0 : i32
    %scan3A_6 = arith.constant 0 : i32
    %scan3A_7 = arith.constant 2056 : i32
    %scan3A_8 = arith.addi %scan3A_6, %scan3A_7 : i32
    %scan3A_9 = arith.constant 1 : i32
    scf.for %scan3A_30 = %scan3A_6 to %scan3A_8 step %scan3A_9  : i32 {
      %mul3A_31 = arith.constant 16 : i32
      %mul3A_32 = arith.muli %scan3A_30, %mul3A_31 : i32
      %swap3A_33 = arith.index_cast %mul3A_32 : i32 to index
      %swap3A_34 = tpu.vector_load %arg6[%swap3A_33] {strides = array<i32>} : memref<32896xf32, #tpu.memory_space<vmem>>, vector<16xf32>,
      tpu.vector_store %arg6[%swap3A_33], %broadcast_in_dim3A_1 {strides = array<i32>} : memref<32896xf32, #tpu.memory_space<vmem>>, vector<16xf32>,
    }
    %scan3A_10 = arith.constant 2056 : i32
    %scan3A_11 = arith.constant 0 : i32
    %scan3A_12 = arith.constant 0 : i32
    %scan3A_13 = arith.constant 257 : i32
    %scan3A_14 = arith.addi %scan3A_12, %scan3A_13 : i32
    %scan3A_15 = arith.constant 1 : i32
    scf.for %scan3A_30 = %scan3A_12 to %scan3A_14 step %scan3A_15  : i32 {
      %swap3A_31 = arith.index_cast %scan3A_30 : i32 to index
      %swap3A_32 = arith.constant 0 : index
      %swap3A_33 = tpu.vector_load %arg7[%swap3A_31, %swap3A_32] {strides = array<i32>} : memref<257x16xf32, #tpu.memory_space<vmem>>, vector<16xf32>,
      tpu.vector_store %arg7[%swap3A_31, %swap3A_32], %broadcast_in_dim3A_1 {strides = array<i32>} : memref<257x16xf32, #tpu.memory_space<vmem>>, vector<16xf32>,
    }
    %scan3A_16 = arith.constant 257 : i32
    "tpu.region"() ({
      %run_scoped3A = tpu.sem_alloc : memref<!tpu.dma_semaphore, #tpu.memory_space<semaphore_mem>>
      %dma_start3A = arith.constant 0 : i32
      %dma_start3A_30 = tpu.memref_slice %arg8[%dma_start3A] : memref<3152xi32, #tpu.memory_space<vmem>> -> memref<3125xi32, #tpu.memory_space<vmem>>
      %dma_start3A_31 = arith.constant 0 : i32
      %dma_start3A_32 = tpu.memref_slice %arg3[%add3A, %dma_start3A_31] : memref<32x3125xi32, #tpu.memory_space<hbm>> -> memref<1x3125xi32, #tpu.memory_space<hbm>>
      %dma_start3A_33 = tpu.memref_squeeze %dma_start3A_32 : memref<1x3125xi32, #tpu.memory_space<hbm>> -> memref<3125xi32, #tpu.memory_space<hbm>>
      %dma_start3A_34 = arith.constant 0 : i32
      %dma_start3A_35 = tpu.memref_slice %arg8[%dma_start3A_34] : memref<3152xi32, #tpu.memory_space<vmem>> -> memref<3125xi32, #tpu.memory_space<vmem>>
      %dma_start3A_36 = arith.constant 0 : i32
      %dma_start3A_37 = tpu.memref_slice %arg3[%add3A, %dma_start3A_36] : memref<32x3125xi32, #tpu.memory_space<hbm>> -> memref<1x3125xi32, #tpu.memory_space<hbm>>
      %dma_start3A_38 = tpu.memref_squeeze %dma_start3A_37 : memref<1x3125xi32, #tpu.memory_space<hbm>> -> memref<3125xi32, #tpu.memory_space<hbm>>
      tpu.enqueue_dma source(%dma_start3A_38 : memref<3125xi32, #tpu.memory_space<hbm>>) target(%dma_start3A_35 : memref<3125xi32, #tpu.memory_space<vmem>>) target_semaphore(%run_scoped3A : memref<!tpu.dma_semaphore, #tpu.memory_space<semaphore_mem>>)
      %dma_wait3A = arith.constant 0 : i32
      %dma_wait3A_39 = tpu.memref_slice %arg8[%dma_wait3A] : memref<3152xi32, #tpu.memory_space<vmem>> -> memref<3125xi32, #tpu.memory_space<vmem>>
      %dma_wait3A_40 = arith.constant 0 : i32
      %dma_wait3A_41 = tpu.memref_slice %arg3[%add3A, %dma_wait3A_40] : memref<32x3125xi32, #tpu.memory_space<hbm>> -> memref<1x3125xi32, #tpu.memory_space<hbm>>
      %dma_wait3A_42 = tpu.memref_squeeze %dma_wait3A_41 : memref<1x3125xi32, #tpu.memory_space<hbm>> -> memref<3125xi32, #tpu.memory_space<hbm>>
      %dma_wait3A_43 = arith.constant 0 : i32
      %dma_wait3A_44 = tpu.memref_slice %arg8[%dma_wait3A_43] : memref<3152xi32, #tpu.memory_space<vmem>> -> memref<3125xi32, #tpu.memory_space<vmem>>
      %dma_wait3A_45 = arith.constant 0 : i32
      %dma_wait3A_46 = tpu.memref_slice %arg3[%add3A, %dma_wait3A_45] : memref<32x3125xi32, #tpu.memory_space<hbm>> -> memref<1x3125xi32, #tpu.memory_space<hbm>>
      %dma_wait3A_47 = tpu.memref_squeeze %dma_wait3A_46 : memref<1x3125xi32, #tpu.memory_space<hbm>> -> memref<3125xi32, #tpu.memory_space<hbm>>
      tpu.wait_dma2 semaphore(%run_scoped3A : memref<!tpu.dma_semaphore, #tpu.memory_space<semaphore_mem>>) src(%dma_wait3A_47 : memref<3125xi32, #tpu.memory_space<hbm>>) dst(%dma_wait3A_44 : memref<3125xi32, #tpu.memory_space<vmem>>)
      tpu.yield
    }) : () -> ()
    %swap3A = arith.constant 3125 : index
    %swap3A_17 = tpu.vector_load %arg8[%swap3A] {strides = array<i32>} : memref<3152xi32, #tpu.memory_space<vmem>>, vector<16xi32>,
    tpu.vector_store %arg8[%swap3A], %broadcast_in_dim3A_5 {strides = array<i32>} : memref<3152xi32, #tpu.memory_space<vmem>>, vector<16xi32>,
    %scan3A_18 = arith.constant 0 : i32
    %scan3A_19 = arith.constant 0 : i32
    %scan3A_20 = arith.constant 9 : i32
    %scan3A_21 = arith.addi %scan3A_19, %scan3A_20 : i32
    %scan3A_22 = arith.constant 1 : i32
    scf.for %scan3A_30 = %scan3A_19 to %scan3A_21 step %scan3A_22  : i32 {
      %mul3A_31 = arith.constant 320 : i32
      %mul3A_32 = arith.muli %scan3A_30, %mul3A_31 : i32
      "tpu.region"() ({
        %run_scoped3A = tpu.sem_alloc : memref<!tpu.dma_semaphore, #tpu.memory_space<semaphore_mem>>
        %dma_start3A = arith.constant 0 : i32
        %dma_start3A_47 = tpu.memref_slice %arg2[%add3A, %mul3A_32, %dma_start3A] : memref<32x3125x128xf32, #tpu.memory_space<hbm>> -> memref<1x320x128xf32, #tpu.memory_space<hbm>>
        %dma_start3A_48 = tpu.memref_squeeze %dma_start3A_47 : memref<1x320x128xf32, #tpu.memory_space<hbm>> -> memref<320x128xf32, #tpu.memory_space<hbm>>
        %dma_start3A_49 = arith.constant 0 : i32
        %dma_start3A_50 = tpu.memref_slice %arg2[%add3A, %mul3A_32, %dma_start3A_49] : memref<32x3125x128xf32, #tpu.memory_space<hbm>> -> memref<1x320x128xf32, #tpu.memory_space<hbm>>
        %dma_start3A_51 = tpu.memref_squeeze %dma_start3A_50 : memref<1x320x128xf32, #tpu.memory_space<hbm>> -> memref<320x128xf32, #tpu.memory_space<hbm>>
        tpu.enqueue_dma source(%dma_start3A_51 : memref<320x128xf32, #tpu.memory_space<hbm>>) target(%arg9 : memref<320x128xf32, #tpu.memory_space<vmem>>) target_semaphore(%run_scoped3A : memref<!tpu.dma_semaphore, #tpu.memory_space<semaphore_mem>>)
        %dma_wait3A = arith.constant 0 : i32
        %dma_wait3A_52 = tpu.memref_slice %arg2[%add3A, %mul3A_32, %dma_wait3A] : memref<32x3125x128xf32, #tpu.memory_space<hbm>> -> memref<1x320x128xf32, #tpu.memory_space<hbm>>
        %dma_wait3A_53 = tpu.memref_squeeze %dma_wait3A_52 : memref<1x320x128xf32, #tpu.memory_space<hbm>> -> memref<320x128xf32, #tpu.memory_space<hbm>>
        %dma_wait3A_54 = arith.constant 0 : i32
        %dma_wait3A_55 = tpu.memref_slice %arg2[%add3A, %mul3A_32, %dma_wait3A_54] : memref<32x3125x128xf32, #tpu.memory_space<hbm>> -> memref<1x320x128xf32, #tpu.memory_space<hbm>>
        %dma_wait3A_56 = tpu.memref_squeeze %dma_wait3A_55 : memref<1x320x128xf32, #tpu.memory_space<hbm>> -> memref<320x128xf32, #tpu.memory_space<hbm>>
        tpu.wait_dma2 semaphore(%run_scoped3A : memref<!tpu.dma_semaphore, #tpu.memory_space<semaphore_mem>>) src(%dma_wait3A_56 : memref<320x128xf32, #tpu.memory_space<hbm>>) dst(%arg9 : memref<320x128xf32, #tpu.memory_space<vmem>>)
        tpu.yield
      }) : () -> ()
      %mul3A_33 = arith.constant 20 : i32
      %mul3A_34 = arith.muli %scan3A_30, %mul3A_33 : i32
      %add3A_35 = arith.constant 1 : i32
      %add3A_36 = arith.addi %scan3A_30, %add3A_35 : i32
      %mul3A_37 = arith.constant 20 : i32
      %mul3A_38 = arith.muli %add3A_36, %mul3A_37 : i32
      %while3A = arith.constant 0 : i32
      %while3A_39 = arith.subi %mul3A_38, %mul3A_34 : i32
      %while3A_40 = arith.addi %mul3A_34, %while3A_39 : i32
      %while3A_41 = arith.constant 1 : i32
      %while3A_42 = arith.divsi %while3A_39, %while3A_41 : i32
      %while3A_43 = arith.muli %while3A_42, %while3A_41 : i32
      %while3A_44 = arith.addi %mul3A_34, %while3A_43 : i32
      %while3A_45 = arith.constant 1 : i32
      scf.for %while3A_47 = %mul3A_34 to %while3A_44 step %while3A_45  : i32 {
        %mul3A_48 = arith.constant 16 : i32
        %mul3A_49 = arith.muli %while3A_47, %mul3A_48 : i32
        %get3A = arith.index_cast %mul3A_49 : i32 to index
        %get3A_50 = tpu.vector_load %arg8[%get3A] {strides = array<i32>} : memref<3152xi32, #tpu.memory_space<vmem>>, vector<16xi32>,
        %mul3A_51 = arith.constant 128 : i32
        %mul3A_52 = vector.broadcast %mul3A_51 : i32 to vector<16xi32>
        %mul3A_53 = arith.muli %get3A_50, %mul3A_52 : vector<16xi32>
        tpu.vector_store_idx %arg7[%get3A_50, %iota3A], %broadcast_in_dim3A_3 {add = true} : memref<257x16xf32, #tpu.memory_space<vmem>>[vector<16xi32>, vector<16xi32>], vector<16xf32>,
        %mul3A_54 = arith.constant 16 : i32
        %mul3A_55 = arith.muli %while3A_47, %mul3A_54 : i32
        %jit3A = arith.constant 320 : i32
        %eq3A = arith.constant 0 : i32
        %eq3A_56 = arith.cmpi eq, %jit3A, %eq3A : i32
        %jit3A_57 = arith.constant 1 : i32
        %select_n3A = arith.select %eq3A_56, %jit3A_57, %jit3A : i32
        %rem3A = arith.remsi %mul3A_55, %select_n3A : i32
        %ne3A = arith.constant 0 : i32
        %ne3A_58 = arith.cmpi ne, %rem3A, %ne3A : i32
        %lt3A = arith.constant 0 : i32
        %lt3A_59 = arith.cmpi slt, %rem3A, %lt3A : i32
        %lt3A_60 = arith.constant 0 : i32
        %lt3A_61 = arith.cmpi slt, %select_n3A, %lt3A_60 : i32
        %ne3A_62 = arith.xori %lt3A_59, %lt3A_61 : i1
        %and3A = arith.andi %ne3A_62, %ne3A_58 : i1
        %add3A_63 = arith.addi %rem3A, %select_n3A : i32
        %select_n3A_64 = arith.select %and3A, %add3A_63, %rem3A : i32
        %slice3A = vector.extract_strided_slice %mul3A_53 {offsets = [0], sizes = [1], strides = [1]} : vector<16xi32> to vector<1xi32>
        %squeeze3A = vector.extract %slice3A[0] : i32 from vector<1xi32>
        %add3A_65 = arith.constant 0 : i32
        %add3A_66 = arith.addi %select_n3A_64, %add3A_65 : i32
        %get3A_67 = arith.index_cast %add3A_66 : i32 to index
        %get3A_68 = arith.constant 0 : index
        %get3A_69 = tpu.vector_load %arg9[%get3A_67, %get3A_68] {strides = array<i32>} : memref<320x128xf32, #tpu.memory_space<vmem>>, vector<16xf32>,
        %add3A_70 = arith.constant 0 : i32
        %add3A_71 = arith.addi %squeeze3A, %add3A_70 : i32
        %swap3A_72 = arith.index_cast %add3A_71 : i32 to index
        %swap3A_73 = tpu.vector_load %arg6[%swap3A_72] {strides = array<i32>} : memref<32896xf32, #tpu.memory_space<vmem>>, vector<16xf32>,
        tpu.vector_store %arg6[%swap3A_72], %get3A_69 {add = true, strides = array<i32>} : memref<32896xf32, #tpu.memory_space<vmem>>, vector<16xf32>,
        %get3A_74 = arith.index_cast %add3A_66 : i32 to index
        %get3A_75 = arith.constant 16 : index
        %get3A_76 = tpu.vector_load %arg9[%get3A_74, %get3A_75] {strides = array<i32>} : memref<320x128xf32, #tpu.memory_space<vmem>>, vector<16xf32>,
        %add3A_77 = arith.constant 16 : i32
        %add3A_78 = arith.addi %squeeze3A, %add3A_77 : i32
        %swap3A_79 = arith.index_cast %add3A_78 : i32 to index
        %swap3A_80 = tpu.vector_load %arg6[%swap3A_79] {strides = array<i32>} : memref<32896xf32, #tpu.memory_space<vmem>>, vector<16xf32>,
        tpu.vector_store %arg6[%swap3A_79], %get3A_76 {add = true, strides = array<i32>} : memref<32896xf32, #tpu.memory_space<vmem>>, vector<16xf32>,
        %get3A_81 = arith.index_cast %add3A_66 : i32 to index
        %get3A_82 = arith.constant 32 : index
        %get3A_83 = tpu.vector_load %arg9[%get3A_81, %get3A_82] {strides = array<i32>} : memref<320x128xf32, #tpu.memory_space<vmem>>, vector<16xf32>,
        %add3A_84 = arith.constant 32 : i32
        %add3A_85 = arith.addi %squeeze3A, %add3A_84 : i32
        %swap3A_86 = arith.index_cast %add3A_85 : i32 to index
        %swap3A_87 = tpu.vector_load %arg6[%swap3A_86] {strides = array<i32>} : memref<32896xf32, #tpu.memory_space<vmem>>, vector<16xf32>,
        tpu.vector_store %arg6[%swap3A_86], %get3A_83 {add = true, strides = array<i32>} : memref<32896xf32, #tpu.memory_space<vmem>>, vector<16xf32>,
        %get3A_88 = arith.index_cast %add3A_66 : i32 to index
        %get3A_89 = arith.constant 48 : index
        %get3A_90 = tpu.vector_load %arg9[%get3A_88, %get3A_89] {strides = array<i32>} : memref<320x128xf32, #tpu.memory_space<vmem>>, vector<16xf32>,
        %add3A_91 = arith.constant 48 : i32
        %add3A_92 = arith.addi %squeeze3A, %add3A_91 : i32
        %swap3A_93 = arith.index_cast %add3A_92 : i32 to index
        %swap3A_94 = tpu.vector_load %arg6[%swap3A_93] {strides = array<i32>} : memref<32896xf32, #tpu.memory_space<vmem>>, vector<16xf32>,
        tpu.vector_store %arg6[%swap3A_93], %get3A_90 {add = true, strides = array<i32>} : memref<32896xf32, #tpu.memory_space<vmem>>, vector<16xf32>,
        %get3A_95 = arith.index_cast %add3A_66 : i32 to index
        %get3A_96 = arith.constant 64 : index
        %get3A_97 = tpu.vector_load %arg9[%get3A_95, %get3A_96] {strides = array<i32>} : memref<320x128xf32, #tpu.memory_space<vmem>>, vector<16xf32>,
        %add3A_98 = arith.constant 64 : i32
        %add3A_99 = arith.addi %squeeze3A, %add3A_98 : i32
        %swap3A_100 = arith.index_cast %add3A_99 : i32 to index
        %swap3A_101 = tpu.vector_load %arg6[%swap3A_100] {strides = array<i32>} : memref<32896xf32, #tpu.memory_space<vmem>>, vector<16xf32>,
        tpu.vector_store %arg6[%swap3A_100], %get3A_97 {add = true, strides = array<i32>} : memref<32896xf32, #tpu.memory_space<vmem>>, vector<16xf32>,
        %get3A_102 = arith.index_cast %add3A_66 : i32 to index
        %get3A_103 = arith.constant 80 : index
        %get3A_104 = tpu.vector_load %arg9[%get3A_102, %get3A_103] {strides = array<i32>} : memref<320x128xf32, #tpu.memory_space<vmem>>, vector<16xf32>,
        %add3A_105 = arith.constant 80 : i32
        %add3A_106 = arith.addi %squeeze3A, %add3A_105 : i32
        %swap3A_107 = arith.index_cast %add3A_106 : i32 to index
        %swap3A_108 = tpu.vector_load %arg6[%swap3A_107] {strides = array<i32>} : memref<32896xf32, #tpu.memory_space<vmem>>, vector<16xf32>,
        tpu.vector_store %arg6[%swap3A_107], %get3A_104 {add = true, strides = array<i32>} : memref<32896xf32, #tpu.memory_space<vmem>>, vector<16xf32>,
        %get3A_109 = arith.index_cast %add3A_66 : i32 to index
        %get3A_110 = arith.constant 96 : index
        %get3A_111 = tpu.vector_load %arg9[%get3A_109, %get3A_110] {strides = array<i32>} : memref<320x128xf32, #tpu.memory_space<vmem>>, vector<16xf32>,
        %add3A_112 = arith.constant 96 : i32
        %add3A_113 = arith.addi %squeeze3A, %add3A_112 : i32
        %swap3A_114 = arith.index_cast %add3A_113 : i32 to index
        %swap3A_115 = tpu.vector_load %arg6[%swap3A_114] {strides = array<i32>} : memref<32896xf32, #tpu.memory_space<vmem>>, vector<16xf32>,
        tpu.vector_store %arg6[%swap3A_114], %get3A_111 {add = true, strides = array<i32>} : memref<32896xf32, #tpu.memory_space<vmem>>, vector<16xf32>,
        %get3A_116 = arith.index_cast %add3A_66 : i32 to index
        %get3A_117 = arith.constant 112 : index
        %get3A_118 = tpu.vector_load %arg9[%get3A_116, %get3A_117] {strides = array<i32>} : memref<320x128xf32, #tpu.memory_space<vmem>>, vector<16xf32>,
        %add3A_119 = arith.constant 112 : i32
        %add3A_120 = arith.addi %squeeze3A, %add3A_119 : i32
        %swap3A_121 = arith.index_cast %add3A_120 : i32 to index
        %swap3A_122 = tpu.vector_load %arg6[%swap3A_121] {strides = array<i32>} : memref<32896xf32, #tpu.memory_space<vmem>>, vector<16xf32>,
        tpu.vector_store %arg6[%swap3A_121], %get3A_118 {add = true, strides = array<i32>} : memref<32896xf32, #tpu.memory_space<vmem>>, vector<16xf32>,
        %slice3A_123 = vector.extract_strided_slice %mul3A_53 {offsets = [1], sizes = [1], strides = [1]} : vector<16xi32> to vector<1xi32>
        %squeeze3A_124 = vector.extract %slice3A_123[0] : i32 from vector<1xi32>
        %add3A_125 = arith.constant 1 : i32
        %add3A_126 = arith.addi %select_n3A_64, %add3A_125 : i32
        %get3A_127 = arith.index_cast %add3A_126 : i32 to index
        %get3A_128 = arith.constant 0 : index
        %get3A_129 = tpu.vector_load %arg9[%get3A_127, %get3A_128] {strides = array<i32>} : memref<320x128xf32, #tpu.memory_space<vmem>>, vector<16xf32>,
        %add3A_130 = arith.constant 0 : i32
        %add3A_131 = arith.addi %squeeze3A_124, %add3A_130 : i32
        %swap3A_132 = arith.index_cast %add3A_131 : i32 to index
        %swap3A_133 = tpu.vector_load %arg6[%swap3A_132] {strides = array<i32>} : memref<32896xf32, #tpu.memory_space<vmem>>, vector<16xf32>,
        tpu.vector_store %arg6[%swap3A_132], %get3A_129 {add = true, strides = array<i32>} : memref<32896xf32, #tpu.memory_space<vmem>>, vector<16xf32>,
        %get3A_134 = arith.index_cast %add3A_126 : i32 to index
        %get3A_135 = arith.constant 16 : index
        %get3A_136 = tpu.vector_load %arg9[%get3A_134, %get3A_135] {strides = array<i32>} : memref<320x128xf32, #tpu.memory_space<vmem>>, vector<16xf32>,
        %add3A_137 = arith.constant 16 : i32
        %add3A_138 = arith.addi %squeeze3A_124, %add3A_137 : i32
        %swap3A_139 = arith.index_cast %add3A_138 : i32 to index
        %swap3A_140 = tpu.vector_load %arg6[%swap3A_139] {strides = array<i32>} : memref<32896xf32, #tpu.memory_space<vmem>>, vector<16xf32>,
        tpu.vector_store %arg6[%swap3A_139], %get3A_136 {add = true, strides = array<i32>} : memref<32896xf32, #tpu.memory_space<vmem>>, vector<16xf32>,
        %get3A_141 = arith.index_cast %add3A_126 : i32 to index
        %get3A_142 = arith.constant 32 : index
        %get3A_143 = tpu.vector_load %arg9[%get3A_141, %get3A_142] {strides = array<i32>} : memref<320x128xf32, #tpu.memory_space<vmem>>, vector<16xf32>,
        %add3A_144 = arith.constant 32 : i32
        %add3A_145 = arith.addi %squeeze3A_124, %add3A_144 : i32
        %swap3A_146 = arith.index_cast %add3A_145 : i32 to index
        %swap3A_147 = tpu.vector_load %arg6[%swap3A_146] {strides = array<i32>} : memref<32896xf32, #tpu.memory_space<vmem>>, vector<16xf32>,
        tpu.vector_store %arg6[%swap3A_146], %get3A_143 {add = true, strides = array<i32>} : memref<32896xf32, #tpu.memory_space<vmem>>, vector<16xf32>,
        %get3A_148 = arith.index_cast %add3A_126 : i32 to index
        %get3A_149 = arith.constant 48 : index
        %get3A_150 = tpu.vector_load %arg9[%get3A_148, %get3A_149] {strides = array<i32>} : memref<320x128xf32, #tpu.memory_space<vmem>>, vector<16xf32>,
        %add3A_151 = arith.constant 48 : i32
        %add3A_152 = arith.addi %squeeze3A_124, %add3A_151 : i32
        %swap3A_153 = arith.index_cast %add3A_152 : i32 to index
        %swap3A_154 = tpu.vector_load %arg6[%swap3A_153] {strides = array<i32>} : memref<32896xf32, #tpu.memory_space<vmem>>, vector<16xf32>,
        tpu.vector_store %arg6[%swap3A_153], %get3A_150 {add = true, strides = array<i32>} : memref<32896xf32, #tpu.memory_space<vmem>>, vector<16xf32>,
        %get3A_155 = arith.index_cast %add3A_126 : i32 to index
        %get3A_156 = arith.constant 64 : index
        %get3A_157 = tpu.vector_load %arg9[%get3A_155, %get3A_156] {strides = array<i32>} : memref<320x128xf32, #tpu.memory_space<vmem>>, vector<16xf32>,
        %add3A_158 = arith.constant 64 : i32
        %add3A_159 = arith.addi %squeeze3A_124, %add3A_158 : i32
        %swap3A_160 = arith.index_cast %add3A_159 : i32 to index
        %swap3A_161 = tpu.vector_load %arg6[%swap3A_160] {strides = array<i32>} : memref<32896xf32, #tpu.memory_space<vmem>>, vector<16xf32>,
        tpu.vector_store %arg6[%swap3A_160], %get3A_157 {add = true, strides = array<i32>} : memref<32896xf32, #tpu.memory_space<vmem>>, vector<16xf32>,
        %get3A_162 = arith.index_cast %add3A_126 : i32 to index
        %get3A_163 = arith.constant 80 : index
        %get3A_164 = tpu.vector_load %arg9[%get3A_162, %get3A_163] {strides = array<i32>} : memref<320x128xf32, #tpu.memory_space<vmem>>, vector<16xf32>,
        %add3A_165 = arith.constant 80 : i32
        %add3A_166 = arith.addi %squeeze3A_124, %add3A_165 : i32
        %swap3A_167 = arith.index_cast %add3A_166 : i32 to index
        %swap3A_168 = tpu.vector_load %arg6[%swap3A_167] {strides = array<i32>} : memref<32896xf32, #tpu.memory_space<vmem>>, vector<16xf32>,
        tpu.vector_store %arg6[%swap3A_167], %get3A_164 {add = true, strides = array<i32>} : memref<32896xf32, #tpu.memory_space<vmem>>, vector<16xf32>,
        %get3A_169 = arith.index_cast %add3A_126 : i32 to index
        %get3A_170 = arith.constant 96 : index
        %get3A_171 = tpu.vector_load %arg9[%get3A_169, %get3A_170] {strides = array<i32>} : memref<320x128xf32, #tpu.memory_space<vmem>>, vector<16xf32>,
        %add3A_172 = arith.constant 96 : i32
        %add3A_173 = arith.addi %squeeze3A_124, %add3A_172 : i32
        %swap3A_174 = arith.index_cast %add3A_173 : i32 to index
        %swap3A_175 = tpu.vector_load %arg6[%swap3A_174] {strides = array<i32>} : memref<32896xf32, #tpu.memory_space<vmem>>, vector<16xf32>,
        tpu.vector_store %arg6[%swap3A_174], %get3A_171 {add = true, strides = array<i32>} : memref<32896xf32, #tpu.memory_space<vmem>>, vector<16xf32>,
        %get3A_176 = arith.index_cast %add3A_126 : i32 to index
        %get3A_177 = arith.constant 112 : index
        %get3A_178 = tpu.vector_load %arg9[%get3A_176, %get3A_177] {strides = array<i32>} : memref<320x128xf32, #tpu.memory_space<vmem>>, vector<16xf32>,
        %add3A_179 = arith.constant 112 : i32
        %add3A_180 = arith.addi %squeeze3A_124, %add3A_179 : i32
        %swap3A_181 = arith.index_cast %add3A_180 : i32 to index
        %swap3A_182 = tpu.vector_load %arg6[%swap3A_181] {strides = array<i32>} : memref<32896xf32, #tpu.memory_space<vmem>>, vector<16xf32>,
        tpu.vector_store %arg6[%swap3A_181], %get3A_178 {add = true, strides = array<i32>} : memref<32896xf32, #tpu.memory_space<vmem>>, vector<16xf32>,
        %slice3A_183 = vector.extract_strided_slice %mul3A_53 {offsets = [2], sizes = [1], strides = [1]} : vector<16xi32> to vector<1xi32>
        %squeeze3A_184 = vector.extract %slice3A_183[0] : i32 from vector<1xi32>
        %add3A_185 = arith.constant 2 : i32
        %add3A_186 = arith.addi %select_n3A_64, %add3A_185 : i32
        %get3A_187 = arith.index_cast %add3A_186 : i32 to index
        %get3A_188 = arith.constant 0 : index
        %get3A_189 = tpu.vector_load %arg9[%get3A_187, %get3A_188] {strides = array<i32>} : memref<320x128xf32, #tpu.memory_space<vmem>>, vector<16xf32>,
        %add3A_190 = arith.constant 0 : i32
        %add3A_191 = arith.addi %squeeze3A_184, %add3A_190 : i32
        %swap3A_192 = arith.index_cast %add3A_191 : i32 to index
        %swap3A_193 = tpu.vector_load %arg6[%swap3A_192] {strides = array<i32>} : memref<32896xf32, #tpu.memory_space<vmem>>, vector<16xf32>,
        tpu.vector_store %arg6[%swap3A_192], %get3A_189 {add = true, strides = array<i32>} : memref<32896xf32, #tpu.memory_space<vmem>>, vector<16xf32>,
        %get3A_194 = arith.index_cast %add3A_186 : i32 to index
        %get3A_195 = arith.constant 16 : index
        %get3A_196 = tpu.vector_load %arg9[%get3A_194, %get3A_195] {strides = array<i32>} : memref<320x128xf32, #tpu.memory_space<vmem>>, vector<16xf32>,
        %add3A_197 = arith.constant 16 : i32
        %add3A_198 = arith.addi %squeeze3A_184, %add3A_197 : i32
        %swap3A_199 = arith.index_cast %add3A_198 : i32 to index
        %swap3A_200 = tpu.vector_load %arg6[%swap3A_199] {strides = array<i32>} : memref<32896xf32, #tpu.memory_space<vmem>>, vector<16xf32>,
        tpu.vector_store %arg6[%swap3A_199], %get3A_196 {add = true, strides = array<i32>} : memref<32896xf32, #tpu.memory_space<vmem>>, vector<16xf32>,
        %get3A_201 = arith.index_cast %add3A_186 : i32 to index
        %get3A_202 = arith.constant 32 : index
        %get3A_203 = tpu.vector_load %arg9[%get3A_201, %get3A_202] {strides = array<i32>} : memref<320x128xf32, #tpu.memory_space<vmem>>, vector<16xf32>,
        %add3A_204 = arith.constant 32 : i32
        %add3A_205 = arith.addi %squeeze3A_184, %add3A_204 : i32
        %swap3A_206 = arith.index_cast %add3A_205 : i32 to index
        %swap3A_207 = tpu.vector_load %arg6[%swap3A_206] {strides = array<i32>} : memref<32896xf32, #tpu.memory_space<vmem>>, vector<16xf32>,
        tpu.vector_store %arg6[%swap3A_206], %get3A_203 {add = true, strides = array<i32>} : memref<32896xf32, #tpu.memory_space<vmem>>, vector<16xf32>,
        %get3A_208 = arith.index_cast %add3A_186 : i32 to index
        %get3A_209 = arith.constant 48 : index
        %get3A_210 = tpu.vector_load %arg9[%get3A_208, %get3A_209] {strides = array<i32>} : memref<320x128xf32, #tpu.memory_space<vmem>>, vector<16xf32>,
        %add3A_211 = arith.constant 48 : i32
        %add3A_212 = arith.addi %squeeze3A_184, %add3A_211 : i32
        %swap3A_213 = arith.index_cast %add3A_212 : i32 to index
        %swap3A_214 = tpu.vector_load %arg6[%swap3A_213] {strides = array<i32>} : memref<32896xf32, #tpu.memory_space<vmem>>, vector<16xf32>,
        tpu.vector_store %arg6[%swap3A_213], %get3A_210 {add = true, strides = array<i32>} : memref<32896xf32, #tpu.memory_space<vmem>>, vector<16xf32>,
        %get3A_215 = arith.index_cast %add3A_186 : i32 to index
        %get3A_216 = arith.constant 64 : index
        %get3A_217 = tpu.vector_load %arg9[%get3A_215, %get3A_216] {strides = array<i32>} : memref<320x128xf32, #tpu.memory_space<vmem>>, vector<16xf32>,
        %add3A_218 = arith.constant 64 : i32
        %add3A_219 = arith.addi %squeeze3A_184, %add3A_218 : i32
        %swap3A_220 = arith.index_cast %add3A_219 : i32 to index
        %swap3A_221 = tpu.vector_load %arg6[%swap3A_220] {strides = array<i32>} : memref<32896xf32, #tpu.memory_space<vmem>>, vector<16xf32>,
        tpu.vector_store %arg6[%swap3A_220], %get3A_217 {add = true, strides = array<i32>} : memref<32896xf32, #tpu.memory_space<vmem>>, vector<16xf32>,
        %get3A_222 = arith.index_cast %add3A_186 : i32 to index
        %get3A_223 = arith.constant 80 : index
        %get3A_224 = tpu.vector_load %arg9[%get3A_222, %get3A_223] {strides = array<i32>} : memref<320x128xf32, #tpu.memory_space<vmem>>, vector<16xf32>,
        %add3A_225 = arith.constant 80 : i32
        %add3A_226 = arith.addi %squeeze3A_184, %add3A_225 : i32
        %swap3A_227 = arith.index_cast %add3A_226 : i32 to index
        %swap3A_228 = tpu.vector_load %arg6[%swap3A_227] {strides = array<i32>} : memref<32896xf32, #tpu.memory_space<vmem>>, vector<16xf32>,
        tpu.vector_store %arg6[%swap3A_227], %get3A_224 {add = true, strides = array<i32>} : memref<32896xf32, #tpu.memory_space<vmem>>, vector<16xf32>,
        %get3A_229 = arith.index_cast %add3A_186 : i32 to index
        %get3A_230 = arith.constant 96 : index
        %get3A_231 = tpu.vector_load %arg9[%get3A_229, %get3A_230] {strides = array<i32>} : memref<320x128xf32, #tpu.memory_space<vmem>>, vector<16xf32>,
        %add3A_232 = arith.constant 96 : i32
        %add3A_233 = arith.addi %squeeze3A_184, %add3A_232 : i32
        %swap3A_234 = arith.index_cast %add3A_233 : i32 to index
        %swap3A_235 = tpu.vector_load %arg6[%swap3A_234] {strides = array<i32>} : memref<32896xf32, #tpu.memory_space<vmem>>, vector<16xf32>,
        tpu.vector_store %arg6[%swap3A_234], %get3A_231 {add = true, strides = array<i32>} : memref<32896xf32, #tpu.memory_space<vmem>>, vector<16xf32>,
        %get3A_236 = arith.index_cast %add3A_186 : i32 to index
        %get3A_237 = arith.constant 112 : index
        %get3A_238 = tpu.vector_load %arg9[%get3A_236, %get3A_237] {strides = array<i32>} : memref<320x128xf32, #tpu.memory_space<vmem>>, vector<16xf32>,
        %add3A_239 = arith.constant 112 : i32
        %add3A_240 = arith.addi %squeeze3A_184, %add3A_239 : i32
        %swap3A_241 = arith.index_cast %add3A_240 : i32 to index
        %swap3A_242 = tpu.vector_load %arg6[%swap3A_241] {strides = array<i32>} : memref<32896xf32, #tpu.memory_space<vmem>>, vector<16xf32>,
        tpu.vector_store %arg6[%swap3A_241], %get3A_238 {add = true, strides = array<i32>} : memref<32896xf32, #tpu.memory_space<vmem>>, vector<16xf32>,
        %slice3A_243 = vector.extract_strided_slice %mul3A_53 {offsets = [3], sizes = [1], strides = [1]} : vector<16xi32> to vector<1xi32>
        %squeeze3A_244 = vector.extract %slice3A_243[0] : i32 from vector<1xi32>
        %add3A_245 = arith.constant 3 : i32
        %add3A_246 = arith.addi %select_n3A_64, %add3A_245 : i32
        %get3A_247 = arith.index_cast %add3A_246 : i32 to index
        %get3A_248 = arith.constant 0 : index
        %get3A_249 = tpu.vector_load %arg9[%get3A_247, %get3A_248] {strides = array<i32>} : memref<320x128xf32, #tpu.memory_space<vmem>>, vector<16xf32>,
        %add3A_250 = arith.constant 0 : i32
        %add3A_251 = arith.addi %squeeze3A_244, %add3A_250 : i32
        %swap3A_252 = arith.index_cast %add3A_251 : i32 to index
        %swap3A_253 = tpu.vector_load %arg6[%swap3A_252] {strides = array<i32>} : memref<32896xf32, #tpu.memory_space<vmem>>, vector<16xf32>,
        tpu.vector_store %arg6[%swap3A_252], %get3A_249 {add = true, strides = array<i32>} : memref<32896xf32, #tpu.memory_space<vmem>>, vector<16xf32>,
        %get3A_254 = arith.index_cast %add3A_246 : i32 to index
        %get3A_255 = arith.constant 16 : index
        %get3A_256 = tpu.vector_load %arg9[%get3A_254, %get3A_255] {strides = array<i32>} : memref<320x128xf32, #tpu.memory_space<vmem>>, vector<16xf32>,
        %add3A_257 = arith.constant 16 : i32
        %add3A_258 = arith.addi %squeeze3A_244, %add3A_257 : i32
        %swap3A_259 = arith.index_cast %add3A_258 : i32 to index
        %swap3A_260 = tpu.vector_load %arg6[%swap3A_259] {strides = array<i32>} : memref<32896xf32, #tpu.memory_space<vmem>>, vector<16xf32>,
        tpu.vector_store %arg6[%swap3A_259], %get3A_256 {add = true, strides = array<i32>} : memref<32896xf32, #tpu.memory_space<vmem>>, vector<16xf32>,
        %get3A_261 = arith.index_cast %add3A_246 : i32 to index
        %get3A_262 = arith.constant 32 : index
        %get3A_263 = tpu.vector_load %arg9[%get3A_261, %get3A_262] {strides = array<i32>} : memref<320x128xf32, #tpu.memory_space<vmem>>, vector<16xf32>,
        %add3A_264 = arith.constant 32 : i32
        %add3A_265 = arith.addi %squeeze3A_244, %add3A_264 : i32
        %swap3A_266 = arith.index_cast %add3A_265 : i32 to index
        %swap3A_267 = tpu.vector_load %arg6[%swap3A_266] {strides = array<i32>} : memref<32896xf32, #tpu.memory_space<vmem>>, vector<16xf32>,
        tpu.vector_store %arg6[%swap3A_266], %get3A_263 {add = true, strides = array<i32>} : memref<32896xf32, #tpu.memory_space<vmem>>, vector<16xf32>,
        %get3A_268 = arith.index_cast %add3A_246 : i32 to index
        %get3A_269 = arith.constant 48 : index
        %get3A_270 = tpu.vector_load %arg9[%get3A_268, %get3A_269] {strides = array<i32>} : memref<320x128xf32, #tpu.memory_space<vmem>>, vector<16xf32>,
        %add3A_271 = arith.constant 48 : i32
        %add3A_272 = arith.addi %squeeze3A_244, %add3A_271 : i32
        %swap3A_273 = arith.index_cast %add3A_272 : i32 to index
        %swap3A_274 = tpu.vector_load %arg6[%swap3A_273] {strides = array<i32>} : memref<32896xf32, #tpu.memory_space<vmem>>, vector<16xf32>,
        tpu.vector_store %arg6[%swap3A_273], %get3A_270 {add = true, strides = array<i32>} : memref<32896xf32, #tpu.memory_space<vmem>>, vector<16xf32>,
        %get3A_275 = arith.index_cast %add3A_246 : i32 to index
        %get3A_276 = arith.constant 64 : index
        %get3A_277 = tpu.vector_load %arg9[%get3A_275, %get3A_276] {strides = array<i32>} : memref<320x128xf32, #tpu.memory_space<vmem>>, vector<16xf32>,
        %add3A_278 = arith.constant 64 : i32
        %add3A_279 = arith.addi %squeeze3A_244, %add3A_278 : i32
        %swap3A_280 = arith.index_cast %add3A_279 : i32 to index
        %swap3A_281 = tpu.vector_load %arg6[%swap3A_280] {strides = array<i32>} : memref<32896xf32, #tpu.memory_space<vmem>>, vector<16xf32>,
        tpu.vector_store %arg6[%swap3A_280], %get3A_277 {add = true, strides = array<i32>} : memref<32896xf32, #tpu.memory_space<vmem>>, vector<16xf32>,
        %get3A_282 = arith.index_cast %add3A_246 : i32 to index
        %get3A_283 = arith.constant 80 : index
        %get3A_284 = tpu.vector_load %arg9[%get3A_282, %get3A_283] {strides = array<i32>} : memref<320x128xf32, #tpu.memory_space<vmem>>, vector<16xf32>,
        %add3A_285 = arith.constant 80 : i32
        %add3A_286 = arith.addi %squeeze3A_244, %add3A_285 : i32
        %swap3A_287 = arith.index_cast %add3A_286 : i32 to index
        %swap3A_288 = tpu.vector_load %arg6[%swap3A_287] {strides = array<i32>} : memref<32896xf32, #tpu.memory_space<vmem>>, vector<16xf32>,
        tpu.vector_store %arg6[%swap3A_287], %get3A_284 {add = true, strides = array<i32>} : memref<32896xf32, #tpu.memory_space<vmem>>, vector<16xf32>,
        %get3A_289 = arith.index_cast %add3A_246 : i32 to index
        %get3A_290 = arith.constant 96 : index
        %get3A_291 = tpu.vector_load %arg9[%get3A_289, %get3A_290] {strides = array<i32>} : memref<320x128xf32, #tpu.memory_space<vmem>>, vector<16xf32>,
        %add3A_292 = arith.constant 96 : i32
        %add3A_293 = arith.addi %squeeze3A_244, %add3A_292 : i32
        %swap3A_294 = arith.index_cast %add3A_293 : i32 to index
        %swap3A_295 = tpu.vector_load %arg6[%swap3A_294] {strides = array<i32>} : memref<32896xf32, #tpu.memory_space<vmem>>, vector<16xf32>,
        tpu.vector_store %arg6[%swap3A_294], %get3A_291 {add = true, strides = array<i32>} : memref<32896xf32, #tpu.memory_space<vmem>>, vector<16xf32>,
        %get3A_296 = arith.index_cast %add3A_246 : i32 to index
        %get3A_297 = arith.constant 112 : index
        %get3A_298 = tpu.vector_load %arg9[%get3A_296, %get3A_297] {strides = array<i32>} : memref<320x128xf32, #tpu.memory_space<vmem>>, vector<16xf32>,
        %add3A_299 = arith.constant 112 : i32
        %add3A_300 = arith.addi %squeeze3A_244, %add3A_299 : i32
        %swap3A_301 = arith.index_cast %add3A_300 : i32 to index
        %swap3A_302 = tpu.vector_load %arg6[%swap3A_301] {strides = array<i32>} : memref<32896xf32, #tpu.memory_space<vmem>>, vector<16xf32>,
        tpu.vector_store %arg6[%swap3A_301], %get3A_298 {add = true, strides = array<i32>} : memref<32896xf32, #tpu.memory_space<vmem>>, vector<16xf32>,
        %slice3A_303 = vector.extract_strided_slice %mul3A_53 {offsets = [4], sizes = [1], strides = [1]} : vector<16xi32> to vector<1xi32>
        %squeeze3A_304 = vector.extract %slice3A_303[0] : i32 from vector<1xi32>
        %add3A_305 = arith.constant 4 : i32
        %add3A_306 = arith.addi %select_n3A_64, %add3A_305 : i32
        %get3A_307 = arith.index_cast %add3A_306 : i32 to index
        %get3A_308 = arith.constant 0 : index
        %get3A_309 = tpu.vector_load %arg9[%get3A_307, %get3A_308] {strides = array<i32>} : memref<320x128xf32, #tpu.memory_space<vmem>>, vector<16xf32>,
        %add3A_310 = arith.constant 0 : i32
        %add3A_311 = arith.addi %squeeze3A_304, %add3A_310 : i32
        %swap3A_312 = arith.index_cast %add3A_311 : i32 to index
        %swap3A_313 = tpu.vector_load %arg6[%swap3A_312] {strides = array<i32>} : memref<32896xf32, #tpu.memory_space<vmem>>, vector<16xf32>,
        tpu.vector_store %arg6[%swap3A_312], %get3A_309 {add = true, strides = array<i32>} : memref<32896xf32, #tpu.memory_space<vmem>>, vector<16xf32>,
        %get3A_314 = arith.index_cast %add3A_306 : i32 to index
        %get3A_315 = arith.constant 16 : index
        %get3A_316 = tpu.vector_load %arg9[%get3A_314, %get3A_315] {strides = array<i32>} : memref<320x128xf32, #tpu.memory_space<vmem>>, vector<16xf32>,
        %add3A_317 = arith.constant 16 : i32
        %add3A_318 = arith.addi %squeeze3A_304, %add3A_317 : i32
        %swap3A_319 = arith.index_cast %add3A_318 : i32 to index
        %swap3A_320 = tpu.vector_load %arg6[%swap3A_319] {strides = array<i32>} : memref<32896xf32, #tpu.memory_space<vmem>>, vector<16xf32>,
        tpu.vector_store %arg6[%swap3A_319], %get3A_316 {add = true, strides = array<i32>} : memref<32896xf32, #tpu.memory_space<vmem>>, vector<16xf32>,
        %get3A_321 = arith.index_cast %add3A_306 : i32 to index
        %get3A_322 = arith.constant 32 : index
        %get3A_323 = tpu.vector_load %arg9[%get3A_321, %get3A_322] {strides = array<i32>} : memref<320x128xf32, #tpu.memory_space<vmem>>, vector<16xf32>,
        %add3A_324 = arith.constant 32 : i32
        %add3A_325 = arith.addi %squeeze3A_304, %add3A_324 : i32
        %swap3A_326 = arith.index_cast %add3A_325 : i32 to index
        %swap3A_327 = tpu.vector_load %arg6[%swap3A_326] {strides = array<i32>} : memref<32896xf32, #tpu.memory_space<vmem>>, vector<16xf32>,
        tpu.vector_store %arg6[%swap3A_326], %get3A_323 {add = true, strides = array<i32>} : memref<32896xf32, #tpu.memory_space<vmem>>, vector<16xf32>,
        %get3A_328 = arith.index_cast %add3A_306 : i32 to index
        %get3A_329 = arith.constant 48 : index
        %get3A_330 = tpu.vector_load %arg9[%get3A_328, %get3A_329] {strides = array<i32>} : memref<320x128xf32, #tpu.memory_space<vmem>>, vector<16xf32>,
        %add3A_331 = arith.constant 48 : i32
        %add3A_332 = arith.addi %squeeze3A_304, %add3A_331 : i32
        %swap3A_333 = arith.index_cast %add3A_332 : i32 to index
        %swap3A_334 = tpu.vector_load %arg6[%swap3A_333] {strides = array<i32>} : memref<32896xf32, #tpu.memory_space<vmem>>, vector<16xf32>,
        tpu.vector_store %arg6[%swap3A_333], %get3A_330 {add = true, strides = array<i32>} : memref<32896xf32, #tpu.memory_space<vmem>>, vector<16xf32>,
        %get3A_335 = arith.index_cast %add3A_306 : i32 to index
        %get3A_336 = arith.constant 64 : index
        %get3A_337 = tpu.vector_load %arg9[%get3A_335, %get3A_336] {strides = array<i32>} : memref<320x128xf32, #tpu.memory_space<vmem>>, vector<16xf32>,
        %add3A_338 = arith.constant 64 : i32
        %add3A_339 = arith.addi %squeeze3A_304, %add3A_338 : i32
        %swap3A_340 = arith.index_cast %add3A_339 : i32 to index
        %swap3A_341 = tpu.vector_load %arg6[%swap3A_340] {strides = array<i32>} : memref<32896xf32, #tpu.memory_space<vmem>>, vector<16xf32>,
        tpu.vector_store %arg6[%swap3A_340], %get3A_337 {add = true, strides = array<i32>} : memref<32896xf32, #tpu.memory_space<vmem>>, vector<16xf32>,
        %get3A_342 = arith.index_cast %add3A_306 : i32 to index
        %get3A_343 = arith.constant 80 : index
        %get3A_344 = tpu.vector_load %arg9[%get3A_342, %get3A_343] {strides = array<i32>} : memref<320x128xf32, #tpu.memory_space<vmem>>, vector<16xf32>,
        %add3A_345 = arith.constant 80 : i32
        %add3A_346 = arith.addi %squeeze3A_304, %add3A_345 : i32
        %swap3A_347 = arith.index_cast %add3A_346 : i32 to index
        %swap3A_348 = tpu.vector_load %arg6[%swap3A_347] {strides = array<i32>} : memref<32896xf32, #tpu.memory_space<vmem>>, vector<16xf32>,
        tpu.vector_store %arg6[%swap3A_347], %get3A_344 {add = true, strides = array<i32>} : memref<32896xf32, #tpu.memory_space<vmem>>, vector<16xf32>,
        %get3A_349 = arith.index_cast %add3A_306 : i32 to index
        %get3A_350 = arith.constant 96 : index
        %get3A_351 = tpu.vector_load %arg9[%get3A_349, %get3A_350] {strides = array<i32>} : memref<320x128xf32, #tpu.memory_space<vmem>>, vector<16xf32>,
        %add3A_352 = arith.constant 96 : i32
        %add3A_353 = arith.addi %squeeze3A_304, %add3A_352 : i32
        %swap3A_354 = arith.index_cast %add3A_353 : i32 to index
        %swap3A_355 = tpu.vector_load %arg6[%swap3A_354] {strides = array<i32>} : memref<32896xf32, #tpu.memory_space<vmem>>, vector<16xf32>,
        tpu.vector_store %arg6[%swap3A_354], %get3A_351 {add = true, strides = array<i32>} : memref<32896xf32, #tpu.memory_space<vmem>>, vector<16xf32>,
        %get3A_356 = arith.index_cast %add3A_306 : i32 to index
        %get3A_357 = arith.constant 112 : index
        %get3A_358 = tpu.vector_load %arg9[%get3A_356, %get3A_357] {strides = array<i32>} : memref<320x128xf32, #tpu.memory_space<vmem>>, vector<16xf32>,
        %add3A_359 = arith.constant 112 : i32
        %add3A_360 = arith.addi %squeeze3A_304, %add3A_359 : i32
        %swap3A_361 = arith.index_cast %add3A_360 : i32 to index
        %swap3A_362 = tpu.vector_load %arg6[%swap3A_361] {strides = array<i32>} : memref<32896xf32, #tpu.memory_space<vmem>>, vector<16xf32>,
        tpu.vector_store %arg6[%swap3A_361], %get3A_358 {add = true, strides = array<i32>} : memref<32896xf32, #tpu.memory_space<vmem>>, vector<16xf32>,
        %slice3A_363 = vector.extract_strided_slice %mul3A_53 {offsets = [5], sizes = [1], strides = [1]} : vector<16xi32> to vector<1xi32>
        %squeeze3A_364 = vector.extract %slice3A_363[0] : i32 from vector<1xi32>
        %add3A_365 = arith.constant 5 : i32
        %add3A_366 = arith.addi %select_n3A_64, %add3A_365 : i32
        %get3A_367 = arith.index_cast %add3A_366 : i32 to index
        %get3A_368 = arith.constant 0 : index
        %get3A_369 = tpu.vector_load %arg9[%get3A_367, %get3A_368] {strides = array<i32>} : memref<320x128xf32, #tpu.memory_space<vmem>>, vector<16xf32>,
        %add3A_370 = arith.constant 0 : i32
        %add3A_371 = arith.addi %squeeze3A_364, %add3A_370 : i32
        %swap3A_372 = arith.index_cast %add3A_371 : i32 to index
        %swap3A_373 = tpu.vector_load %arg6[%swap3A_372] {strides = array<i32>} : memref<32896xf32, #tpu.memory_space<vmem>>, vector<16xf32>,
        tpu.vector_store %arg6[%swap3A_372], %get3A_369 {add = true, strides = array<i32>} : memref<32896xf32, #tpu.memory_space<vmem>>, vector<16xf32>,
        %get3A_374 = arith.index_cast %add3A_366 : i32 to index
        %get3A_375 = arith.constant 16 : index
        %get3A_376 = tpu.vector_load %arg9[%get3A_374, %get3A_375] {strides = array<i32>} : memref<320x128xf32, #tpu.memory_space<vmem>>, vector<16xf32>,
        %add3A_377 = arith.constant 16 : i32
        %add3A_378 = arith.addi %squeeze3A_364, %add3A_377 : i32
        %swap3A_379 = arith.index_cast %add3A_378 : i32 to index
        %swap3A_380 = tpu.vector_load %arg6[%swap3A_379] {strides = array<i32>} : memref<32896xf32, #tpu.memory_space<vmem>>, vector<16xf32>,
        tpu.vector_store %arg6[%swap3A_379], %get3A_376 {add = true, strides = array<i32>} : memref<32896xf32, #tpu.memory_space<vmem>>, vector<16xf32>,
        %get3A_381 = arith.index_cast %add3A_366 : i32 to index
        %get3A_382 = arith.constant 32 : index
        %get3A_383 = tpu.vector_load %arg9[%get3A_381, %get3A_382] {strides = array<i32>} : memref<320x128xf32, #tpu.memory_space<vmem>>, vector<16xf32>,
        %add3A_384 = arith.constant 32 : i32
        %add3A_385 = arith.addi %squeeze3A_364, %add3A_384 : i32
        %swap3A_386 = arith.index_cast %add3A_385 : i32 to index
        %swap3A_387 = tpu.vector_load %arg6[%swap3A_386] {strides = array<i32>} : memref<32896xf32, #tpu.memory_space<vmem>>, vector<16xf32>,
        tpu.vector_store %arg6[%swap3A_386], %get3A_383 {add = true, strides = array<i32>} : memref<32896xf32, #tpu.memory_space<vmem>>, vector<16xf32>,
        %get3A_388 = arith.index_cast %add3A_366 : i32 to index
        %get3A_389 = arith.constant 48 : index
        %get3A_390 = tpu.vector_load %arg9[%get3A_388, %get3A_389] {strides = array<i32>} : memref<320x128xf32, #tpu.memory_space<vmem>>, vector<16xf32>,
        %add3A_391 = arith.constant 48 : i32
        %add3A_392 = arith.addi %squeeze3A_364, %add3A_391 : i32
        %swap3A_393 = arith.index_cast %add3A_392 : i32 to index
        %swap3A_394 = tpu.vector_load %arg6[%swap3A_393] {strides = array<i32>} : memref<32896xf32, #tpu.memory_space<vmem>>, vector<16xf32>,
        tpu.vector_store %arg6[%swap3A_393], %get3A_390 {add = true, strides = array<i32>} : memref<32896xf32, #tpu.memory_space<vmem>>, vector<16xf32>,
        %get3A_395 = arith.index_cast %add3A_366 : i32 to index
        %get3A_396 = arith.constant 64 : index
        %get3A_397 = tpu.vector_load %arg9[%get3A_395, %get3A_396] {strides = array<i32>} : memref<320x128xf32, #tpu.memory_space<vmem>>, vector<16xf32>,
        %add3A_398 = arith.constant 64 : i32
        %add3A_399 = arith.addi %squeeze3A_364, %add3A_398 : i32
        %swap3A_400 = arith.index_cast %add3A_399 : i32 to index
        %swap3A_401 = tpu.vector_load %arg6[%swap3A_400] {strides = array<i32>} : memref<32896xf32, #tpu.memory_space<vmem>>, vector<16xf32>,
        tpu.vector_store %arg6[%swap3A_400], %get3A_397 {add = true, strides = array<i32>} : memref<32896xf32, #tpu.memory_space<vmem>>, vector<16xf32>,
        %get3A_402 = arith.index_cast %add3A_366 : i32 to index
        %get3A_403 = arith.constant 80 : index
        %get3A_404 = tpu.vector_load %arg9[%get3A_402, %get3A_403] {strides = array<i32>} : memref<320x128xf32, #tpu.memory_space<vmem>>, vector<16xf32>,
        %add3A_405 = arith.constant 80 : i32
        %add3A_406 = arith.addi %squeeze3A_364, %add3A_405 : i32
        %swap3A_407 = arith.index_cast %add3A_406 : i32 to index
        %swap3A_408 = tpu.vector_load %arg6[%swap3A_407] {strides = array<i32>} : memref<32896xf32, #tpu.memory_space<vmem>>, vector<16xf32>,
        tpu.vector_store %arg6[%swap3A_407], %get3A_404 {add = true, strides = array<i32>} : memref<32896xf32, #tpu.memory_space<vmem>>, vector<16xf32>,
        %get3A_409 = arith.index_cast %add3A_366 : i32 to index
        %get3A_410 = arith.constant 96 : index
        %get3A_411 = tpu.vector_load %arg9[%get3A_409, %get3A_410] {strides = array<i32>} : memref<320x128xf32, #tpu.memory_space<vmem>>, vector<16xf32>,
        %add3A_412 = arith.constant 96 : i32
        %add3A_413 = arith.addi %squeeze3A_364, %add3A_412 : i32
        %swap3A_414 = arith.index_cast %add3A_413 : i32 to index
        %swap3A_415 = tpu.vector_load %arg6[%swap3A_414] {strides = array<i32>} : memref<32896xf32, #tpu.memory_space<vmem>>, vector<16xf32>,
        tpu.vector_store %arg6[%swap3A_414], %get3A_411 {add = true, strides = array<i32>} : memref<32896xf32, #tpu.memory_space<vmem>>, vector<16xf32>,
        %get3A_416 = arith.index_cast %add3A_366 : i32 to index
        %get3A_417 = arith.constant 112 : index
        %get3A_418 = tpu.vector_load %arg9[%get3A_416, %get3A_417] {strides = array<i32>} : memref<320x128xf32, #tpu.memory_space<vmem>>, vector<16xf32>,
        %add3A_419 = arith.constant 112 : i32
        %add3A_420 = arith.addi %squeeze3A_364, %add3A_419 : i32
        %swap3A_421 = arith.index_cast %add3A_420 : i32 to index
        %swap3A_422 = tpu.vector_load %arg6[%swap3A_421] {strides = array<i32>} : memref<32896xf32, #tpu.memory_space<vmem>>, vector<16xf32>,
        tpu.vector_store %arg6[%swap3A_421], %get3A_418 {add = true, strides = array<i32>} : memref<32896xf32, #tpu.memory_space<vmem>>, vector<16xf32>,
        %slice3A_423 = vector.extract_strided_slice %mul3A_53 {offsets = [6], sizes = [1], strides = [1]} : vector<16xi32> to vector<1xi32>
        %squeeze3A_424 = vector.extract %slice3A_423[0] : i32 from vector<1xi32>
        %add3A_425 = arith.constant 6 : i32
        %add3A_426 = arith.addi %select_n3A_64, %add3A_425 : i32
        %get3A_427 = arith.index_cast %add3A_426 : i32 to index
        %get3A_428 = arith.constant 0 : index
        %get3A_429 = tpu.vector_load %arg9[%get3A_427, %get3A_428] {strides = array<i32>} : memref<320x128xf32, #tpu.memory_space<vmem>>, vector<16xf32>,
        %add3A_430 = arith.constant 0 : i32
        %add3A_431 = arith.addi %squeeze3A_424, %add3A_430 : i32
        %swap3A_432 = arith.index_cast %add3A_431 : i32 to index
        %swap3A_433 = tpu.vector_load %arg6[%swap3A_432] {strides = array<i32>} : memref<32896xf32, #tpu.memory_space<vmem>>, vector<16xf32>,
        tpu.vector_store %arg6[%swap3A_432], %get3A_429 {add = true, strides = array<i32>} : memref<32896xf32, #tpu.memory_space<vmem>>, vector<16xf32>,
        %get3A_434 = arith.index_cast %add3A_426 : i32 to index
        %get3A_435 = arith.constant 16 : index
        %get3A_436 = tpu.vector_load %arg9[%get3A_434, %get3A_435] {strides = array<i32>} : memref<320x128xf32, #tpu.memory_space<vmem>>, vector<16xf32>,
        %add3A_437 = arith.constant 16 : i32
        %add3A_438 = arith.addi %squeeze3A_424, %add3A_437 : i32
        %swap3A_439 = arith.index_cast %add3A_438 : i32 to index
        %swap3A_440 = tpu.vector_load %arg6[%swap3A_439] {strides = array<i32>} : memref<32896xf32, #tpu.memory_space<vmem>>, vector<16xf32>,
        tpu.vector_store %arg6[%swap3A_439], %get3A_436 {add = true, strides = array<i32>} : memref<32896xf32, #tpu.memory_space<vmem>>, vector<16xf32>,
        %get3A_441 = arith.index_cast %add3A_426 : i32 to index
        %get3A_442 = arith.constant 32 : index
        %get3A_443 = tpu.vector_load %arg9[%get3A_441, %get3A_442] {strides = array<i32>} : memref<320x128xf32, #tpu.memory_space<vmem>>, vector<16xf32>,
        %add3A_444 = arith.constant 32 : i32
        %add3A_445 = arith.addi %squeeze3A_424, %add3A_444 : i32
        %swap3A_446 = arith.index_cast %add3A_445 : i32 to index
        %swap3A_447 = tpu.vector_load %arg6[%swap3A_446] {strides = array<i32>} : memref<32896xf32, #tpu.memory_space<vmem>>, vector<16xf32>,
        tpu.vector_store %arg6[%swap3A_446], %get3A_443 {add = true, strides = array<i32>} : memref<32896xf32, #tpu.memory_space<vmem>>, vector<16xf32>,
        %get3A_448 = arith.index_cast %add3A_426 : i32 to index
        %get3A_449 = arith.constant 48 : index
        %get3A_450 = tpu.vector_load %arg9[%get3A_448, %get3A_449] {strides = array<i32>} : memref<320x128xf32, #tpu.memory_space<vmem>>, vector<16xf32>,
        %add3A_451 = arith.constant 48 : i32
        %add3A_452 = arith.addi %squeeze3A_424, %add3A_451 : i32
        %swap3A_453 = arith.index_cast %add3A_452 : i32 to index
        %swap3A_454 = tpu.vector_load %arg6[%swap3A_453] {strides = array<i32>} : memref<32896xf32, #tpu.memory_space<vmem>>, vector<16xf32>,
        tpu.vector_store %arg6[%swap3A_453], %get3A_450 {add = true, strides = array<i32>} : memref<32896xf32, #tpu.memory_space<vmem>>, vector<16xf32>,
        %get3A_455 = arith.index_cast %add3A_426 : i32 to index
        %get3A_456 = arith.constant 64 : index
        %get3A_457 = tpu.vector_load %arg9[%get3A_455, %get3A_456] {strides = array<i32>} : memref<320x128xf32, #tpu.memory_space<vmem>>, vector<16xf32>,
        %add3A_458 = arith.constant 64 : i32
        %add3A_459 = arith.addi %squeeze3A_424, %add3A_458 : i32
        %swap3A_460 = arith.index_cast %add3A_459 : i32 to index
        %swap3A_461 = tpu.vector_load %arg6[%swap3A_460] {strides = array<i32>} : memref<32896xf32, #tpu.memory_space<vmem>>, vector<16xf32>,
        tpu.vector_store %arg6[%swap3A_460], %get3A_457 {add = true, strides = array<i32>} : memref<32896xf32, #tpu.memory_space<vmem>>, vector<16xf32>,
        %get3A_462 = arith.index_cast %add3A_426 : i32 to index
        %get3A_463 = arith.constant 80 : index
        %get3A_464 = tpu.vector_load %arg9[%get3A_462, %get3A_463] {strides = array<i32>} : memref<320x128xf32, #tpu.memory_space<vmem>>, vector<16xf32>,
        %add3A_465 = arith.constant 80 : i32
        %add3A_466 = arith.addi %squeeze3A_424, %add3A_465 : i32
        %swap3A_467 = arith.index_cast %add3A_466 : i32 to index
        %swap3A_468 = tpu.vector_load %arg6[%swap3A_467] {strides = array<i32>} : memref<32896xf32, #tpu.memory_space<vmem>>, vector<16xf32>,
        tpu.vector_store %arg6[%swap3A_467], %get3A_464 {add = true, strides = array<i32>} : memref<32896xf32, #tpu.memory_space<vmem>>, vector<16xf32>,
        %get3A_469 = arith.index_cast %add3A_426 : i32 to index
        %get3A_470 = arith.constant 96 : index
        %get3A_471 = tpu.vector_load %arg9[%get3A_469, %get3A_470] {strides = array<i32>} : memref<320x128xf32, #tpu.memory_space<vmem>>, vector<16xf32>,
        %add3A_472 = arith.constant 96 : i32
        %add3A_473 = arith.addi %squeeze3A_424, %add3A_472 : i32
        %swap3A_474 = arith.index_cast %add3A_473 : i32 to index
        %swap3A_475 = tpu.vector_load %arg6[%swap3A_474] {strides = array<i32>} : memref<32896xf32, #tpu.memory_space<vmem>>, vector<16xf32>,
        tpu.vector_store %arg6[%swap3A_474], %get3A_471 {add = true, strides = array<i32>} : memref<32896xf32, #tpu.memory_space<vmem>>, vector<16xf32>,
        %get3A_476 = arith.index_cast %add3A_426 : i32 to index
        %get3A_477 = arith.constant 112 : index
        %get3A_478 = tpu.vector_load %arg9[%get3A_476, %get3A_477] {strides = array<i32>} : memref<320x128xf32, #tpu.memory_space<vmem>>, vector<16xf32>,
        %add3A_479 = arith.constant 112 : i32
        %add3A_480 = arith.addi %squeeze3A_424, %add3A_479 : i32
        %swap3A_481 = arith.index_cast %add3A_480 : i32 to index
        %swap3A_482 = tpu.vector_load %arg6[%swap3A_481] {strides = array<i32>} : memref<32896xf32, #tpu.memory_space<vmem>>, vector<16xf32>,
        tpu.vector_store %arg6[%swap3A_481], %get3A_478 {add = true, strides = array<i32>} : memref<32896xf32, #tpu.memory_space<vmem>>, vector<16xf32>,
        %slice3A_483 = vector.extract_strided_slice %mul3A_53 {offsets = [7], sizes = [1], strides = [1]} : vector<16xi32> to vector<1xi32>
        %squeeze3A_484 = vector.extract %slice3A_483[0] : i32 from vector<1xi32>
        %add3A_485 = arith.constant 7 : i32
        %add3A_486 = arith.addi %select_n3A_64, %add3A_485 : i32
        %get3A_487 = arith.index_cast %add3A_486 : i32 to index
        %get3A_488 = arith.constant 0 : index
        %get3A_489 = tpu.vector_load %arg9[%get3A_487, %get3A_488] {strides = array<i32>} : memref<320x128xf32, #tpu.memory_space<vmem>>, vector<16xf32>,
        %add3A_490 = arith.constant 0 : i32
        %add3A_491 = arith.addi %squeeze3A_484, %add3A_490 : i32
        %swap3A_492 = arith.index_cast %add3A_491 : i32 to index
        %swap3A_493 = tpu.vector_load %arg6[%swap3A_492] {strides = array<i32>} : memref<32896xf32, #tpu.memory_space<vmem>>, vector<16xf32>,
        tpu.vector_store %arg6[%swap3A_492], %get3A_489 {add = true, strides = array<i32>} : memref<32896xf32, #tpu.memory_space<vmem>>, vector<16xf32>,
        %get3A_494 = arith.index_cast %add3A_486 : i32 to index
        %get3A_495 = arith.constant 16 : index
        %get3A_496 = tpu.vector_load %arg9[%get3A_494, %get3A_495] {strides = array<i32>} : memref<320x128xf32, #tpu.memory_space<vmem>>, vector<16xf32>,
        %add3A_497 = arith.constant 16 : i32
        %add3A_498 = arith.addi %squeeze3A_484, %add3A_497 : i32
        %swap3A_499 = arith.index_cast %add3A_498 : i32 to index
        %swap3A_500 = tpu.vector_load %arg6[%swap3A_499] {strides = array<i32>} : memref<32896xf32, #tpu.memory_space<vmem>>, vector<16xf32>,
        tpu.vector_store %arg6[%swap3A_499], %get3A_496 {add = true, strides = array<i32>} : memref<32896xf32, #tpu.memory_space<vmem>>, vector<16xf32>,
        %get3A_501 = arith.index_cast %add3A_486 : i32 to index
        %get3A_502 = arith.constant 32 : index
        %get3A_503 = tpu.vector_load %arg9[%get3A_501, %get3A_502] {strides = array<i32>} : memref<320x128xf32, #tpu.memory_space<vmem>>, vector<16xf32>,
        %add3A_504 = arith.constant 32 : i32
        %add3A_505 = arith.addi %squeeze3A_484, %add3A_504 : i32
        %swap3A_506 = arith.index_cast %add3A_505 : i32 to index
        %swap3A_507 = tpu.vector_load %arg6[%swap3A_506] {strides = array<i32>} : memref<32896xf32, #tpu.memory_space<vmem>>, vector<16xf32>,
        tpu.vector_store %arg6[%swap3A_506], %get3A_503 {add = true, strides = array<i32>} : memref<32896xf32, #tpu.memory_space<vmem>>, vector<16xf32>,
        %get3A_508 = arith.index_cast %add3A_486 : i32 to index
        %get3A_509 = arith.constant 48 : index
        %get3A_510 = tpu.vector_load %arg9[%get3A_508, %get3A_509] {strides = array<i32>} : memref<320x128xf32, #tpu.memory_space<vmem>>, vector<16xf32>,
        %add3A_511 = arith.constant 48 : i32
        %add3A_512 = arith.addi %squeeze3A_484, %add3A_511 : i32
        %swap3A_513 = arith.index_cast %add3A_512 : i32 to index
        %swap3A_514 = tpu.vector_load %arg6[%swap3A_513] {strides = array<i32>} : memref<32896xf32, #tpu.memory_space<vmem>>, vector<16xf32>,
        tpu.vector_store %arg6[%swap3A_513], %get3A_510 {add = true, strides = array<i32>} : memref<32896xf32, #tpu.memory_space<vmem>>, vector<16xf32>,
        %get3A_515 = arith.index_cast %add3A_486 : i32 to index
        %get3A_516 = arith.constant 64 : index
        %get3A_517 = tpu.vector_load %arg9[%get3A_515, %get3A_516] {strides = array<i32>} : memref<320x128xf32, #tpu.memory_space<vmem>>, vector<16xf32>,
        %add3A_518 = arith.constant 64 : i32
        %add3A_519 = arith.addi %squeeze3A_484, %add3A_518 : i32
        %swap3A_520 = arith.index_cast %add3A_519 : i32 to index
        %swap3A_521 = tpu.vector_load %arg6[%swap3A_520] {strides = array<i32>} : memref<32896xf32, #tpu.memory_space<vmem>>, vector<16xf32>,
        tpu.vector_store %arg6[%swap3A_520], %get3A_517 {add = true, strides = array<i32>} : memref<32896xf32, #tpu.memory_space<vmem>>, vector<16xf32>,
        %get3A_522 = arith.index_cast %add3A_486 : i32 to index
        %get3A_523 = arith.constant 80 : index
        %get3A_524 = tpu.vector_load %arg9[%get3A_522, %get3A_523] {strides = array<i32>} : memref<320x128xf32, #tpu.memory_space<vmem>>, vector<16xf32>,
        %add3A_525 = arith.constant 80 : i32
        %add3A_526 = arith.addi %squeeze3A_484, %add3A_525 : i32
        %swap3A_527 = arith.index_cast %add3A_526 : i32 to index
        %swap3A_528 = tpu.vector_load %arg6[%swap3A_527] {strides = array<i32>} : memref<32896xf32, #tpu.memory_space<vmem>>, vector<16xf32>,
        tpu.vector_store %arg6[%swap3A_527], %get3A_524 {add = true, strides = array<i32>} : memref<32896xf32, #tpu.memory_space<vmem>>, vector<16xf32>,
        %get3A_529 = arith.index_cast %add3A_486 : i32 to index
        %get3A_530 = arith.constant 96 : index
        %get3A_531 = tpu.vector_load %arg9[%get3A_529, %get3A_530] {strides = array<i32>} : memref<320x128xf32, #tpu.memory_space<vmem>>, vector<16xf32>,
        %add3A_532 = arith.constant 96 : i32
        %add3A_533 = arith.addi %squeeze3A_484, %add3A_532 : i32
        %swap3A_534 = arith.index_cast %add3A_533 : i32 to index
        %swap3A_535 = tpu.vector_load %arg6[%swap3A_534] {strides = array<i32>} : memref<32896xf32, #tpu.memory_space<vmem>>, vector<16xf32>,
        tpu.vector_store %arg6[%swap3A_534], %get3A_531 {add = true, strides = array<i32>} : memref<32896xf32, #tpu.memory_space<vmem>>, vector<16xf32>,
        %get3A_536 = arith.index_cast %add3A_486 : i32 to index
        %get3A_537 = arith.constant 112 : index
        %get3A_538 = tpu.vector_load %arg9[%get3A_536, %get3A_537] {strides = array<i32>} : memref<320x128xf32, #tpu.memory_space<vmem>>, vector<16xf32>,
        %add3A_539 = arith.constant 112 : i32
        %add3A_540 = arith.addi %squeeze3A_484, %add3A_539 : i32
        %swap3A_541 = arith.index_cast %add3A_540 : i32 to index
        %swap3A_542 = tpu.vector_load %arg6[%swap3A_541] {strides = array<i32>} : memref<32896xf32, #tpu.memory_space<vmem>>, vector<16xf32>,
        tpu.vector_store %arg6[%swap3A_541], %get3A_538 {add = true, strides = array<i32>} : memref<32896xf32, #tpu.memory_space<vmem>>, vector<16xf32>,
        %slice3A_543 = vector.extract_strided_slice %mul3A_53 {offsets = [8], sizes = [1], strides = [1]} : vector<16xi32> to vector<1xi32>
        %squeeze3A_544 = vector.extract %slice3A_543[0] : i32 from vector<1xi32>
        %add3A_545 = arith.constant 8 : i32
        %add3A_546 = arith.addi %select_n3A_64, %add3A_545 : i32
        %get3A_547 = arith.index_cast %add3A_546 : i32 to index
        %get3A_548 = arith.constant 0 : index
        %get3A_549 = tpu.vector_load %arg9[%get3A_547, %get3A_548] {strides = array<i32>} : memref<320x128xf32, #tpu.memory_space<vmem>>, vector<16xf32>,
        %add3A_550 = arith.constant 0 : i32
        %add3A_551 = arith.addi %squeeze3A_544, %add3A_550 : i32
        %swap3A_552 = arith.index_cast %add3A_551 : i32 to index
        %swap3A_553 = tpu.vector_load %arg6[%swap3A_552] {strides = array<i32>} : memref<32896xf32, #tpu.memory_space<vmem>>, vector<16xf32>,
        tpu.vector_store %arg6[%swap3A_552], %get3A_549 {add = true, strides = array<i32>} : memref<32896xf32, #tpu.memory_space<vmem>>, vector<16xf32>,
        %get3A_554 = arith.index_cast %add3A_546 : i32 to index
        %get3A_555 = arith.constant 16 : index
        %get3A_556 = tpu.vector_load %arg9[%get3A_554, %get3A_555] {strides = array<i32>} : memref<320x128xf32, #tpu.memory_space<vmem>>, vector<16xf32>,
        %add3A_557 = arith.constant 16 : i32
        %add3A_558 = arith.addi %squeeze3A_544, %add3A_557 : i32
        %swap3A_559 = arith.index_cast %add3A_558 : i32 to index
        %swap3A_560 = tpu.vector_load %arg6[%swap3A_559] {strides = array<i32>} : memref<32896xf32, #tpu.memory_space<vmem>>, vector<16xf32>,
        tpu.vector_store %arg6[%swap3A_559], %get3A_556 {add = true, strides = array<i32>} : memref<32896xf32, #tpu.memory_space<vmem>>, vector<16xf32>,
        %get3A_561 = arith.index_cast %add3A_546 : i32 to index
        %get3A_562 = arith.constant 32 : index
        %get3A_563 = tpu.vector_load %arg9[%get3A_561, %get3A_562] {strides = array<i32>} : memref<320x128xf32, #tpu.memory_space<vmem>>, vector<16xf32>,
        %add3A_564 = arith.constant 32 : i32
        %add3A_565 = arith.addi %squeeze3A_544, %add3A_564 : i32
        %swap3A_566 = arith.index_cast %add3A_565 : i32 to index
        %swap3A_567 = tpu.vector_load %arg6[%swap3A_566] {strides = array<i32>} : memref<32896xf32, #tpu.memory_space<vmem>>, vector<16xf32>,
        tpu.vector_store %arg6[%swap3A_566], %get3A_563 {add = true, strides = array<i32>} : memref<32896xf32, #tpu.memory_space<vmem>>, vector<16xf32>,
        %get3A_568 = arith.index_cast %add3A_546 : i32 to index
        %get3A_569 = arith.constant 48 : index
        %get3A_570 = tpu.vector_load %arg9[%get3A_568, %get3A_569] {strides = array<i32>} : memref<320x128xf32, #tpu.memory_space<vmem>>, vector<16xf32>,
        %add3A_571 = arith.constant 48 : i32
        %add3A_572 = arith.addi %squeeze3A_544, %add3A_571 : i32
        %swap3A_573 = arith.index_cast %add3A_572 : i32 to index
        %swap3A_574 = tpu.vector_load %arg6[%swap3A_573] {strides = array<i32>} : memref<32896xf32, #tpu.memory_space<vmem>>, vector<16xf32>,
        tpu.vector_store %arg6[%swap3A_573], %get3A_570 {add = true, strides = array<i32>} : memref<32896xf32, #tpu.memory_space<vmem>>, vector<16xf32>,
        %get3A_575 = arith.index_cast %add3A_546 : i32 to index
        %get3A_576 = arith.constant 64 : index
        %get3A_577 = tpu.vector_load %arg9[%get3A_575, %get3A_576] {strides = array<i32>} : memref<320x128xf32, #tpu.memory_space<vmem>>, vector<16xf32>,
        %add3A_578 = arith.constant 64 : i32
        %add3A_579 = arith.addi %squeeze3A_544, %add3A_578 : i32
        %swap3A_580 = arith.index_cast %add3A_579 : i32 to index
        %swap3A_581 = tpu.vector_load %arg6[%swap3A_580] {strides = array<i32>} : memref<32896xf32, #tpu.memory_space<vmem>>, vector<16xf32>,
        tpu.vector_store %arg6[%swap3A_580], %get3A_577 {add = true, strides = array<i32>} : memref<32896xf32, #tpu.memory_space<vmem>>, vector<16xf32>,
        %get3A_582 = arith.index_cast %add3A_546 : i32 to index
        %get3A_583 = arith.constant 80 : index
        %get3A_584 = tpu.vector_load %arg9[%get3A_582, %get3A_583] {strides = array<i32>} : memref<320x128xf32, #tpu.memory_space<vmem>>, vector<16xf32>,
        %add3A_585 = arith.constant 80 : i32
        %add3A_586 = arith.addi %squeeze3A_544, %add3A_585 : i32
        %swap3A_587 = arith.index_cast %add3A_586 : i32 to index
        %swap3A_588 = tpu.vector_load %arg6[%swap3A_587] {strides = array<i32>} : memref<32896xf32, #tpu.memory_space<vmem>>, vector<16xf32>,
        tpu.vector_store %arg6[%swap3A_587], %get3A_584 {add = true, strides = array<i32>} : memref<32896xf32, #tpu.memory_space<vmem>>, vector<16xf32>,
        %get3A_589 = arith.index_cast %add3A_546 : i32 to index
        %get3A_590 = arith.constant 96 : index
        %get3A_591 = tpu.vector_load %arg9[%get3A_589, %get3A_590] {strides = array<i32>} : memref<320x128xf32, #tpu.memory_space<vmem>>, vector<16xf32>,
        %add3A_592 = arith.constant 96 : i32
        %add3A_593 = arith.addi %squeeze3A_544, %add3A_592 : i32
        %swap3A_594 = arith.index_cast %add3A_593 : i32 to index
        %swap3A_595 = tpu.vector_load %arg6[%swap3A_594] {strides = array<i32>} : memref<32896xf32, #tpu.memory_space<vmem>>, vector<16xf32>,
        tpu.vector_store %arg6[%swap3A_594], %get3A_591 {add = true, strides = array<i32>} : memref<32896xf32, #tpu.memory_space<vmem>>, vector<16xf32>,
        %get3A_596 = arith.index_cast %add3A_546 : i32 to index
        %get3A_597 = arith.constant 112 : index
        %get3A_598 = tpu.vector_load %arg9[%get3A_596, %get3A_597] {strides = array<i32>} : memref<320x128xf32, #tpu.memory_space<vmem>>, vector<16xf32>,
        %add3A_599 = arith.constant 112 : i32
        %add3A_600 = arith.addi %squeeze3A_544, %add3A_599 : i32
        %swap3A_601 = arith.index_cast %add3A_600 : i32 to index
        %swap3A_602 = tpu.vector_load %arg6[%swap3A_601] {strides = array<i32>} : memref<32896xf32, #tpu.memory_space<vmem>>, vector<16xf32>,
        tpu.vector_store %arg6[%swap3A_601], %get3A_598 {add = true, strides = array<i32>} : memref<32896xf32, #tpu.memory_space<vmem>>, vector<16xf32>,
        %slice3A_603 = vector.extract_strided_slice %mul3A_53 {offsets = [9], sizes = [1], strides = [1]} : vector<16xi32> to vector<1xi32>
        %squeeze3A_604 = vector.extract %slice3A_603[0] : i32 from vector<1xi32>
        %add3A_605 = arith.constant 9 : i32
        %add3A_606 = arith.addi %select_n3A_64, %add3A_605 : i32
        %get3A_607 = arith.index_cast %add3A_606 : i32 to index
        %get3A_608 = arith.constant 0 : index
        %get3A_609 = tpu.vector_load %arg9[%get3A_607, %get3A_608] {strides = array<i32>} : memref<320x128xf32, #tpu.memory_space<vmem>>, vector<16xf32>,
        %add3A_610 = arith.constant 0 : i32
        %add3A_611 = arith.addi %squeeze3A_604, %add3A_610 : i32
        %swap3A_612 = arith.index_cast %add3A_611 : i32 to index
        %swap3A_613 = tpu.vector_load %arg6[%swap3A_612] {strides = array<i32>} : memref<32896xf32, #tpu.memory_space<vmem>>, vector<16xf32>,
        tpu.vector_store %arg6[%swap3A_612], %get3A_609 {add = true, strides = array<i32>} : memref<32896xf32, #tpu.memory_space<vmem>>, vector<16xf32>,
        %get3A_614 = arith.index_cast %add3A_606 : i32 to index
        %get3A_615 = arith.constant 16 : index
        %get3A_616 = tpu.vector_load %arg9[%get3A_614, %get3A_615] {strides = array<i32>} : memref<320x128xf32, #tpu.memory_space<vmem>>, vector<16xf32>,
        %add3A_617 = arith.constant 16 : i32
        %add3A_618 = arith.addi %squeeze3A_604, %add3A_617 : i32
        %swap3A_619 = arith.index_cast %add3A_618 : i32 to index
        %swap3A_620 = tpu.vector_load %arg6[%swap3A_619] {strides = array<i32>} : memref<32896xf32, #tpu.memory_space<vmem>>, vector<16xf32>,
        tpu.vector_store %arg6[%swap3A_619], %get3A_616 {add = true, strides = array<i32>} : memref<32896xf32, #tpu.memory_space<vmem>>, vector<16xf32>,
        %get3A_621 = arith.index_cast %add3A_606 : i32 to index
        %get3A_622 = arith.constant 32 : index
        %get3A_623 = tpu.vector_load %arg9[%get3A_621, %get3A_622] {strides = array<i32>} : memref<320x128xf32, #tpu.memory_space<vmem>>, vector<16xf32>,
        %add3A_624 = arith.constant 32 : i32
        %add3A_625 = arith.addi %squeeze3A_604, %add3A_624 : i32
        %swap3A_626 = arith.index_cast %add3A_625 : i32 to index
        %swap3A_627 = tpu.vector_load %arg6[%swap3A_626] {strides = array<i32>} : memref<32896xf32, #tpu.memory_space<vmem>>, vector<16xf32>,
        tpu.vector_store %arg6[%swap3A_626], %get3A_623 {add = true, strides = array<i32>} : memref<32896xf32, #tpu.memory_space<vmem>>, vector<16xf32>,
        %get3A_628 = arith.index_cast %add3A_606 : i32 to index
        %get3A_629 = arith.constant 48 : index
        %get3A_630 = tpu.vector_load %arg9[%get3A_628, %get3A_629] {strides = array<i32>} : memref<320x128xf32, #tpu.memory_space<vmem>>, vector<16xf32>,
        %add3A_631 = arith.constant 48 : i32
        %add3A_632 = arith.addi %squeeze3A_604, %add3A_631 : i32
        %swap3A_633 = arith.index_cast %add3A_632 : i32 to index
        %swap3A_634 = tpu.vector_load %arg6[%swap3A_633] {strides = array<i32>} : memref<32896xf32, #tpu.memory_space<vmem>>, vector<16xf32>,
        tpu.vector_store %arg6[%swap3A_633], %get3A_630 {add = true, strides = array<i32>} : memref<32896xf32, #tpu.memory_space<vmem>>, vector<16xf32>,
        %get3A_635 = arith.index_cast %add3A_606 : i32 to index
        %get3A_636 = arith.constant 64 : index
        %get3A_637 = tpu.vector_load %arg9[%get3A_635, %get3A_636] {strides = array<i32>} : memref<320x128xf32, #tpu.memory_space<vmem>>, vector<16xf32>,
        %add3A_638 = arith.constant 64 : i32
        %add3A_639 = arith.addi %squeeze3A_604, %add3A_638 : i32
        %swap3A_640 = arith.index_cast %add3A_639 : i32 to index
        %swap3A_641 = tpu.vector_load %arg6[%swap3A_640] {strides = array<i32>} : memref<32896xf32, #tpu.memory_space<vmem>>, vector<16xf32>,
        tpu.vector_store %arg6[%swap3A_640], %get3A_637 {add = true, strides = array<i32>} : memref<32896xf32, #tpu.memory_space<vmem>>, vector<16xf32>,
        %get3A_642 = arith.index_cast %add3A_606 : i32 to index
        %get3A_643 = arith.constant 80 : index
        %get3A_644 = tpu.vector_load %arg9[%get3A_642, %get3A_643] {strides = array<i32>} : memref<320x128xf32, #tpu.memory_space<vmem>>, vector<16xf32>,
        %add3A_645 = arith.constant 80 : i32
        %add3A_646 = arith.addi %squeeze3A_604, %add3A_645 : i32
        %swap3A_647 = arith.index_cast %add3A_646 : i32 to index
        %swap3A_648 = tpu.vector_load %arg6[%swap3A_647] {strides = array<i32>} : memref<32896xf32, #tpu.memory_space<vmem>>, vector<16xf32>,
        tpu.vector_store %arg6[%swap3A_647], %get3A_644 {add = true, strides = array<i32>} : memref<32896xf32, #tpu.memory_space<vmem>>, vector<16xf32>,
        %get3A_649 = arith.index_cast %add3A_606 : i32 to index
        %get3A_650 = arith.constant 96 : index
        %get3A_651 = tpu.vector_load %arg9[%get3A_649, %get3A_650] {strides = array<i32>} : memref<320x128xf32, #tpu.memory_space<vmem>>, vector<16xf32>,
        %add3A_652 = arith.constant 96 : i32
        %add3A_653 = arith.addi %squeeze3A_604, %add3A_652 : i32
        %swap3A_654 = arith.index_cast %add3A_653 : i32 to index
        %swap3A_655 = tpu.vector_load %arg6[%swap3A_654] {strides = array<i32>} : memref<32896xf32, #tpu.memory_space<vmem>>, vector<16xf32>,
        tpu.vector_store %arg6[%swap3A_654], %get3A_651 {add = true, strides = array<i32>} : memref<32896xf32, #tpu.memory_space<vmem>>, vector<16xf32>,
        %get3A_656 = arith.index_cast %add3A_606 : i32 to index
        %get3A_657 = arith.constant 112 : index
        %get3A_658 = tpu.vector_load %arg9[%get3A_656, %get3A_657] {strides = array<i32>} : memref<320x128xf32, #tpu.memory_space<vmem>>, vector<16xf32>,
        %add3A_659 = arith.constant 112 : i32
        %add3A_660 = arith.addi %squeeze3A_604, %add3A_659 : i32
        %swap3A_661 = arith.index_cast %add3A_660 : i32 to index
        %swap3A_662 = tpu.vector_load %arg6[%swap3A_661] {strides = array<i32>} : memref<32896xf32, #tpu.memory_space<vmem>>, vector<16xf32>,
        tpu.vector_store %arg6[%swap3A_661], %get3A_658 {add = true, strides = array<i32>} : memref<32896xf32, #tpu.memory_space<vmem>>, vector<16xf32>,
        %slice3A_663 = vector.extract_strided_slice %mul3A_53 {offsets = [10], sizes = [1], strides = [1]} : vector<16xi32> to vector<1xi32>
        %squeeze3A_664 = vector.extract %slice3A_663[0] : i32 from vector<1xi32>
        %add3A_665 = arith.constant 10 : i32
        %add3A_666 = arith.addi %select_n3A_64, %add3A_665 : i32
        %get3A_667 = arith.index_cast %add3A_666 : i32 to index
        %get3A_668 = arith.constant 0 : index
        %get3A_669 = tpu.vector_load %arg9[%get3A_667, %get3A_668] {strides = array<i32>} : memref<320x128xf32, #tpu.memory_space<vmem>>, vector<16xf32>,
        %add3A_670 = arith.constant 0 : i32
        %add3A_671 = arith.addi %squeeze3A_664, %add3A_670 : i32
        %swap3A_672 = arith.index_cast %add3A_671 : i32 to index
        %swap3A_673 = tpu.vector_load %arg6[%swap3A_672] {strides = array<i32>} : memref<32896xf32, #tpu.memory_space<vmem>>, vector<16xf32>,
        tpu.vector_store %arg6[%swap3A_672], %get3A_669 {add = true, strides = array<i32>} : memref<32896xf32, #tpu.memory_space<vmem>>, vector<16xf32>,
        %get3A_674 = arith.index_cast %add3A_666 : i32 to index
        %get3A_675 = arith.constant 16 : index
        %get3A_676 = tpu.vector_load %arg9[%get3A_674, %get3A_675] {strides = array<i32>} : memref<320x128xf32, #tpu.memory_space<vmem>>, vector<16xf32>,
        %add3A_677 = arith.constant 16 : i32
        %add3A_678 = arith.addi %squeeze3A_664, %add3A_677 : i32
        %swap3A_679 = arith.index_cast %add3A_678 : i32 to index
        %swap3A_680 = tpu.vector_load %arg6[%swap3A_679] {strides = array<i32>} : memref<32896xf32, #tpu.memory_space<vmem>>, vector<16xf32>,
        tpu.vector_store %arg6[%swap3A_679], %get3A_676 {add = true, strides = array<i32>} : memref<32896xf32, #tpu.memory_space<vmem>>, vector<16xf32>,
        %get3A_681 = arith.index_cast %add3A_666 : i32 to index
        %get3A_682 = arith.constant 32 : index
        %get3A_683 = tpu.vector_load %arg9[%get3A_681, %get3A_682] {strides = array<i32>} : memref<320x128xf32, #tpu.memory_space<vmem>>, vector<16xf32>,
        %add3A_684 = arith.constant 32 : i32
        %add3A_685 = arith.addi %squeeze3A_664, %add3A_684 : i32
        %swap3A_686 = arith.index_cast %add3A_685 : i32 to index
        %swap3A_687 = tpu.vector_load %arg6[%swap3A_686] {strides = array<i32>} : memref<32896xf32, #tpu.memory_space<vmem>>, vector<16xf32>,
        tpu.vector_store %arg6[%swap3A_686], %get3A_683 {add = true, strides = array<i32>} : memref<32896xf32, #tpu.memory_space<vmem>>, vector<16xf32>,
        %get3A_688 = arith.index_cast %add3A_666 : i32 to index
        %get3A_689 = arith.constant 48 : index
        %get3A_690 = tpu.vector_load %arg9[%get3A_688, %get3A_689] {strides = array<i32>} : memref<320x128xf32, #tpu.memory_space<vmem>>, vector<16xf32>,
        %add3A_691 = arith.constant 48 : i32
        %add3A_692 = arith.addi %squeeze3A_664, %add3A_691 : i32
        %swap3A_693 = arith.index_cast %add3A_692 : i32 to index
        %swap3A_694 = tpu.vector_load %arg6[%swap3A_693] {strides = array<i32>} : memref<32896xf32, #tpu.memory_space<vmem>>, vector<16xf32>,
        tpu.vector_store %arg6[%swap3A_693], %get3A_690 {add = true, strides = array<i32>} : memref<32896xf32, #tpu.memory_space<vmem>>, vector<16xf32>,
        %get3A_695 = arith.index_cast %add3A_666 : i32 to index
        %get3A_696 = arith.constant 64 : index
        %get3A_697 = tpu.vector_load %arg9[%get3A_695, %get3A_696] {strides = array<i32>} : memref<320x128xf32, #tpu.memory_space<vmem>>, vector<16xf32>,
        %add3A_698 = arith.constant 64 : i32
        %add3A_699 = arith.addi %squeeze3A_664, %add3A_698 : i32
        %swap3A_700 = arith.index_cast %add3A_699 : i32 to index
        %swap3A_701 = tpu.vector_load %arg6[%swap3A_700] {strides = array<i32>} : memref<32896xf32, #tpu.memory_space<vmem>>, vector<16xf32>,
        tpu.vector_store %arg6[%swap3A_700], %get3A_697 {add = true, strides = array<i32>} : memref<32896xf32, #tpu.memory_space<vmem>>, vector<16xf32>,
        %get3A_702 = arith.index_cast %add3A_666 : i32 to index
        %get3A_703 = arith.constant 80 : index
        %get3A_704 = tpu.vector_load %arg9[%get3A_702, %get3A_703] {strides = array<i32>} : memref<320x128xf32, #tpu.memory_space<vmem>>, vector<16xf32>,
        %add3A_705 = arith.constant 80 : i32
        %add3A_706 = arith.addi %squeeze3A_664, %add3A_705 : i32
        %swap3A_707 = arith.index_cast %add3A_706 : i32 to index
        %swap3A_708 = tpu.vector_load %arg6[%swap3A_707] {strides = array<i32>} : memref<32896xf32, #tpu.memory_space<vmem>>, vector<16xf32>,
        tpu.vector_store %arg6[%swap3A_707], %get3A_704 {add = true, strides = array<i32>} : memref<32896xf32, #tpu.memory_space<vmem>>, vector<16xf32>,
        %get3A_709 = arith.index_cast %add3A_666 : i32 to index
        %get3A_710 = arith.constant 96 : index
        %get3A_711 = tpu.vector_load %arg9[%get3A_709, %get3A_710] {strides = array<i32>} : memref<320x128xf32, #tpu.memory_space<vmem>>, vector<16xf32>,
        %add3A_712 = arith.constant 96 : i32
        %add3A_713 = arith.addi %squeeze3A_664, %add3A_712 : i32
        %swap3A_714 = arith.index_cast %add3A_713 : i32 to index
        %swap3A_715 = tpu.vector_load %arg6[%swap3A_714] {strides = array<i32>} : memref<32896xf32, #tpu.memory_space<vmem>>, vector<16xf32>,
        tpu.vector_store %arg6[%swap3A_714], %get3A_711 {add = true, strides = array<i32>} : memref<32896xf32, #tpu.memory_space<vmem>>, vector<16xf32>,
        %get3A_716 = arith.index_cast %add3A_666 : i32 to index
        %get3A_717 = arith.constant 112 : index
        %get3A_718 = tpu.vector_load %arg9[%get3A_716, %get3A_717] {strides = array<i32>} : memref<320x128xf32, #tpu.memory_space<vmem>>, vector<16xf32>,
        %add3A_719 = arith.constant 112 : i32
        %add3A_720 = arith.addi %squeeze3A_664, %add3A_719 : i32
        %swap3A_721 = arith.index_cast %add3A_720 : i32 to index
        %swap3A_722 = tpu.vector_load %arg6[%swap3A_721] {strides = array<i32>} : memref<32896xf32, #tpu.memory_space<vmem>>, vector<16xf32>,
        tpu.vector_store %arg6[%swap3A_721], %get3A_718 {add = true, strides = array<i32>} : memref<32896xf32, #tpu.memory_space<vmem>>, vector<16xf32>,
        %slice3A_723 = vector.extract_strided_slice %mul3A_53 {offsets = [11], sizes = [1], strides = [1]} : vector<16xi32> to vector<1xi32>
        %squeeze3A_724 = vector.extract %slice3A_723[0] : i32 from vector<1xi32>
        %add3A_725 = arith.constant 11 : i32
        %add3A_726 = arith.addi %select_n3A_64, %add3A_725 : i32
        %get3A_727 = arith.index_cast %add3A_726 : i32 to index
        %get3A_728 = arith.constant 0 : index
        %get3A_729 = tpu.vector_load %arg9[%get3A_727, %get3A_728] {strides = array<i32>} : memref<320x128xf32, #tpu.memory_space<vmem>>, vector<16xf32>,
        %add3A_730 = arith.constant 0 : i32
        %add3A_731 = arith.addi %squeeze3A_724, %add3A_730 : i32
        %swap3A_732 = arith.index_cast %add3A_731 : i32 to index
        %swap3A_733 = tpu.vector_load %arg6[%swap3A_732] {strides = array<i32>} : memref<32896xf32, #tpu.memory_space<vmem>>, vector<16xf32>,
        tpu.vector_store %arg6[%swap3A_732], %get3A_729 {add = true, strides = array<i32>} : memref<32896xf32, #tpu.memory_space<vmem>>, vector<16xf32>,
        %get3A_734 = arith.index_cast %add3A_726 : i32 to index
        %get3A_735 = arith.constant 16 : index
        %get3A_736 = tpu.vector_load %arg9[%get3A_734, %get3A_735] {strides = array<i32>} : memref<320x128xf32, #tpu.memory_space<vmem>>, vector<16xf32>,
        %add3A_737 = arith.constant 16 : i32
        %add3A_738 = arith.addi %squeeze3A_724, %add3A_737 : i32
        %swap3A_739 = arith.index_cast %add3A_738 : i32 to index
        %swap3A_740 = tpu.vector_load %arg6[%swap3A_739] {strides = array<i32>} : memref<32896xf32, #tpu.memory_space<vmem>>, vector<16xf32>,
        tpu.vector_store %arg6[%swap3A_739], %get3A_736 {add = true, strides = array<i32>} : memref<32896xf32, #tpu.memory_space<vmem>>, vector<16xf32>,
        %get3A_741 = arith.index_cast %add3A_726 : i32 to index
        %get3A_742 = arith.constant 32 : index
        %get3A_743 = tpu.vector_load %arg9[%get3A_741, %get3A_742] {strides = array<i32>} : memref<320x128xf32, #tpu.memory_space<vmem>>, vector<16xf32>,
        %add3A_744 = arith.constant 32 : i32
        %add3A_745 = arith.addi %squeeze3A_724, %add3A_744 : i32
        %swap3A_746 = arith.index_cast %add3A_745 : i32 to index
        %swap3A_747 = tpu.vector_load %arg6[%swap3A_746] {strides = array<i32>} : memref<32896xf32, #tpu.memory_space<vmem>>, vector<16xf32>,
        tpu.vector_store %arg6[%swap3A_746], %get3A_743 {add = true, strides = array<i32>} : memref<32896xf32, #tpu.memory_space<vmem>>, vector<16xf32>,
        %get3A_748 = arith.index_cast %add3A_726 : i32 to index
        %get3A_749 = arith.constant 48 : index
        %get3A_750 = tpu.vector_load %arg9[%get3A_748, %get3A_749] {strides = array<i32>} : memref<320x128xf32, #tpu.memory_space<vmem>>, vector<16xf32>,
        %add3A_751 = arith.constant 48 : i32
        %add3A_752 = arith.addi %squeeze3A_724, %add3A_751 : i32
        %swap3A_753 = arith.index_cast %add3A_752 : i32 to index
        %swap3A_754 = tpu.vector_load %arg6[%swap3A_753] {strides = array<i32>} : memref<32896xf32, #tpu.memory_space<vmem>>, vector<16xf32>,
        tpu.vector_store %arg6[%swap3A_753], %get3A_750 {add = true, strides = array<i32>} : memref<32896xf32, #tpu.memory_space<vmem>>, vector<16xf32>,
        %get3A_755 = arith.index_cast %add3A_726 : i32 to index
        %get3A_756 = arith.constant 64 : index
        %get3A_757 = tpu.vector_load %arg9[%get3A_755, %get3A_756] {strides = array<i32>} : memref<320x128xf32, #tpu.memory_space<vmem>>, vector<16xf32>,
        %add3A_758 = arith.constant 64 : i32
        %add3A_759 = arith.addi %squeeze3A_724, %add3A_758 : i32
        %swap3A_760 = arith.index_cast %add3A_759 : i32 to index
        %swap3A_761 = tpu.vector_load %arg6[%swap3A_760] {strides = array<i32>} : memref<32896xf32, #tpu.memory_space<vmem>>, vector<16xf32>,
        tpu.vector_store %arg6[%swap3A_760], %get3A_757 {add = true, strides = array<i32>} : memref<32896xf32, #tpu.memory_space<vmem>>, vector<16xf32>,
        %get3A_762 = arith.index_cast %add3A_726 : i32 to index
        %get3A_763 = arith.constant 80 : index
        %get3A_764 = tpu.vector_load %arg9[%get3A_762, %get3A_763] {strides = array<i32>} : memref<320x128xf32, #tpu.memory_space<vmem>>, vector<16xf32>,
        %add3A_765 = arith.constant 80 : i32
        %add3A_766 = arith.addi %squeeze3A_724, %add3A_765 : i32
        %swap3A_767 = arith.index_cast %add3A_766 : i32 to index
        %swap3A_768 = tpu.vector_load %arg6[%swap3A_767] {strides = array<i32>} : memref<32896xf32, #tpu.memory_space<vmem>>, vector<16xf32>,
        tpu.vector_store %arg6[%swap3A_767], %get3A_764 {add = true, strides = array<i32>} : memref<32896xf32, #tpu.memory_space<vmem>>, vector<16xf32>,
        %get3A_769 = arith.index_cast %add3A_726 : i32 to index
        %get3A_770 = arith.constant 96 : index
        %get3A_771 = tpu.vector_load %arg9[%get3A_769, %get3A_770] {strides = array<i32>} : memref<320x128xf32, #tpu.memory_space<vmem>>, vector<16xf32>,
        %add3A_772 = arith.constant 96 : i32
        %add3A_773 = arith.addi %squeeze3A_724, %add3A_772 : i32
        %swap3A_774 = arith.index_cast %add3A_773 : i32 to index
        %swap3A_775 = tpu.vector_load %arg6[%swap3A_774] {strides = array<i32>} : memref<32896xf32, #tpu.memory_space<vmem>>, vector<16xf32>,
        tpu.vector_store %arg6[%swap3A_774], %get3A_771 {add = true, strides = array<i32>} : memref<32896xf32, #tpu.memory_space<vmem>>, vector<16xf32>,
        %get3A_776 = arith.index_cast %add3A_726 : i32 to index
        %get3A_777 = arith.constant 112 : index
        %get3A_778 = tpu.vector_load %arg9[%get3A_776, %get3A_777] {strides = array<i32>} : memref<320x128xf32, #tpu.memory_space<vmem>>, vector<16xf32>,
        %add3A_779 = arith.constant 112 : i32
        %add3A_780 = arith.addi %squeeze3A_724, %add3A_779 : i32
        %swap3A_781 = arith.index_cast %add3A_780 : i32 to index
        %swap3A_782 = tpu.vector_load %arg6[%swap3A_781] {strides = array<i32>} : memref<32896xf32, #tpu.memory_space<vmem>>, vector<16xf32>,
        tpu.vector_store %arg6[%swap3A_781], %get3A_778 {add = true, strides = array<i32>} : memref<32896xf32, #tpu.memory_space<vmem>>, vector<16xf32>,
        %slice3A_783 = vector.extract_strided_slice %mul3A_53 {offsets = [12], sizes = [1], strides = [1]} : vector<16xi32> to vector<1xi32>
        %squeeze3A_784 = vector.extract %slice3A_783[0] : i32 from vector<1xi32>
        %add3A_785 = arith.constant 12 : i32
        %add3A_786 = arith.addi %select_n3A_64, %add3A_785 : i32
        %get3A_787 = arith.index_cast %add3A_786 : i32 to index
        %get3A_788 = arith.constant 0 : index
        %get3A_789 = tpu.vector_load %arg9[%get3A_787, %get3A_788] {strides = array<i32>} : memref<320x128xf32, #tpu.memory_space<vmem>>, vector<16xf32>,
        %add3A_790 = arith.constant 0 : i32
        %add3A_791 = arith.addi %squeeze3A_784, %add3A_790 : i32
        %swap3A_792 = arith.index_cast %add3A_791 : i32 to index
        %swap3A_793 = tpu.vector_load %arg6[%swap3A_792] {strides = array<i32>} : memref<32896xf32, #tpu.memory_space<vmem>>, vector<16xf32>,
        tpu.vector_store %arg6[%swap3A_792], %get3A_789 {add = true, strides = array<i32>} : memref<32896xf32, #tpu.memory_space<vmem>>, vector<16xf32>,
        %get3A_794 = arith.index_cast %add3A_786 : i32 to index
        %get3A_795 = arith.constant 16 : index
        %get3A_796 = tpu.vector_load %arg9[%get3A_794, %get3A_795] {strides = array<i32>} : memref<320x128xf32, #tpu.memory_space<vmem>>, vector<16xf32>,
        %add3A_797 = arith.constant 16 : i32
        %add3A_798 = arith.addi %squeeze3A_784, %add3A_797 : i32
        %swap3A_799 = arith.index_cast %add3A_798 : i32 to index
        %swap3A_800 = tpu.vector_load %arg6[%swap3A_799] {strides = array<i32>} : memref<32896xf32, #tpu.memory_space<vmem>>, vector<16xf32>,
        tpu.vector_store %arg6[%swap3A_799], %get3A_796 {add = true, strides = array<i32>} : memref<32896xf32, #tpu.memory_space<vmem>>, vector<16xf32>,
        %get3A_801 = arith.index_cast %add3A_786 : i32 to index
        %get3A_802 = arith.constant 32 : index
        %get3A_803 = tpu.vector_load %arg9[%get3A_801, %get3A_802] {strides = array<i32>} : memref<320x128xf32, #tpu.memory_space<vmem>>, vector<16xf32>,
        %add3A_804 = arith.constant 32 : i32
        %add3A_805 = arith.addi %squeeze3A_784, %add3A_804 : i32
        %swap3A_806 = arith.index_cast %add3A_805 : i32 to index
        %swap3A_807 = tpu.vector_load %arg6[%swap3A_806] {strides = array<i32>} : memref<32896xf32, #tpu.memory_space<vmem>>, vector<16xf32>,
        tpu.vector_store %arg6[%swap3A_806], %get3A_803 {add = true, strides = array<i32>} : memref<32896xf32, #tpu.memory_space<vmem>>, vector<16xf32>,
        %get3A_808 = arith.index_cast %add3A_786 : i32 to index
        %get3A_809 = arith.constant 48 : index
        %get3A_810 = tpu.vector_load %arg9[%get3A_808, %get3A_809] {strides = array<i32>} : memref<320x128xf32, #tpu.memory_space<vmem>>, vector<16xf32>,
        %add3A_811 = arith.constant 48 : i32
        %add3A_812 = arith.addi %squeeze3A_784, %add3A_811 : i32
        %swap3A_813 = arith.index_cast %add3A_812 : i32 to index
        %swap3A_814 = tpu.vector_load %arg6[%swap3A_813] {strides = array<i32>} : memref<32896xf32, #tpu.memory_space<vmem>>, vector<16xf32>,
        tpu.vector_store %arg6[%swap3A_813], %get3A_810 {add = true, strides = array<i32>} : memref<32896xf32, #tpu.memory_space<vmem>>, vector<16xf32>,
        %get3A_815 = arith.index_cast %add3A_786 : i32 to index
        %get3A_816 = arith.constant 64 : index
        %get3A_817 = tpu.vector_load %arg9[%get3A_815, %get3A_816] {strides = array<i32>} : memref<320x128xf32, #tpu.memory_space<vmem>>, vector<16xf32>,
        %add3A_818 = arith.constant 64 : i32
        %add3A_819 = arith.addi %squeeze3A_784, %add3A_818 : i32
        %swap3A_820 = arith.index_cast %add3A_819 : i32 to index
        %swap3A_821 = tpu.vector_load %arg6[%swap3A_820] {strides = array<i32>} : memref<32896xf32, #tpu.memory_space<vmem>>, vector<16xf32>,
        tpu.vector_store %arg6[%swap3A_820], %get3A_817 {add = true, strides = array<i32>} : memref<32896xf32, #tpu.memory_space<vmem>>, vector<16xf32>,
        %get3A_822 = arith.index_cast %add3A_786 : i32 to index
        %get3A_823 = arith.constant 80 : index
        %get3A_824 = tpu.vector_load %arg9[%get3A_822, %get3A_823] {strides = array<i32>} : memref<320x128xf32, #tpu.memory_space<vmem>>, vector<16xf32>,
        %add3A_825 = arith.constant 80 : i32
        %add3A_826 = arith.addi %squeeze3A_784, %add3A_825 : i32
        %swap3A_827 = arith.index_cast %add3A_826 : i32 to index
        %swap3A_828 = tpu.vector_load %arg6[%swap3A_827] {strides = array<i32>} : memref<32896xf32, #tpu.memory_space<vmem>>, vector<16xf32>,
        tpu.vector_store %arg6[%swap3A_827], %get3A_824 {add = true, strides = array<i32>} : memref<32896xf32, #tpu.memory_space<vmem>>, vector<16xf32>,
        %get3A_829 = arith.index_cast %add3A_786 : i32 to index
        %get3A_830 = arith.constant 96 : index
        %get3A_831 = tpu.vector_load %arg9[%get3A_829, %get3A_830] {strides = array<i32>} : memref<320x128xf32, #tpu.memory_space<vmem>>, vector<16xf32>,
        %add3A_832 = arith.constant 96 : i32
        %add3A_833 = arith.addi %squeeze3A_784, %add3A_832 : i32
        %swap3A_834 = arith.index_cast %add3A_833 : i32 to index
        %swap3A_835 = tpu.vector_load %arg6[%swap3A_834] {strides = array<i32>} : memref<32896xf32, #tpu.memory_space<vmem>>, vector<16xf32>,
        tpu.vector_store %arg6[%swap3A_834], %get3A_831 {add = true, strides = array<i32>} : memref<32896xf32, #tpu.memory_space<vmem>>, vector<16xf32>,
        %get3A_836 = arith.index_cast %add3A_786 : i32 to index
        %get3A_837 = arith.constant 112 : index
        %get3A_838 = tpu.vector_load %arg9[%get3A_836, %get3A_837] {strides = array<i32>} : memref<320x128xf32, #tpu.memory_space<vmem>>, vector<16xf32>,
        %add3A_839 = arith.constant 112 : i32
        %add3A_840 = arith.addi %squeeze3A_784, %add3A_839 : i32
        %swap3A_841 = arith.index_cast %add3A_840 : i32 to index
        %swap3A_842 = tpu.vector_load %arg6[%swap3A_841] {strides = array<i32>} : memref<32896xf32, #tpu.memory_space<vmem>>, vector<16xf32>,
        tpu.vector_store %arg6[%swap3A_841], %get3A_838 {add = true, strides = array<i32>} : memref<32896xf32, #tpu.memory_space<vmem>>, vector<16xf32>,
        %slice3A_843 = vector.extract_strided_slice %mul3A_53 {offsets = [13], sizes = [1], strides = [1]} : vector<16xi32> to vector<1xi32>
        %squeeze3A_844 = vector.extract %slice3A_843[0] : i32 from vector<1xi32>
        %add3A_845 = arith.constant 13 : i32
        %add3A_846 = arith.addi %select_n3A_64, %add3A_845 : i32
        %get3A_847 = arith.index_cast %add3A_846 : i32 to index
        %get3A_848 = arith.constant 0 : index
        %get3A_849 = tpu.vector_load %arg9[%get3A_847, %get3A_848] {strides = array<i32>} : memref<320x128xf32, #tpu.memory_space<vmem>>, vector<16xf32>,
        %add3A_850 = arith.constant 0 : i32
        %add3A_851 = arith.addi %squeeze3A_844, %add3A_850 : i32
        %swap3A_852 = arith.index_cast %add3A_851 : i32 to index
        %swap3A_853 = tpu.vector_load %arg6[%swap3A_852] {strides = array<i32>} : memref<32896xf32, #tpu.memory_space<vmem>>, vector<16xf32>,
        tpu.vector_store %arg6[%swap3A_852], %get3A_849 {add = true, strides = array<i32>} : memref<32896xf32, #tpu.memory_space<vmem>>, vector<16xf32>,
        %get3A_854 = arith.index_cast %add3A_846 : i32 to index
        %get3A_855 = arith.constant 16 : index
        %get3A_856 = tpu.vector_load %arg9[%get3A_854, %get3A_855] {strides = array<i32>} : memref<320x128xf32, #tpu.memory_space<vmem>>, vector<16xf32>,
        %add3A_857 = arith.constant 16 : i32
        %add3A_858 = arith.addi %squeeze3A_844, %add3A_857 : i32
        %swap3A_859 = arith.index_cast %add3A_858 : i32 to index
        %swap3A_860 = tpu.vector_load %arg6[%swap3A_859] {strides = array<i32>} : memref<32896xf32, #tpu.memory_space<vmem>>, vector<16xf32>,
        tpu.vector_store %arg6[%swap3A_859], %get3A_856 {add = true, strides = array<i32>} : memref<32896xf32, #tpu.memory_space<vmem>>, vector<16xf32>,
        %get3A_861 = arith.index_cast %add3A_846 : i32 to index
        %get3A_862 = arith.constant 32 : index
        %get3A_863 = tpu.vector_load %arg9[%get3A_861, %get3A_862] {strides = array<i32>} : memref<320x128xf32, #tpu.memory_space<vmem>>, vector<16xf32>,
        %add3A_864 = arith.constant 32 : i32
        %add3A_865 = arith.addi %squeeze3A_844, %add3A_864 : i32
        %swap3A_866 = arith.index_cast %add3A_865 : i32 to index
        %swap3A_867 = tpu.vector_load %arg6[%swap3A_866] {strides = array<i32>} : memref<32896xf32, #tpu.memory_space<vmem>>, vector<16xf32>,
        tpu.vector_store %arg6[%swap3A_866], %get3A_863 {add = true, strides = array<i32>} : memref<32896xf32, #tpu.memory_space<vmem>>, vector<16xf32>,
        %get3A_868 = arith.index_cast %add3A_846 : i32 to index
        %get3A_869 = arith.constant 48 : index
        %get3A_870 = tpu.vector_load %arg9[%get3A_868, %get3A_869] {strides = array<i32>} : memref<320x128xf32, #tpu.memory_space<vmem>>, vector<16xf32>,
        %add3A_871 = arith.constant 48 : i32
        %add3A_872 = arith.addi %squeeze3A_844, %add3A_871 : i32
        %swap3A_873 = arith.index_cast %add3A_872 : i32 to index
        %swap3A_874 = tpu.vector_load %arg6[%swap3A_873] {strides = array<i32>} : memref<32896xf32, #tpu.memory_space<vmem>>, vector<16xf32>,
        tpu.vector_store %arg6[%swap3A_873], %get3A_870 {add = true, strides = array<i32>} : memref<32896xf32, #tpu.memory_space<vmem>>, vector<16xf32>,
        %get3A_875 = arith.index_cast %add3A_846 : i32 to index
        %get3A_876 = arith.constant 64 : index
        %get3A_877 = tpu.vector_load %arg9[%get3A_875, %get3A_876] {strides = array<i32>} : memref<320x128xf32, #tpu.memory_space<vmem>>, vector<16xf32>,
        %add3A_878 = arith.constant 64 : i32
        %add3A_879 = arith.addi %squeeze3A_844, %add3A_878 : i32
        %swap3A_880 = arith.index_cast %add3A_879 : i32 to index
        %swap3A_881 = tpu.vector_load %arg6[%swap3A_880] {strides = array<i32>} : memref<32896xf32, #tpu.memory_space<vmem>>, vector<16xf32>,
        tpu.vector_store %arg6[%swap3A_880], %get3A_877 {add = true, strides = array<i32>} : memref<32896xf32, #tpu.memory_space<vmem>>, vector<16xf32>,
        %get3A_882 = arith.index_cast %add3A_846 : i32 to index
        %get3A_883 = arith.constant 80 : index
        %get3A_884 = tpu.vector_load %arg9[%get3A_882, %get3A_883] {strides = array<i32>} : memref<320x128xf32, #tpu.memory_space<vmem>>, vector<16xf32>,
        %add3A_885 = arith.constant 80 : i32
        %add3A_886 = arith.addi %squeeze3A_844, %add3A_885 : i32
        %swap3A_887 = arith.index_cast %add3A_886 : i32 to index
        %swap3A_888 = tpu.vector_load %arg6[%swap3A_887] {strides = array<i32>} : memref<32896xf32, #tpu.memory_space<vmem>>, vector<16xf32>,
        tpu.vector_store %arg6[%swap3A_887], %get3A_884 {add = true, strides = array<i32>} : memref<32896xf32, #tpu.memory_space<vmem>>, vector<16xf32>,
        %get3A_889 = arith.index_cast %add3A_846 : i32 to index
        %get3A_890 = arith.constant 96 : index
        %get3A_891 = tpu.vector_load %arg9[%get3A_889, %get3A_890] {strides = array<i32>} : memref<320x128xf32, #tpu.memory_space<vmem>>, vector<16xf32>,
        %add3A_892 = arith.constant 96 : i32
        %add3A_893 = arith.addi %squeeze3A_844, %add3A_892 : i32
        %swap3A_894 = arith.index_cast %add3A_893 : i32 to index
        %swap3A_895 = tpu.vector_load %arg6[%swap3A_894] {strides = array<i32>} : memref<32896xf32, #tpu.memory_space<vmem>>, vector<16xf32>,
        tpu.vector_store %arg6[%swap3A_894], %get3A_891 {add = true, strides = array<i32>} : memref<32896xf32, #tpu.memory_space<vmem>>, vector<16xf32>,
        %get3A_896 = arith.index_cast %add3A_846 : i32 to index
        %get3A_897 = arith.constant 112 : index
        %get3A_898 = tpu.vector_load %arg9[%get3A_896, %get3A_897] {strides = array<i32>} : memref<320x128xf32, #tpu.memory_space<vmem>>, vector<16xf32>,
        %add3A_899 = arith.constant 112 : i32
        %add3A_900 = arith.addi %squeeze3A_844, %add3A_899 : i32
        %swap3A_901 = arith.index_cast %add3A_900 : i32 to index
        %swap3A_902 = tpu.vector_load %arg6[%swap3A_901] {strides = array<i32>} : memref<32896xf32, #tpu.memory_space<vmem>>, vector<16xf32>,
        tpu.vector_store %arg6[%swap3A_901], %get3A_898 {add = true, strides = array<i32>} : memref<32896xf32, #tpu.memory_space<vmem>>, vector<16xf32>,
        %slice3A_903 = vector.extract_strided_slice %mul3A_53 {offsets = [14], sizes = [1], strides = [1]} : vector<16xi32> to vector<1xi32>
        %squeeze3A_904 = vector.extract %slice3A_903[0] : i32 from vector<1xi32>
        %add3A_905 = arith.constant 14 : i32
        %add3A_906 = arith.addi %select_n3A_64, %add3A_905 : i32
        %get3A_907 = arith.index_cast %add3A_906 : i32 to index
        %get3A_908 = arith.constant 0 : index
        %get3A_909 = tpu.vector_load %arg9[%get3A_907, %get3A_908] {strides = array<i32>} : memref<320x128xf32, #tpu.memory_space<vmem>>, vector<16xf32>,
        %add3A_910 = arith.constant 0 : i32
        %add3A_911 = arith.addi %squeeze3A_904, %add3A_910 : i32
        %swap3A_912 = arith.index_cast %add3A_911 : i32 to index
        %swap3A_913 = tpu.vector_load %arg6[%swap3A_912] {strides = array<i32>} : memref<32896xf32, #tpu.memory_space<vmem>>, vector<16xf32>,
        tpu.vector_store %arg6[%swap3A_912], %get3A_909 {add = true, strides = array<i32>} : memref<32896xf32, #tpu.memory_space<vmem>>, vector<16xf32>,
        %get3A_914 = arith.index_cast %add3A_906 : i32 to index
        %get3A_915 = arith.constant 16 : index
        %get3A_916 = tpu.vector_load %arg9[%get3A_914, %get3A_915] {strides = array<i32>} : memref<320x128xf32, #tpu.memory_space<vmem>>, vector<16xf32>,
        %add3A_917 = arith.constant 16 : i32
        %add3A_918 = arith.addi %squeeze3A_904, %add3A_917 : i32
        %swap3A_919 = arith.index_cast %add3A_918 : i32 to index
        %swap3A_920 = tpu.vector_load %arg6[%swap3A_919] {strides = array<i32>} : memref<32896xf32, #tpu.memory_space<vmem>>, vector<16xf32>,
        tpu.vector_store %arg6[%swap3A_919], %get3A_916 {add = true, strides = array<i32>} : memref<32896xf32, #tpu.memory_space<vmem>>, vector<16xf32>,
        %get3A_921 = arith.index_cast %add3A_906 : i32 to index
        %get3A_922 = arith.constant 32 : index
        %get3A_923 = tpu.vector_load %arg9[%get3A_921, %get3A_922] {strides = array<i32>} : memref<320x128xf32, #tpu.memory_space<vmem>>, vector<16xf32>,
        %add3A_924 = arith.constant 32 : i32
        %add3A_925 = arith.addi %squeeze3A_904, %add3A_924 : i32
        %swap3A_926 = arith.index_cast %add3A_925 : i32 to index
        %swap3A_927 = tpu.vector_load %arg6[%swap3A_926] {strides = array<i32>} : memref<32896xf32, #tpu.memory_space<vmem>>, vector<16xf32>,
        tpu.vector_store %arg6[%swap3A_926], %get3A_923 {add = true, strides = array<i32>} : memref<32896xf32, #tpu.memory_space<vmem>>, vector<16xf32>,
        %get3A_928 = arith.index_cast %add3A_906 : i32 to index
        %get3A_929 = arith.constant 48 : index
        %get3A_930 = tpu.vector_load %arg9[%get3A_928, %get3A_929] {strides = array<i32>} : memref<320x128xf32, #tpu.memory_space<vmem>>, vector<16xf32>,
        %add3A_931 = arith.constant 48 : i32
        %add3A_932 = arith.addi %squeeze3A_904, %add3A_931 : i32
        %swap3A_933 = arith.index_cast %add3A_932 : i32 to index
        %swap3A_934 = tpu.vector_load %arg6[%swap3A_933] {strides = array<i32>} : memref<32896xf32, #tpu.memory_space<vmem>>, vector<16xf32>,
        tpu.vector_store %arg6[%swap3A_933], %get3A_930 {add = true, strides = array<i32>} : memref<32896xf32, #tpu.memory_space<vmem>>, vector<16xf32>,
        %get3A_935 = arith.index_cast %add3A_906 : i32 to index
        %get3A_936 = arith.constant 64 : index
        %get3A_937 = tpu.vector_load %arg9[%get3A_935, %get3A_936] {strides = array<i32>} : memref<320x128xf32, #tpu.memory_space<vmem>>, vector<16xf32>,
        %add3A_938 = arith.constant 64 : i32
        %add3A_939 = arith.addi %squeeze3A_904, %add3A_938 : i32
        %swap3A_940 = arith.index_cast %add3A_939 : i32 to index
        %swap3A_941 = tpu.vector_load %arg6[%swap3A_940] {strides = array<i32>} : memref<32896xf32, #tpu.memory_space<vmem>>, vector<16xf32>,
        tpu.vector_store %arg6[%swap3A_940], %get3A_937 {add = true, strides = array<i32>} : memref<32896xf32, #tpu.memory_space<vmem>>, vector<16xf32>,
        %get3A_942 = arith.index_cast %add3A_906 : i32 to index
        %get3A_943 = arith.constant 80 : index
        %get3A_944 = tpu.vector_load %arg9[%get3A_942, %get3A_943] {strides = array<i32>} : memref<320x128xf32, #tpu.memory_space<vmem>>, vector<16xf32>,
        %add3A_945 = arith.constant 80 : i32
        %add3A_946 = arith.addi %squeeze3A_904, %add3A_945 : i32
        %swap3A_947 = arith.index_cast %add3A_946 : i32 to index
        %swap3A_948 = tpu.vector_load %arg6[%swap3A_947] {strides = array<i32>} : memref<32896xf32, #tpu.memory_space<vmem>>, vector<16xf32>,
        tpu.vector_store %arg6[%swap3A_947], %get3A_944 {add = true, strides = array<i32>} : memref<32896xf32, #tpu.memory_space<vmem>>, vector<16xf32>,
        %get3A_949 = arith.index_cast %add3A_906 : i32 to index
        %get3A_950 = arith.constant 96 : index
        %get3A_951 = tpu.vector_load %arg9[%get3A_949, %get3A_950] {strides = array<i32>} : memref<320x128xf32, #tpu.memory_space<vmem>>, vector<16xf32>,
        %add3A_952 = arith.constant 96 : i32
        %add3A_953 = arith.addi %squeeze3A_904, %add3A_952 : i32
        %swap3A_954 = arith.index_cast %add3A_953 : i32 to index
        %swap3A_955 = tpu.vector_load %arg6[%swap3A_954] {strides = array<i32>} : memref<32896xf32, #tpu.memory_space<vmem>>, vector<16xf32>,
        tpu.vector_store %arg6[%swap3A_954], %get3A_951 {add = true, strides = array<i32>} : memref<32896xf32, #tpu.memory_space<vmem>>, vector<16xf32>,
        %get3A_956 = arith.index_cast %add3A_906 : i32 to index
        %get3A_957 = arith.constant 112 : index
        %get3A_958 = tpu.vector_load %arg9[%get3A_956, %get3A_957] {strides = array<i32>} : memref<320x128xf32, #tpu.memory_space<vmem>>, vector<16xf32>,
        %add3A_959 = arith.constant 112 : i32
        %add3A_960 = arith.addi %squeeze3A_904, %add3A_959 : i32
        %swap3A_961 = arith.index_cast %add3A_960 : i32 to index
        %swap3A_962 = tpu.vector_load %arg6[%swap3A_961] {strides = array<i32>} : memref<32896xf32, #tpu.memory_space<vmem>>, vector<16xf32>,
        tpu.vector_store %arg6[%swap3A_961], %get3A_958 {add = true, strides = array<i32>} : memref<32896xf32, #tpu.memory_space<vmem>>, vector<16xf32>,
        %slice3A_963 = vector.extract_strided_slice %mul3A_53 {offsets = [15], sizes = [1], strides = [1]} : vector<16xi32> to vector<1xi32>
        %squeeze3A_964 = vector.extract %slice3A_963[0] : i32 from vector<1xi32>
        %add3A_965 = arith.constant 15 : i32
        %add3A_966 = arith.addi %select_n3A_64, %add3A_965 : i32
        %get3A_967 = arith.index_cast %add3A_966 : i32 to index
        %get3A_968 = arith.constant 0 : index
        %get3A_969 = tpu.vector_load %arg9[%get3A_967, %get3A_968] {strides = array<i32>} : memref<320x128xf32, #tpu.memory_space<vmem>>, vector<16xf32>,
        %add3A_970 = arith.constant 0 : i32
        %add3A_971 = arith.addi %squeeze3A_964, %add3A_970 : i32
        %swap3A_972 = arith.index_cast %add3A_971 : i32 to index
        %swap3A_973 = tpu.vector_load %arg6[%swap3A_972] {strides = array<i32>} : memref<32896xf32, #tpu.memory_space<vmem>>, vector<16xf32>,
        tpu.vector_store %arg6[%swap3A_972], %get3A_969 {add = true, strides = array<i32>} : memref<32896xf32, #tpu.memory_space<vmem>>, vector<16xf32>,
        %get3A_974 = arith.index_cast %add3A_966 : i32 to index
        %get3A_975 = arith.constant 16 : index
        %get3A_976 = tpu.vector_load %arg9[%get3A_974, %get3A_975] {strides = array<i32>} : memref<320x128xf32, #tpu.memory_space<vmem>>, vector<16xf32>,
        %add3A_977 = arith.constant 16 : i32
        %add3A_978 = arith.addi %squeeze3A_964, %add3A_977 : i32
        %swap3A_979 = arith.index_cast %add3A_978 : i32 to index
        %swap3A_980 = tpu.vector_load %arg6[%swap3A_979] {strides = array<i32>} : memref<32896xf32, #tpu.memory_space<vmem>>, vector<16xf32>,
        tpu.vector_store %arg6[%swap3A_979], %get3A_976 {add = true, strides = array<i32>} : memref<32896xf32, #tpu.memory_space<vmem>>, vector<16xf32>,
        %get3A_981 = arith.index_cast %add3A_966 : i32 to index
        %get3A_982 = arith.constant 32 : index
        %get3A_983 = tpu.vector_load %arg9[%get3A_981, %get3A_982] {strides = array<i32>} : memref<320x128xf32, #tpu.memory_space<vmem>>, vector<16xf32>,
        %add3A_984 = arith.constant 32 : i32
        %add3A_985 = arith.addi %squeeze3A_964, %add3A_984 : i32
        %swap3A_986 = arith.index_cast %add3A_985 : i32 to index
        %swap3A_987 = tpu.vector_load %arg6[%swap3A_986] {strides = array<i32>} : memref<32896xf32, #tpu.memory_space<vmem>>, vector<16xf32>,
        tpu.vector_store %arg6[%swap3A_986], %get3A_983 {add = true, strides = array<i32>} : memref<32896xf32, #tpu.memory_space<vmem>>, vector<16xf32>,
        %get3A_988 = arith.index_cast %add3A_966 : i32 to index
        %get3A_989 = arith.constant 48 : index
        %get3A_990 = tpu.vector_load %arg9[%get3A_988, %get3A_989] {strides = array<i32>} : memref<320x128xf32, #tpu.memory_space<vmem>>, vector<16xf32>,
        %add3A_991 = arith.constant 48 : i32
        %add3A_992 = arith.addi %squeeze3A_964, %add3A_991 : i32
        %swap3A_993 = arith.index_cast %add3A_992 : i32 to index
        %swap3A_994 = tpu.vector_load %arg6[%swap3A_993] {strides = array<i32>} : memref<32896xf32, #tpu.memory_space<vmem>>, vector<16xf32>,
        tpu.vector_store %arg6[%swap3A_993], %get3A_990 {add = true, strides = array<i32>} : memref<32896xf32, #tpu.memory_space<vmem>>, vector<16xf32>,
        %get3A_995 = arith.index_cast %add3A_966 : i32 to index
        %get3A_996 = arith.constant 64 : index
        %get3A_997 = tpu.vector_load %arg9[%get3A_995, %get3A_996] {strides = array<i32>} : memref<320x128xf32, #tpu.memory_space<vmem>>, vector<16xf32>,
        %add3A_998 = arith.constant 64 : i32
        %add3A_999 = arith.addi %squeeze3A_964, %add3A_998 : i32
        %swap3A_1000 = arith.index_cast %add3A_999 : i32 to index
        %swap3A_1001 = tpu.vector_load %arg6[%swap3A_1000] {strides = array<i32>} : memref<32896xf32, #tpu.memory_space<vmem>>, vector<16xf32>,
        tpu.vector_store %arg6[%swap3A_1000], %get3A_997 {add = true, strides = array<i32>} : memref<32896xf32, #tpu.memory_space<vmem>>, vector<16xf32>,
        %get3A_1002 = arith.index_cast %add3A_966 : i32 to index
        %get3A_1003 = arith.constant 80 : index
        %get3A_1004 = tpu.vector_load %arg9[%get3A_1002, %get3A_1003] {strides = array<i32>} : memref<320x128xf32, #tpu.memory_space<vmem>>, vector<16xf32>,
        %add3A_1005 = arith.constant 80 : i32
        %add3A_1006 = arith.addi %squeeze3A_964, %add3A_1005 : i32
        %swap3A_1007 = arith.index_cast %add3A_1006 : i32 to index
        %swap3A_1008 = tpu.vector_load %arg6[%swap3A_1007] {strides = array<i32>} : memref<32896xf32, #tpu.memory_space<vmem>>, vector<16xf32>,
        tpu.vector_store %arg6[%swap3A_1007], %get3A_1004 {add = true, strides = array<i32>} : memref<32896xf32, #tpu.memory_space<vmem>>, vector<16xf32>,
        %get3A_1009 = arith.index_cast %add3A_966 : i32 to index
        %get3A_1010 = arith.constant 96 : index
        %get3A_1011 = tpu.vector_load %arg9[%get3A_1009, %get3A_1010] {strides = array<i32>} : memref<320x128xf32, #tpu.memory_space<vmem>>, vector<16xf32>,
        %add3A_1012 = arith.constant 96 : i32
        %add3A_1013 = arith.addi %squeeze3A_964, %add3A_1012 : i32
        %swap3A_1014 = arith.index_cast %add3A_1013 : i32 to index
        %swap3A_1015 = tpu.vector_load %arg6[%swap3A_1014] {strides = array<i32>} : memref<32896xf32, #tpu.memory_space<vmem>>, vector<16xf32>,
        tpu.vector_store %arg6[%swap3A_1014], %get3A_1011 {add = true, strides = array<i32>} : memref<32896xf32, #tpu.memory_space<vmem>>, vector<16xf32>,
        %get3A_1016 = arith.index_cast %add3A_966 : i32 to index
        %get3A_1017 = arith.constant 112 : index
        %get3A_1018 = tpu.vector_load %arg9[%get3A_1016, %get3A_1017] {strides = array<i32>} : memref<320x128xf32, #tpu.memory_space<vmem>>, vector<16xf32>,
        %add3A_1019 = arith.constant 112 : i32
        %add3A_1020 = arith.addi %squeeze3A_964, %add3A_1019 : i32
        %swap3A_1021 = arith.index_cast %add3A_1020 : i32 to index
        %swap3A_1022 = tpu.vector_load %arg6[%swap3A_1021] {strides = array<i32>} : memref<32896xf32, #tpu.memory_space<vmem>>, vector<16xf32>,
        tpu.vector_store %arg6[%swap3A_1021], %get3A_1018 {add = true, strides = array<i32>} : memref<32896xf32, #tpu.memory_space<vmem>>, vector<16xf32>,
      }
      %while3A_46 = arith.constant 1 : i32
      scf.for %while3A_47 = %while3A_44 to %while3A_40 step %while3A_46  : i32 {
        %mul3A_48 = arith.constant 16 : i32
        %mul3A_49 = arith.muli %while3A_47, %mul3A_48 : i32
        %get3A = arith.index_cast %mul3A_49 : i32 to index
        %get3A_50 = tpu.vector_load %arg8[%get3A] {strides = array<i32>} : memref<3152xi32, #tpu.memory_space<vmem>>, vector<16xi32>,
        %mul3A_51 = arith.constant 128 : i32
        %mul3A_52 = vector.broadcast %mul3A_51 : i32 to vector<16xi32>
        %mul3A_53 = arith.muli %get3A_50, %mul3A_52 : vector<16xi32>
        tpu.vector_store_idx %arg7[%get3A_50, %iota3A], %broadcast_in_dim3A_3 {add = true} : memref<257x16xf32, #tpu.memory_space<vmem>>[vector<16xi32>, vector<16xi32>], vector<16xf32>,
        %mul3A_54 = arith.constant 16 : i32
        %mul3A_55 = arith.muli %while3A_47, %mul3A_54 : i32
        %jit3A = arith.constant 320 : i32
        %eq3A = arith.constant 0 : i32
        %eq3A_56 = arith.cmpi eq, %jit3A, %eq3A : i32
        %jit3A_57 = arith.constant 1 : i32
        %select_n3A = arith.select %eq3A_56, %jit3A_57, %jit3A : i32
        %rem3A = arith.remsi %mul3A_55, %select_n3A : i32
        %ne3A = arith.constant 0 : i32
        %ne3A_58 = arith.cmpi ne, %rem3A, %ne3A : i32
        %lt3A = arith.constant 0 : i32
        %lt3A_59 = arith.cmpi slt, %rem3A, %lt3A : i32
        %lt3A_60 = arith.constant 0 : i32
        %lt3A_61 = arith.cmpi slt, %select_n3A, %lt3A_60 : i32
        %ne3A_62 = arith.xori %lt3A_59, %lt3A_61 : i1
        %and3A = arith.andi %ne3A_62, %ne3A_58 : i1
        %add3A_63 = arith.addi %rem3A, %select_n3A : i32
        %select_n3A_64 = arith.select %and3A, %add3A_63, %rem3A : i32
        %slice3A = vector.extract_strided_slice %mul3A_53 {offsets = [0], sizes = [1], strides = [1]} : vector<16xi32> to vector<1xi32>
        %squeeze3A = vector.extract %slice3A[0] : i32 from vector<1xi32>
        %add3A_65 = arith.constant 0 : i32
        %add3A_66 = arith.addi %select_n3A_64, %add3A_65 : i32
        %get3A_67 = arith.index_cast %add3A_66 : i32 to index
        %get3A_68 = arith.constant 0 : index
        %get3A_69 = tpu.vector_load %arg9[%get3A_67, %get3A_68] {strides = array<i32>} : memref<320x128xf32, #tpu.memory_space<vmem>>, vector<16xf32>,
        %add3A_70 = arith.constant 0 : i32
        %add3A_71 = arith.addi %squeeze3A, %add3A_70 : i32
        %swap3A_72 = arith.index_cast %add3A_71 : i32 to index
        %swap3A_73 = tpu.vector_load %arg6[%swap3A_72] {strides = array<i32>} : memref<32896xf32, #tpu.memory_space<vmem>>, vector<16xf32>,
        tpu.vector_store %arg6[%swap3A_72], %get3A_69 {add = true, strides = array<i32>} : memref<32896xf32, #tpu.memory_space<vmem>>, vector<16xf32>,
        %get3A_74 = arith.index_cast %add3A_66 : i32 to index
        %get3A_75 = arith.constant 16 : index
        %get3A_76 = tpu.vector_load %arg9[%get3A_74, %get3A_75] {strides = array<i32>} : memref<320x128xf32, #tpu.memory_space<vmem>>, vector<16xf32>,
        %add3A_77 = arith.constant 16 : i32
        %add3A_78 = arith.addi %squeeze3A, %add3A_77 : i32
        %swap3A_79 = arith.index_cast %add3A_78 : i32 to index
        %swap3A_80 = tpu.vector_load %arg6[%swap3A_79] {strides = array<i32>} : memref<32896xf32, #tpu.memory_space<vmem>>, vector<16xf32>,
        tpu.vector_store %arg6[%swap3A_79], %get3A_76 {add = true, strides = array<i32>} : memref<32896xf32, #tpu.memory_space<vmem>>, vector<16xf32>,
        %get3A_81 = arith.index_cast %add3A_66 : i32 to index
        %get3A_82 = arith.constant 32 : index
        %get3A_83 = tpu.vector_load %arg9[%get3A_81, %get3A_82] {strides = array<i32>} : memref<320x128xf32, #tpu.memory_space<vmem>>, vector<16xf32>,
        %add3A_84 = arith.constant 32 : i32
        %add3A_85 = arith.addi %squeeze3A, %add3A_84 : i32
        %swap3A_86 = arith.index_cast %add3A_85 : i32 to index
        %swap3A_87 = tpu.vector_load %arg6[%swap3A_86] {strides = array<i32>} : memref<32896xf32, #tpu.memory_space<vmem>>, vector<16xf32>,
        tpu.vector_store %arg6[%swap3A_86], %get3A_83 {add = true, strides = array<i32>} : memref<32896xf32, #tpu.memory_space<vmem>>, vector<16xf32>,
        %get3A_88 = arith.index_cast %add3A_66 : i32 to index
        %get3A_89 = arith.constant 48 : index
        %get3A_90 = tpu.vector_load %arg9[%get3A_88, %get3A_89] {strides = array<i32>} : memref<320x128xf32, #tpu.memory_space<vmem>>, vector<16xf32>,
        %add3A_91 = arith.constant 48 : i32
        %add3A_92 = arith.addi %squeeze3A, %add3A_91 : i32
        %swap3A_93 = arith.index_cast %add3A_92 : i32 to index
        %swap3A_94 = tpu.vector_load %arg6[%swap3A_93] {strides = array<i32>} : memref<32896xf32, #tpu.memory_space<vmem>>, vector<16xf32>,
        tpu.vector_store %arg6[%swap3A_93], %get3A_90 {add = true, strides = array<i32>} : memref<32896xf32, #tpu.memory_space<vmem>>, vector<16xf32>,
        %get3A_95 = arith.index_cast %add3A_66 : i32 to index
        %get3A_96 = arith.constant 64 : index
        %get3A_97 = tpu.vector_load %arg9[%get3A_95, %get3A_96] {strides = array<i32>} : memref<320x128xf32, #tpu.memory_space<vmem>>, vector<16xf32>,
        %add3A_98 = arith.constant 64 : i32
        %add3A_99 = arith.addi %squeeze3A, %add3A_98 : i32
        %swap3A_100 = arith.index_cast %add3A_99 : i32 to index
        %swap3A_101 = tpu.vector_load %arg6[%swap3A_100] {strides = array<i32>} : memref<32896xf32, #tpu.memory_space<vmem>>, vector<16xf32>,
        tpu.vector_store %arg6[%swap3A_100], %get3A_97 {add = true, strides = array<i32>} : memref<32896xf32, #tpu.memory_space<vmem>>, vector<16xf32>,
        %get3A_102 = arith.index_cast %add3A_66 : i32 to index
        %get3A_103 = arith.constant 80 : index
        %get3A_104 = tpu.vector_load %arg9[%get3A_102, %get3A_103] {strides = array<i32>} : memref<320x128xf32, #tpu.memory_space<vmem>>, vector<16xf32>,
        %add3A_105 = arith.constant 80 : i32
        %add3A_106 = arith.addi %squeeze3A, %add3A_105 : i32
        %swap3A_107 = arith.index_cast %add3A_106 : i32 to index
        %swap3A_108 = tpu.vector_load %arg6[%swap3A_107] {strides = array<i32>} : memref<32896xf32, #tpu.memory_space<vmem>>, vector<16xf32>,
        tpu.vector_store %arg6[%swap3A_107], %get3A_104 {add = true, strides = array<i32>} : memref<32896xf32, #tpu.memory_space<vmem>>, vector<16xf32>,
        %get3A_109 = arith.index_cast %add3A_66 : i32 to index
        %get3A_110 = arith.constant 96 : index
        %get3A_111 = tpu.vector_load %arg9[%get3A_109, %get3A_110] {strides = array<i32>} : memref<320x128xf32, #tpu.memory_space<vmem>>, vector<16xf32>,
        %add3A_112 = arith.constant 96 : i32
        %add3A_113 = arith.addi %squeeze3A, %add3A_112 : i32
        %swap3A_114 = arith.index_cast %add3A_113 : i32 to index
        %swap3A_115 = tpu.vector_load %arg6[%swap3A_114] {strides = array<i32>} : memref<32896xf32, #tpu.memory_space<vmem>>, vector<16xf32>,
        tpu.vector_store %arg6[%swap3A_114], %get3A_111 {add = true, strides = array<i32>} : memref<32896xf32, #tpu.memory_space<vmem>>, vector<16xf32>,
        %get3A_116 = arith.index_cast %add3A_66 : i32 to index
        %get3A_117 = arith.constant 112 : index
        %get3A_118 = tpu.vector_load %arg9[%get3A_116, %get3A_117] {strides = array<i32>} : memref<320x128xf32, #tpu.memory_space<vmem>>, vector<16xf32>,
        %add3A_119 = arith.constant 112 : i32
        %add3A_120 = arith.addi %squeeze3A, %add3A_119 : i32
        %swap3A_121 = arith.index_cast %add3A_120 : i32 to index
        %swap3A_122 = tpu.vector_load %arg6[%swap3A_121] {strides = array<i32>} : memref<32896xf32, #tpu.memory_space<vmem>>, vector<16xf32>,
        tpu.vector_store %arg6[%swap3A_121], %get3A_118 {add = true, strides = array<i32>} : memref<32896xf32, #tpu.memory_space<vmem>>, vector<16xf32>,
        %slice3A_123 = vector.extract_strided_slice %mul3A_53 {offsets = [1], sizes = [1], strides = [1]} : vector<16xi32> to vector<1xi32>
        %squeeze3A_124 = vector.extract %slice3A_123[0] : i32 from vector<1xi32>
        %add3A_125 = arith.constant 1 : i32
        %add3A_126 = arith.addi %select_n3A_64, %add3A_125 : i32
        %get3A_127 = arith.index_cast %add3A_126 : i32 to index
        %get3A_128 = arith.constant 0 : index
        %get3A_129 = tpu.vector_load %arg9[%get3A_127, %get3A_128] {strides = array<i32>} : memref<320x128xf32, #tpu.memory_space<vmem>>, vector<16xf32>,
        %add3A_130 = arith.constant 0 : i32
        %add3A_131 = arith.addi %squeeze3A_124, %add3A_130 : i32
        %swap3A_132 = arith.index_cast %add3A_131 : i32 to index
        %swap3A_133 = tpu.vector_load %arg6[%swap3A_132] {strides = array<i32>} : memref<32896xf32, #tpu.memory_space<vmem>>, vector<16xf32>,
        tpu.vector_store %arg6[%swap3A_132], %get3A_129 {add = true, strides = array<i32>} : memref<32896xf32, #tpu.memory_space<vmem>>, vector<16xf32>,
        %get3A_134 = arith.index_cast %add3A_126 : i32 to index
        %get3A_135 = arith.constant 16 : index
        %get3A_136 = tpu.vector_load %arg9[%get3A_134, %get3A_135] {strides = array<i32>} : memref<320x128xf32, #tpu.memory_space<vmem>>, vector<16xf32>,
        %add3A_137 = arith.constant 16 : i32
        %add3A_138 = arith.addi %squeeze3A_124, %add3A_137 : i32
        %swap3A_139 = arith.index_cast %add3A_138 : i32 to index
        %swap3A_140 = tpu.vector_load %arg6[%swap3A_139] {strides = array<i32>} : memref<32896xf32, #tpu.memory_space<vmem>>, vector<16xf32>,
        tpu.vector_store %arg6[%swap3A_139], %get3A_136 {add = true, strides = array<i32>} : memref<32896xf32, #tpu.memory_space<vmem>>, vector<16xf32>,
        %get3A_141 = arith.index_cast %add3A_126 : i32 to index
        %get3A_142 = arith.constant 32 : index
        %get3A_143 = tpu.vector_load %arg9[%get3A_141, %get3A_142] {strides = array<i32>} : memref<320x128xf32, #tpu.memory_space<vmem>>, vector<16xf32>,
        %add3A_144 = arith.constant 32 : i32
        %add3A_145 = arith.addi %squeeze3A_124, %add3A_144 : i32
        %swap3A_146 = arith.index_cast %add3A_145 : i32 to index
        %swap3A_147 = tpu.vector_load %arg6[%swap3A_146] {strides = array<i32>} : memref<32896xf32, #tpu.memory_space<vmem>>, vector<16xf32>,
        tpu.vector_store %arg6[%swap3A_146], %get3A_143 {add = true, strides = array<i32>} : memref<32896xf32, #tpu.memory_space<vmem>>, vector<16xf32>,
        %get3A_148 = arith.index_cast %add3A_126 : i32 to index
        %get3A_149 = arith.constant 48 : index
        %get3A_150 = tpu.vector_load %arg9[%get3A_148, %get3A_149] {strides = array<i32>} : memref<320x128xf32, #tpu.memory_space<vmem>>, vector<16xf32>,
        %add3A_151 = arith.constant 48 : i32
        %add3A_152 = arith.addi %squeeze3A_124, %add3A_151 : i32
        %swap3A_153 = arith.index_cast %add3A_152 : i32 to index
        %swap3A_154 = tpu.vector_load %arg6[%swap3A_153] {strides = array<i32>} : memref<32896xf32, #tpu.memory_space<vmem>>, vector<16xf32>,
        tpu.vector_store %arg6[%swap3A_153], %get3A_150 {add = true, strides = array<i32>} : memref<32896xf32, #tpu.memory_space<vmem>>, vector<16xf32>,
        %get3A_155 = arith.index_cast %add3A_126 : i32 to index
        %get3A_156 = arith.constant 64 : index
        %get3A_157 = tpu.vector_load %arg9[%get3A_155, %get3A_156] {strides = array<i32>} : memref<320x128xf32, #tpu.memory_space<vmem>>, vector<16xf32>,
        %add3A_158 = arith.constant 64 : i32
        %add3A_159 = arith.addi %squeeze3A_124, %add3A_158 : i32
        %swap3A_160 = arith.index_cast %add3A_159 : i32 to index
        %swap3A_161 = tpu.vector_load %arg6[%swap3A_160] {strides = array<i32>} : memref<32896xf32, #tpu.memory_space<vmem>>, vector<16xf32>,
        tpu.vector_store %arg6[%swap3A_160], %get3A_157 {add = true, strides = array<i32>} : memref<32896xf32, #tpu.memory_space<vmem>>, vector<16xf32>,
        %get3A_162 = arith.index_cast %add3A_126 : i32 to index
        %get3A_163 = arith.constant 80 : index
        %get3A_164 = tpu.vector_load %arg9[%get3A_162, %get3A_163] {strides = array<i32>} : memref<320x128xf32, #tpu.memory_space<vmem>>, vector<16xf32>,
        %add3A_165 = arith.constant 80 : i32
        %add3A_166 = arith.addi %squeeze3A_124, %add3A_165 : i32
        %swap3A_167 = arith.index_cast %add3A_166 : i32 to index
        %swap3A_168 = tpu.vector_load %arg6[%swap3A_167] {strides = array<i32>} : memref<32896xf32, #tpu.memory_space<vmem>>, vector<16xf32>,
        tpu.vector_store %arg6[%swap3A_167], %get3A_164 {add = true, strides = array<i32>} : memref<32896xf32, #tpu.memory_space<vmem>>, vector<16xf32>,
        %get3A_169 = arith.index_cast %add3A_126 : i32 to index
        %get3A_170 = arith.constant 96 : index
        %get3A_171 = tpu.vector_load %arg9[%get3A_169, %get3A_170] {strides = array<i32>} : memref<320x128xf32, #tpu.memory_space<vmem>>, vector<16xf32>,
        %add3A_172 = arith.constant 96 : i32
        %add3A_173 = arith.addi %squeeze3A_124, %add3A_172 : i32
        %swap3A_174 = arith.index_cast %add3A_173 : i32 to index
        %swap3A_175 = tpu.vector_load %arg6[%swap3A_174] {strides = array<i32>} : memref<32896xf32, #tpu.memory_space<vmem>>, vector<16xf32>,
        tpu.vector_store %arg6[%swap3A_174], %get3A_171 {add = true, strides = array<i32>} : memref<32896xf32, #tpu.memory_space<vmem>>, vector<16xf32>,
        %get3A_176 = arith.index_cast %add3A_126 : i32 to index
        %get3A_177 = arith.constant 112 : index
        %get3A_178 = tpu.vector_load %arg9[%get3A_176, %get3A_177] {strides = array<i32>} : memref<320x128xf32, #tpu.memory_space<vmem>>, vector<16xf32>,
        %add3A_179 = arith.constant 112 : i32
        %add3A_180 = arith.addi %squeeze3A_124, %add3A_179 : i32
        %swap3A_181 = arith.index_cast %add3A_180 : i32 to index
        %swap3A_182 = tpu.vector_load %arg6[%swap3A_181] {strides = array<i32>} : memref<32896xf32, #tpu.memory_space<vmem>>, vector<16xf32>,
        tpu.vector_store %arg6[%swap3A_181], %get3A_178 {add = true, strides = array<i32>} : memref<32896xf32, #tpu.memory_space<vmem>>, vector<16xf32>,
        %slice3A_183 = vector.extract_strided_slice %mul3A_53 {offsets = [2], sizes = [1], strides = [1]} : vector<16xi32> to vector<1xi32>
        %squeeze3A_184 = vector.extract %slice3A_183[0] : i32 from vector<1xi32>
        %add3A_185 = arith.constant 2 : i32
        %add3A_186 = arith.addi %select_n3A_64, %add3A_185 : i32
        %get3A_187 = arith.index_cast %add3A_186 : i32 to index
        %get3A_188 = arith.constant 0 : index
        %get3A_189 = tpu.vector_load %arg9[%get3A_187, %get3A_188] {strides = array<i32>} : memref<320x128xf32, #tpu.memory_space<vmem>>, vector<16xf32>,
        %add3A_190 = arith.constant 0 : i32
        %add3A_191 = arith.addi %squeeze3A_184, %add3A_190 : i32
        %swap3A_192 = arith.index_cast %add3A_191 : i32 to index
        %swap3A_193 = tpu.vector_load %arg6[%swap3A_192] {strides = array<i32>} : memref<32896xf32, #tpu.memory_space<vmem>>, vector<16xf32>,
        tpu.vector_store %arg6[%swap3A_192], %get3A_189 {add = true, strides = array<i32>} : memref<32896xf32, #tpu.memory_space<vmem>>, vector<16xf32>,
        %get3A_194 = arith.index_cast %add3A_186 : i32 to index
        %get3A_195 = arith.constant 16 : index
        %get3A_196 = tpu.vector_load %arg9[%get3A_194, %get3A_195] {strides = array<i32>} : memref<320x128xf32, #tpu.memory_space<vmem>>, vector<16xf32>,
        %add3A_197 = arith.constant 16 : i32
        %add3A_198 = arith.addi %squeeze3A_184, %add3A_197 : i32
        %swap3A_199 = arith.index_cast %add3A_198 : i32 to index
        %swap3A_200 = tpu.vector_load %arg6[%swap3A_199] {strides = array<i32>} : memref<32896xf32, #tpu.memory_space<vmem>>, vector<16xf32>,
        tpu.vector_store %arg6[%swap3A_199], %get3A_196 {add = true, strides = array<i32>} : memref<32896xf32, #tpu.memory_space<vmem>>, vector<16xf32>,
        %get3A_201 = arith.index_cast %add3A_186 : i32 to index
        %get3A_202 = arith.constant 32 : index
        %get3A_203 = tpu.vector_load %arg9[%get3A_201, %get3A_202] {strides = array<i32>} : memref<320x128xf32, #tpu.memory_space<vmem>>, vector<16xf32>,
        %add3A_204 = arith.constant 32 : i32
        %add3A_205 = arith.addi %squeeze3A_184, %add3A_204 : i32
        %swap3A_206 = arith.index_cast %add3A_205 : i32 to index
        %swap3A_207 = tpu.vector_load %arg6[%swap3A_206] {strides = array<i32>} : memref<32896xf32, #tpu.memory_space<vmem>>, vector<16xf32>,
        tpu.vector_store %arg6[%swap3A_206], %get3A_203 {add = true, strides = array<i32>} : memref<32896xf32, #tpu.memory_space<vmem>>, vector<16xf32>,
        %get3A_208 = arith.index_cast %add3A_186 : i32 to index
        %get3A_209 = arith.constant 48 : index
        %get3A_210 = tpu.vector_load %arg9[%get3A_208, %get3A_209] {strides = array<i32>} : memref<320x128xf32, #tpu.memory_space<vmem>>, vector<16xf32>,
        %add3A_211 = arith.constant 48 : i32
        %add3A_212 = arith.addi %squeeze3A_184, %add3A_211 : i32
        %swap3A_213 = arith.index_cast %add3A_212 : i32 to index
        %swap3A_214 = tpu.vector_load %arg6[%swap3A_213] {strides = array<i32>} : memref<32896xf32, #tpu.memory_space<vmem>>, vector<16xf32>,
        tpu.vector_store %arg6[%swap3A_213], %get3A_210 {add = true, strides = array<i32>} : memref<32896xf32, #tpu.memory_space<vmem>>, vector<16xf32>,
        %get3A_215 = arith.index_cast %add3A_186 : i32 to index
        %get3A_216 = arith.constant 64 : index
        %get3A_217 = tpu.vector_load %arg9[%get3A_215, %get3A_216] {strides = array<i32>} : memref<320x128xf32, #tpu.memory_space<vmem>>, vector<16xf32>,
        %add3A_218 = arith.constant 64 : i32
        %add3A_219 = arith.addi %squeeze3A_184, %add3A_218 : i32
        %swap3A_220 = arith.index_cast %add3A_219 : i32 to index
        %swap3A_221 = tpu.vector_load %arg6[%swap3A_220] {strides = array<i32>} : memref<32896xf32, #tpu.memory_space<vmem>>, vector<16xf32>,
        tpu.vector_store %arg6[%swap3A_220], %get3A_217 {add = true, strides = array<i32>} : memref<32896xf32, #tpu.memory_space<vmem>>, vector<16xf32>,
        %get3A_222 = arith.index_cast %add3A_186 : i32 to index
        %get3A_223 = arith.constant 80 : index
        %get3A_224 = tpu.vector_load %arg9[%get3A_222, %get3A_223] {strides = array<i32>} : memref<320x128xf32, #tpu.memory_space<vmem>>, vector<16xf32>,
        %add3A_225 = arith.constant 80 : i32
        %add3A_226 = arith.addi %squeeze3A_184, %add3A_225 : i32
        %swap3A_227 = arith.index_cast %add3A_226 : i32 to index
        %swap3A_228 = tpu.vector_load %arg6[%swap3A_227] {strides = array<i32>} : memref<32896xf32, #tpu.memory_space<vmem>>, vector<16xf32>,
        tpu.vector_store %arg6[%swap3A_227], %get3A_224 {add = true, strides = array<i32>} : memref<32896xf32, #tpu.memory_space<vmem>>, vector<16xf32>,
        %get3A_229 = arith.index_cast %add3A_186 : i32 to index
        %get3A_230 = arith.constant 96 : index
        %get3A_231 = tpu.vector_load %arg9[%get3A_229, %get3A_230] {strides = array<i32>} : memref<320x128xf32, #tpu.memory_space<vmem>>, vector<16xf32>,
        %add3A_232 = arith.constant 96 : i32
        %add3A_233 = arith.addi %squeeze3A_184, %add3A_232 : i32
        %swap3A_234 = arith.index_cast %add3A_233 : i32 to index
        %swap3A_235 = tpu.vector_load %arg6[%swap3A_234] {strides = array<i32>} : memref<32896xf32, #tpu.memory_space<vmem>>, vector<16xf32>,
        tpu.vector_store %arg6[%swap3A_234], %get3A_231 {add = true, strides = array<i32>} : memref<32896xf32, #tpu.memory_space<vmem>>, vector<16xf32>,
        %get3A_236 = arith.index_cast %add3A_186 : i32 to index
        %get3A_237 = arith.constant 112 : index
        %get3A_238 = tpu.vector_load %arg9[%get3A_236, %get3A_237] {strides = array<i32>} : memref<320x128xf32, #tpu.memory_space<vmem>>, vector<16xf32>,
        %add3A_239 = arith.constant 112 : i32
        %add3A_240 = arith.addi %squeeze3A_184, %add3A_239 : i32
        %swap3A_241 = arith.index_cast %add3A_240 : i32 to index
        %swap3A_242 = tpu.vector_load %arg6[%swap3A_241] {strides = array<i32>} : memref<32896xf32, #tpu.memory_space<vmem>>, vector<16xf32>,
        tpu.vector_store %arg6[%swap3A_241], %get3A_238 {add = true, strides = array<i32>} : memref<32896xf32, #tpu.memory_space<vmem>>, vector<16xf32>,
        %slice3A_243 = vector.extract_strided_slice %mul3A_53 {offsets = [3], sizes = [1], strides = [1]} : vector<16xi32> to vector<1xi32>
        %squeeze3A_244 = vector.extract %slice3A_243[0] : i32 from vector<1xi32>
        %add3A_245 = arith.constant 3 : i32
        %add3A_246 = arith.addi %select_n3A_64, %add3A_245 : i32
        %get3A_247 = arith.index_cast %add3A_246 : i32 to index
        %get3A_248 = arith.constant 0 : index
        %get3A_249 = tpu.vector_load %arg9[%get3A_247, %get3A_248] {strides = array<i32>} : memref<320x128xf32, #tpu.memory_space<vmem>>, vector<16xf32>,
        %add3A_250 = arith.constant 0 : i32
        %add3A_251 = arith.addi %squeeze3A_244, %add3A_250 : i32
        %swap3A_252 = arith.index_cast %add3A_251 : i32 to index
        %swap3A_253 = tpu.vector_load %arg6[%swap3A_252] {strides = array<i32>} : memref<32896xf32, #tpu.memory_space<vmem>>, vector<16xf32>,
        tpu.vector_store %arg6[%swap3A_252], %get3A_249 {add = true, strides = array<i32>} : memref<32896xf32, #tpu.memory_space<vmem>>, vector<16xf32>,
        %get3A_254 = arith.index_cast %add3A_246 : i32 to index
        %get3A_255 = arith.constant 16 : index
        %get3A_256 = tpu.vector_load %arg9[%get3A_254, %get3A_255] {strides = array<i32>} : memref<320x128xf32, #tpu.memory_space<vmem>>, vector<16xf32>,
        %add3A_257 = arith.constant 16 : i32
        %add3A_258 = arith.addi %squeeze3A_244, %add3A_257 : i32
        %swap3A_259 = arith.index_cast %add3A_258 : i32 to index
        %swap3A_260 = tpu.vector_load %arg6[%swap3A_259] {strides = array<i32>} : memref<32896xf32, #tpu.memory_space<vmem>>, vector<16xf32>,
        tpu.vector_store %arg6[%swap3A_259], %get3A_256 {add = true, strides = array<i32>} : memref<32896xf32, #tpu.memory_space<vmem>>, vector<16xf32>,
        %get3A_261 = arith.index_cast %add3A_246 : i32 to index
        %get3A_262 = arith.constant 32 : index
        %get3A_263 = tpu.vector_load %arg9[%get3A_261, %get3A_262] {strides = array<i32>} : memref<320x128xf32, #tpu.memory_space<vmem>>, vector<16xf32>,
        %add3A_264 = arith.constant 32 : i32
        %add3A_265 = arith.addi %squeeze3A_244, %add3A_264 : i32
        %swap3A_266 = arith.index_cast %add3A_265 : i32 to index
        %swap3A_267 = tpu.vector_load %arg6[%swap3A_266] {strides = array<i32>} : memref<32896xf32, #tpu.memory_space<vmem>>, vector<16xf32>,
        tpu.vector_store %arg6[%swap3A_266], %get3A_263 {add = true, strides = array<i32>} : memref<32896xf32, #tpu.memory_space<vmem>>, vector<16xf32>,
        %get3A_268 = arith.index_cast %add3A_246 : i32 to index
        %get3A_269 = arith.constant 48 : index
        %get3A_270 = tpu.vector_load %arg9[%get3A_268, %get3A_269] {strides = array<i32>} : memref<320x128xf32, #tpu.memory_space<vmem>>, vector<16xf32>,
        %add3A_271 = arith.constant 48 : i32
        %add3A_272 = arith.addi %squeeze3A_244, %add3A_271 : i32
        %swap3A_273 = arith.index_cast %add3A_272 : i32 to index
        %swap3A_274 = tpu.vector_load %arg6[%swap3A_273] {strides = array<i32>} : memref<32896xf32, #tpu.memory_space<vmem>>, vector<16xf32>,
        tpu.vector_store %arg6[%swap3A_273], %get3A_270 {add = true, strides = array<i32>} : memref<32896xf32, #tpu.memory_space<vmem>>, vector<16xf32>,
        %get3A_275 = arith.index_cast %add3A_246 : i32 to index
        %get3A_276 = arith.constant 64 : index
        %get3A_277 = tpu.vector_load %arg9[%get3A_275, %get3A_276] {strides = array<i32>} : memref<320x128xf32, #tpu.memory_space<vmem>>, vector<16xf32>,
        %add3A_278 = arith.constant 64 : i32
        %add3A_279 = arith.addi %squeeze3A_244, %add3A_278 : i32
        %swap3A_280 = arith.index_cast %add3A_279 : i32 to index
        %swap3A_281 = tpu.vector_load %arg6[%swap3A_280] {strides = array<i32>} : memref<32896xf32, #tpu.memory_space<vmem>>, vector<16xf32>,
        tpu.vector_store %arg6[%swap3A_280], %get3A_277 {add = true, strides = array<i32>} : memref<32896xf32, #tpu.memory_space<vmem>>, vector<16xf32>,
        %get3A_282 = arith.index_cast %add3A_246 : i32 to index
        %get3A_283 = arith.constant 80 : index
        %get3A_284 = tpu.vector_load %arg9[%get3A_282, %get3A_283] {strides = array<i32>} : memref<320x128xf32, #tpu.memory_space<vmem>>, vector<16xf32>,
        %add3A_285 = arith.constant 80 : i32
        %add3A_286 = arith.addi %squeeze3A_244, %add3A_285 : i32
        %swap3A_287 = arith.index_cast %add3A_286 : i32 to index
        %swap3A_288 = tpu.vector_load %arg6[%swap3A_287] {strides = array<i32>} : memref<32896xf32, #tpu.memory_space<vmem>>, vector<16xf32>,
        tpu.vector_store %arg6[%swap3A_287], %get3A_284 {add = true, strides = array<i32>} : memref<32896xf32, #tpu.memory_space<vmem>>, vector<16xf32>,
        %get3A_289 = arith.index_cast %add3A_246 : i32 to index
        %get3A_290 = arith.constant 96 : index
        %get3A_291 = tpu.vector_load %arg9[%get3A_289, %get3A_290] {strides = array<i32>} : memref<320x128xf32, #tpu.memory_space<vmem>>, vector<16xf32>,
        %add3A_292 = arith.constant 96 : i32
        %add3A_293 = arith.addi %squeeze3A_244, %add3A_292 : i32
        %swap3A_294 = arith.index_cast %add3A_293 : i32 to index
        %swap3A_295 = tpu.vector_load %arg6[%swap3A_294] {strides = array<i32>} : memref<32896xf32, #tpu.memory_space<vmem>>, vector<16xf32>,
        tpu.vector_store %arg6[%swap3A_294], %get3A_291 {add = true, strides = array<i32>} : memref<32896xf32, #tpu.memory_space<vmem>>, vector<16xf32>,
        %get3A_296 = arith.index_cast %add3A_246 : i32 to index
        %get3A_297 = arith.constant 112 : index
        %get3A_298 = tpu.vector_load %arg9[%get3A_296, %get3A_297] {strides = array<i32>} : memref<320x128xf32, #tpu.memory_space<vmem>>, vector<16xf32>,
        %add3A_299 = arith.constant 112 : i32
        %add3A_300 = arith.addi %squeeze3A_244, %add3A_299 : i32
        %swap3A_301 = arith.index_cast %add3A_300 : i32 to index
        %swap3A_302 = tpu.vector_load %arg6[%swap3A_301] {strides = array<i32>} : memref<32896xf32, #tpu.memory_space<vmem>>, vector<16xf32>,
        tpu.vector_store %arg6[%swap3A_301], %get3A_298 {add = true, strides = array<i32>} : memref<32896xf32, #tpu.memory_space<vmem>>, vector<16xf32>,
        %slice3A_303 = vector.extract_strided_slice %mul3A_53 {offsets = [4], sizes = [1], strides = [1]} : vector<16xi32> to vector<1xi32>
        %squeeze3A_304 = vector.extract %slice3A_303[0] : i32 from vector<1xi32>
        %add3A_305 = arith.constant 4 : i32
        %add3A_306 = arith.addi %select_n3A_64, %add3A_305 : i32
        %get3A_307 = arith.index_cast %add3A_306 : i32 to index
        %get3A_308 = arith.constant 0 : index
        %get3A_309 = tpu.vector_load %arg9[%get3A_307, %get3A_308] {strides = array<i32>} : memref<320x128xf32, #tpu.memory_space<vmem>>, vector<16xf32>,
        %add3A_310 = arith.constant 0 : i32
        %add3A_311 = arith.addi %squeeze3A_304, %add3A_310 : i32
        %swap3A_312 = arith.index_cast %add3A_311 : i32 to index
        %swap3A_313 = tpu.vector_load %arg6[%swap3A_312] {strides = array<i32>} : memref<32896xf32, #tpu.memory_space<vmem>>, vector<16xf32>,
        tpu.vector_store %arg6[%swap3A_312], %get3A_309 {add = true, strides = array<i32>} : memref<32896xf32, #tpu.memory_space<vmem>>, vector<16xf32>,
        %get3A_314 = arith.index_cast %add3A_306 : i32 to index
        %get3A_315 = arith.constant 16 : index
        %get3A_316 = tpu.vector_load %arg9[%get3A_314, %get3A_315] {strides = array<i32>} : memref<320x128xf32, #tpu.memory_space<vmem>>, vector<16xf32>,
        %add3A_317 = arith.constant 16 : i32
        %add3A_318 = arith.addi %squeeze3A_304, %add3A_317 : i32
        %swap3A_319 = arith.index_cast %add3A_318 : i32 to index
        %swap3A_320 = tpu.vector_load %arg6[%swap3A_319] {strides = array<i32>} : memref<32896xf32, #tpu.memory_space<vmem>>, vector<16xf32>,
        tpu.vector_store %arg6[%swap3A_319], %get3A_316 {add = true, strides = array<i32>} : memref<32896xf32, #tpu.memory_space<vmem>>, vector<16xf32>,
        %get3A_321 = arith.index_cast %add3A_306 : i32 to index
        %get3A_322 = arith.constant 32 : index
        %get3A_323 = tpu.vector_load %arg9[%get3A_321, %get3A_322] {strides = array<i32>} : memref<320x128xf32, #tpu.memory_space<vmem>>, vector<16xf32>,
        %add3A_324 = arith.constant 32 : i32
        %add3A_325 = arith.addi %squeeze3A_304, %add3A_324 : i32
        %swap3A_326 = arith.index_cast %add3A_325 : i32 to index
        %swap3A_327 = tpu.vector_load %arg6[%swap3A_326] {strides = array<i32>} : memref<32896xf32, #tpu.memory_space<vmem>>, vector<16xf32>,
        tpu.vector_store %arg6[%swap3A_326], %get3A_323 {add = true, strides = array<i32>} : memref<32896xf32, #tpu.memory_space<vmem>>, vector<16xf32>,
        %get3A_328 = arith.index_cast %add3A_306 : i32 to index
        %get3A_329 = arith.constant 48 : index
        %get3A_330 = tpu.vector_load %arg9[%get3A_328, %get3A_329] {strides = array<i32>} : memref<320x128xf32, #tpu.memory_space<vmem>>, vector<16xf32>,
        %add3A_331 = arith.constant 48 : i32
        %add3A_332 = arith.addi %squeeze3A_304, %add3A_331 : i32
        %swap3A_333 = arith.index_cast %add3A_332 : i32 to index
        %swap3A_334 = tpu.vector_load %arg6[%swap3A_333] {strides = array<i32>} : memref<32896xf32, #tpu.memory_space<vmem>>, vector<16xf32>,
        tpu.vector_store %arg6[%swap3A_333], %get3A_330 {add = true, strides = array<i32>} : memref<32896xf32, #tpu.memory_space<vmem>>, vector<16xf32>,
        %get3A_335 = arith.index_cast %add3A_306 : i32 to index
        %get3A_336 = arith.constant 64 : index
        %get3A_337 = tpu.vector_load %arg9[%get3A_335, %get3A_336] {strides = array<i32>} : memref<320x128xf32, #tpu.memory_space<vmem>>, vector<16xf32>,
        %add3A_338 = arith.constant 64 : i32
        %add3A_339 = arith.addi %squeeze3A_304, %add3A_338 : i32
        %swap3A_340 = arith.index_cast %add3A_339 : i32 to index
        %swap3A_341 = tpu.vector_load %arg6[%swap3A_340] {strides = array<i32>} : memref<32896xf32, #tpu.memory_space<vmem>>, vector<16xf32>,
        tpu.vector_store %arg6[%swap3A_340], %get3A_337 {add = true, strides = array<i32>} : memref<32896xf32, #tpu.memory_space<vmem>>, vector<16xf32>,
        %get3A_342 = arith.index_cast %add3A_306 : i32 to index
        %get3A_343 = arith.constant 80 : index
        %get3A_344 = tpu.vector_load %arg9[%get3A_342, %get3A_343] {strides = array<i32>} : memref<320x128xf32, #tpu.memory_space<vmem>>, vector<16xf32>,
        %add3A_345 = arith.constant 80 : i32
        %add3A_346 = arith.addi %squeeze3A_304, %add3A_345 : i32
        %swap3A_347 = arith.index_cast %add3A_346 : i32 to index
        %swap3A_348 = tpu.vector_load %arg6[%swap3A_347] {strides = array<i32>} : memref<32896xf32, #tpu.memory_space<vmem>>, vector<16xf32>,
        tpu.vector_store %arg6[%swap3A_347], %get3A_344 {add = true, strides = array<i32>} : memref<32896xf32, #tpu.memory_space<vmem>>, vector<16xf32>,
        %get3A_349 = arith.index_cast %add3A_306 : i32 to index
        %get3A_350 = arith.constant 96 : index
        %get3A_351 = tpu.vector_load %arg9[%get3A_349, %get3A_350] {strides = array<i32>} : memref<320x128xf32, #tpu.memory_space<vmem>>, vector<16xf32>,
        %add3A_352 = arith.constant 96 : i32
        %add3A_353 = arith.addi %squeeze3A_304, %add3A_352 : i32
        %swap3A_354 = arith.index_cast %add3A_353 : i32 to index
        %swap3A_355 = tpu.vector_load %arg6[%swap3A_354] {strides = array<i32>} : memref<32896xf32, #tpu.memory_space<vmem>>, vector<16xf32>,
        tpu.vector_store %arg6[%swap3A_354], %get3A_351 {add = true, strides = array<i32>} : memref<32896xf32, #tpu.memory_space<vmem>>, vector<16xf32>,
        %get3A_356 = arith.index_cast %add3A_306 : i32 to index
        %get3A_357 = arith.constant 112 : index
        %get3A_358 = tpu.vector_load %arg9[%get3A_356, %get3A_357] {strides = array<i32>} : memref<320x128xf32, #tpu.memory_space<vmem>>, vector<16xf32>,
        %add3A_359 = arith.constant 112 : i32
        %add3A_360 = arith.addi %squeeze3A_304, %add3A_359 : i32
        %swap3A_361 = arith.index_cast %add3A_360 : i32 to index
        %swap3A_362 = tpu.vector_load %arg6[%swap3A_361] {strides = array<i32>} : memref<32896xf32, #tpu.memory_space<vmem>>, vector<16xf32>,
        tpu.vector_store %arg6[%swap3A_361], %get3A_358 {add = true, strides = array<i32>} : memref<32896xf32, #tpu.memory_space<vmem>>, vector<16xf32>,
        %slice3A_363 = vector.extract_strided_slice %mul3A_53 {offsets = [5], sizes = [1], strides = [1]} : vector<16xi32> to vector<1xi32>
        %squeeze3A_364 = vector.extract %slice3A_363[0] : i32 from vector<1xi32>
        %add3A_365 = arith.constant 5 : i32
        %add3A_366 = arith.addi %select_n3A_64, %add3A_365 : i32
        %get3A_367 = arith.index_cast %add3A_366 : i32 to index
        %get3A_368 = arith.constant 0 : index
        %get3A_369 = tpu.vector_load %arg9[%get3A_367, %get3A_368] {strides = array<i32>} : memref<320x128xf32, #tpu.memory_space<vmem>>, vector<16xf32>,
        %add3A_370 = arith.constant 0 : i32
        %add3A_371 = arith.addi %squeeze3A_364, %add3A_370 : i32
        %swap3A_372 = arith.index_cast %add3A_371 : i32 to index
        %swap3A_373 = tpu.vector_load %arg6[%swap3A_372] {strides = array<i32>} : memref<32896xf32, #tpu.memory_space<vmem>>, vector<16xf32>,
        tpu.vector_store %arg6[%swap3A_372], %get3A_369 {add = true, strides = array<i32>} : memref<32896xf32, #tpu.memory_space<vmem>>, vector<16xf32>,
        %get3A_374 = arith.index_cast %add3A_366 : i32 to index
        %get3A_375 = arith.constant 16 : index
        %get3A_376 = tpu.vector_load %arg9[%get3A_374, %get3A_375] {strides = array<i32>} : memref<320x128xf32, #tpu.memory_space<vmem>>, vector<16xf32>,
        %add3A_377 = arith.constant 16 : i32
        %add3A_378 = arith.addi %squeeze3A_364, %add3A_377 : i32
        %swap3A_379 = arith.index_cast %add3A_378 : i32 to index
        %swap3A_380 = tpu.vector_load %arg6[%swap3A_379] {strides = array<i32>} : memref<32896xf32, #tpu.memory_space<vmem>>, vector<16xf32>,
        tpu.vector_store %arg6[%swap3A_379], %get3A_376 {add = true, strides = array<i32>} : memref<32896xf32, #tpu.memory_space<vmem>>, vector<16xf32>,
        %get3A_381 = arith.index_cast %add3A_366 : i32 to index
        %get3A_382 = arith.constant 32 : index
        %get3A_383 = tpu.vector_load %arg9[%get3A_381, %get3A_382] {strides = array<i32>} : memref<320x128xf32, #tpu.memory_space<vmem>>, vector<16xf32>,
        %add3A_384 = arith.constant 32 : i32
        %add3A_385 = arith.addi %squeeze3A_364, %add3A_384 : i32
        %swap3A_386 = arith.index_cast %add3A_385 : i32 to index
        %swap3A_387 = tpu.vector_load %arg6[%swap3A_386] {strides = array<i32>} : memref<32896xf32, #tpu.memory_space<vmem>>, vector<16xf32>,
        tpu.vector_store %arg6[%swap3A_386], %get3A_383 {add = true, strides = array<i32>} : memref<32896xf32, #tpu.memory_space<vmem>>, vector<16xf32>,
        %get3A_388 = arith.index_cast %add3A_366 : i32 to index
        %get3A_389 = arith.constant 48 : index
        %get3A_390 = tpu.vector_load %arg9[%get3A_388, %get3A_389] {strides = array<i32>} : memref<320x128xf32, #tpu.memory_space<vmem>>, vector<16xf32>,
        %add3A_391 = arith.constant 48 : i32
        %add3A_392 = arith.addi %squeeze3A_364, %add3A_391 : i32
        %swap3A_393 = arith.index_cast %add3A_392 : i32 to index
        %swap3A_394 = tpu.vector_load %arg6[%swap3A_393] {strides = array<i32>} : memref<32896xf32, #tpu.memory_space<vmem>>, vector<16xf32>,
        tpu.vector_store %arg6[%swap3A_393], %get3A_390 {add = true, strides = array<i32>} : memref<32896xf32, #tpu.memory_space<vmem>>, vector<16xf32>,
        %get3A_395 = arith.index_cast %add3A_366 : i32 to index
        %get3A_396 = arith.constant 64 : index
        %get3A_397 = tpu.vector_load %arg9[%get3A_395, %get3A_396] {strides = array<i32>} : memref<320x128xf32, #tpu.memory_space<vmem>>, vector<16xf32>,
        %add3A_398 = arith.constant 64 : i32
        %add3A_399 = arith.addi %squeeze3A_364, %add3A_398 : i32
        %swap3A_400 = arith.index_cast %add3A_399 : i32 to index
        %swap3A_401 = tpu.vector_load %arg6[%swap3A_400] {strides = array<i32>} : memref<32896xf32, #tpu.memory_space<vmem>>, vector<16xf32>,
        tpu.vector_store %arg6[%swap3A_400], %get3A_397 {add = true, strides = array<i32>} : memref<32896xf32, #tpu.memory_space<vmem>>, vector<16xf32>,
        %get3A_402 = arith.index_cast %add3A_366 : i32 to index
        %get3A_403 = arith.constant 80 : index
        %get3A_404 = tpu.vector_load %arg9[%get3A_402, %get3A_403] {strides = array<i32>} : memref<320x128xf32, #tpu.memory_space<vmem>>, vector<16xf32>,
        %add3A_405 = arith.constant 80 : i32
        %add3A_406 = arith.addi %squeeze3A_364, %add3A_405 : i32
        %swap3A_407 = arith.index_cast %add3A_406 : i32 to index
        %swap3A_408 = tpu.vector_load %arg6[%swap3A_407] {strides = array<i32>} : memref<32896xf32, #tpu.memory_space<vmem>>, vector<16xf32>,
        tpu.vector_store %arg6[%swap3A_407], %get3A_404 {add = true, strides = array<i32>} : memref<32896xf32, #tpu.memory_space<vmem>>, vector<16xf32>,
        %get3A_409 = arith.index_cast %add3A_366 : i32 to index
        %get3A_410 = arith.constant 96 : index
        %get3A_411 = tpu.vector_load %arg9[%get3A_409, %get3A_410] {strides = array<i32>} : memref<320x128xf32, #tpu.memory_space<vmem>>, vector<16xf32>,
        %add3A_412 = arith.constant 96 : i32
        %add3A_413 = arith.addi %squeeze3A_364, %add3A_412 : i32
        %swap3A_414 = arith.index_cast %add3A_413 : i32 to index
        %swap3A_415 = tpu.vector_load %arg6[%swap3A_414] {strides = array<i32>} : memref<32896xf32, #tpu.memory_space<vmem>>, vector<16xf32>,
        tpu.vector_store %arg6[%swap3A_414], %get3A_411 {add = true, strides = array<i32>} : memref<32896xf32, #tpu.memory_space<vmem>>, vector<16xf32>,
        %get3A_416 = arith.index_cast %add3A_366 : i32 to index
        %get3A_417 = arith.constant 112 : index
        %get3A_418 = tpu.vector_load %arg9[%get3A_416, %get3A_417] {strides = array<i32>} : memref<320x128xf32, #tpu.memory_space<vmem>>, vector<16xf32>,
        %add3A_419 = arith.constant 112 : i32
        %add3A_420 = arith.addi %squeeze3A_364, %add3A_419 : i32
        %swap3A_421 = arith.index_cast %add3A_420 : i32 to index
        %swap3A_422 = tpu.vector_load %arg6[%swap3A_421] {strides = array<i32>} : memref<32896xf32, #tpu.memory_space<vmem>>, vector<16xf32>,
        tpu.vector_store %arg6[%swap3A_421], %get3A_418 {add = true, strides = array<i32>} : memref<32896xf32, #tpu.memory_space<vmem>>, vector<16xf32>,
        %slice3A_423 = vector.extract_strided_slice %mul3A_53 {offsets = [6], sizes = [1], strides = [1]} : vector<16xi32> to vector<1xi32>
        %squeeze3A_424 = vector.extract %slice3A_423[0] : i32 from vector<1xi32>
        %add3A_425 = arith.constant 6 : i32
        %add3A_426 = arith.addi %select_n3A_64, %add3A_425 : i32
        %get3A_427 = arith.index_cast %add3A_426 : i32 to index
        %get3A_428 = arith.constant 0 : index
        %get3A_429 = tpu.vector_load %arg9[%get3A_427, %get3A_428] {strides = array<i32>} : memref<320x128xf32, #tpu.memory_space<vmem>>, vector<16xf32>,
        %add3A_430 = arith.constant 0 : i32
        %add3A_431 = arith.addi %squeeze3A_424, %add3A_430 : i32
        %swap3A_432 = arith.index_cast %add3A_431 : i32 to index
        %swap3A_433 = tpu.vector_load %arg6[%swap3A_432] {strides = array<i32>} : memref<32896xf32, #tpu.memory_space<vmem>>, vector<16xf32>,
        tpu.vector_store %arg6[%swap3A_432], %get3A_429 {add = true, strides = array<i32>} : memref<32896xf32, #tpu.memory_space<vmem>>, vector<16xf32>,
        %get3A_434 = arith.index_cast %add3A_426 : i32 to index
        %get3A_435 = arith.constant 16 : index
        %get3A_436 = tpu.vector_load %arg9[%get3A_434, %get3A_435] {strides = array<i32>} : memref<320x128xf32, #tpu.memory_space<vmem>>, vector<16xf32>,
        %add3A_437 = arith.constant 16 : i32
        %add3A_438 = arith.addi %squeeze3A_424, %add3A_437 : i32
        %swap3A_439 = arith.index_cast %add3A_438 : i32 to index
        %swap3A_440 = tpu.vector_load %arg6[%swap3A_439] {strides = array<i32>} : memref<32896xf32, #tpu.memory_space<vmem>>, vector<16xf32>,
        tpu.vector_store %arg6[%swap3A_439], %get3A_436 {add = true, strides = array<i32>} : memref<32896xf32, #tpu.memory_space<vmem>>, vector<16xf32>,
        %get3A_441 = arith.index_cast %add3A_426 : i32 to index
        %get3A_442 = arith.constant 32 : index
        %get3A_443 = tpu.vector_load %arg9[%get3A_441, %get3A_442] {strides = array<i32>} : memref<320x128xf32, #tpu.memory_space<vmem>>, vector<16xf32>,
        %add3A_444 = arith.constant 32 : i32
        %add3A_445 = arith.addi %squeeze3A_424, %add3A_444 : i32
        %swap3A_446 = arith.index_cast %add3A_445 : i32 to index
        %swap3A_447 = tpu.vector_load %arg6[%swap3A_446] {strides = array<i32>} : memref<32896xf32, #tpu.memory_space<vmem>>, vector<16xf32>,
        tpu.vector_store %arg6[%swap3A_446], %get3A_443 {add = true, strides = array<i32>} : memref<32896xf32, #tpu.memory_space<vmem>>, vector<16xf32>,
        %get3A_448 = arith.index_cast %add3A_426 : i32 to index
        %get3A_449 = arith.constant 48 : index
        %get3A_450 = tpu.vector_load %arg9[%get3A_448, %get3A_449] {strides = array<i32>} : memref<320x128xf32, #tpu.memory_space<vmem>>, vector<16xf32>,
        %add3A_451 = arith.constant 48 : i32
        %add3A_452 = arith.addi %squeeze3A_424, %add3A_451 : i32
        %swap3A_453 = arith.index_cast %add3A_452 : i32 to index
        %swap3A_454 = tpu.vector_load %arg6[%swap3A_453] {strides = array<i32>} : memref<32896xf32, #tpu.memory_space<vmem>>, vector<16xf32>,
        tpu.vector_store %arg6[%swap3A_453], %get3A_450 {add = true, strides = array<i32>} : memref<32896xf32, #tpu.memory_space<vmem>>, vector<16xf32>,
        %get3A_455 = arith.index_cast %add3A_426 : i32 to index
        %get3A_456 = arith.constant 64 : index
        %get3A_457 = tpu.vector_load %arg9[%get3A_455, %get3A_456] {strides = array<i32>} : memref<320x128xf32, #tpu.memory_space<vmem>>, vector<16xf32>,
        %add3A_458 = arith.constant 64 : i32
        %add3A_459 = arith.addi %squeeze3A_424, %add3A_458 : i32
        %swap3A_460 = arith.index_cast %add3A_459 : i32 to index
        %swap3A_461 = tpu.vector_load %arg6[%swap3A_460] {strides = array<i32>} : memref<32896xf32, #tpu.memory_space<vmem>>, vector<16xf32>,
        tpu.vector_store %arg6[%swap3A_460], %get3A_457 {add = true, strides = array<i32>} : memref<32896xf32, #tpu.memory_space<vmem>>, vector<16xf32>,
        %get3A_462 = arith.index_cast %add3A_426 : i32 to index
        %get3A_463 = arith.constant 80 : index
        %get3A_464 = tpu.vector_load %arg9[%get3A_462, %get3A_463] {strides = array<i32>} : memref<320x128xf32, #tpu.memory_space<vmem>>, vector<16xf32>,
        %add3A_465 = arith.constant 80 : i32
        %add3A_466 = arith.addi %squeeze3A_424, %add3A_465 : i32
        %swap3A_467 = arith.index_cast %add3A_466 : i32 to index
        %swap3A_468 = tpu.vector_load %arg6[%swap3A_467] {strides = array<i32>} : memref<32896xf32, #tpu.memory_space<vmem>>, vector<16xf32>,
        tpu.vector_store %arg6[%swap3A_467], %get3A_464 {add = true, strides = array<i32>} : memref<32896xf32, #tpu.memory_space<vmem>>, vector<16xf32>,
        %get3A_469 = arith.index_cast %add3A_426 : i32 to index
        %get3A_470 = arith.constant 96 : index
        %get3A_471 = tpu.vector_load %arg9[%get3A_469, %get3A_470] {strides = array<i32>} : memref<320x128xf32, #tpu.memory_space<vmem>>, vector<16xf32>,
        %add3A_472 = arith.constant 96 : i32
        %add3A_473 = arith.addi %squeeze3A_424, %add3A_472 : i32
        %swap3A_474 = arith.index_cast %add3A_473 : i32 to index
        %swap3A_475 = tpu.vector_load %arg6[%swap3A_474] {strides = array<i32>} : memref<32896xf32, #tpu.memory_space<vmem>>, vector<16xf32>,
        tpu.vector_store %arg6[%swap3A_474], %get3A_471 {add = true, strides = array<i32>} : memref<32896xf32, #tpu.memory_space<vmem>>, vector<16xf32>,
        %get3A_476 = arith.index_cast %add3A_426 : i32 to index
        %get3A_477 = arith.constant 112 : index
        %get3A_478 = tpu.vector_load %arg9[%get3A_476, %get3A_477] {strides = array<i32>} : memref<320x128xf32, #tpu.memory_space<vmem>>, vector<16xf32>,
        %add3A_479 = arith.constant 112 : i32
        %add3A_480 = arith.addi %squeeze3A_424, %add3A_479 : i32
        %swap3A_481 = arith.index_cast %add3A_480 : i32 to index
        %swap3A_482 = tpu.vector_load %arg6[%swap3A_481] {strides = array<i32>} : memref<32896xf32, #tpu.memory_space<vmem>>, vector<16xf32>,
        tpu.vector_store %arg6[%swap3A_481], %get3A_478 {add = true, strides = array<i32>} : memref<32896xf32, #tpu.memory_space<vmem>>, vector<16xf32>,
        %slice3A_483 = vector.extract_strided_slice %mul3A_53 {offsets = [7], sizes = [1], strides = [1]} : vector<16xi32> to vector<1xi32>
        %squeeze3A_484 = vector.extract %slice3A_483[0] : i32 from vector<1xi32>
        %add3A_485 = arith.constant 7 : i32
        %add3A_486 = arith.addi %select_n3A_64, %add3A_485 : i32
        %get3A_487 = arith.index_cast %add3A_486 : i32 to index
        %get3A_488 = arith.constant 0 : index
        %get3A_489 = tpu.vector_load %arg9[%get3A_487, %get3A_488] {strides = array<i32>} : memref<320x128xf32, #tpu.memory_space<vmem>>, vector<16xf32>,
        %add3A_490 = arith.constant 0 : i32
        %add3A_491 = arith.addi %squeeze3A_484, %add3A_490 : i32
        %swap3A_492 = arith.index_cast %add3A_491 : i32 to index
        %swap3A_493 = tpu.vector_load %arg6[%swap3A_492] {strides = array<i32>} : memref<32896xf32, #tpu.memory_space<vmem>>, vector<16xf32>,
        tpu.vector_store %arg6[%swap3A_492], %get3A_489 {add = true, strides = array<i32>} : memref<32896xf32, #tpu.memory_space<vmem>>, vector<16xf32>,
        %get3A_494 = arith.index_cast %add3A_486 : i32 to index
        %get3A_495 = arith.constant 16 : index
        %get3A_496 = tpu.vector_load %arg9[%get3A_494, %get3A_495] {strides = array<i32>} : memref<320x128xf32, #tpu.memory_space<vmem>>, vector<16xf32>,
        %add3A_497 = arith.constant 16 : i32
        %add3A_498 = arith.addi %squeeze3A_484, %add3A_497 : i32
        %swap3A_499 = arith.index_cast %add3A_498 : i32 to index
        %swap3A_500 = tpu.vector_load %arg6[%swap3A_499] {strides = array<i32>} : memref<32896xf32, #tpu.memory_space<vmem>>, vector<16xf32>,
        tpu.vector_store %arg6[%swap3A_499], %get3A_496 {add = true, strides = array<i32>} : memref<32896xf32, #tpu.memory_space<vmem>>, vector<16xf32>,
        %get3A_501 = arith.index_cast %add3A_486 : i32 to index
        %get3A_502 = arith.constant 32 : index
        %get3A_503 = tpu.vector_load %arg9[%get3A_501, %get3A_502] {strides = array<i32>} : memref<320x128xf32, #tpu.memory_space<vmem>>, vector<16xf32>,
        %add3A_504 = arith.constant 32 : i32
        %add3A_505 = arith.addi %squeeze3A_484, %add3A_504 : i32
        %swap3A_506 = arith.index_cast %add3A_505 : i32 to index
        %swap3A_507 = tpu.vector_load %arg6[%swap3A_506] {strides = array<i32>} : memref<32896xf32, #tpu.memory_space<vmem>>, vector<16xf32>,
        tpu.vector_store %arg6[%swap3A_506], %get3A_503 {add = true, strides = array<i32>} : memref<32896xf32, #tpu.memory_space<vmem>>, vector<16xf32>,
        %get3A_508 = arith.index_cast %add3A_486 : i32 to index
        %get3A_509 = arith.constant 48 : index
        %get3A_510 = tpu.vector_load %arg9[%get3A_508, %get3A_509] {strides = array<i32>} : memref<320x128xf32, #tpu.memory_space<vmem>>, vector<16xf32>,
        %add3A_511 = arith.constant 48 : i32
        %add3A_512 = arith.addi %squeeze3A_484, %add3A_511 : i32
        %swap3A_513 = arith.index_cast %add3A_512 : i32 to index
        %swap3A_514 = tpu.vector_load %arg6[%swap3A_513] {strides = array<i32>} : memref<32896xf32, #tpu.memory_space<vmem>>, vector<16xf32>,
        tpu.vector_store %arg6[%swap3A_513], %get3A_510 {add = true, strides = array<i32>} : memref<32896xf32, #tpu.memory_space<vmem>>, vector<16xf32>,
        %get3A_515 = arith.index_cast %add3A_486 : i32 to index
        %get3A_516 = arith.constant 64 : index
        %get3A_517 = tpu.vector_load %arg9[%get3A_515, %get3A_516] {strides = array<i32>} : memref<320x128xf32, #tpu.memory_space<vmem>>, vector<16xf32>,
        %add3A_518 = arith.constant 64 : i32
        %add3A_519 = arith.addi %squeeze3A_484, %add3A_518 : i32
        %swap3A_520 = arith.index_cast %add3A_519 : i32 to index
        %swap3A_521 = tpu.vector_load %arg6[%swap3A_520] {strides = array<i32>} : memref<32896xf32, #tpu.memory_space<vmem>>, vector<16xf32>,
        tpu.vector_store %arg6[%swap3A_520], %get3A_517 {add = true, strides = array<i32>} : memref<32896xf32, #tpu.memory_space<vmem>>, vector<16xf32>,
        %get3A_522 = arith.index_cast %add3A_486 : i32 to index
        %get3A_523 = arith.constant 80 : index
        %get3A_524 = tpu.vector_load %arg9[%get3A_522, %get3A_523] {strides = array<i32>} : memref<320x128xf32, #tpu.memory_space<vmem>>, vector<16xf32>,
        %add3A_525 = arith.constant 80 : i32
        %add3A_526 = arith.addi %squeeze3A_484, %add3A_525 : i32
        %swap3A_527 = arith.index_cast %add3A_526 : i32 to index
        %swap3A_528 = tpu.vector_load %arg6[%swap3A_527] {strides = array<i32>} : memref<32896xf32, #tpu.memory_space<vmem>>, vector<16xf32>,
        tpu.vector_store %arg6[%swap3A_527], %get3A_524 {add = true, strides = array<i32>} : memref<32896xf32, #tpu.memory_space<vmem>>, vector<16xf32>,
        %get3A_529 = arith.index_cast %add3A_486 : i32 to index
        %get3A_530 = arith.constant 96 : index
        %get3A_531 = tpu.vector_load %arg9[%get3A_529, %get3A_530] {strides = array<i32>} : memref<320x128xf32, #tpu.memory_space<vmem>>, vector<16xf32>,
        %add3A_532 = arith.constant 96 : i32
        %add3A_533 = arith.addi %squeeze3A_484, %add3A_532 : i32
        %swap3A_534 = arith.index_cast %add3A_533 : i32 to index
        %swap3A_535 = tpu.vector_load %arg6[%swap3A_534] {strides = array<i32>} : memref<32896xf32, #tpu.memory_space<vmem>>, vector<16xf32>,
        tpu.vector_store %arg6[%swap3A_534], %get3A_531 {add = true, strides = array<i32>} : memref<32896xf32, #tpu.memory_space<vmem>>, vector<16xf32>,
        %get3A_536 = arith.index_cast %add3A_486 : i32 to index
        %get3A_537 = arith.constant 112 : index
        %get3A_538 = tpu.vector_load %arg9[%get3A_536, %get3A_537] {strides = array<i32>} : memref<320x128xf32, #tpu.memory_space<vmem>>, vector<16xf32>,
        %add3A_539 = arith.constant 112 : i32
        %add3A_540 = arith.addi %squeeze3A_484, %add3A_539 : i32
        %swap3A_541 = arith.index_cast %add3A_540 : i32 to index
        %swap3A_542 = tpu.vector_load %arg6[%swap3A_541] {strides = array<i32>} : memref<32896xf32, #tpu.memory_space<vmem>>, vector<16xf32>,
        tpu.vector_store %arg6[%swap3A_541], %get3A_538 {add = true, strides = array<i32>} : memref<32896xf32, #tpu.memory_space<vmem>>, vector<16xf32>,
        %slice3A_543 = vector.extract_strided_slice %mul3A_53 {offsets = [8], sizes = [1], strides = [1]} : vector<16xi32> to vector<1xi32>
        %squeeze3A_544 = vector.extract %slice3A_543[0] : i32 from vector<1xi32>
        %add3A_545 = arith.constant 8 : i32
        %add3A_546 = arith.addi %select_n3A_64, %add3A_545 : i32
        %get3A_547 = arith.index_cast %add3A_546 : i32 to index
        %get3A_548 = arith.constant 0 : index
        %get3A_549 = tpu.vector_load %arg9[%get3A_547, %get3A_548] {strides = array<i32>} : memref<320x128xf32, #tpu.memory_space<vmem>>, vector<16xf32>,
        %add3A_550 = arith.constant 0 : i32
        %add3A_551 = arith.addi %squeeze3A_544, %add3A_550 : i32
        %swap3A_552 = arith.index_cast %add3A_551 : i32 to index
        %swap3A_553 = tpu.vector_load %arg6[%swap3A_552] {strides = array<i32>} : memref<32896xf32, #tpu.memory_space<vmem>>, vector<16xf32>,
        tpu.vector_store %arg6[%swap3A_552], %get3A_549 {add = true, strides = array<i32>} : memref<32896xf32, #tpu.memory_space<vmem>>, vector<16xf32>,
        %get3A_554 = arith.index_cast %add3A_546 : i32 to index
        %get3A_555 = arith.constant 16 : index
        %get3A_556 = tpu.vector_load %arg9[%get3A_554, %get3A_555] {strides = array<i32>} : memref<320x128xf32, #tpu.memory_space<vmem>>, vector<16xf32>,
        %add3A_557 = arith.constant 16 : i32
        %add3A_558 = arith.addi %squeeze3A_544, %add3A_557 : i32
        %swap3A_559 = arith.index_cast %add3A_558 : i32 to index
        %swap3A_560 = tpu.vector_load %arg6[%swap3A_559] {strides = array<i32>} : memref<32896xf32, #tpu.memory_space<vmem>>, vector<16xf32>,
        tpu.vector_store %arg6[%swap3A_559], %get3A_556 {add = true, strides = array<i32>} : memref<32896xf32, #tpu.memory_space<vmem>>, vector<16xf32>,
        %get3A_561 = arith.index_cast %add3A_546 : i32 to index
        %get3A_562 = arith.constant 32 : index
        %get3A_563 = tpu.vector_load %arg9[%get3A_561, %get3A_562] {strides = array<i32>} : memref<320x128xf32, #tpu.memory_space<vmem>>, vector<16xf32>,
        %add3A_564 = arith.constant 32 : i32
        %add3A_565 = arith.addi %squeeze3A_544, %add3A_564 : i32
        %swap3A_566 = arith.index_cast %add3A_565 : i32 to index
        %swap3A_567 = tpu.vector_load %arg6[%swap3A_566] {strides = array<i32>} : memref<32896xf32, #tpu.memory_space<vmem>>, vector<16xf32>,
        tpu.vector_store %arg6[%swap3A_566], %get3A_563 {add = true, strides = array<i32>} : memref<32896xf32, #tpu.memory_space<vmem>>, vector<16xf32>,
        %get3A_568 = arith.index_cast %add3A_546 : i32 to index
        %get3A_569 = arith.constant 48 : index
        %get3A_570 = tpu.vector_load %arg9[%get3A_568, %get3A_569] {strides = array<i32>} : memref<320x128xf32, #tpu.memory_space<vmem>>, vector<16xf32>,
        %add3A_571 = arith.constant 48 : i32
        %add3A_572 = arith.addi %squeeze3A_544, %add3A_571 : i32
        %swap3A_573 = arith.index_cast %add3A_572 : i32 to index
        %swap3A_574 = tpu.vector_load %arg6[%swap3A_573] {strides = array<i32>} : memref<32896xf32, #tpu.memory_space<vmem>>, vector<16xf32>,
        tpu.vector_store %arg6[%swap3A_573], %get3A_570 {add = true, strides = array<i32>} : memref<32896xf32, #tpu.memory_space<vmem>>, vector<16xf32>,
        %get3A_575 = arith.index_cast %add3A_546 : i32 to index
        %get3A_576 = arith.constant 64 : index
        %get3A_577 = tpu.vector_load %arg9[%get3A_575, %get3A_576] {strides = array<i32>} : memref<320x128xf32, #tpu.memory_space<vmem>>, vector<16xf32>,
        %add3A_578 = arith.constant 64 : i32
        %add3A_579 = arith.addi %squeeze3A_544, %add3A_578 : i32
        %swap3A_580 = arith.index_cast %add3A_579 : i32 to index
        %swap3A_581 = tpu.vector_load %arg6[%swap3A_580] {strides = array<i32>} : memref<32896xf32, #tpu.memory_space<vmem>>, vector<16xf32>,
        tpu.vector_store %arg6[%swap3A_580], %get3A_577 {add = true, strides = array<i32>} : memref<32896xf32, #tpu.memory_space<vmem>>, vector<16xf32>,
        %get3A_582 = arith.index_cast %add3A_546 : i32 to index
        %get3A_583 = arith.constant 80 : index
        %get3A_584 = tpu.vector_load %arg9[%get3A_582, %get3A_583] {strides = array<i32>} : memref<320x128xf32, #tpu.memory_space<vmem>>, vector<16xf32>,
        %add3A_585 = arith.constant 80 : i32
        %add3A_586 = arith.addi %squeeze3A_544, %add3A_585 : i32
        %swap3A_587 = arith.index_cast %add3A_586 : i32 to index
        %swap3A_588 = tpu.vector_load %arg6[%swap3A_587] {strides = array<i32>} : memref<32896xf32, #tpu.memory_space<vmem>>, vector<16xf32>,
        tpu.vector_store %arg6[%swap3A_587], %get3A_584 {add = true, strides = array<i32>} : memref<32896xf32, #tpu.memory_space<vmem>>, vector<16xf32>,
        %get3A_589 = arith.index_cast %add3A_546 : i32 to index
        %get3A_590 = arith.constant 96 : index
        %get3A_591 = tpu.vector_load %arg9[%get3A_589, %get3A_590] {strides = array<i32>} : memref<320x128xf32, #tpu.memory_space<vmem>>, vector<16xf32>,
        %add3A_592 = arith.constant 96 : i32
        %add3A_593 = arith.addi %squeeze3A_544, %add3A_592 : i32
        %swap3A_594 = arith.index_cast %add3A_593 : i32 to index
        %swap3A_595 = tpu.vector_load %arg6[%swap3A_594] {strides = array<i32>} : memref<32896xf32, #tpu.memory_space<vmem>>, vector<16xf32>,
        tpu.vector_store %arg6[%swap3A_594], %get3A_591 {add = true, strides = array<i32>} : memref<32896xf32, #tpu.memory_space<vmem>>, vector<16xf32>,
        %get3A_596 = arith.index_cast %add3A_546 : i32 to index
        %get3A_597 = arith.constant 112 : index
        %get3A_598 = tpu.vector_load %arg9[%get3A_596, %get3A_597] {strides = array<i32>} : memref<320x128xf32, #tpu.memory_space<vmem>>, vector<16xf32>,
        %add3A_599 = arith.constant 112 : i32
        %add3A_600 = arith.addi %squeeze3A_544, %add3A_599 : i32
        %swap3A_601 = arith.index_cast %add3A_600 : i32 to index
        %swap3A_602 = tpu.vector_load %arg6[%swap3A_601] {strides = array<i32>} : memref<32896xf32, #tpu.memory_space<vmem>>, vector<16xf32>,
        tpu.vector_store %arg6[%swap3A_601], %get3A_598 {add = true, strides = array<i32>} : memref<32896xf32, #tpu.memory_space<vmem>>, vector<16xf32>,
        %slice3A_603 = vector.extract_strided_slice %mul3A_53 {offsets = [9], sizes = [1], strides = [1]} : vector<16xi32> to vector<1xi32>
        %squeeze3A_604 = vector.extract %slice3A_603[0] : i32 from vector<1xi32>
        %add3A_605 = arith.constant 9 : i32
        %add3A_606 = arith.addi %select_n3A_64, %add3A_605 : i32
        %get3A_607 = arith.index_cast %add3A_606 : i32 to index
        %get3A_608 = arith.constant 0 : index
        %get3A_609 = tpu.vector_load %arg9[%get3A_607, %get3A_608] {strides = array<i32>} : memref<320x128xf32, #tpu.memory_space<vmem>>, vector<16xf32>,
        %add3A_610 = arith.constant 0 : i32
        %add3A_611 = arith.addi %squeeze3A_604, %add3A_610 : i32
        %swap3A_612 = arith.index_cast %add3A_611 : i32 to index
        %swap3A_613 = tpu.vector_load %arg6[%swap3A_612] {strides = array<i32>} : memref<32896xf32, #tpu.memory_space<vmem>>, vector<16xf32>,
        tpu.vector_store %arg6[%swap3A_612], %get3A_609 {add = true, strides = array<i32>} : memref<32896xf32, #tpu.memory_space<vmem>>, vector<16xf32>,
        %get3A_614 = arith.index_cast %add3A_606 : i32 to index
        %get3A_615 = arith.constant 16 : index
        %get3A_616 = tpu.vector_load %arg9[%get3A_614, %get3A_615] {strides = array<i32>} : memref<320x128xf32, #tpu.memory_space<vmem>>, vector<16xf32>,
        %add3A_617 = arith.constant 16 : i32
        %add3A_618 = arith.addi %squeeze3A_604, %add3A_617 : i32
        %swap3A_619 = arith.index_cast %add3A_618 : i32 to index
        %swap3A_620 = tpu.vector_load %arg6[%swap3A_619] {strides = array<i32>} : memref<32896xf32, #tpu.memory_space<vmem>>, vector<16xf32>,
        tpu.vector_store %arg6[%swap3A_619], %get3A_616 {add = true, strides = array<i32>} : memref<32896xf32, #tpu.memory_space<vmem>>, vector<16xf32>,
        %get3A_621 = arith.index_cast %add3A_606 : i32 to index
        %get3A_622 = arith.constant 32 : index
        %get3A_623 = tpu.vector_load %arg9[%get3A_621, %get3A_622] {strides = array<i32>} : memref<320x128xf32, #tpu.memory_space<vmem>>, vector<16xf32>,
        %add3A_624 = arith.constant 32 : i32
        %add3A_625 = arith.addi %squeeze3A_604, %add3A_624 : i32
        %swap3A_626 = arith.index_cast %add3A_625 : i32 to index
        %swap3A_627 = tpu.vector_load %arg6[%swap3A_626] {strides = array<i32>} : memref<32896xf32, #tpu.memory_space<vmem>>, vector<16xf32>,
        tpu.vector_store %arg6[%swap3A_626], %get3A_623 {add = true, strides = array<i32>} : memref<32896xf32, #tpu.memory_space<vmem>>, vector<16xf32>,
        %get3A_628 = arith.index_cast %add3A_606 : i32 to index
        %get3A_629 = arith.constant 48 : index
        %get3A_630 = tpu.vector_load %arg9[%get3A_628, %get3A_629] {strides = array<i32>} : memref<320x128xf32, #tpu.memory_space<vmem>>, vector<16xf32>,
        %add3A_631 = arith.constant 48 : i32
        %add3A_632 = arith.addi %squeeze3A_604, %add3A_631 : i32
        %swap3A_633 = arith.index_cast %add3A_632 : i32 to index
        %swap3A_634 = tpu.vector_load %arg6[%swap3A_633] {strides = array<i32>} : memref<32896xf32, #tpu.memory_space<vmem>>, vector<16xf32>,
        tpu.vector_store %arg6[%swap3A_633], %get3A_630 {add = true, strides = array<i32>} : memref<32896xf32, #tpu.memory_space<vmem>>, vector<16xf32>,
        %get3A_635 = arith.index_cast %add3A_606 : i32 to index
        %get3A_636 = arith.constant 64 : index
        %get3A_637 = tpu.vector_load %arg9[%get3A_635, %get3A_636] {strides = array<i32>} : memref<320x128xf32, #tpu.memory_space<vmem>>, vector<16xf32>,
        %add3A_638 = arith.constant 64 : i32
        %add3A_639 = arith.addi %squeeze3A_604, %add3A_638 : i32
        %swap3A_640 = arith.index_cast %add3A_639 : i32 to index
        %swap3A_641 = tpu.vector_load %arg6[%swap3A_640] {strides = array<i32>} : memref<32896xf32, #tpu.memory_space<vmem>>, vector<16xf32>,
        tpu.vector_store %arg6[%swap3A_640], %get3A_637 {add = true, strides = array<i32>} : memref<32896xf32, #tpu.memory_space<vmem>>, vector<16xf32>,
        %get3A_642 = arith.index_cast %add3A_606 : i32 to index
        %get3A_643 = arith.constant 80 : index
        %get3A_644 = tpu.vector_load %arg9[%get3A_642, %get3A_643] {strides = array<i32>} : memref<320x128xf32, #tpu.memory_space<vmem>>, vector<16xf32>,
        %add3A_645 = arith.constant 80 : i32
        %add3A_646 = arith.addi %squeeze3A_604, %add3A_645 : i32
        %swap3A_647 = arith.index_cast %add3A_646 : i32 to index
        %swap3A_648 = tpu.vector_load %arg6[%swap3A_647] {strides = array<i32>} : memref<32896xf32, #tpu.memory_space<vmem>>, vector<16xf32>,
        tpu.vector_store %arg6[%swap3A_647], %get3A_644 {add = true, strides = array<i32>} : memref<32896xf32, #tpu.memory_space<vmem>>, vector<16xf32>,
        %get3A_649 = arith.index_cast %add3A_606 : i32 to index
        %get3A_650 = arith.constant 96 : index
        %get3A_651 = tpu.vector_load %arg9[%get3A_649, %get3A_650] {strides = array<i32>} : memref<320x128xf32, #tpu.memory_space<vmem>>, vector<16xf32>,
        %add3A_652 = arith.constant 96 : i32
        %add3A_653 = arith.addi %squeeze3A_604, %add3A_652 : i32
        %swap3A_654 = arith.index_cast %add3A_653 : i32 to index
        %swap3A_655 = tpu.vector_load %arg6[%swap3A_654] {strides = array<i32>} : memref<32896xf32, #tpu.memory_space<vmem>>, vector<16xf32>,
        tpu.vector_store %arg6[%swap3A_654], %get3A_651 {add = true, strides = array<i32>} : memref<32896xf32, #tpu.memory_space<vmem>>, vector<16xf32>,
        %get3A_656 = arith.index_cast %add3A_606 : i32 to index
        %get3A_657 = arith.constant 112 : index
        %get3A_658 = tpu.vector_load %arg9[%get3A_656, %get3A_657] {strides = array<i32>} : memref<320x128xf32, #tpu.memory_space<vmem>>, vector<16xf32>,
        %add3A_659 = arith.constant 112 : i32
        %add3A_660 = arith.addi %squeeze3A_604, %add3A_659 : i32
        %swap3A_661 = arith.index_cast %add3A_660 : i32 to index
        %swap3A_662 = tpu.vector_load %arg6[%swap3A_661] {strides = array<i32>} : memref<32896xf32, #tpu.memory_space<vmem>>, vector<16xf32>,
        tpu.vector_store %arg6[%swap3A_661], %get3A_658 {add = true, strides = array<i32>} : memref<32896xf32, #tpu.memory_space<vmem>>, vector<16xf32>,
        %slice3A_663 = vector.extract_strided_slice %mul3A_53 {offsets = [10], sizes = [1], strides = [1]} : vector<16xi32> to vector<1xi32>
        %squeeze3A_664 = vector.extract %slice3A_663[0] : i32 from vector<1xi32>
        %add3A_665 = arith.constant 10 : i32
        %add3A_666 = arith.addi %select_n3A_64, %add3A_665 : i32
        %get3A_667 = arith.index_cast %add3A_666 : i32 to index
        %get3A_668 = arith.constant 0 : index
        %get3A_669 = tpu.vector_load %arg9[%get3A_667, %get3A_668] {strides = array<i32>} : memref<320x128xf32, #tpu.memory_space<vmem>>, vector<16xf32>,
        %add3A_670 = arith.constant 0 : i32
        %add3A_671 = arith.addi %squeeze3A_664, %add3A_670 : i32
        %swap3A_672 = arith.index_cast %add3A_671 : i32 to index
        %swap3A_673 = tpu.vector_load %arg6[%swap3A_672] {strides = array<i32>} : memref<32896xf32, #tpu.memory_space<vmem>>, vector<16xf32>,
        tpu.vector_store %arg6[%swap3A_672], %get3A_669 {add = true, strides = array<i32>} : memref<32896xf32, #tpu.memory_space<vmem>>, vector<16xf32>,
        %get3A_674 = arith.index_cast %add3A_666 : i32 to index
        %get3A_675 = arith.constant 16 : index
        %get3A_676 = tpu.vector_load %arg9[%get3A_674, %get3A_675] {strides = array<i32>} : memref<320x128xf32, #tpu.memory_space<vmem>>, vector<16xf32>,
        %add3A_677 = arith.constant 16 : i32
        %add3A_678 = arith.addi %squeeze3A_664, %add3A_677 : i32
        %swap3A_679 = arith.index_cast %add3A_678 : i32 to index
        %swap3A_680 = tpu.vector_load %arg6[%swap3A_679] {strides = array<i32>} : memref<32896xf32, #tpu.memory_space<vmem>>, vector<16xf32>,
        tpu.vector_store %arg6[%swap3A_679], %get3A_676 {add = true, strides = array<i32>} : memref<32896xf32, #tpu.memory_space<vmem>>, vector<16xf32>,
        %get3A_681 = arith.index_cast %add3A_666 : i32 to index
        %get3A_682 = arith.constant 32 : index
        %get3A_683 = tpu.vector_load %arg9[%get3A_681, %get3A_682] {strides = array<i32>} : memref<320x128xf32, #tpu.memory_space<vmem>>, vector<16xf32>,
        %add3A_684 = arith.constant 32 : i32
        %add3A_685 = arith.addi %squeeze3A_664, %add3A_684 : i32
        %swap3A_686 = arith.index_cast %add3A_685 : i32 to index
        %swap3A_687 = tpu.vector_load %arg6[%swap3A_686] {strides = array<i32>} : memref<32896xf32, #tpu.memory_space<vmem>>, vector<16xf32>,
        tpu.vector_store %arg6[%swap3A_686], %get3A_683 {add = true, strides = array<i32>} : memref<32896xf32, #tpu.memory_space<vmem>>, vector<16xf32>,
        %get3A_688 = arith.index_cast %add3A_666 : i32 to index
        %get3A_689 = arith.constant 48 : index
        %get3A_690 = tpu.vector_load %arg9[%get3A_688, %get3A_689] {strides = array<i32>} : memref<320x128xf32, #tpu.memory_space<vmem>>, vector<16xf32>,
        %add3A_691 = arith.constant 48 : i32
        %add3A_692 = arith.addi %squeeze3A_664, %add3A_691 : i32
        %swap3A_693 = arith.index_cast %add3A_692 : i32 to index
        %swap3A_694 = tpu.vector_load %arg6[%swap3A_693] {strides = array<i32>} : memref<32896xf32, #tpu.memory_space<vmem>>, vector<16xf32>,
        tpu.vector_store %arg6[%swap3A_693], %get3A_690 {add = true, strides = array<i32>} : memref<32896xf32, #tpu.memory_space<vmem>>, vector<16xf32>,
        %get3A_695 = arith.index_cast %add3A_666 : i32 to index
        %get3A_696 = arith.constant 64 : index
        %get3A_697 = tpu.vector_load %arg9[%get3A_695, %get3A_696] {strides = array<i32>} : memref<320x128xf32, #tpu.memory_space<vmem>>, vector<16xf32>,
        %add3A_698 = arith.constant 64 : i32
        %add3A_699 = arith.addi %squeeze3A_664, %add3A_698 : i32
        %swap3A_700 = arith.index_cast %add3A_699 : i32 to index
        %swap3A_701 = tpu.vector_load %arg6[%swap3A_700] {strides = array<i32>} : memref<32896xf32, #tpu.memory_space<vmem>>, vector<16xf32>,
        tpu.vector_store %arg6[%swap3A_700], %get3A_697 {add = true, strides = array<i32>} : memref<32896xf32, #tpu.memory_space<vmem>>, vector<16xf32>,
        %get3A_702 = arith.index_cast %add3A_666 : i32 to index
        %get3A_703 = arith.constant 80 : index
        %get3A_704 = tpu.vector_load %arg9[%get3A_702, %get3A_703] {strides = array<i32>} : memref<320x128xf32, #tpu.memory_space<vmem>>, vector<16xf32>,
        %add3A_705 = arith.constant 80 : i32
        %add3A_706 = arith.addi %squeeze3A_664, %add3A_705 : i32
        %swap3A_707 = arith.index_cast %add3A_706 : i32 to index
        %swap3A_708 = tpu.vector_load %arg6[%swap3A_707] {strides = array<i32>} : memref<32896xf32, #tpu.memory_space<vmem>>, vector<16xf32>,
        tpu.vector_store %arg6[%swap3A_707], %get3A_704 {add = true, strides = array<i32>} : memref<32896xf32, #tpu.memory_space<vmem>>, vector<16xf32>,
        %get3A_709 = arith.index_cast %add3A_666 : i32 to index
        %get3A_710 = arith.constant 96 : index
        %get3A_711 = tpu.vector_load %arg9[%get3A_709, %get3A_710] {strides = array<i32>} : memref<320x128xf32, #tpu.memory_space<vmem>>, vector<16xf32>,
        %add3A_712 = arith.constant 96 : i32
        %add3A_713 = arith.addi %squeeze3A_664, %add3A_712 : i32
        %swap3A_714 = arith.index_cast %add3A_713 : i32 to index
        %swap3A_715 = tpu.vector_load %arg6[%swap3A_714] {strides = array<i32>} : memref<32896xf32, #tpu.memory_space<vmem>>, vector<16xf32>,
        tpu.vector_store %arg6[%swap3A_714], %get3A_711 {add = true, strides = array<i32>} : memref<32896xf32, #tpu.memory_space<vmem>>, vector<16xf32>,
        %get3A_716 = arith.index_cast %add3A_666 : i32 to index
        %get3A_717 = arith.constant 112 : index
        %get3A_718 = tpu.vector_load %arg9[%get3A_716, %get3A_717] {strides = array<i32>} : memref<320x128xf32, #tpu.memory_space<vmem>>, vector<16xf32>,
        %add3A_719 = arith.constant 112 : i32
        %add3A_720 = arith.addi %squeeze3A_664, %add3A_719 : i32
        %swap3A_721 = arith.index_cast %add3A_720 : i32 to index
        %swap3A_722 = tpu.vector_load %arg6[%swap3A_721] {strides = array<i32>} : memref<32896xf32, #tpu.memory_space<vmem>>, vector<16xf32>,
        tpu.vector_store %arg6[%swap3A_721], %get3A_718 {add = true, strides = array<i32>} : memref<32896xf32, #tpu.memory_space<vmem>>, vector<16xf32>,
        %slice3A_723 = vector.extract_strided_slice %mul3A_53 {offsets = [11], sizes = [1], strides = [1]} : vector<16xi32> to vector<1xi32>
        %squeeze3A_724 = vector.extract %slice3A_723[0] : i32 from vector<1xi32>
        %add3A_725 = arith.constant 11 : i32
        %add3A_726 = arith.addi %select_n3A_64, %add3A_725 : i32
        %get3A_727 = arith.index_cast %add3A_726 : i32 to index
        %get3A_728 = arith.constant 0 : index
        %get3A_729 = tpu.vector_load %arg9[%get3A_727, %get3A_728] {strides = array<i32>} : memref<320x128xf32, #tpu.memory_space<vmem>>, vector<16xf32>,
        %add3A_730 = arith.constant 0 : i32
        %add3A_731 = arith.addi %squeeze3A_724, %add3A_730 : i32
        %swap3A_732 = arith.index_cast %add3A_731 : i32 to index
        %swap3A_733 = tpu.vector_load %arg6[%swap3A_732] {strides = array<i32>} : memref<32896xf32, #tpu.memory_space<vmem>>, vector<16xf32>,
        tpu.vector_store %arg6[%swap3A_732], %get3A_729 {add = true, strides = array<i32>} : memref<32896xf32, #tpu.memory_space<vmem>>, vector<16xf32>,
        %get3A_734 = arith.index_cast %add3A_726 : i32 to index
        %get3A_735 = arith.constant 16 : index
        %get3A_736 = tpu.vector_load %arg9[%get3A_734, %get3A_735] {strides = array<i32>} : memref<320x128xf32, #tpu.memory_space<vmem>>, vector<16xf32>,
        %add3A_737 = arith.constant 16 : i32
        %add3A_738 = arith.addi %squeeze3A_724, %add3A_737 : i32
        %swap3A_739 = arith.index_cast %add3A_738 : i32 to index
        %swap3A_740 = tpu.vector_load %arg6[%swap3A_739] {strides = array<i32>} : memref<32896xf32, #tpu.memory_space<vmem>>, vector<16xf32>,
        tpu.vector_store %arg6[%swap3A_739], %get3A_736 {add = true, strides = array<i32>} : memref<32896xf32, #tpu.memory_space<vmem>>, vector<16xf32>,
        %get3A_741 = arith.index_cast %add3A_726 : i32 to index
        %get3A_742 = arith.constant 32 : index
        %get3A_743 = tpu.vector_load %arg9[%get3A_741, %get3A_742] {strides = array<i32>} : memref<320x128xf32, #tpu.memory_space<vmem>>, vector<16xf32>,
        %add3A_744 = arith.constant 32 : i32
        %add3A_745 = arith.addi %squeeze3A_724, %add3A_744 : i32
        %swap3A_746 = arith.index_cast %add3A_745 : i32 to index
        %swap3A_747 = tpu.vector_load %arg6[%swap3A_746] {strides = array<i32>} : memref<32896xf32, #tpu.memory_space<vmem>>, vector<16xf32>,
        tpu.vector_store %arg6[%swap3A_746], %get3A_743 {add = true, strides = array<i32>} : memref<32896xf32, #tpu.memory_space<vmem>>, vector<16xf32>,
        %get3A_748 = arith.index_cast %add3A_726 : i32 to index
        %get3A_749 = arith.constant 48 : index
        %get3A_750 = tpu.vector_load %arg9[%get3A_748, %get3A_749] {strides = array<i32>} : memref<320x128xf32, #tpu.memory_space<vmem>>, vector<16xf32>,
        %add3A_751 = arith.constant 48 : i32
        %add3A_752 = arith.addi %squeeze3A_724, %add3A_751 : i32
        %swap3A_753 = arith.index_cast %add3A_752 : i32 to index
        %swap3A_754 = tpu.vector_load %arg6[%swap3A_753] {strides = array<i32>} : memref<32896xf32, #tpu.memory_space<vmem>>, vector<16xf32>,
        tpu.vector_store %arg6[%swap3A_753], %get3A_750 {add = true, strides = array<i32>} : memref<32896xf32, #tpu.memory_space<vmem>>, vector<16xf32>,
        %get3A_755 = arith.index_cast %add3A_726 : i32 to index
        %get3A_756 = arith.constant 64 : index
        %get3A_757 = tpu.vector_load %arg9[%get3A_755, %get3A_756] {strides = array<i32>} : memref<320x128xf32, #tpu.memory_space<vmem>>, vector<16xf32>,
        %add3A_758 = arith.constant 64 : i32
        %add3A_759 = arith.addi %squeeze3A_724, %add3A_758 : i32
        %swap3A_760 = arith.index_cast %add3A_759 : i32 to index
        %swap3A_761 = tpu.vector_load %arg6[%swap3A_760] {strides = array<i32>} : memref<32896xf32, #tpu.memory_space<vmem>>, vector<16xf32>,
        tpu.vector_store %arg6[%swap3A_760], %get3A_757 {add = true, strides = array<i32>} : memref<32896xf32, #tpu.memory_space<vmem>>, vector<16xf32>,
        %get3A_762 = arith.index_cast %add3A_726 : i32 to index
        %get3A_763 = arith.constant 80 : index
        %get3A_764 = tpu.vector_load %arg9[%get3A_762, %get3A_763] {strides = array<i32>} : memref<320x128xf32, #tpu.memory_space<vmem>>, vector<16xf32>,
        %add3A_765 = arith.constant 80 : i32
        %add3A_766 = arith.addi %squeeze3A_724, %add3A_765 : i32
        %swap3A_767 = arith.index_cast %add3A_766 : i32 to index
        %swap3A_768 = tpu.vector_load %arg6[%swap3A_767] {strides = array<i32>} : memref<32896xf32, #tpu.memory_space<vmem>>, vector<16xf32>,
        tpu.vector_store %arg6[%swap3A_767], %get3A_764 {add = true, strides = array<i32>} : memref<32896xf32, #tpu.memory_space<vmem>>, vector<16xf32>,
        %get3A_769 = arith.index_cast %add3A_726 : i32 to index
        %get3A_770 = arith.constant 96 : index
        %get3A_771 = tpu.vector_load %arg9[%get3A_769, %get3A_770] {strides = array<i32>} : memref<320x128xf32, #tpu.memory_space<vmem>>, vector<16xf32>,
        %add3A_772 = arith.constant 96 : i32
        %add3A_773 = arith.addi %squeeze3A_724, %add3A_772 : i32
        %swap3A_774 = arith.index_cast %add3A_773 : i32 to index
        %swap3A_775 = tpu.vector_load %arg6[%swap3A_774] {strides = array<i32>} : memref<32896xf32, #tpu.memory_space<vmem>>, vector<16xf32>,
        tpu.vector_store %arg6[%swap3A_774], %get3A_771 {add = true, strides = array<i32>} : memref<32896xf32, #tpu.memory_space<vmem>>, vector<16xf32>,
        %get3A_776 = arith.index_cast %add3A_726 : i32 to index
        %get3A_777 = arith.constant 112 : index
        %get3A_778 = tpu.vector_load %arg9[%get3A_776, %get3A_777] {strides = array<i32>} : memref<320x128xf32, #tpu.memory_space<vmem>>, vector<16xf32>,
        %add3A_779 = arith.constant 112 : i32
        %add3A_780 = arith.addi %squeeze3A_724, %add3A_779 : i32
        %swap3A_781 = arith.index_cast %add3A_780 : i32 to index
        %swap3A_782 = tpu.vector_load %arg6[%swap3A_781] {strides = array<i32>} : memref<32896xf32, #tpu.memory_space<vmem>>, vector<16xf32>,
        tpu.vector_store %arg6[%swap3A_781], %get3A_778 {add = true, strides = array<i32>} : memref<32896xf32, #tpu.memory_space<vmem>>, vector<16xf32>,
        %slice3A_783 = vector.extract_strided_slice %mul3A_53 {offsets = [12], sizes = [1], strides = [1]} : vector<16xi32> to vector<1xi32>
        %squeeze3A_784 = vector.extract %slice3A_783[0] : i32 from vector<1xi32>
        %add3A_785 = arith.constant 12 : i32
        %add3A_786 = arith.addi %select_n3A_64, %add3A_785 : i32
        %get3A_787 = arith.index_cast %add3A_786 : i32 to index
        %get3A_788 = arith.constant 0 : index
        %get3A_789 = tpu.vector_load %arg9[%get3A_787, %get3A_788] {strides = array<i32>} : memref<320x128xf32, #tpu.memory_space<vmem>>, vector<16xf32>,
        %add3A_790 = arith.constant 0 : i32
        %add3A_791 = arith.addi %squeeze3A_784, %add3A_790 : i32
        %swap3A_792 = arith.index_cast %add3A_791 : i32 to index
        %swap3A_793 = tpu.vector_load %arg6[%swap3A_792] {strides = array<i32>} : memref<32896xf32, #tpu.memory_space<vmem>>, vector<16xf32>,
        tpu.vector_store %arg6[%swap3A_792], %get3A_789 {add = true, strides = array<i32>} : memref<32896xf32, #tpu.memory_space<vmem>>, vector<16xf32>,
        %get3A_794 = arith.index_cast %add3A_786 : i32 to index
        %get3A_795 = arith.constant 16 : index
        %get3A_796 = tpu.vector_load %arg9[%get3A_794, %get3A_795] {strides = array<i32>} : memref<320x128xf32, #tpu.memory_space<vmem>>, vector<16xf32>,
        %add3A_797 = arith.constant 16 : i32
        %add3A_798 = arith.addi %squeeze3A_784, %add3A_797 : i32
        %swap3A_799 = arith.index_cast %add3A_798 : i32 to index
        %swap3A_800 = tpu.vector_load %arg6[%swap3A_799] {strides = array<i32>} : memref<32896xf32, #tpu.memory_space<vmem>>, vector<16xf32>,
        tpu.vector_store %arg6[%swap3A_799], %get3A_796 {add = true, strides = array<i32>} : memref<32896xf32, #tpu.memory_space<vmem>>, vector<16xf32>,
        %get3A_801 = arith.index_cast %add3A_786 : i32 to index
        %get3A_802 = arith.constant 32 : index
        %get3A_803 = tpu.vector_load %arg9[%get3A_801, %get3A_802] {strides = array<i32>} : memref<320x128xf32, #tpu.memory_space<vmem>>, vector<16xf32>,
        %add3A_804 = arith.constant 32 : i32
        %add3A_805 = arith.addi %squeeze3A_784, %add3A_804 : i32
        %swap3A_806 = arith.index_cast %add3A_805 : i32 to index
        %swap3A_807 = tpu.vector_load %arg6[%swap3A_806] {strides = array<i32>} : memref<32896xf32, #tpu.memory_space<vmem>>, vector<16xf32>,
        tpu.vector_store %arg6[%swap3A_806], %get3A_803 {add = true, strides = array<i32>} : memref<32896xf32, #tpu.memory_space<vmem>>, vector<16xf32>,
        %get3A_808 = arith.index_cast %add3A_786 : i32 to index
        %get3A_809 = arith.constant 48 : index
        %get3A_810 = tpu.vector_load %arg9[%get3A_808, %get3A_809] {strides = array<i32>} : memref<320x128xf32, #tpu.memory_space<vmem>>, vector<16xf32>,
        %add3A_811 = arith.constant 48 : i32
        %add3A_812 = arith.addi %squeeze3A_784, %add3A_811 : i32
        %swap3A_813 = arith.index_cast %add3A_812 : i32 to index
        %swap3A_814 = tpu.vector_load %arg6[%swap3A_813] {strides = array<i32>} : memref<32896xf32, #tpu.memory_space<vmem>>, vector<16xf32>,
        tpu.vector_store %arg6[%swap3A_813], %get3A_810 {add = true, strides = array<i32>} : memref<32896xf32, #tpu.memory_space<vmem>>, vector<16xf32>,
        %get3A_815 = arith.index_cast %add3A_786 : i32 to index
        %get3A_816 = arith.constant 64 : index
        %get3A_817 = tpu.vector_load %arg9[%get3A_815, %get3A_816] {strides = array<i32>} : memref<320x128xf32, #tpu.memory_space<vmem>>, vector<16xf32>,
        %add3A_818 = arith.constant 64 : i32
        %add3A_819 = arith.addi %squeeze3A_784, %add3A_818 : i32
        %swap3A_820 = arith.index_cast %add3A_819 : i32 to index
        %swap3A_821 = tpu.vector_load %arg6[%swap3A_820] {strides = array<i32>} : memref<32896xf32, #tpu.memory_space<vmem>>, vector<16xf32>,
        tpu.vector_store %arg6[%swap3A_820], %get3A_817 {add = true, strides = array<i32>} : memref<32896xf32, #tpu.memory_space<vmem>>, vector<16xf32>,
        %get3A_822 = arith.index_cast %add3A_786 : i32 to index
        %get3A_823 = arith.constant 80 : index
        %get3A_824 = tpu.vector_load %arg9[%get3A_822, %get3A_823] {strides = array<i32>} : memref<320x128xf32, #tpu.memory_space<vmem>>, vector<16xf32>,
        %add3A_825 = arith.constant 80 : i32
        %add3A_826 = arith.addi %squeeze3A_784, %add3A_825 : i32
        %swap3A_827 = arith.index_cast %add3A_826 : i32 to index
        %swap3A_828 = tpu.vector_load %arg6[%swap3A_827] {strides = array<i32>} : memref<32896xf32, #tpu.memory_space<vmem>>, vector<16xf32>,
        tpu.vector_store %arg6[%swap3A_827], %get3A_824 {add = true, strides = array<i32>} : memref<32896xf32, #tpu.memory_space<vmem>>, vector<16xf32>,
        %get3A_829 = arith.index_cast %add3A_786 : i32 to index
        %get3A_830 = arith.constant 96 : index
        %get3A_831 = tpu.vector_load %arg9[%get3A_829, %get3A_830] {strides = array<i32>} : memref<320x128xf32, #tpu.memory_space<vmem>>, vector<16xf32>,
        %add3A_832 = arith.constant 96 : i32
        %add3A_833 = arith.addi %squeeze3A_784, %add3A_832 : i32
        %swap3A_834 = arith.index_cast %add3A_833 : i32 to index
        %swap3A_835 = tpu.vector_load %arg6[%swap3A_834] {strides = array<i32>} : memref<32896xf32, #tpu.memory_space<vmem>>, vector<16xf32>,
        tpu.vector_store %arg6[%swap3A_834], %get3A_831 {add = true, strides = array<i32>} : memref<32896xf32, #tpu.memory_space<vmem>>, vector<16xf32>,
        %get3A_836 = arith.index_cast %add3A_786 : i32 to index
        %get3A_837 = arith.constant 112 : index
        %get3A_838 = tpu.vector_load %arg9[%get3A_836, %get3A_837] {strides = array<i32>} : memref<320x128xf32, #tpu.memory_space<vmem>>, vector<16xf32>,
        %add3A_839 = arith.constant 112 : i32
        %add3A_840 = arith.addi %squeeze3A_784, %add3A_839 : i32
        %swap3A_841 = arith.index_cast %add3A_840 : i32 to index
        %swap3A_842 = tpu.vector_load %arg6[%swap3A_841] {strides = array<i32>} : memref<32896xf32, #tpu.memory_space<vmem>>, vector<16xf32>,
        tpu.vector_store %arg6[%swap3A_841], %get3A_838 {add = true, strides = array<i32>} : memref<32896xf32, #tpu.memory_space<vmem>>, vector<16xf32>,
        %slice3A_843 = vector.extract_strided_slice %mul3A_53 {offsets = [13], sizes = [1], strides = [1]} : vector<16xi32> to vector<1xi32>
        %squeeze3A_844 = vector.extract %slice3A_843[0] : i32 from vector<1xi32>
        %add3A_845 = arith.constant 13 : i32
        %add3A_846 = arith.addi %select_n3A_64, %add3A_845 : i32
        %get3A_847 = arith.index_cast %add3A_846 : i32 to index
        %get3A_848 = arith.constant 0 : index
        %get3A_849 = tpu.vector_load %arg9[%get3A_847, %get3A_848] {strides = array<i32>} : memref<320x128xf32, #tpu.memory_space<vmem>>, vector<16xf32>,
        %add3A_850 = arith.constant 0 : i32
        %add3A_851 = arith.addi %squeeze3A_844, %add3A_850 : i32
        %swap3A_852 = arith.index_cast %add3A_851 : i32 to index
        %swap3A_853 = tpu.vector_load %arg6[%swap3A_852] {strides = array<i32>} : memref<32896xf32, #tpu.memory_space<vmem>>, vector<16xf32>,
        tpu.vector_store %arg6[%swap3A_852], %get3A_849 {add = true, strides = array<i32>} : memref<32896xf32, #tpu.memory_space<vmem>>, vector<16xf32>,
        %get3A_854 = arith.index_cast %add3A_846 : i32 to index
        %get3A_855 = arith.constant 16 : index
        %get3A_856 = tpu.vector_load %arg9[%get3A_854, %get3A_855] {strides = array<i32>} : memref<320x128xf32, #tpu.memory_space<vmem>>, vector<16xf32>,
        %add3A_857 = arith.constant 16 : i32
        %add3A_858 = arith.addi %squeeze3A_844, %add3A_857 : i32
        %swap3A_859 = arith.index_cast %add3A_858 : i32 to index
        %swap3A_860 = tpu.vector_load %arg6[%swap3A_859] {strides = array<i32>} : memref<32896xf32, #tpu.memory_space<vmem>>, vector<16xf32>,
        tpu.vector_store %arg6[%swap3A_859], %get3A_856 {add = true, strides = array<i32>} : memref<32896xf32, #tpu.memory_space<vmem>>, vector<16xf32>,
        %get3A_861 = arith.index_cast %add3A_846 : i32 to index
        %get3A_862 = arith.constant 32 : index
        %get3A_863 = tpu.vector_load %arg9[%get3A_861, %get3A_862] {strides = array<i32>} : memref<320x128xf32, #tpu.memory_space<vmem>>, vector<16xf32>,
        %add3A_864 = arith.constant 32 : i32
        %add3A_865 = arith.addi %squeeze3A_844, %add3A_864 : i32
        %swap3A_866 = arith.index_cast %add3A_865 : i32 to index
        %swap3A_867 = tpu.vector_load %arg6[%swap3A_866] {strides = array<i32>} : memref<32896xf32, #tpu.memory_space<vmem>>, vector<16xf32>,
        tpu.vector_store %arg6[%swap3A_866], %get3A_863 {add = true, strides = array<i32>} : memref<32896xf32, #tpu.memory_space<vmem>>, vector<16xf32>,
        %get3A_868 = arith.index_cast %add3A_846 : i32 to index
        %get3A_869 = arith.constant 48 : index
        %get3A_870 = tpu.vector_load %arg9[%get3A_868, %get3A_869] {strides = array<i32>} : memref<320x128xf32, #tpu.memory_space<vmem>>, vector<16xf32>,
        %add3A_871 = arith.constant 48 : i32
        %add3A_872 = arith.addi %squeeze3A_844, %add3A_871 : i32
        %swap3A_873 = arith.index_cast %add3A_872 : i32 to index
        %swap3A_874 = tpu.vector_load %arg6[%swap3A_873] {strides = array<i32>} : memref<32896xf32, #tpu.memory_space<vmem>>, vector<16xf32>,
        tpu.vector_store %arg6[%swap3A_873], %get3A_870 {add = true, strides = array<i32>} : memref<32896xf32, #tpu.memory_space<vmem>>, vector<16xf32>,
        %get3A_875 = arith.index_cast %add3A_846 : i32 to index
        %get3A_876 = arith.constant 64 : index
        %get3A_877 = tpu.vector_load %arg9[%get3A_875, %get3A_876] {strides = array<i32>} : memref<320x128xf32, #tpu.memory_space<vmem>>, vector<16xf32>,
        %add3A_878 = arith.constant 64 : i32
        %add3A_879 = arith.addi %squeeze3A_844, %add3A_878 : i32
        %swap3A_880 = arith.index_cast %add3A_879 : i32 to index
        %swap3A_881 = tpu.vector_load %arg6[%swap3A_880] {strides = array<i32>} : memref<32896xf32, #tpu.memory_space<vmem>>, vector<16xf32>,
        tpu.vector_store %arg6[%swap3A_880], %get3A_877 {add = true, strides = array<i32>} : memref<32896xf32, #tpu.memory_space<vmem>>, vector<16xf32>,
        %get3A_882 = arith.index_cast %add3A_846 : i32 to index
        %get3A_883 = arith.constant 80 : index
        %get3A_884 = tpu.vector_load %arg9[%get3A_882, %get3A_883] {strides = array<i32>} : memref<320x128xf32, #tpu.memory_space<vmem>>, vector<16xf32>,
        %add3A_885 = arith.constant 80 : i32
        %add3A_886 = arith.addi %squeeze3A_844, %add3A_885 : i32
        %swap3A_887 = arith.index_cast %add3A_886 : i32 to index
        %swap3A_888 = tpu.vector_load %arg6[%swap3A_887] {strides = array<i32>} : memref<32896xf32, #tpu.memory_space<vmem>>, vector<16xf32>,
        tpu.vector_store %arg6[%swap3A_887], %get3A_884 {add = true, strides = array<i32>} : memref<32896xf32, #tpu.memory_space<vmem>>, vector<16xf32>,
        %get3A_889 = arith.index_cast %add3A_846 : i32 to index
        %get3A_890 = arith.constant 96 : index
        %get3A_891 = tpu.vector_load %arg9[%get3A_889, %get3A_890] {strides = array<i32>} : memref<320x128xf32, #tpu.memory_space<vmem>>, vector<16xf32>,
        %add3A_892 = arith.constant 96 : i32
        %add3A_893 = arith.addi %squeeze3A_844, %add3A_892 : i32
        %swap3A_894 = arith.index_cast %add3A_893 : i32 to index
        %swap3A_895 = tpu.vector_load %arg6[%swap3A_894] {strides = array<i32>} : memref<32896xf32, #tpu.memory_space<vmem>>, vector<16xf32>,
        tpu.vector_store %arg6[%swap3A_894], %get3A_891 {add = true, strides = array<i32>} : memref<32896xf32, #tpu.memory_space<vmem>>, vector<16xf32>,
        %get3A_896 = arith.index_cast %add3A_846 : i32 to index
        %get3A_897 = arith.constant 112 : index
        %get3A_898 = tpu.vector_load %arg9[%get3A_896, %get3A_897] {strides = array<i32>} : memref<320x128xf32, #tpu.memory_space<vmem>>, vector<16xf32>,
        %add3A_899 = arith.constant 112 : i32
        %add3A_900 = arith.addi %squeeze3A_844, %add3A_899 : i32
        %swap3A_901 = arith.index_cast %add3A_900 : i32 to index
        %swap3A_902 = tpu.vector_load %arg6[%swap3A_901] {strides = array<i32>} : memref<32896xf32, #tpu.memory_space<vmem>>, vector<16xf32>,
        tpu.vector_store %arg6[%swap3A_901], %get3A_898 {add = true, strides = array<i32>} : memref<32896xf32, #tpu.memory_space<vmem>>, vector<16xf32>,
        %slice3A_903 = vector.extract_strided_slice %mul3A_53 {offsets = [14], sizes = [1], strides = [1]} : vector<16xi32> to vector<1xi32>
        %squeeze3A_904 = vector.extract %slice3A_903[0] : i32 from vector<1xi32>
        %add3A_905 = arith.constant 14 : i32
        %add3A_906 = arith.addi %select_n3A_64, %add3A_905 : i32
        %get3A_907 = arith.index_cast %add3A_906 : i32 to index
        %get3A_908 = arith.constant 0 : index
        %get3A_909 = tpu.vector_load %arg9[%get3A_907, %get3A_908] {strides = array<i32>} : memref<320x128xf32, #tpu.memory_space<vmem>>, vector<16xf32>,
        %add3A_910 = arith.constant 0 : i32
        %add3A_911 = arith.addi %squeeze3A_904, %add3A_910 : i32
        %swap3A_912 = arith.index_cast %add3A_911 : i32 to index
        %swap3A_913 = tpu.vector_load %arg6[%swap3A_912] {strides = array<i32>} : memref<32896xf32, #tpu.memory_space<vmem>>, vector<16xf32>,
        tpu.vector_store %arg6[%swap3A_912], %get3A_909 {add = true, strides = array<i32>} : memref<32896xf32, #tpu.memory_space<vmem>>, vector<16xf32>,
        %get3A_914 = arith.index_cast %add3A_906 : i32 to index
        %get3A_915 = arith.constant 16 : index
        %get3A_916 = tpu.vector_load %arg9[%get3A_914, %get3A_915] {strides = array<i32>} : memref<320x128xf32, #tpu.memory_space<vmem>>, vector<16xf32>,
        %add3A_917 = arith.constant 16 : i32
        %add3A_918 = arith.addi %squeeze3A_904, %add3A_917 : i32
        %swap3A_919 = arith.index_cast %add3A_918 : i32 to index
        %swap3A_920 = tpu.vector_load %arg6[%swap3A_919] {strides = array<i32>} : memref<32896xf32, #tpu.memory_space<vmem>>, vector<16xf32>,
        tpu.vector_store %arg6[%swap3A_919], %get3A_916 {add = true, strides = array<i32>} : memref<32896xf32, #tpu.memory_space<vmem>>, vector<16xf32>,
        %get3A_921 = arith.index_cast %add3A_906 : i32 to index
        %get3A_922 = arith.constant 32 : index
        %get3A_923 = tpu.vector_load %arg9[%get3A_921, %get3A_922] {strides = array<i32>} : memref<320x128xf32, #tpu.memory_space<vmem>>, vector<16xf32>,
        %add3A_924 = arith.constant 32 : i32
        %add3A_925 = arith.addi %squeeze3A_904, %add3A_924 : i32
        %swap3A_926 = arith.index_cast %add3A_925 : i32 to index
        %swap3A_927 = tpu.vector_load %arg6[%swap3A_926] {strides = array<i32>} : memref<32896xf32, #tpu.memory_space<vmem>>, vector<16xf32>,
        tpu.vector_store %arg6[%swap3A_926], %get3A_923 {add = true, strides = array<i32>} : memref<32896xf32, #tpu.memory_space<vmem>>, vector<16xf32>,
        %get3A_928 = arith.index_cast %add3A_906 : i32 to index
        %get3A_929 = arith.constant 48 : index
        %get3A_930 = tpu.vector_load %arg9[%get3A_928, %get3A_929] {strides = array<i32>} : memref<320x128xf32, #tpu.memory_space<vmem>>, vector<16xf32>,
        %add3A_931 = arith.constant 48 : i32
        %add3A_932 = arith.addi %squeeze3A_904, %add3A_931 : i32
        %swap3A_933 = arith.index_cast %add3A_932 : i32 to index
        %swap3A_934 = tpu.vector_load %arg6[%swap3A_933] {strides = array<i32>} : memref<32896xf32, #tpu.memory_space<vmem>>, vector<16xf32>,
        tpu.vector_store %arg6[%swap3A_933], %get3A_930 {add = true, strides = array<i32>} : memref<32896xf32, #tpu.memory_space<vmem>>, vector<16xf32>,
        %get3A_935 = arith.index_cast %add3A_906 : i32 to index
        %get3A_936 = arith.constant 64 : index
        %get3A_937 = tpu.vector_load %arg9[%get3A_935, %get3A_936] {strides = array<i32>} : memref<320x128xf32, #tpu.memory_space<vmem>>, vector<16xf32>,
        %add3A_938 = arith.constant 64 : i32
        %add3A_939 = arith.addi %squeeze3A_904, %add3A_938 : i32
        %swap3A_940 = arith.index_cast %add3A_939 : i32 to index
        %swap3A_941 = tpu.vector_load %arg6[%swap3A_940] {strides = array<i32>} : memref<32896xf32, #tpu.memory_space<vmem>>, vector<16xf32>,
        tpu.vector_store %arg6[%swap3A_940], %get3A_937 {add = true, strides = array<i32>} : memref<32896xf32, #tpu.memory_space<vmem>>, vector<16xf32>,
        %get3A_942 = arith.index_cast %add3A_906 : i32 to index
        %get3A_943 = arith.constant 80 : index
        %get3A_944 = tpu.vector_load %arg9[%get3A_942, %get3A_943] {strides = array<i32>} : memref<320x128xf32, #tpu.memory_space<vmem>>, vector<16xf32>,
        %add3A_945 = arith.constant 80 : i32
        %add3A_946 = arith.addi %squeeze3A_904, %add3A_945 : i32
        %swap3A_947 = arith.index_cast %add3A_946 : i32 to index
        %swap3A_948 = tpu.vector_load %arg6[%swap3A_947] {strides = array<i32>} : memref<32896xf32, #tpu.memory_space<vmem>>, vector<16xf32>,
        tpu.vector_store %arg6[%swap3A_947], %get3A_944 {add = true, strides = array<i32>} : memref<32896xf32, #tpu.memory_space<vmem>>, vector<16xf32>,
        %get3A_949 = arith.index_cast %add3A_906 : i32 to index
        %get3A_950 = arith.constant 96 : index
        %get3A_951 = tpu.vector_load %arg9[%get3A_949, %get3A_950] {strides = array<i32>} : memref<320x128xf32, #tpu.memory_space<vmem>>, vector<16xf32>,
        %add3A_952 = arith.constant 96 : i32
        %add3A_953 = arith.addi %squeeze3A_904, %add3A_952 : i32
        %swap3A_954 = arith.index_cast %add3A_953 : i32 to index
        %swap3A_955 = tpu.vector_load %arg6[%swap3A_954] {strides = array<i32>} : memref<32896xf32, #tpu.memory_space<vmem>>, vector<16xf32>,
        tpu.vector_store %arg6[%swap3A_954], %get3A_951 {add = true, strides = array<i32>} : memref<32896xf32, #tpu.memory_space<vmem>>, vector<16xf32>,
        %get3A_956 = arith.index_cast %add3A_906 : i32 to index
        %get3A_957 = arith.constant 112 : index
        %get3A_958 = tpu.vector_load %arg9[%get3A_956, %get3A_957] {strides = array<i32>} : memref<320x128xf32, #tpu.memory_space<vmem>>, vector<16xf32>,
        %add3A_959 = arith.constant 112 : i32
        %add3A_960 = arith.addi %squeeze3A_904, %add3A_959 : i32
        %swap3A_961 = arith.index_cast %add3A_960 : i32 to index
        %swap3A_962 = tpu.vector_load %arg6[%swap3A_961] {strides = array<i32>} : memref<32896xf32, #tpu.memory_space<vmem>>, vector<16xf32>,
        tpu.vector_store %arg6[%swap3A_961], %get3A_958 {add = true, strides = array<i32>} : memref<32896xf32, #tpu.memory_space<vmem>>, vector<16xf32>,
        %slice3A_963 = vector.extract_strided_slice %mul3A_53 {offsets = [15], sizes = [1], strides = [1]} : vector<16xi32> to vector<1xi32>
        %squeeze3A_964 = vector.extract %slice3A_963[0] : i32 from vector<1xi32>
        %add3A_965 = arith.constant 15 : i32
        %add3A_966 = arith.addi %select_n3A_64, %add3A_965 : i32
        %get3A_967 = arith.index_cast %add3A_966 : i32 to index
        %get3A_968 = arith.constant 0 : index
        %get3A_969 = tpu.vector_load %arg9[%get3A_967, %get3A_968] {strides = array<i32>} : memref<320x128xf32, #tpu.memory_space<vmem>>, vector<16xf32>,
        %add3A_970 = arith.constant 0 : i32
        %add3A_971 = arith.addi %squeeze3A_964, %add3A_970 : i32
        %swap3A_972 = arith.index_cast %add3A_971 : i32 to index
        %swap3A_973 = tpu.vector_load %arg6[%swap3A_972] {strides = array<i32>} : memref<32896xf32, #tpu.memory_space<vmem>>, vector<16xf32>,
        tpu.vector_store %arg6[%swap3A_972], %get3A_969 {add = true, strides = array<i32>} : memref<32896xf32, #tpu.memory_space<vmem>>, vector<16xf32>,
        %get3A_974 = arith.index_cast %add3A_966 : i32 to index
        %get3A_975 = arith.constant 16 : index
        %get3A_976 = tpu.vector_load %arg9[%get3A_974, %get3A_975] {strides = array<i32>} : memref<320x128xf32, #tpu.memory_space<vmem>>, vector<16xf32>,
        %add3A_977 = arith.constant 16 : i32
        %add3A_978 = arith.addi %squeeze3A_964, %add3A_977 : i32
        %swap3A_979 = arith.index_cast %add3A_978 : i32 to index
        %swap3A_980 = tpu.vector_load %arg6[%swap3A_979] {strides = array<i32>} : memref<32896xf32, #tpu.memory_space<vmem>>, vector<16xf32>,
        tpu.vector_store %arg6[%swap3A_979], %get3A_976 {add = true, strides = array<i32>} : memref<32896xf32, #tpu.memory_space<vmem>>, vector<16xf32>,
        %get3A_981 = arith.index_cast %add3A_966 : i32 to index
        %get3A_982 = arith.constant 32 : index
        %get3A_983 = tpu.vector_load %arg9[%get3A_981, %get3A_982] {strides = array<i32>} : memref<320x128xf32, #tpu.memory_space<vmem>>, vector<16xf32>,
        %add3A_984 = arith.constant 32 : i32
        %add3A_985 = arith.addi %squeeze3A_964, %add3A_984 : i32
        %swap3A_986 = arith.index_cast %add3A_985 : i32 to index
        %swap3A_987 = tpu.vector_load %arg6[%swap3A_986] {strides = array<i32>} : memref<32896xf32, #tpu.memory_space<vmem>>, vector<16xf32>,
        tpu.vector_store %arg6[%swap3A_986], %get3A_983 {add = true, strides = array<i32>} : memref<32896xf32, #tpu.memory_space<vmem>>, vector<16xf32>,
        %get3A_988 = arith.index_cast %add3A_966 : i32 to index
        %get3A_989 = arith.constant 48 : index
        %get3A_990 = tpu.vector_load %arg9[%get3A_988, %get3A_989] {strides = array<i32>} : memref<320x128xf32, #tpu.memory_space<vmem>>, vector<16xf32>,
        %add3A_991 = arith.constant 48 : i32
        %add3A_992 = arith.addi %squeeze3A_964, %add3A_991 : i32
        %swap3A_993 = arith.index_cast %add3A_992 : i32 to index
        %swap3A_994 = tpu.vector_load %arg6[%swap3A_993] {strides = array<i32>} : memref<32896xf32, #tpu.memory_space<vmem>>, vector<16xf32>,
        tpu.vector_store %arg6[%swap3A_993], %get3A_990 {add = true, strides = array<i32>} : memref<32896xf32, #tpu.memory_space<vmem>>, vector<16xf32>,
        %get3A_995 = arith.index_cast %add3A_966 : i32 to index
        %get3A_996 = arith.constant 64 : index
        %get3A_997 = tpu.vector_load %arg9[%get3A_995, %get3A_996] {strides = array<i32>} : memref<320x128xf32, #tpu.memory_space<vmem>>, vector<16xf32>,
        %add3A_998 = arith.constant 64 : i32
        %add3A_999 = arith.addi %squeeze3A_964, %add3A_998 : i32
        %swap3A_1000 = arith.index_cast %add3A_999 : i32 to index
        %swap3A_1001 = tpu.vector_load %arg6[%swap3A_1000] {strides = array<i32>} : memref<32896xf32, #tpu.memory_space<vmem>>, vector<16xf32>,
        tpu.vector_store %arg6[%swap3A_1000], %get3A_997 {add = true, strides = array<i32>} : memref<32896xf32, #tpu.memory_space<vmem>>, vector<16xf32>,
        %get3A_1002 = arith.index_cast %add3A_966 : i32 to index
        %get3A_1003 = arith.constant 80 : index
        %get3A_1004 = tpu.vector_load %arg9[%get3A_1002, %get3A_1003] {strides = array<i32>} : memref<320x128xf32, #tpu.memory_space<vmem>>, vector<16xf32>,
        %add3A_1005 = arith.constant 80 : i32
        %add3A_1006 = arith.addi %squeeze3A_964, %add3A_1005 : i32
        %swap3A_1007 = arith.index_cast %add3A_1006 : i32 to index
        %swap3A_1008 = tpu.vector_load %arg6[%swap3A_1007] {strides = array<i32>} : memref<32896xf32, #tpu.memory_space<vmem>>, vector<16xf32>,
        tpu.vector_store %arg6[%swap3A_1007], %get3A_1004 {add = true, strides = array<i32>} : memref<32896xf32, #tpu.memory_space<vmem>>, vector<16xf32>,
        %get3A_1009 = arith.index_cast %add3A_966 : i32 to index
        %get3A_1010 = arith.constant 96 : index
        %get3A_1011 = tpu.vector_load %arg9[%get3A_1009, %get3A_1010] {strides = array<i32>} : memref<320x128xf32, #tpu.memory_space<vmem>>, vector<16xf32>,
        %add3A_1012 = arith.constant 96 : i32
        %add3A_1013 = arith.addi %squeeze3A_964, %add3A_1012 : i32
        %swap3A_1014 = arith.index_cast %add3A_1013 : i32 to index
        %swap3A_1015 = tpu.vector_load %arg6[%swap3A_1014] {strides = array<i32>} : memref<32896xf32, #tpu.memory_space<vmem>>, vector<16xf32>,
        tpu.vector_store %arg6[%swap3A_1014], %get3A_1011 {add = true, strides = array<i32>} : memref<32896xf32, #tpu.memory_space<vmem>>, vector<16xf32>,
        %get3A_1016 = arith.index_cast %add3A_966 : i32 to index
        %get3A_1017 = arith.constant 112 : index
        %get3A_1018 = tpu.vector_load %arg9[%get3A_1016, %get3A_1017] {strides = array<i32>} : memref<320x128xf32, #tpu.memory_space<vmem>>, vector<16xf32>,
        %add3A_1019 = arith.constant 112 : i32
        %add3A_1020 = arith.addi %squeeze3A_964, %add3A_1019 : i32
        %swap3A_1021 = arith.index_cast %add3A_1020 : i32 to index
        %swap3A_1022 = tpu.vector_load %arg6[%swap3A_1021] {strides = array<i32>} : memref<32896xf32, #tpu.memory_space<vmem>>, vector<16xf32>,
        tpu.vector_store %arg6[%swap3A_1021], %get3A_1018 {add = true, strides = array<i32>} : memref<32896xf32, #tpu.memory_space<vmem>>, vector<16xf32>,
      }
    }
    %scan3A_23 = arith.constant 9 : i32
    "tpu.region"() ({
      %run_scoped3A = tpu.sem_alloc : memref<!tpu.dma_semaphore, #tpu.memory_space<semaphore_mem>>
      %dma_start3A = arith.constant 0 : i32
      %dma_start3A_30 = arith.constant 0 : i32
      %dma_start3A_31 = tpu.memref_slice %arg9[%dma_start3A, %dma_start3A_30] : memref<320x128xf32, #tpu.memory_space<vmem>> -> memref<245x128xf32, #tpu.memory_space<vmem>>
      %dma_start3A_32 = arith.constant 2880 : i32
      %dma_start3A_33 = arith.constant 0 : i32
      %dma_start3A_34 = tpu.memref_slice %arg2[%add3A, %dma_start3A_32, %dma_start3A_33] : memref<32x3125x128xf32, #tpu.memory_space<hbm>> -> memref<1x245x128xf32, #tpu.memory_space<hbm>>
      %dma_start3A_35 = tpu.memref_squeeze %dma_start3A_34 : memref<1x245x128xf32, #tpu.memory_space<hbm>> -> memref<245x128xf32, #tpu.memory_space<hbm>>
      %dma_start3A_36 = arith.constant 0 : i32
      %dma_start3A_37 = arith.constant 0 : i32
      %dma_start3A_38 = tpu.memref_slice %arg9[%dma_start3A_36, %dma_start3A_37] : memref<320x128xf32, #tpu.memory_space<vmem>> -> memref<245x128xf32, #tpu.memory_space<vmem>>
      %dma_start3A_39 = arith.constant 2880 : i32
      %dma_start3A_40 = arith.constant 0 : i32
      %dma_start3A_41 = tpu.memref_slice %arg2[%add3A, %dma_start3A_39, %dma_start3A_40] : memref<32x3125x128xf32, #tpu.memory_space<hbm>> -> memref<1x245x128xf32, #tpu.memory_space<hbm>>
      %dma_start3A_42 = tpu.memref_squeeze %dma_start3A_41 : memref<1x245x128xf32, #tpu.memory_space<hbm>> -> memref<245x128xf32, #tpu.memory_space<hbm>>
      tpu.enqueue_dma source(%dma_start3A_42 : memref<245x128xf32, #tpu.memory_space<hbm>>) target(%dma_start3A_38 : memref<245x128xf32, #tpu.memory_space<vmem>>) target_semaphore(%run_scoped3A : memref<!tpu.dma_semaphore, #tpu.memory_space<semaphore_mem>>)
      %dma_wait3A = arith.constant 0 : i32
      %dma_wait3A_43 = arith.constant 0 : i32
      %dma_wait3A_44 = tpu.memref_slice %arg9[%dma_wait3A, %dma_wait3A_43] : memref<320x128xf32, #tpu.memory_space<vmem>> -> memref<245x128xf32, #tpu.memory_space<vmem>>
      %dma_wait3A_45 = arith.constant 2880 : i32
      %dma_wait3A_46 = arith.constant 0 : i32
      %dma_wait3A_47 = tpu.memref_slice %arg2[%add3A, %dma_wait3A_45, %dma_wait3A_46] : memref<32x3125x128xf32, #tpu.memory_space<hbm>> -> memref<1x245x128xf32, #tpu.memory_space<hbm>>
      %dma_wait3A_48 = tpu.memref_squeeze %dma_wait3A_47 : memref<1x245x128xf32, #tpu.memory_space<hbm>> -> memref<245x128xf32, #tpu.memory_space<hbm>>
      %dma_wait3A_49 = arith.constant 0 : i32
      %dma_wait3A_50 = arith.constant 0 : i32
      %dma_wait3A_51 = tpu.memref_slice %arg9[%dma_wait3A_49, %dma_wait3A_50] : memref<320x128xf32, #tpu.memory_space<vmem>> -> memref<245x128xf32, #tpu.memory_space<vmem>>
      %dma_wait3A_52 = arith.constant 2880 : i32
      %dma_wait3A_53 = arith.constant 0 : i32
      %dma_wait3A_54 = tpu.memref_slice %arg2[%add3A, %dma_wait3A_52, %dma_wait3A_53] : memref<32x3125x128xf32, #tpu.memory_space<hbm>> -> memref<1x245x128xf32, #tpu.memory_space<hbm>>
      %dma_wait3A_55 = tpu.memref_squeeze %dma_wait3A_54 : memref<1x245x128xf32, #tpu.memory_space<hbm>> -> memref<245x128xf32, #tpu.memory_space<hbm>>
      tpu.wait_dma2 semaphore(%run_scoped3A : memref<!tpu.dma_semaphore, #tpu.memory_space<semaphore_mem>>) src(%dma_wait3A_55 : memref<245x128xf32, #tpu.memory_space<hbm>>) dst(%dma_wait3A_51 : memref<245x128xf32, #tpu.memory_space<vmem>>)
      tpu.yield
    }) : () -> ()
    %scan3A_24 = arith.constant 0 : i32
    %scan3A_25 = arith.constant 180 : i32
    %scan3A_26 = arith.constant 16 : i32
    %scan3A_27 = arith.addi %scan3A_25, %scan3A_26 : i32
    %scan3A_28 = arith.constant 1 : i32
    scf.for %scan3A_30 = %scan3A_25 to %scan3A_27 step %scan3A_28  : i32 {
      %mul3A_31 = arith.constant 16 : i32
      %mul3A_32 = arith.muli %scan3A_30, %mul3A_31 : i32
      %get3A = arith.index_cast %mul3A_32 : i32 to index
      %get3A_33 = tpu.vector_load %arg8[%get3A] {strides = array<i32>} : memref<3152xi32, #tpu.memory_space<vmem>>, vector<16xi32>,
      %mul3A_34 = arith.constant 128 : i32
      %mul3A_35 = vector.broadcast %mul3A_34 : i32 to vector<16xi32>
      %mul3A_36 = arith.muli %get3A_33, %mul3A_35 : vector<16xi32>
      tpu.vector_store_idx %arg7[%get3A_33, %iota3A], %broadcast_in_dim3A_3 {add = true} : memref<257x16xf32, #tpu.memory_space<vmem>>[vector<16xi32>, vector<16xi32>], vector<16xf32>,
      %mul3A_37 = arith.constant 16 : i32
      %mul3A_38 = arith.muli %scan3A_30, %mul3A_37 : i32
      %jit3A = arith.constant 320 : i32
      %eq3A = arith.constant 0 : i32
      %eq3A_39 = arith.cmpi eq, %jit3A, %eq3A : i32
      %jit3A_40 = arith.constant 1 : i32
      %select_n3A = arith.select %eq3A_39, %jit3A_40, %jit3A : i32
      %rem3A = arith.remsi %mul3A_38, %select_n3A : i32
      %ne3A = arith.constant 0 : i32
      %ne3A_41 = arith.cmpi ne, %rem3A, %ne3A : i32
      %lt3A = arith.constant 0 : i32
      %lt3A_42 = arith.cmpi slt, %rem3A, %lt3A : i32
      %lt3A_43 = arith.constant 0 : i32
      %lt3A_44 = arith.cmpi slt, %select_n3A, %lt3A_43 : i32
      %ne3A_45 = arith.xori %lt3A_42, %lt3A_44 : i1
      %and3A = arith.andi %ne3A_45, %ne3A_41 : i1
      %add3A_46 = arith.addi %rem3A, %select_n3A : i32
      %select_n3A_47 = arith.select %and3A, %add3A_46, %rem3A : i32
      %slice3A = vector.extract_strided_slice %mul3A_36 {offsets = [0], sizes = [1], strides = [1]} : vector<16xi32> to vector<1xi32>
      %squeeze3A = vector.extract %slice3A[0] : i32 from vector<1xi32>
      %add3A_48 = arith.constant 0 : i32
      %add3A_49 = arith.addi %select_n3A_47, %add3A_48 : i32
      %get3A_50 = arith.index_cast %add3A_49 : i32 to index
      %get3A_51 = arith.constant 0 : index
      %get3A_52 = tpu.vector_load %arg9[%get3A_50, %get3A_51] {strides = array<i32>} : memref<320x128xf32, #tpu.memory_space<vmem>>, vector<16xf32>,
      %add3A_53 = arith.constant 0 : i32
      %add3A_54 = arith.addi %squeeze3A, %add3A_53 : i32
      %swap3A_55 = arith.index_cast %add3A_54 : i32 to index
      %swap3A_56 = tpu.vector_load %arg6[%swap3A_55] {strides = array<i32>} : memref<32896xf32, #tpu.memory_space<vmem>>, vector<16xf32>,
      tpu.vector_store %arg6[%swap3A_55], %get3A_52 {add = true, strides = array<i32>} : memref<32896xf32, #tpu.memory_space<vmem>>, vector<16xf32>,
      %get3A_57 = arith.index_cast %add3A_49 : i32 to index
      %get3A_58 = arith.constant 16 : index
      %get3A_59 = tpu.vector_load %arg9[%get3A_57, %get3A_58] {strides = array<i32>} : memref<320x128xf32, #tpu.memory_space<vmem>>, vector<16xf32>,
      %add3A_60 = arith.constant 16 : i32
      %add3A_61 = arith.addi %squeeze3A, %add3A_60 : i32
      %swap3A_62 = arith.index_cast %add3A_61 : i32 to index
      %swap3A_63 = tpu.vector_load %arg6[%swap3A_62] {strides = array<i32>} : memref<32896xf32, #tpu.memory_space<vmem>>, vector<16xf32>,
      tpu.vector_store %arg6[%swap3A_62], %get3A_59 {add = true, strides = array<i32>} : memref<32896xf32, #tpu.memory_space<vmem>>, vector<16xf32>,
      %get3A_64 = arith.index_cast %add3A_49 : i32 to index
      %get3A_65 = arith.constant 32 : index
      %get3A_66 = tpu.vector_load %arg9[%get3A_64, %get3A_65] {strides = array<i32>} : memref<320x128xf32, #tpu.memory_space<vmem>>, vector<16xf32>,
      %add3A_67 = arith.constant 32 : i32
      %add3A_68 = arith.addi %squeeze3A, %add3A_67 : i32
      %swap3A_69 = arith.index_cast %add3A_68 : i32 to index
      %swap3A_70 = tpu.vector_load %arg6[%swap3A_69] {strides = array<i32>} : memref<32896xf32, #tpu.memory_space<vmem>>, vector<16xf32>,
      tpu.vector_store %arg6[%swap3A_69], %get3A_66 {add = true, strides = array<i32>} : memref<32896xf32, #tpu.memory_space<vmem>>, vector<16xf32>,
      %get3A_71 = arith.index_cast %add3A_49 : i32 to index
      %get3A_72 = arith.constant 48 : index
      %get3A_73 = tpu.vector_load %arg9[%get3A_71, %get3A_72] {strides = array<i32>} : memref<320x128xf32, #tpu.memory_space<vmem>>, vector<16xf32>,
      %add3A_74 = arith.constant 48 : i32
      %add3A_75 = arith.addi %squeeze3A, %add3A_74 : i32
      %swap3A_76 = arith.index_cast %add3A_75 : i32 to index
      %swap3A_77 = tpu.vector_load %arg6[%swap3A_76] {strides = array<i32>} : memref<32896xf32, #tpu.memory_space<vmem>>, vector<16xf32>,
      tpu.vector_store %arg6[%swap3A_76], %get3A_73 {add = true, strides = array<i32>} : memref<32896xf32, #tpu.memory_space<vmem>>, vector<16xf32>,
      %get3A_78 = arith.index_cast %add3A_49 : i32 to index
      %get3A_79 = arith.constant 64 : index
      %get3A_80 = tpu.vector_load %arg9[%get3A_78, %get3A_79] {strides = array<i32>} : memref<320x128xf32, #tpu.memory_space<vmem>>, vector<16xf32>,
      %add3A_81 = arith.constant 64 : i32
      %add3A_82 = arith.addi %squeeze3A, %add3A_81 : i32
      %swap3A_83 = arith.index_cast %add3A_82 : i32 to index
      %swap3A_84 = tpu.vector_load %arg6[%swap3A_83] {strides = array<i32>} : memref<32896xf32, #tpu.memory_space<vmem>>, vector<16xf32>,
      tpu.vector_store %arg6[%swap3A_83], %get3A_80 {add = true, strides = array<i32>} : memref<32896xf32, #tpu.memory_space<vmem>>, vector<16xf32>,
      %get3A_85 = arith.index_cast %add3A_49 : i32 to index
      %get3A_86 = arith.constant 80 : index
      %get3A_87 = tpu.vector_load %arg9[%get3A_85, %get3A_86] {strides = array<i32>} : memref<320x128xf32, #tpu.memory_space<vmem>>, vector<16xf32>,
      %add3A_88 = arith.constant 80 : i32
      %add3A_89 = arith.addi %squeeze3A, %add3A_88 : i32
      %swap3A_90 = arith.index_cast %add3A_89 : i32 to index
      %swap3A_91 = tpu.vector_load %arg6[%swap3A_90] {strides = array<i32>} : memref<32896xf32, #tpu.memory_space<vmem>>, vector<16xf32>,
      tpu.vector_store %arg6[%swap3A_90], %get3A_87 {add = true, strides = array<i32>} : memref<32896xf32, #tpu.memory_space<vmem>>, vector<16xf32>,
      %get3A_92 = arith.index_cast %add3A_49 : i32 to index
      %get3A_93 = arith.constant 96 : index
      %get3A_94 = tpu.vector_load %arg9[%get3A_92, %get3A_93] {strides = array<i32>} : memref<320x128xf32, #tpu.memory_space<vmem>>, vector<16xf32>,
      %add3A_95 = arith.constant 96 : i32
      %add3A_96 = arith.addi %squeeze3A, %add3A_95 : i32
      %swap3A_97 = arith.index_cast %add3A_96 : i32 to index
      %swap3A_98 = tpu.vector_load %arg6[%swap3A_97] {strides = array<i32>} : memref<32896xf32, #tpu.memory_space<vmem>>, vector<16xf32>,
      tpu.vector_store %arg6[%swap3A_97], %get3A_94 {add = true, strides = array<i32>} : memref<32896xf32, #tpu.memory_space<vmem>>, vector<16xf32>,
      %get3A_99 = arith.index_cast %add3A_49 : i32 to index
      %get3A_100 = arith.constant 112 : index
      %get3A_101 = tpu.vector_load %arg9[%get3A_99, %get3A_100] {strides = array<i32>} : memref<320x128xf32, #tpu.memory_space<vmem>>, vector<16xf32>,
      %add3A_102 = arith.constant 112 : i32
      %add3A_103 = arith.addi %squeeze3A, %add3A_102 : i32
      %swap3A_104 = arith.index_cast %add3A_103 : i32 to index
      %swap3A_105 = tpu.vector_load %arg6[%swap3A_104] {strides = array<i32>} : memref<32896xf32, #tpu.memory_space<vmem>>, vector<16xf32>,
      tpu.vector_store %arg6[%swap3A_104], %get3A_101 {add = true, strides = array<i32>} : memref<32896xf32, #tpu.memory_space<vmem>>, vector<16xf32>,
      %slice3A_106 = vector.extract_strided_slice %mul3A_36 {offsets = [1], sizes = [1], strides = [1]} : vector<16xi32> to vector<1xi32>
      %squeeze3A_107 = vector.extract %slice3A_106[0] : i32 from vector<1xi32>
      %add3A_108 = arith.constant 1 : i32
      %add3A_109 = arith.addi %select_n3A_47, %add3A_108 : i32
      %get3A_110 = arith.index_cast %add3A_109 : i32 to index
      %get3A_111 = arith.constant 0 : index
      %get3A_112 = tpu.vector_load %arg9[%get3A_110, %get3A_111] {strides = array<i32>} : memref<320x128xf32, #tpu.memory_space<vmem>>, vector<16xf32>,
      %add3A_113 = arith.constant 0 : i32
      %add3A_114 = arith.addi %squeeze3A_107, %add3A_113 : i32
      %swap3A_115 = arith.index_cast %add3A_114 : i32 to index
      %swap3A_116 = tpu.vector_load %arg6[%swap3A_115] {strides = array<i32>} : memref<32896xf32, #tpu.memory_space<vmem>>, vector<16xf32>,
      tpu.vector_store %arg6[%swap3A_115], %get3A_112 {add = true, strides = array<i32>} : memref<32896xf32, #tpu.memory_space<vmem>>, vector<16xf32>,
      %get3A_117 = arith.index_cast %add3A_109 : i32 to index
      %get3A_118 = arith.constant 16 : index
      %get3A_119 = tpu.vector_load %arg9[%get3A_117, %get3A_118] {strides = array<i32>} : memref<320x128xf32, #tpu.memory_space<vmem>>, vector<16xf32>,
      %add3A_120 = arith.constant 16 : i32
      %add3A_121 = arith.addi %squeeze3A_107, %add3A_120 : i32
      %swap3A_122 = arith.index_cast %add3A_121 : i32 to index
      %swap3A_123 = tpu.vector_load %arg6[%swap3A_122] {strides = array<i32>} : memref<32896xf32, #tpu.memory_space<vmem>>, vector<16xf32>,
      tpu.vector_store %arg6[%swap3A_122], %get3A_119 {add = true, strides = array<i32>} : memref<32896xf32, #tpu.memory_space<vmem>>, vector<16xf32>,
      %get3A_124 = arith.index_cast %add3A_109 : i32 to index
      %get3A_125 = arith.constant 32 : index
      %get3A_126 = tpu.vector_load %arg9[%get3A_124, %get3A_125] {strides = array<i32>} : memref<320x128xf32, #tpu.memory_space<vmem>>, vector<16xf32>,
      %add3A_127 = arith.constant 32 : i32
      %add3A_128 = arith.addi %squeeze3A_107, %add3A_127 : i32
      %swap3A_129 = arith.index_cast %add3A_128 : i32 to index
      %swap3A_130 = tpu.vector_load %arg6[%swap3A_129] {strides = array<i32>} : memref<32896xf32, #tpu.memory_space<vmem>>, vector<16xf32>,
      tpu.vector_store %arg6[%swap3A_129], %get3A_126 {add = true, strides = array<i32>} : memref<32896xf32, #tpu.memory_space<vmem>>, vector<16xf32>,
      %get3A_131 = arith.index_cast %add3A_109 : i32 to index
      %get3A_132 = arith.constant 48 : index
      %get3A_133 = tpu.vector_load %arg9[%get3A_131, %get3A_132] {strides = array<i32>} : memref<320x128xf32, #tpu.memory_space<vmem>>, vector<16xf32>,
      %add3A_134 = arith.constant 48 : i32
      %add3A_135 = arith.addi %squeeze3A_107, %add3A_134 : i32
      %swap3A_136 = arith.index_cast %add3A_135 : i32 to index
      %swap3A_137 = tpu.vector_load %arg6[%swap3A_136] {strides = array<i32>} : memref<32896xf32, #tpu.memory_space<vmem>>, vector<16xf32>,
      tpu.vector_store %arg6[%swap3A_136], %get3A_133 {add = true, strides = array<i32>} : memref<32896xf32, #tpu.memory_space<vmem>>, vector<16xf32>,
      %get3A_138 = arith.index_cast %add3A_109 : i32 to index
      %get3A_139 = arith.constant 64 : index
      %get3A_140 = tpu.vector_load %arg9[%get3A_138, %get3A_139] {strides = array<i32>} : memref<320x128xf32, #tpu.memory_space<vmem>>, vector<16xf32>,
      %add3A_141 = arith.constant 64 : i32
      %add3A_142 = arith.addi %squeeze3A_107, %add3A_141 : i32
      %swap3A_143 = arith.index_cast %add3A_142 : i32 to index
      %swap3A_144 = tpu.vector_load %arg6[%swap3A_143] {strides = array<i32>} : memref<32896xf32, #tpu.memory_space<vmem>>, vector<16xf32>,
      tpu.vector_store %arg6[%swap3A_143], %get3A_140 {add = true, strides = array<i32>} : memref<32896xf32, #tpu.memory_space<vmem>>, vector<16xf32>,
      %get3A_145 = arith.index_cast %add3A_109 : i32 to index
      %get3A_146 = arith.constant 80 : index
      %get3A_147 = tpu.vector_load %arg9[%get3A_145, %get3A_146] {strides = array<i32>} : memref<320x128xf32, #tpu.memory_space<vmem>>, vector<16xf32>,
      %add3A_148 = arith.constant 80 : i32
      %add3A_149 = arith.addi %squeeze3A_107, %add3A_148 : i32
      %swap3A_150 = arith.index_cast %add3A_149 : i32 to index
      %swap3A_151 = tpu.vector_load %arg6[%swap3A_150] {strides = array<i32>} : memref<32896xf32, #tpu.memory_space<vmem>>, vector<16xf32>,
      tpu.vector_store %arg6[%swap3A_150], %get3A_147 {add = true, strides = array<i32>} : memref<32896xf32, #tpu.memory_space<vmem>>, vector<16xf32>,
      %get3A_152 = arith.index_cast %add3A_109 : i32 to index
      %get3A_153 = arith.constant 96 : index
      %get3A_154 = tpu.vector_load %arg9[%get3A_152, %get3A_153] {strides = array<i32>} : memref<320x128xf32, #tpu.memory_space<vmem>>, vector<16xf32>,
      %add3A_155 = arith.constant 96 : i32
      %add3A_156 = arith.addi %squeeze3A_107, %add3A_155 : i32
      %swap3A_157 = arith.index_cast %add3A_156 : i32 to index
      %swap3A_158 = tpu.vector_load %arg6[%swap3A_157] {strides = array<i32>} : memref<32896xf32, #tpu.memory_space<vmem>>, vector<16xf32>,
      tpu.vector_store %arg6[%swap3A_157], %get3A_154 {add = true, strides = array<i32>} : memref<32896xf32, #tpu.memory_space<vmem>>, vector<16xf32>,
      %get3A_159 = arith.index_cast %add3A_109 : i32 to index
      %get3A_160 = arith.constant 112 : index
      %get3A_161 = tpu.vector_load %arg9[%get3A_159, %get3A_160] {strides = array<i32>} : memref<320x128xf32, #tpu.memory_space<vmem>>, vector<16xf32>,
      %add3A_162 = arith.constant 112 : i32
      %add3A_163 = arith.addi %squeeze3A_107, %add3A_162 : i32
      %swap3A_164 = arith.index_cast %add3A_163 : i32 to index
      %swap3A_165 = tpu.vector_load %arg6[%swap3A_164] {strides = array<i32>} : memref<32896xf32, #tpu.memory_space<vmem>>, vector<16xf32>,
      tpu.vector_store %arg6[%swap3A_164], %get3A_161 {add = true, strides = array<i32>} : memref<32896xf32, #tpu.memory_space<vmem>>, vector<16xf32>,
      %slice3A_166 = vector.extract_strided_slice %mul3A_36 {offsets = [2], sizes = [1], strides = [1]} : vector<16xi32> to vector<1xi32>
      %squeeze3A_167 = vector.extract %slice3A_166[0] : i32 from vector<1xi32>
      %add3A_168 = arith.constant 2 : i32
      %add3A_169 = arith.addi %select_n3A_47, %add3A_168 : i32
      %get3A_170 = arith.index_cast %add3A_169 : i32 to index
      %get3A_171 = arith.constant 0 : index
      %get3A_172 = tpu.vector_load %arg9[%get3A_170, %get3A_171] {strides = array<i32>} : memref<320x128xf32, #tpu.memory_space<vmem>>, vector<16xf32>,
      %add3A_173 = arith.constant 0 : i32
      %add3A_174 = arith.addi %squeeze3A_167, %add3A_173 : i32
      %swap3A_175 = arith.index_cast %add3A_174 : i32 to index
      %swap3A_176 = tpu.vector_load %arg6[%swap3A_175] {strides = array<i32>} : memref<32896xf32, #tpu.memory_space<vmem>>, vector<16xf32>,
      tpu.vector_store %arg6[%swap3A_175], %get3A_172 {add = true, strides = array<i32>} : memref<32896xf32, #tpu.memory_space<vmem>>, vector<16xf32>,
      %get3A_177 = arith.index_cast %add3A_169 : i32 to index
      %get3A_178 = arith.constant 16 : index
      %get3A_179 = tpu.vector_load %arg9[%get3A_177, %get3A_178] {strides = array<i32>} : memref<320x128xf32, #tpu.memory_space<vmem>>, vector<16xf32>,
      %add3A_180 = arith.constant 16 : i32
      %add3A_181 = arith.addi %squeeze3A_167, %add3A_180 : i32
      %swap3A_182 = arith.index_cast %add3A_181 : i32 to index
      %swap3A_183 = tpu.vector_load %arg6[%swap3A_182] {strides = array<i32>} : memref<32896xf32, #tpu.memory_space<vmem>>, vector<16xf32>,
      tpu.vector_store %arg6[%swap3A_182], %get3A_179 {add = true, strides = array<i32>} : memref<32896xf32, #tpu.memory_space<vmem>>, vector<16xf32>,
      %get3A_184 = arith.index_cast %add3A_169 : i32 to index
      %get3A_185 = arith.constant 32 : index
      %get3A_186 = tpu.vector_load %arg9[%get3A_184, %get3A_185] {strides = array<i32>} : memref<320x128xf32, #tpu.memory_space<vmem>>, vector<16xf32>,
      %add3A_187 = arith.constant 32 : i32
      %add3A_188 = arith.addi %squeeze3A_167, %add3A_187 : i32
      %swap3A_189 = arith.index_cast %add3A_188 : i32 to index
      %swap3A_190 = tpu.vector_load %arg6[%swap3A_189] {strides = array<i32>} : memref<32896xf32, #tpu.memory_space<vmem>>, vector<16xf32>,
      tpu.vector_store %arg6[%swap3A_189], %get3A_186 {add = true, strides = array<i32>} : memref<32896xf32, #tpu.memory_space<vmem>>, vector<16xf32>,
      %get3A_191 = arith.index_cast %add3A_169 : i32 to index
      %get3A_192 = arith.constant 48 : index
      %get3A_193 = tpu.vector_load %arg9[%get3A_191, %get3A_192] {strides = array<i32>} : memref<320x128xf32, #tpu.memory_space<vmem>>, vector<16xf32>,
      %add3A_194 = arith.constant 48 : i32
      %add3A_195 = arith.addi %squeeze3A_167, %add3A_194 : i32
      %swap3A_196 = arith.index_cast %add3A_195 : i32 to index
      %swap3A_197 = tpu.vector_load %arg6[%swap3A_196] {strides = array<i32>} : memref<32896xf32, #tpu.memory_space<vmem>>, vector<16xf32>,
      tpu.vector_store %arg6[%swap3A_196], %get3A_193 {add = true, strides = array<i32>} : memref<32896xf32, #tpu.memory_space<vmem>>, vector<16xf32>,
      %get3A_198 = arith.index_cast %add3A_169 : i32 to index
      %get3A_199 = arith.constant 64 : index
      %get3A_200 = tpu.vector_load %arg9[%get3A_198, %get3A_199] {strides = array<i32>} : memref<320x128xf32, #tpu.memory_space<vmem>>, vector<16xf32>,
      %add3A_201 = arith.constant 64 : i32
      %add3A_202 = arith.addi %squeeze3A_167, %add3A_201 : i32
      %swap3A_203 = arith.index_cast %add3A_202 : i32 to index
      %swap3A_204 = tpu.vector_load %arg6[%swap3A_203] {strides = array<i32>} : memref<32896xf32, #tpu.memory_space<vmem>>, vector<16xf32>,
      tpu.vector_store %arg6[%swap3A_203], %get3A_200 {add = true, strides = array<i32>} : memref<32896xf32, #tpu.memory_space<vmem>>, vector<16xf32>,
      %get3A_205 = arith.index_cast %add3A_169 : i32 to index
      %get3A_206 = arith.constant 80 : index
      %get3A_207 = tpu.vector_load %arg9[%get3A_205, %get3A_206] {strides = array<i32>} : memref<320x128xf32, #tpu.memory_space<vmem>>, vector<16xf32>,
      %add3A_208 = arith.constant 80 : i32
      %add3A_209 = arith.addi %squeeze3A_167, %add3A_208 : i32
      %swap3A_210 = arith.index_cast %add3A_209 : i32 to index
      %swap3A_211 = tpu.vector_load %arg6[%swap3A_210] {strides = array<i32>} : memref<32896xf32, #tpu.memory_space<vmem>>, vector<16xf32>,
      tpu.vector_store %arg6[%swap3A_210], %get3A_207 {add = true, strides = array<i32>} : memref<32896xf32, #tpu.memory_space<vmem>>, vector<16xf32>,
      %get3A_212 = arith.index_cast %add3A_169 : i32 to index
      %get3A_213 = arith.constant 96 : index
      %get3A_214 = tpu.vector_load %arg9[%get3A_212, %get3A_213] {strides = array<i32>} : memref<320x128xf32, #tpu.memory_space<vmem>>, vector<16xf32>,
      %add3A_215 = arith.constant 96 : i32
      %add3A_216 = arith.addi %squeeze3A_167, %add3A_215 : i32
      %swap3A_217 = arith.index_cast %add3A_216 : i32 to index
      %swap3A_218 = tpu.vector_load %arg6[%swap3A_217] {strides = array<i32>} : memref<32896xf32, #tpu.memory_space<vmem>>, vector<16xf32>,
      tpu.vector_store %arg6[%swap3A_217], %get3A_214 {add = true, strides = array<i32>} : memref<32896xf32, #tpu.memory_space<vmem>>, vector<16xf32>,
      %get3A_219 = arith.index_cast %add3A_169 : i32 to index
      %get3A_220 = arith.constant 112 : index
      %get3A_221 = tpu.vector_load %arg9[%get3A_219, %get3A_220] {strides = array<i32>} : memref<320x128xf32, #tpu.memory_space<vmem>>, vector<16xf32>,
      %add3A_222 = arith.constant 112 : i32
      %add3A_223 = arith.addi %squeeze3A_167, %add3A_222 : i32
      %swap3A_224 = arith.index_cast %add3A_223 : i32 to index
      %swap3A_225 = tpu.vector_load %arg6[%swap3A_224] {strides = array<i32>} : memref<32896xf32, #tpu.memory_space<vmem>>, vector<16xf32>,
      tpu.vector_store %arg6[%swap3A_224], %get3A_221 {add = true, strides = array<i32>} : memref<32896xf32, #tpu.memory_space<vmem>>, vector<16xf32>,
      %slice3A_226 = vector.extract_strided_slice %mul3A_36 {offsets = [3], sizes = [1], strides = [1]} : vector<16xi32> to vector<1xi32>
      %squeeze3A_227 = vector.extract %slice3A_226[0] : i32 from vector<1xi32>
      %add3A_228 = arith.constant 3 : i32
      %add3A_229 = arith.addi %select_n3A_47, %add3A_228 : i32
      %get3A_230 = arith.index_cast %add3A_229 : i32 to index
      %get3A_231 = arith.constant 0 : index
      %get3A_232 = tpu.vector_load %arg9[%get3A_230, %get3A_231] {strides = array<i32>} : memref<320x128xf32, #tpu.memory_space<vmem>>, vector<16xf32>,
      %add3A_233 = arith.constant 0 : i32
      %add3A_234 = arith.addi %squeeze3A_227, %add3A_233 : i32
      %swap3A_235 = arith.index_cast %add3A_234 : i32 to index
      %swap3A_236 = tpu.vector_load %arg6[%swap3A_235] {strides = array<i32>} : memref<32896xf32, #tpu.memory_space<vmem>>, vector<16xf32>,
      tpu.vector_store %arg6[%swap3A_235], %get3A_232 {add = true, strides = array<i32>} : memref<32896xf32, #tpu.memory_space<vmem>>, vector<16xf32>,
      %get3A_237 = arith.index_cast %add3A_229 : i32 to index
      %get3A_238 = arith.constant 16 : index
      %get3A_239 = tpu.vector_load %arg9[%get3A_237, %get3A_238] {strides = array<i32>} : memref<320x128xf32, #tpu.memory_space<vmem>>, vector<16xf32>,
      %add3A_240 = arith.constant 16 : i32
      %add3A_241 = arith.addi %squeeze3A_227, %add3A_240 : i32
      %swap3A_242 = arith.index_cast %add3A_241 : i32 to index
      %swap3A_243 = tpu.vector_load %arg6[%swap3A_242] {strides = array<i32>} : memref<32896xf32, #tpu.memory_space<vmem>>, vector<16xf32>,
      tpu.vector_store %arg6[%swap3A_242], %get3A_239 {add = true, strides = array<i32>} : memref<32896xf32, #tpu.memory_space<vmem>>, vector<16xf32>,
      %get3A_244 = arith.index_cast %add3A_229 : i32 to index
      %get3A_245 = arith.constant 32 : index
      %get3A_246 = tpu.vector_load %arg9[%get3A_244, %get3A_245] {strides = array<i32>} : memref<320x128xf32, #tpu.memory_space<vmem>>, vector<16xf32>,
      %add3A_247 = arith.constant 32 : i32
      %add3A_248 = arith.addi %squeeze3A_227, %add3A_247 : i32
      %swap3A_249 = arith.index_cast %add3A_248 : i32 to index
      %swap3A_250 = tpu.vector_load %arg6[%swap3A_249] {strides = array<i32>} : memref<32896xf32, #tpu.memory_space<vmem>>, vector<16xf32>,
      tpu.vector_store %arg6[%swap3A_249], %get3A_246 {add = true, strides = array<i32>} : memref<32896xf32, #tpu.memory_space<vmem>>, vector<16xf32>,
      %get3A_251 = arith.index_cast %add3A_229 : i32 to index
      %get3A_252 = arith.constant 48 : index
      %get3A_253 = tpu.vector_load %arg9[%get3A_251, %get3A_252] {strides = array<i32>} : memref<320x128xf32, #tpu.memory_space<vmem>>, vector<16xf32>,
      %add3A_254 = arith.constant 48 : i32
      %add3A_255 = arith.addi %squeeze3A_227, %add3A_254 : i32
      %swap3A_256 = arith.index_cast %add3A_255 : i32 to index
      %swap3A_257 = tpu.vector_load %arg6[%swap3A_256] {strides = array<i32>} : memref<32896xf32, #tpu.memory_space<vmem>>, vector<16xf32>,
      tpu.vector_store %arg6[%swap3A_256], %get3A_253 {add = true, strides = array<i32>} : memref<32896xf32, #tpu.memory_space<vmem>>, vector<16xf32>,
      %get3A_258 = arith.index_cast %add3A_229 : i32 to index
      %get3A_259 = arith.constant 64 : index
      %get3A_260 = tpu.vector_load %arg9[%get3A_258, %get3A_259] {strides = array<i32>} : memref<320x128xf32, #tpu.memory_space<vmem>>, vector<16xf32>,
      %add3A_261 = arith.constant 64 : i32
      %add3A_262 = arith.addi %squeeze3A_227, %add3A_261 : i32
      %swap3A_263 = arith.index_cast %add3A_262 : i32 to index
      %swap3A_264 = tpu.vector_load %arg6[%swap3A_263] {strides = array<i32>} : memref<32896xf32, #tpu.memory_space<vmem>>, vector<16xf32>,
      tpu.vector_store %arg6[%swap3A_263], %get3A_260 {add = true, strides = array<i32>} : memref<32896xf32, #tpu.memory_space<vmem>>, vector<16xf32>,
      %get3A_265 = arith.index_cast %add3A_229 : i32 to index
      %get3A_266 = arith.constant 80 : index
      %get3A_267 = tpu.vector_load %arg9[%get3A_265, %get3A_266] {strides = array<i32>} : memref<320x128xf32, #tpu.memory_space<vmem>>, vector<16xf32>,
      %add3A_268 = arith.constant 80 : i32
      %add3A_269 = arith.addi %squeeze3A_227, %add3A_268 : i32
      %swap3A_270 = arith.index_cast %add3A_269 : i32 to index
      %swap3A_271 = tpu.vector_load %arg6[%swap3A_270] {strides = array<i32>} : memref<32896xf32, #tpu.memory_space<vmem>>, vector<16xf32>,
      tpu.vector_store %arg6[%swap3A_270], %get3A_267 {add = true, strides = array<i32>} : memref<32896xf32, #tpu.memory_space<vmem>>, vector<16xf32>,
      %get3A_272 = arith.index_cast %add3A_229 : i32 to index
      %get3A_273 = arith.constant 96 : index
      %get3A_274 = tpu.vector_load %arg9[%get3A_272, %get3A_273] {strides = array<i32>} : memref<320x128xf32, #tpu.memory_space<vmem>>, vector<16xf32>,
      %add3A_275 = arith.constant 96 : i32
      %add3A_276 = arith.addi %squeeze3A_227, %add3A_275 : i32
      %swap3A_277 = arith.index_cast %add3A_276 : i32 to index
      %swap3A_278 = tpu.vector_load %arg6[%swap3A_277] {strides = array<i32>} : memref<32896xf32, #tpu.memory_space<vmem>>, vector<16xf32>,
      tpu.vector_store %arg6[%swap3A_277], %get3A_274 {add = true, strides = array<i32>} : memref<32896xf32, #tpu.memory_space<vmem>>, vector<16xf32>,
      %get3A_279 = arith.index_cast %add3A_229 : i32 to index
      %get3A_280 = arith.constant 112 : index
      %get3A_281 = tpu.vector_load %arg9[%get3A_279, %get3A_280] {strides = array<i32>} : memref<320x128xf32, #tpu.memory_space<vmem>>, vector<16xf32>,
      %add3A_282 = arith.constant 112 : i32
      %add3A_283 = arith.addi %squeeze3A_227, %add3A_282 : i32
      %swap3A_284 = arith.index_cast %add3A_283 : i32 to index
      %swap3A_285 = tpu.vector_load %arg6[%swap3A_284] {strides = array<i32>} : memref<32896xf32, #tpu.memory_space<vmem>>, vector<16xf32>,
      tpu.vector_store %arg6[%swap3A_284], %get3A_281 {add = true, strides = array<i32>} : memref<32896xf32, #tpu.memory_space<vmem>>, vector<16xf32>,
      %slice3A_286 = vector.extract_strided_slice %mul3A_36 {offsets = [4], sizes = [1], strides = [1]} : vector<16xi32> to vector<1xi32>
      %squeeze3A_287 = vector.extract %slice3A_286[0] : i32 from vector<1xi32>
      %add3A_288 = arith.constant 4 : i32
      %add3A_289 = arith.addi %select_n3A_47, %add3A_288 : i32
      %get3A_290 = arith.index_cast %add3A_289 : i32 to index
      %get3A_291 = arith.constant 0 : index
      %get3A_292 = tpu.vector_load %arg9[%get3A_290, %get3A_291] {strides = array<i32>} : memref<320x128xf32, #tpu.memory_space<vmem>>, vector<16xf32>,
      %add3A_293 = arith.constant 0 : i32
      %add3A_294 = arith.addi %squeeze3A_287, %add3A_293 : i32
      %swap3A_295 = arith.index_cast %add3A_294 : i32 to index
      %swap3A_296 = tpu.vector_load %arg6[%swap3A_295] {strides = array<i32>} : memref<32896xf32, #tpu.memory_space<vmem>>, vector<16xf32>,
      tpu.vector_store %arg6[%swap3A_295], %get3A_292 {add = true, strides = array<i32>} : memref<32896xf32, #tpu.memory_space<vmem>>, vector<16xf32>,
      %get3A_297 = arith.index_cast %add3A_289 : i32 to index
      %get3A_298 = arith.constant 16 : index
      %get3A_299 = tpu.vector_load %arg9[%get3A_297, %get3A_298] {strides = array<i32>} : memref<320x128xf32, #tpu.memory_space<vmem>>, vector<16xf32>,
      %add3A_300 = arith.constant 16 : i32
      %add3A_301 = arith.addi %squeeze3A_287, %add3A_300 : i32
      %swap3A_302 = arith.index_cast %add3A_301 : i32 to index
      %swap3A_303 = tpu.vector_load %arg6[%swap3A_302] {strides = array<i32>} : memref<32896xf32, #tpu.memory_space<vmem>>, vector<16xf32>,
      tpu.vector_store %arg6[%swap3A_302], %get3A_299 {add = true, strides = array<i32>} : memref<32896xf32, #tpu.memory_space<vmem>>, vector<16xf32>,
      %get3A_304 = arith.index_cast %add3A_289 : i32 to index
      %get3A_305 = arith.constant 32 : index
      %get3A_306 = tpu.vector_load %arg9[%get3A_304, %get3A_305] {strides = array<i32>} : memref<320x128xf32, #tpu.memory_space<vmem>>, vector<16xf32>,
      %add3A_307 = arith.constant 32 : i32
      %add3A_308 = arith.addi %squeeze3A_287, %add3A_307 : i32
      %swap3A_309 = arith.index_cast %add3A_308 : i32 to index
      %swap3A_310 = tpu.vector_load %arg6[%swap3A_309] {strides = array<i32>} : memref<32896xf32, #tpu.memory_space<vmem>>, vector<16xf32>,
      tpu.vector_store %arg6[%swap3A_309], %get3A_306 {add = true, strides = array<i32>} : memref<32896xf32, #tpu.memory_space<vmem>>, vector<16xf32>,
      %get3A_311 = arith.index_cast %add3A_289 : i32 to index
      %get3A_312 = arith.constant 48 : index
      %get3A_313 = tpu.vector_load %arg9[%get3A_311, %get3A_312] {strides = array<i32>} : memref<320x128xf32, #tpu.memory_space<vmem>>, vector<16xf32>,
      %add3A_314 = arith.constant 48 : i32
      %add3A_315 = arith.addi %squeeze3A_287, %add3A_314 : i32
      %swap3A_316 = arith.index_cast %add3A_315 : i32 to index
      %swap3A_317 = tpu.vector_load %arg6[%swap3A_316] {strides = array<i32>} : memref<32896xf32, #tpu.memory_space<vmem>>, vector<16xf32>,
      tpu.vector_store %arg6[%swap3A_316], %get3A_313 {add = true, strides = array<i32>} : memref<32896xf32, #tpu.memory_space<vmem>>, vector<16xf32>,
      %get3A_318 = arith.index_cast %add3A_289 : i32 to index
      %get3A_319 = arith.constant 64 : index
      %get3A_320 = tpu.vector_load %arg9[%get3A_318, %get3A_319] {strides = array<i32>} : memref<320x128xf32, #tpu.memory_space<vmem>>, vector<16xf32>,
      %add3A_321 = arith.constant 64 : i32
      %add3A_322 = arith.addi %squeeze3A_287, %add3A_321 : i32
      %swap3A_323 = arith.index_cast %add3A_322 : i32 to index
      %swap3A_324 = tpu.vector_load %arg6[%swap3A_323] {strides = array<i32>} : memref<32896xf32, #tpu.memory_space<vmem>>, vector<16xf32>,
      tpu.vector_store %arg6[%swap3A_323], %get3A_320 {add = true, strides = array<i32>} : memref<32896xf32, #tpu.memory_space<vmem>>, vector<16xf32>,
      %get3A_325 = arith.index_cast %add3A_289 : i32 to index
      %get3A_326 = arith.constant 80 : index
      %get3A_327 = tpu.vector_load %arg9[%get3A_325, %get3A_326] {strides = array<i32>} : memref<320x128xf32, #tpu.memory_space<vmem>>, vector<16xf32>,
      %add3A_328 = arith.constant 80 : i32
      %add3A_329 = arith.addi %squeeze3A_287, %add3A_328 : i32
      %swap3A_330 = arith.index_cast %add3A_329 : i32 to index
      %swap3A_331 = tpu.vector_load %arg6[%swap3A_330] {strides = array<i32>} : memref<32896xf32, #tpu.memory_space<vmem>>, vector<16xf32>,
      tpu.vector_store %arg6[%swap3A_330], %get3A_327 {add = true, strides = array<i32>} : memref<32896xf32, #tpu.memory_space<vmem>>, vector<16xf32>,
      %get3A_332 = arith.index_cast %add3A_289 : i32 to index
      %get3A_333 = arith.constant 96 : index
      %get3A_334 = tpu.vector_load %arg9[%get3A_332, %get3A_333] {strides = array<i32>} : memref<320x128xf32, #tpu.memory_space<vmem>>, vector<16xf32>,
      %add3A_335 = arith.constant 96 : i32
      %add3A_336 = arith.addi %squeeze3A_287, %add3A_335 : i32
      %swap3A_337 = arith.index_cast %add3A_336 : i32 to index
      %swap3A_338 = tpu.vector_load %arg6[%swap3A_337] {strides = array<i32>} : memref<32896xf32, #tpu.memory_space<vmem>>, vector<16xf32>,
      tpu.vector_store %arg6[%swap3A_337], %get3A_334 {add = true, strides = array<i32>} : memref<32896xf32, #tpu.memory_space<vmem>>, vector<16xf32>,
      %get3A_339 = arith.index_cast %add3A_289 : i32 to index
      %get3A_340 = arith.constant 112 : index
      %get3A_341 = tpu.vector_load %arg9[%get3A_339, %get3A_340] {strides = array<i32>} : memref<320x128xf32, #tpu.memory_space<vmem>>, vector<16xf32>,
      %add3A_342 = arith.constant 112 : i32
      %add3A_343 = arith.addi %squeeze3A_287, %add3A_342 : i32
      %swap3A_344 = arith.index_cast %add3A_343 : i32 to index
      %swap3A_345 = tpu.vector_load %arg6[%swap3A_344] {strides = array<i32>} : memref<32896xf32, #tpu.memory_space<vmem>>, vector<16xf32>,
      tpu.vector_store %arg6[%swap3A_344], %get3A_341 {add = true, strides = array<i32>} : memref<32896xf32, #tpu.memory_space<vmem>>, vector<16xf32>,
      %slice3A_346 = vector.extract_strided_slice %mul3A_36 {offsets = [5], sizes = [1], strides = [1]} : vector<16xi32> to vector<1xi32>
      %squeeze3A_347 = vector.extract %slice3A_346[0] : i32 from vector<1xi32>
      %add3A_348 = arith.constant 5 : i32
      %add3A_349 = arith.addi %select_n3A_47, %add3A_348 : i32
      %get3A_350 = arith.index_cast %add3A_349 : i32 to index
      %get3A_351 = arith.constant 0 : index
      %get3A_352 = tpu.vector_load %arg9[%get3A_350, %get3A_351] {strides = array<i32>} : memref<320x128xf32, #tpu.memory_space<vmem>>, vector<16xf32>,
      %add3A_353 = arith.constant 0 : i32
      %add3A_354 = arith.addi %squeeze3A_347, %add3A_353 : i32
      %swap3A_355 = arith.index_cast %add3A_354 : i32 to index
      %swap3A_356 = tpu.vector_load %arg6[%swap3A_355] {strides = array<i32>} : memref<32896xf32, #tpu.memory_space<vmem>>, vector<16xf32>,
      tpu.vector_store %arg6[%swap3A_355], %get3A_352 {add = true, strides = array<i32>} : memref<32896xf32, #tpu.memory_space<vmem>>, vector<16xf32>,
      %get3A_357 = arith.index_cast %add3A_349 : i32 to index
      %get3A_358 = arith.constant 16 : index
      %get3A_359 = tpu.vector_load %arg9[%get3A_357, %get3A_358] {strides = array<i32>} : memref<320x128xf32, #tpu.memory_space<vmem>>, vector<16xf32>,
      %add3A_360 = arith.constant 16 : i32
      %add3A_361 = arith.addi %squeeze3A_347, %add3A_360 : i32
      %swap3A_362 = arith.index_cast %add3A_361 : i32 to index
      %swap3A_363 = tpu.vector_load %arg6[%swap3A_362] {strides = array<i32>} : memref<32896xf32, #tpu.memory_space<vmem>>, vector<16xf32>,
      tpu.vector_store %arg6[%swap3A_362], %get3A_359 {add = true, strides = array<i32>} : memref<32896xf32, #tpu.memory_space<vmem>>, vector<16xf32>,
      %get3A_364 = arith.index_cast %add3A_349 : i32 to index
      %get3A_365 = arith.constant 32 : index
      %get3A_366 = tpu.vector_load %arg9[%get3A_364, %get3A_365] {strides = array<i32>} : memref<320x128xf32, #tpu.memory_space<vmem>>, vector<16xf32>,
      %add3A_367 = arith.constant 32 : i32
      %add3A_368 = arith.addi %squeeze3A_347, %add3A_367 : i32
      %swap3A_369 = arith.index_cast %add3A_368 : i32 to index
      %swap3A_370 = tpu.vector_load %arg6[%swap3A_369] {strides = array<i32>} : memref<32896xf32, #tpu.memory_space<vmem>>, vector<16xf32>,
      tpu.vector_store %arg6[%swap3A_369], %get3A_366 {add = true, strides = array<i32>} : memref<32896xf32, #tpu.memory_space<vmem>>, vector<16xf32>,
      %get3A_371 = arith.index_cast %add3A_349 : i32 to index
      %get3A_372 = arith.constant 48 : index
      %get3A_373 = tpu.vector_load %arg9[%get3A_371, %get3A_372] {strides = array<i32>} : memref<320x128xf32, #tpu.memory_space<vmem>>, vector<16xf32>,
      %add3A_374 = arith.constant 48 : i32
      %add3A_375 = arith.addi %squeeze3A_347, %add3A_374 : i32
      %swap3A_376 = arith.index_cast %add3A_375 : i32 to index
      %swap3A_377 = tpu.vector_load %arg6[%swap3A_376] {strides = array<i32>} : memref<32896xf32, #tpu.memory_space<vmem>>, vector<16xf32>,
      tpu.vector_store %arg6[%swap3A_376], %get3A_373 {add = true, strides = array<i32>} : memref<32896xf32, #tpu.memory_space<vmem>>, vector<16xf32>,
      %get3A_378 = arith.index_cast %add3A_349 : i32 to index
      %get3A_379 = arith.constant 64 : index
      %get3A_380 = tpu.vector_load %arg9[%get3A_378, %get3A_379] {strides = array<i32>} : memref<320x128xf32, #tpu.memory_space<vmem>>, vector<16xf32>,
      %add3A_381 = arith.constant 64 : i32
      %add3A_382 = arith.addi %squeeze3A_347, %add3A_381 : i32
      %swap3A_383 = arith.index_cast %add3A_382 : i32 to index
      %swap3A_384 = tpu.vector_load %arg6[%swap3A_383] {strides = array<i32>} : memref<32896xf32, #tpu.memory_space<vmem>>, vector<16xf32>,
      tpu.vector_store %arg6[%swap3A_383], %get3A_380 {add = true, strides = array<i32>} : memref<32896xf32, #tpu.memory_space<vmem>>, vector<16xf32>,
      %get3A_385 = arith.index_cast %add3A_349 : i32 to index
      %get3A_386 = arith.constant 80 : index
      %get3A_387 = tpu.vector_load %arg9[%get3A_385, %get3A_386] {strides = array<i32>} : memref<320x128xf32, #tpu.memory_space<vmem>>, vector<16xf32>,
      %add3A_388 = arith.constant 80 : i32
      %add3A_389 = arith.addi %squeeze3A_347, %add3A_388 : i32
      %swap3A_390 = arith.index_cast %add3A_389 : i32 to index
      %swap3A_391 = tpu.vector_load %arg6[%swap3A_390] {strides = array<i32>} : memref<32896xf32, #tpu.memory_space<vmem>>, vector<16xf32>,
      tpu.vector_store %arg6[%swap3A_390], %get3A_387 {add = true, strides = array<i32>} : memref<32896xf32, #tpu.memory_space<vmem>>, vector<16xf32>,
      %get3A_392 = arith.index_cast %add3A_349 : i32 to index
      %get3A_393 = arith.constant 96 : index
      %get3A_394 = tpu.vector_load %arg9[%get3A_392, %get3A_393] {strides = array<i32>} : memref<320x128xf32, #tpu.memory_space<vmem>>, vector<16xf32>,
      %add3A_395 = arith.constant 96 : i32
      %add3A_396 = arith.addi %squeeze3A_347, %add3A_395 : i32
      %swap3A_397 = arith.index_cast %add3A_396 : i32 to index
      %swap3A_398 = tpu.vector_load %arg6[%swap3A_397] {strides = array<i32>} : memref<32896xf32, #tpu.memory_space<vmem>>, vector<16xf32>,
      tpu.vector_store %arg6[%swap3A_397], %get3A_394 {add = true, strides = array<i32>} : memref<32896xf32, #tpu.memory_space<vmem>>, vector<16xf32>,
      %get3A_399 = arith.index_cast %add3A_349 : i32 to index
      %get3A_400 = arith.constant 112 : index
      %get3A_401 = tpu.vector_load %arg9[%get3A_399, %get3A_400] {strides = array<i32>} : memref<320x128xf32, #tpu.memory_space<vmem>>, vector<16xf32>,
      %add3A_402 = arith.constant 112 : i32
      %add3A_403 = arith.addi %squeeze3A_347, %add3A_402 : i32
      %swap3A_404 = arith.index_cast %add3A_403 : i32 to index
      %swap3A_405 = tpu.vector_load %arg6[%swap3A_404] {strides = array<i32>} : memref<32896xf32, #tpu.memory_space<vmem>>, vector<16xf32>,
      tpu.vector_store %arg6[%swap3A_404], %get3A_401 {add = true, strides = array<i32>} : memref<32896xf32, #tpu.memory_space<vmem>>, vector<16xf32>,
      %slice3A_406 = vector.extract_strided_slice %mul3A_36 {offsets = [6], sizes = [1], strides = [1]} : vector<16xi32> to vector<1xi32>
      %squeeze3A_407 = vector.extract %slice3A_406[0] : i32 from vector<1xi32>
      %add3A_408 = arith.constant 6 : i32
      %add3A_409 = arith.addi %select_n3A_47, %add3A_408 : i32
      %get3A_410 = arith.index_cast %add3A_409 : i32 to index
      %get3A_411 = arith.constant 0 : index
      %get3A_412 = tpu.vector_load %arg9[%get3A_410, %get3A_411] {strides = array<i32>} : memref<320x128xf32, #tpu.memory_space<vmem>>, vector<16xf32>,
      %add3A_413 = arith.constant 0 : i32
      %add3A_414 = arith.addi %squeeze3A_407, %add3A_413 : i32
      %swap3A_415 = arith.index_cast %add3A_414 : i32 to index
      %swap3A_416 = tpu.vector_load %arg6[%swap3A_415] {strides = array<i32>} : memref<32896xf32, #tpu.memory_space<vmem>>, vector<16xf32>,
      tpu.vector_store %arg6[%swap3A_415], %get3A_412 {add = true, strides = array<i32>} : memref<32896xf32, #tpu.memory_space<vmem>>, vector<16xf32>,
      %get3A_417 = arith.index_cast %add3A_409 : i32 to index
      %get3A_418 = arith.constant 16 : index
      %get3A_419 = tpu.vector_load %arg9[%get3A_417, %get3A_418] {strides = array<i32>} : memref<320x128xf32, #tpu.memory_space<vmem>>, vector<16xf32>,
      %add3A_420 = arith.constant 16 : i32
      %add3A_421 = arith.addi %squeeze3A_407, %add3A_420 : i32
      %swap3A_422 = arith.index_cast %add3A_421 : i32 to index
      %swap3A_423 = tpu.vector_load %arg6[%swap3A_422] {strides = array<i32>} : memref<32896xf32, #tpu.memory_space<vmem>>, vector<16xf32>,
      tpu.vector_store %arg6[%swap3A_422], %get3A_419 {add = true, strides = array<i32>} : memref<32896xf32, #tpu.memory_space<vmem>>, vector<16xf32>,
      %get3A_424 = arith.index_cast %add3A_409 : i32 to index
      %get3A_425 = arith.constant 32 : index
      %get3A_426 = tpu.vector_load %arg9[%get3A_424, %get3A_425] {strides = array<i32>} : memref<320x128xf32, #tpu.memory_space<vmem>>, vector<16xf32>,
      %add3A_427 = arith.constant 32 : i32
      %add3A_428 = arith.addi %squeeze3A_407, %add3A_427 : i32
      %swap3A_429 = arith.index_cast %add3A_428 : i32 to index
      %swap3A_430 = tpu.vector_load %arg6[%swap3A_429] {strides = array<i32>} : memref<32896xf32, #tpu.memory_space<vmem>>, vector<16xf32>,
      tpu.vector_store %arg6[%swap3A_429], %get3A_426 {add = true, strides = array<i32>} : memref<32896xf32, #tpu.memory_space<vmem>>, vector<16xf32>,
      %get3A_431 = arith.index_cast %add3A_409 : i32 to index
      %get3A_432 = arith.constant 48 : index
      %get3A_433 = tpu.vector_load %arg9[%get3A_431, %get3A_432] {strides = array<i32>} : memref<320x128xf32, #tpu.memory_space<vmem>>, vector<16xf32>,
      %add3A_434 = arith.constant 48 : i32
      %add3A_435 = arith.addi %squeeze3A_407, %add3A_434 : i32
      %swap3A_436 = arith.index_cast %add3A_435 : i32 to index
      %swap3A_437 = tpu.vector_load %arg6[%swap3A_436] {strides = array<i32>} : memref<32896xf32, #tpu.memory_space<vmem>>, vector<16xf32>,
      tpu.vector_store %arg6[%swap3A_436], %get3A_433 {add = true, strides = array<i32>} : memref<32896xf32, #tpu.memory_space<vmem>>, vector<16xf32>,
      %get3A_438 = arith.index_cast %add3A_409 : i32 to index
      %get3A_439 = arith.constant 64 : index
      %get3A_440 = tpu.vector_load %arg9[%get3A_438, %get3A_439] {strides = array<i32>} : memref<320x128xf32, #tpu.memory_space<vmem>>, vector<16xf32>,
      %add3A_441 = arith.constant 64 : i32
      %add3A_442 = arith.addi %squeeze3A_407, %add3A_441 : i32
      %swap3A_443 = arith.index_cast %add3A_442 : i32 to index
      %swap3A_444 = tpu.vector_load %arg6[%swap3A_443] {strides = array<i32>} : memref<32896xf32, #tpu.memory_space<vmem>>, vector<16xf32>,
      tpu.vector_store %arg6[%swap3A_443], %get3A_440 {add = true, strides = array<i32>} : memref<32896xf32, #tpu.memory_space<vmem>>, vector<16xf32>,
      %get3A_445 = arith.index_cast %add3A_409 : i32 to index
      %get3A_446 = arith.constant 80 : index
      %get3A_447 = tpu.vector_load %arg9[%get3A_445, %get3A_446] {strides = array<i32>} : memref<320x128xf32, #tpu.memory_space<vmem>>, vector<16xf32>,
      %add3A_448 = arith.constant 80 : i32
      %add3A_449 = arith.addi %squeeze3A_407, %add3A_448 : i32
      %swap3A_450 = arith.index_cast %add3A_449 : i32 to index
      %swap3A_451 = tpu.vector_load %arg6[%swap3A_450] {strides = array<i32>} : memref<32896xf32, #tpu.memory_space<vmem>>, vector<16xf32>,
      tpu.vector_store %arg6[%swap3A_450], %get3A_447 {add = true, strides = array<i32>} : memref<32896xf32, #tpu.memory_space<vmem>>, vector<16xf32>,
      %get3A_452 = arith.index_cast %add3A_409 : i32 to index
      %get3A_453 = arith.constant 96 : index
      %get3A_454 = tpu.vector_load %arg9[%get3A_452, %get3A_453] {strides = array<i32>} : memref<320x128xf32, #tpu.memory_space<vmem>>, vector<16xf32>,
      %add3A_455 = arith.constant 96 : i32
      %add3A_456 = arith.addi %squeeze3A_407, %add3A_455 : i32
      %swap3A_457 = arith.index_cast %add3A_456 : i32 to index
      %swap3A_458 = tpu.vector_load %arg6[%swap3A_457] {strides = array<i32>} : memref<32896xf32, #tpu.memory_space<vmem>>, vector<16xf32>,
      tpu.vector_store %arg6[%swap3A_457], %get3A_454 {add = true, strides = array<i32>} : memref<32896xf32, #tpu.memory_space<vmem>>, vector<16xf32>,
      %get3A_459 = arith.index_cast %add3A_409 : i32 to index
      %get3A_460 = arith.constant 112 : index
      %get3A_461 = tpu.vector_load %arg9[%get3A_459, %get3A_460] {strides = array<i32>} : memref<320x128xf32, #tpu.memory_space<vmem>>, vector<16xf32>,
      %add3A_462 = arith.constant 112 : i32
      %add3A_463 = arith.addi %squeeze3A_407, %add3A_462 : i32
      %swap3A_464 = arith.index_cast %add3A_463 : i32 to index
      %swap3A_465 = tpu.vector_load %arg6[%swap3A_464] {strides = array<i32>} : memref<32896xf32, #tpu.memory_space<vmem>>, vector<16xf32>,
      tpu.vector_store %arg6[%swap3A_464], %get3A_461 {add = true, strides = array<i32>} : memref<32896xf32, #tpu.memory_space<vmem>>, vector<16xf32>,
      %slice3A_466 = vector.extract_strided_slice %mul3A_36 {offsets = [7], sizes = [1], strides = [1]} : vector<16xi32> to vector<1xi32>
      %squeeze3A_467 = vector.extract %slice3A_466[0] : i32 from vector<1xi32>
      %add3A_468 = arith.constant 7 : i32
      %add3A_469 = arith.addi %select_n3A_47, %add3A_468 : i32
      %get3A_470 = arith.index_cast %add3A_469 : i32 to index
      %get3A_471 = arith.constant 0 : index
      %get3A_472 = tpu.vector_load %arg9[%get3A_470, %get3A_471] {strides = array<i32>} : memref<320x128xf32, #tpu.memory_space<vmem>>, vector<16xf32>,
      %add3A_473 = arith.constant 0 : i32
      %add3A_474 = arith.addi %squeeze3A_467, %add3A_473 : i32
      %swap3A_475 = arith.index_cast %add3A_474 : i32 to index
      %swap3A_476 = tpu.vector_load %arg6[%swap3A_475] {strides = array<i32>} : memref<32896xf32, #tpu.memory_space<vmem>>, vector<16xf32>,
      tpu.vector_store %arg6[%swap3A_475], %get3A_472 {add = true, strides = array<i32>} : memref<32896xf32, #tpu.memory_space<vmem>>, vector<16xf32>,
      %get3A_477 = arith.index_cast %add3A_469 : i32 to index
      %get3A_478 = arith.constant 16 : index
      %get3A_479 = tpu.vector_load %arg9[%get3A_477, %get3A_478] {strides = array<i32>} : memref<320x128xf32, #tpu.memory_space<vmem>>, vector<16xf32>,
      %add3A_480 = arith.constant 16 : i32
      %add3A_481 = arith.addi %squeeze3A_467, %add3A_480 : i32
      %swap3A_482 = arith.index_cast %add3A_481 : i32 to index
      %swap3A_483 = tpu.vector_load %arg6[%swap3A_482] {strides = array<i32>} : memref<32896xf32, #tpu.memory_space<vmem>>, vector<16xf32>,
      tpu.vector_store %arg6[%swap3A_482], %get3A_479 {add = true, strides = array<i32>} : memref<32896xf32, #tpu.memory_space<vmem>>, vector<16xf32>,
      %get3A_484 = arith.index_cast %add3A_469 : i32 to index
      %get3A_485 = arith.constant 32 : index
      %get3A_486 = tpu.vector_load %arg9[%get3A_484, %get3A_485] {strides = array<i32>} : memref<320x128xf32, #tpu.memory_space<vmem>>, vector<16xf32>,
      %add3A_487 = arith.constant 32 : i32
      %add3A_488 = arith.addi %squeeze3A_467, %add3A_487 : i32
      %swap3A_489 = arith.index_cast %add3A_488 : i32 to index
      %swap3A_490 = tpu.vector_load %arg6[%swap3A_489] {strides = array<i32>} : memref<32896xf32, #tpu.memory_space<vmem>>, vector<16xf32>,
      tpu.vector_store %arg6[%swap3A_489], %get3A_486 {add = true, strides = array<i32>} : memref<32896xf32, #tpu.memory_space<vmem>>, vector<16xf32>,
      %get3A_491 = arith.index_cast %add3A_469 : i32 to index
      %get3A_492 = arith.constant 48 : index
      %get3A_493 = tpu.vector_load %arg9[%get3A_491, %get3A_492] {strides = array<i32>} : memref<320x128xf32, #tpu.memory_space<vmem>>, vector<16xf32>,
      %add3A_494 = arith.constant 48 : i32
      %add3A_495 = arith.addi %squeeze3A_467, %add3A_494 : i32
      %swap3A_496 = arith.index_cast %add3A_495 : i32 to index
      %swap3A_497 = tpu.vector_load %arg6[%swap3A_496] {strides = array<i32>} : memref<32896xf32, #tpu.memory_space<vmem>>, vector<16xf32>,
      tpu.vector_store %arg6[%swap3A_496], %get3A_493 {add = true, strides = array<i32>} : memref<32896xf32, #tpu.memory_space<vmem>>, vector<16xf32>,
      %get3A_498 = arith.index_cast %add3A_469 : i32 to index
      %get3A_499 = arith.constant 64 : index
      %get3A_500 = tpu.vector_load %arg9[%get3A_498, %get3A_499] {strides = array<i32>} : memref<320x128xf32, #tpu.memory_space<vmem>>, vector<16xf32>,
      %add3A_501 = arith.constant 64 : i32
      %add3A_502 = arith.addi %squeeze3A_467, %add3A_501 : i32
      %swap3A_503 = arith.index_cast %add3A_502 : i32 to index
      %swap3A_504 = tpu.vector_load %arg6[%swap3A_503] {strides = array<i32>} : memref<32896xf32, #tpu.memory_space<vmem>>, vector<16xf32>,
      tpu.vector_store %arg6[%swap3A_503], %get3A_500 {add = true, strides = array<i32>} : memref<32896xf32, #tpu.memory_space<vmem>>, vector<16xf32>,
      %get3A_505 = arith.index_cast %add3A_469 : i32 to index
      %get3A_506 = arith.constant 80 : index
      %get3A_507 = tpu.vector_load %arg9[%get3A_505, %get3A_506] {strides = array<i32>} : memref<320x128xf32, #tpu.memory_space<vmem>>, vector<16xf32>,
      %add3A_508 = arith.constant 80 : i32
      %add3A_509 = arith.addi %squeeze3A_467, %add3A_508 : i32
      %swap3A_510 = arith.index_cast %add3A_509 : i32 to index
      %swap3A_511 = tpu.vector_load %arg6[%swap3A_510] {strides = array<i32>} : memref<32896xf32, #tpu.memory_space<vmem>>, vector<16xf32>,
      tpu.vector_store %arg6[%swap3A_510], %get3A_507 {add = true, strides = array<i32>} : memref<32896xf32, #tpu.memory_space<vmem>>, vector<16xf32>,
      %get3A_512 = arith.index_cast %add3A_469 : i32 to index
      %get3A_513 = arith.constant 96 : index
      %get3A_514 = tpu.vector_load %arg9[%get3A_512, %get3A_513] {strides = array<i32>} : memref<320x128xf32, #tpu.memory_space<vmem>>, vector<16xf32>,
      %add3A_515 = arith.constant 96 : i32
      %add3A_516 = arith.addi %squeeze3A_467, %add3A_515 : i32
      %swap3A_517 = arith.index_cast %add3A_516 : i32 to index
      %swap3A_518 = tpu.vector_load %arg6[%swap3A_517] {strides = array<i32>} : memref<32896xf32, #tpu.memory_space<vmem>>, vector<16xf32>,
      tpu.vector_store %arg6[%swap3A_517], %get3A_514 {add = true, strides = array<i32>} : memref<32896xf32, #tpu.memory_space<vmem>>, vector<16xf32>,
      %get3A_519 = arith.index_cast %add3A_469 : i32 to index
      %get3A_520 = arith.constant 112 : index
      %get3A_521 = tpu.vector_load %arg9[%get3A_519, %get3A_520] {strides = array<i32>} : memref<320x128xf32, #tpu.memory_space<vmem>>, vector<16xf32>,
      %add3A_522 = arith.constant 112 : i32
      %add3A_523 = arith.addi %squeeze3A_467, %add3A_522 : i32
      %swap3A_524 = arith.index_cast %add3A_523 : i32 to index
      %swap3A_525 = tpu.vector_load %arg6[%swap3A_524] {strides = array<i32>} : memref<32896xf32, #tpu.memory_space<vmem>>, vector<16xf32>,
      tpu.vector_store %arg6[%swap3A_524], %get3A_521 {add = true, strides = array<i32>} : memref<32896xf32, #tpu.memory_space<vmem>>, vector<16xf32>,
      %slice3A_526 = vector.extract_strided_slice %mul3A_36 {offsets = [8], sizes = [1], strides = [1]} : vector<16xi32> to vector<1xi32>
      %squeeze3A_527 = vector.extract %slice3A_526[0] : i32 from vector<1xi32>
      %add3A_528 = arith.constant 8 : i32
      %add3A_529 = arith.addi %select_n3A_47, %add3A_528 : i32
      %get3A_530 = arith.index_cast %add3A_529 : i32 to index
      %get3A_531 = arith.constant 0 : index
      %get3A_532 = tpu.vector_load %arg9[%get3A_530, %get3A_531] {strides = array<i32>} : memref<320x128xf32, #tpu.memory_space<vmem>>, vector<16xf32>,
      %add3A_533 = arith.constant 0 : i32
      %add3A_534 = arith.addi %squeeze3A_527, %add3A_533 : i32
      %swap3A_535 = arith.index_cast %add3A_534 : i32 to index
      %swap3A_536 = tpu.vector_load %arg6[%swap3A_535] {strides = array<i32>} : memref<32896xf32, #tpu.memory_space<vmem>>, vector<16xf32>,
      tpu.vector_store %arg6[%swap3A_535], %get3A_532 {add = true, strides = array<i32>} : memref<32896xf32, #tpu.memory_space<vmem>>, vector<16xf32>,
      %get3A_537 = arith.index_cast %add3A_529 : i32 to index
      %get3A_538 = arith.constant 16 : index
      %get3A_539 = tpu.vector_load %arg9[%get3A_537, %get3A_538] {strides = array<i32>} : memref<320x128xf32, #tpu.memory_space<vmem>>, vector<16xf32>,
      %add3A_540 = arith.constant 16 : i32
      %add3A_541 = arith.addi %squeeze3A_527, %add3A_540 : i32
      %swap3A_542 = arith.index_cast %add3A_541 : i32 to index
      %swap3A_543 = tpu.vector_load %arg6[%swap3A_542] {strides = array<i32>} : memref<32896xf32, #tpu.memory_space<vmem>>, vector<16xf32>,
      tpu.vector_store %arg6[%swap3A_542], %get3A_539 {add = true, strides = array<i32>} : memref<32896xf32, #tpu.memory_space<vmem>>, vector<16xf32>,
      %get3A_544 = arith.index_cast %add3A_529 : i32 to index
      %get3A_545 = arith.constant 32 : index
      %get3A_546 = tpu.vector_load %arg9[%get3A_544, %get3A_545] {strides = array<i32>} : memref<320x128xf32, #tpu.memory_space<vmem>>, vector<16xf32>,
      %add3A_547 = arith.constant 32 : i32
      %add3A_548 = arith.addi %squeeze3A_527, %add3A_547 : i32
      %swap3A_549 = arith.index_cast %add3A_548 : i32 to index
      %swap3A_550 = tpu.vector_load %arg6[%swap3A_549] {strides = array<i32>} : memref<32896xf32, #tpu.memory_space<vmem>>, vector<16xf32>,
      tpu.vector_store %arg6[%swap3A_549], %get3A_546 {add = true, strides = array<i32>} : memref<32896xf32, #tpu.memory_space<vmem>>, vector<16xf32>,
      %get3A_551 = arith.index_cast %add3A_529 : i32 to index
      %get3A_552 = arith.constant 48 : index
      %get3A_553 = tpu.vector_load %arg9[%get3A_551, %get3A_552] {strides = array<i32>} : memref<320x128xf32, #tpu.memory_space<vmem>>, vector<16xf32>,
      %add3A_554 = arith.constant 48 : i32
      %add3A_555 = arith.addi %squeeze3A_527, %add3A_554 : i32
      %swap3A_556 = arith.index_cast %add3A_555 : i32 to index
      %swap3A_557 = tpu.vector_load %arg6[%swap3A_556] {strides = array<i32>} : memref<32896xf32, #tpu.memory_space<vmem>>, vector<16xf32>,
      tpu.vector_store %arg6[%swap3A_556], %get3A_553 {add = true, strides = array<i32>} : memref<32896xf32, #tpu.memory_space<vmem>>, vector<16xf32>,
      %get3A_558 = arith.index_cast %add3A_529 : i32 to index
      %get3A_559 = arith.constant 64 : index
      %get3A_560 = tpu.vector_load %arg9[%get3A_558, %get3A_559] {strides = array<i32>} : memref<320x128xf32, #tpu.memory_space<vmem>>, vector<16xf32>,
      %add3A_561 = arith.constant 64 : i32
      %add3A_562 = arith.addi %squeeze3A_527, %add3A_561 : i32
      %swap3A_563 = arith.index_cast %add3A_562 : i32 to index
      %swap3A_564 = tpu.vector_load %arg6[%swap3A_563] {strides = array<i32>} : memref<32896xf32, #tpu.memory_space<vmem>>, vector<16xf32>,
      tpu.vector_store %arg6[%swap3A_563], %get3A_560 {add = true, strides = array<i32>} : memref<32896xf32, #tpu.memory_space<vmem>>, vector<16xf32>,
      %get3A_565 = arith.index_cast %add3A_529 : i32 to index
      %get3A_566 = arith.constant 80 : index
      %get3A_567 = tpu.vector_load %arg9[%get3A_565, %get3A_566] {strides = array<i32>} : memref<320x128xf32, #tpu.memory_space<vmem>>, vector<16xf32>,
      %add3A_568 = arith.constant 80 : i32
      %add3A_569 = arith.addi %squeeze3A_527, %add3A_568 : i32
      %swap3A_570 = arith.index_cast %add3A_569 : i32 to index
      %swap3A_571 = tpu.vector_load %arg6[%swap3A_570] {strides = array<i32>} : memref<32896xf32, #tpu.memory_space<vmem>>, vector<16xf32>,
      tpu.vector_store %arg6[%swap3A_570], %get3A_567 {add = true, strides = array<i32>} : memref<32896xf32, #tpu.memory_space<vmem>>, vector<16xf32>,
      %get3A_572 = arith.index_cast %add3A_529 : i32 to index
      %get3A_573 = arith.constant 96 : index
      %get3A_574 = tpu.vector_load %arg9[%get3A_572, %get3A_573] {strides = array<i32>} : memref<320x128xf32, #tpu.memory_space<vmem>>, vector<16xf32>,
      %add3A_575 = arith.constant 96 : i32
      %add3A_576 = arith.addi %squeeze3A_527, %add3A_575 : i32
      %swap3A_577 = arith.index_cast %add3A_576 : i32 to index
      %swap3A_578 = tpu.vector_load %arg6[%swap3A_577] {strides = array<i32>} : memref<32896xf32, #tpu.memory_space<vmem>>, vector<16xf32>,
      tpu.vector_store %arg6[%swap3A_577], %get3A_574 {add = true, strides = array<i32>} : memref<32896xf32, #tpu.memory_space<vmem>>, vector<16xf32>,
      %get3A_579 = arith.index_cast %add3A_529 : i32 to index
      %get3A_580 = arith.constant 112 : index
      %get3A_581 = tpu.vector_load %arg9[%get3A_579, %get3A_580] {strides = array<i32>} : memref<320x128xf32, #tpu.memory_space<vmem>>, vector<16xf32>,
      %add3A_582 = arith.constant 112 : i32
      %add3A_583 = arith.addi %squeeze3A_527, %add3A_582 : i32
      %swap3A_584 = arith.index_cast %add3A_583 : i32 to index
      %swap3A_585 = tpu.vector_load %arg6[%swap3A_584] {strides = array<i32>} : memref<32896xf32, #tpu.memory_space<vmem>>, vector<16xf32>,
      tpu.vector_store %arg6[%swap3A_584], %get3A_581 {add = true, strides = array<i32>} : memref<32896xf32, #tpu.memory_space<vmem>>, vector<16xf32>,
      %slice3A_586 = vector.extract_strided_slice %mul3A_36 {offsets = [9], sizes = [1], strides = [1]} : vector<16xi32> to vector<1xi32>
      %squeeze3A_587 = vector.extract %slice3A_586[0] : i32 from vector<1xi32>
      %add3A_588 = arith.constant 9 : i32
      %add3A_589 = arith.addi %select_n3A_47, %add3A_588 : i32
      %get3A_590 = arith.index_cast %add3A_589 : i32 to index
      %get3A_591 = arith.constant 0 : index
      %get3A_592 = tpu.vector_load %arg9[%get3A_590, %get3A_591] {strides = array<i32>} : memref<320x128xf32, #tpu.memory_space<vmem>>, vector<16xf32>,
      %add3A_593 = arith.constant 0 : i32
      %add3A_594 = arith.addi %squeeze3A_587, %add3A_593 : i32
      %swap3A_595 = arith.index_cast %add3A_594 : i32 to index
      %swap3A_596 = tpu.vector_load %arg6[%swap3A_595] {strides = array<i32>} : memref<32896xf32, #tpu.memory_space<vmem>>, vector<16xf32>,
      tpu.vector_store %arg6[%swap3A_595], %get3A_592 {add = true, strides = array<i32>} : memref<32896xf32, #tpu.memory_space<vmem>>, vector<16xf32>,
      %get3A_597 = arith.index_cast %add3A_589 : i32 to index
      %get3A_598 = arith.constant 16 : index
      %get3A_599 = tpu.vector_load %arg9[%get3A_597, %get3A_598] {strides = array<i32>} : memref<320x128xf32, #tpu.memory_space<vmem>>, vector<16xf32>,
      %add3A_600 = arith.constant 16 : i32
      %add3A_601 = arith.addi %squeeze3A_587, %add3A_600 : i32
      %swap3A_602 = arith.index_cast %add3A_601 : i32 to index
      %swap3A_603 = tpu.vector_load %arg6[%swap3A_602] {strides = array<i32>} : memref<32896xf32, #tpu.memory_space<vmem>>, vector<16xf32>,
      tpu.vector_store %arg6[%swap3A_602], %get3A_599 {add = true, strides = array<i32>} : memref<32896xf32, #tpu.memory_space<vmem>>, vector<16xf32>,
      %get3A_604 = arith.index_cast %add3A_589 : i32 to index
      %get3A_605 = arith.constant 32 : index
      %get3A_606 = tpu.vector_load %arg9[%get3A_604, %get3A_605] {strides = array<i32>} : memref<320x128xf32, #tpu.memory_space<vmem>>, vector<16xf32>,
      %add3A_607 = arith.constant 32 : i32
      %add3A_608 = arith.addi %squeeze3A_587, %add3A_607 : i32
      %swap3A_609 = arith.index_cast %add3A_608 : i32 to index
      %swap3A_610 = tpu.vector_load %arg6[%swap3A_609] {strides = array<i32>} : memref<32896xf32, #tpu.memory_space<vmem>>, vector<16xf32>,
      tpu.vector_store %arg6[%swap3A_609], %get3A_606 {add = true, strides = array<i32>} : memref<32896xf32, #tpu.memory_space<vmem>>, vector<16xf32>,
      %get3A_611 = arith.index_cast %add3A_589 : i32 to index
      %get3A_612 = arith.constant 48 : index
      %get3A_613 = tpu.vector_load %arg9[%get3A_611, %get3A_612] {strides = array<i32>} : memref<320x128xf32, #tpu.memory_space<vmem>>, vector<16xf32>,
      %add3A_614 = arith.constant 48 : i32
      %add3A_615 = arith.addi %squeeze3A_587, %add3A_614 : i32
      %swap3A_616 = arith.index_cast %add3A_615 : i32 to index
      %swap3A_617 = tpu.vector_load %arg6[%swap3A_616] {strides = array<i32>} : memref<32896xf32, #tpu.memory_space<vmem>>, vector<16xf32>,
      tpu.vector_store %arg6[%swap3A_616], %get3A_613 {add = true, strides = array<i32>} : memref<32896xf32, #tpu.memory_space<vmem>>, vector<16xf32>,
      %get3A_618 = arith.index_cast %add3A_589 : i32 to index
      %get3A_619 = arith.constant 64 : index
      %get3A_620 = tpu.vector_load %arg9[%get3A_618, %get3A_619] {strides = array<i32>} : memref<320x128xf32, #tpu.memory_space<vmem>>, vector<16xf32>,
      %add3A_621 = arith.constant 64 : i32
      %add3A_622 = arith.addi %squeeze3A_587, %add3A_621 : i32
      %swap3A_623 = arith.index_cast %add3A_622 : i32 to index
      %swap3A_624 = tpu.vector_load %arg6[%swap3A_623] {strides = array<i32>} : memref<32896xf32, #tpu.memory_space<vmem>>, vector<16xf32>,
      tpu.vector_store %arg6[%swap3A_623], %get3A_620 {add = true, strides = array<i32>} : memref<32896xf32, #tpu.memory_space<vmem>>, vector<16xf32>,
      %get3A_625 = arith.index_cast %add3A_589 : i32 to index
      %get3A_626 = arith.constant 80 : index
      %get3A_627 = tpu.vector_load %arg9[%get3A_625, %get3A_626] {strides = array<i32>} : memref<320x128xf32, #tpu.memory_space<vmem>>, vector<16xf32>,
      %add3A_628 = arith.constant 80 : i32
      %add3A_629 = arith.addi %squeeze3A_587, %add3A_628 : i32
      %swap3A_630 = arith.index_cast %add3A_629 : i32 to index
      %swap3A_631 = tpu.vector_load %arg6[%swap3A_630] {strides = array<i32>} : memref<32896xf32, #tpu.memory_space<vmem>>, vector<16xf32>,
      tpu.vector_store %arg6[%swap3A_630], %get3A_627 {add = true, strides = array<i32>} : memref<32896xf32, #tpu.memory_space<vmem>>, vector<16xf32>,
      %get3A_632 = arith.index_cast %add3A_589 : i32 to index
      %get3A_633 = arith.constant 96 : index
      %get3A_634 = tpu.vector_load %arg9[%get3A_632, %get3A_633] {strides = array<i32>} : memref<320x128xf32, #tpu.memory_space<vmem>>, vector<16xf32>,
      %add3A_635 = arith.constant 96 : i32
      %add3A_636 = arith.addi %squeeze3A_587, %add3A_635 : i32
      %swap3A_637 = arith.index_cast %add3A_636 : i32 to index
      %swap3A_638 = tpu.vector_load %arg6[%swap3A_637] {strides = array<i32>} : memref<32896xf32, #tpu.memory_space<vmem>>, vector<16xf32>,
      tpu.vector_store %arg6[%swap3A_637], %get3A_634 {add = true, strides = array<i32>} : memref<32896xf32, #tpu.memory_space<vmem>>, vector<16xf32>,
      %get3A_639 = arith.index_cast %add3A_589 : i32 to index
      %get3A_640 = arith.constant 112 : index
      %get3A_641 = tpu.vector_load %arg9[%get3A_639, %get3A_640] {strides = array<i32>} : memref<320x128xf32, #tpu.memory_space<vmem>>, vector<16xf32>,
      %add3A_642 = arith.constant 112 : i32
      %add3A_643 = arith.addi %squeeze3A_587, %add3A_642 : i32
      %swap3A_644 = arith.index_cast %add3A_643 : i32 to index
      %swap3A_645 = tpu.vector_load %arg6[%swap3A_644] {strides = array<i32>} : memref<32896xf32, #tpu.memory_space<vmem>>, vector<16xf32>,
      tpu.vector_store %arg6[%swap3A_644], %get3A_641 {add = true, strides = array<i32>} : memref<32896xf32, #tpu.memory_space<vmem>>, vector<16xf32>,
      %slice3A_646 = vector.extract_strided_slice %mul3A_36 {offsets = [10], sizes = [1], strides = [1]} : vector<16xi32> to vector<1xi32>
      %squeeze3A_647 = vector.extract %slice3A_646[0] : i32 from vector<1xi32>
      %add3A_648 = arith.constant 10 : i32
      %add3A_649 = arith.addi %select_n3A_47, %add3A_648 : i32
      %get3A_650 = arith.index_cast %add3A_649 : i32 to index
      %get3A_651 = arith.constant 0 : index
      %get3A_652 = tpu.vector_load %arg9[%get3A_650, %get3A_651] {strides = array<i32>} : memref<320x128xf32, #tpu.memory_space<vmem>>, vector<16xf32>,
      %add3A_653 = arith.constant 0 : i32
      %add3A_654 = arith.addi %squeeze3A_647, %add3A_653 : i32
      %swap3A_655 = arith.index_cast %add3A_654 : i32 to index
      %swap3A_656 = tpu.vector_load %arg6[%swap3A_655] {strides = array<i32>} : memref<32896xf32, #tpu.memory_space<vmem>>, vector<16xf32>,
      tpu.vector_store %arg6[%swap3A_655], %get3A_652 {add = true, strides = array<i32>} : memref<32896xf32, #tpu.memory_space<vmem>>, vector<16xf32>,
      %get3A_657 = arith.index_cast %add3A_649 : i32 to index
      %get3A_658 = arith.constant 16 : index
      %get3A_659 = tpu.vector_load %arg9[%get3A_657, %get3A_658] {strides = array<i32>} : memref<320x128xf32, #tpu.memory_space<vmem>>, vector<16xf32>,
      %add3A_660 = arith.constant 16 : i32
      %add3A_661 = arith.addi %squeeze3A_647, %add3A_660 : i32
      %swap3A_662 = arith.index_cast %add3A_661 : i32 to index
      %swap3A_663 = tpu.vector_load %arg6[%swap3A_662] {strides = array<i32>} : memref<32896xf32, #tpu.memory_space<vmem>>, vector<16xf32>,
      tpu.vector_store %arg6[%swap3A_662], %get3A_659 {add = true, strides = array<i32>} : memref<32896xf32, #tpu.memory_space<vmem>>, vector<16xf32>,
      %get3A_664 = arith.index_cast %add3A_649 : i32 to index
      %get3A_665 = arith.constant 32 : index
      %get3A_666 = tpu.vector_load %arg9[%get3A_664, %get3A_665] {strides = array<i32>} : memref<320x128xf32, #tpu.memory_space<vmem>>, vector<16xf32>,
      %add3A_667 = arith.constant 32 : i32
      %add3A_668 = arith.addi %squeeze3A_647, %add3A_667 : i32
      %swap3A_669 = arith.index_cast %add3A_668 : i32 to index
      %swap3A_670 = tpu.vector_load %arg6[%swap3A_669] {strides = array<i32>} : memref<32896xf32, #tpu.memory_space<vmem>>, vector<16xf32>,
      tpu.vector_store %arg6[%swap3A_669], %get3A_666 {add = true, strides = array<i32>} : memref<32896xf32, #tpu.memory_space<vmem>>, vector<16xf32>,
      %get3A_671 = arith.index_cast %add3A_649 : i32 to index
      %get3A_672 = arith.constant 48 : index
      %get3A_673 = tpu.vector_load %arg9[%get3A_671, %get3A_672] {strides = array<i32>} : memref<320x128xf32, #tpu.memory_space<vmem>>, vector<16xf32>,
      %add3A_674 = arith.constant 48 : i32
      %add3A_675 = arith.addi %squeeze3A_647, %add3A_674 : i32
      %swap3A_676 = arith.index_cast %add3A_675 : i32 to index
      %swap3A_677 = tpu.vector_load %arg6[%swap3A_676] {strides = array<i32>} : memref<32896xf32, #tpu.memory_space<vmem>>, vector<16xf32>,
      tpu.vector_store %arg6[%swap3A_676], %get3A_673 {add = true, strides = array<i32>} : memref<32896xf32, #tpu.memory_space<vmem>>, vector<16xf32>,
      %get3A_678 = arith.index_cast %add3A_649 : i32 to index
      %get3A_679 = arith.constant 64 : index
      %get3A_680 = tpu.vector_load %arg9[%get3A_678, %get3A_679] {strides = array<i32>} : memref<320x128xf32, #tpu.memory_space<vmem>>, vector<16xf32>,
      %add3A_681 = arith.constant 64 : i32
      %add3A_682 = arith.addi %squeeze3A_647, %add3A_681 : i32
      %swap3A_683 = arith.index_cast %add3A_682 : i32 to index
      %swap3A_684 = tpu.vector_load %arg6[%swap3A_683] {strides = array<i32>} : memref<32896xf32, #tpu.memory_space<vmem>>, vector<16xf32>,
      tpu.vector_store %arg6[%swap3A_683], %get3A_680 {add = true, strides = array<i32>} : memref<32896xf32, #tpu.memory_space<vmem>>, vector<16xf32>,
      %get3A_685 = arith.index_cast %add3A_649 : i32 to index
      %get3A_686 = arith.constant 80 : index
      %get3A_687 = tpu.vector_load %arg9[%get3A_685, %get3A_686] {strides = array<i32>} : memref<320x128xf32, #tpu.memory_space<vmem>>, vector<16xf32>,
      %add3A_688 = arith.constant 80 : i32
      %add3A_689 = arith.addi %squeeze3A_647, %add3A_688 : i32
      %swap3A_690 = arith.index_cast %add3A_689 : i32 to index
      %swap3A_691 = tpu.vector_load %arg6[%swap3A_690] {strides = array<i32>} : memref<32896xf32, #tpu.memory_space<vmem>>, vector<16xf32>,
      tpu.vector_store %arg6[%swap3A_690], %get3A_687 {add = true, strides = array<i32>} : memref<32896xf32, #tpu.memory_space<vmem>>, vector<16xf32>,
      %get3A_692 = arith.index_cast %add3A_649 : i32 to index
      %get3A_693 = arith.constant 96 : index
      %get3A_694 = tpu.vector_load %arg9[%get3A_692, %get3A_693] {strides = array<i32>} : memref<320x128xf32, #tpu.memory_space<vmem>>, vector<16xf32>,
      %add3A_695 = arith.constant 96 : i32
      %add3A_696 = arith.addi %squeeze3A_647, %add3A_695 : i32
      %swap3A_697 = arith.index_cast %add3A_696 : i32 to index
      %swap3A_698 = tpu.vector_load %arg6[%swap3A_697] {strides = array<i32>} : memref<32896xf32, #tpu.memory_space<vmem>>, vector<16xf32>,
      tpu.vector_store %arg6[%swap3A_697], %get3A_694 {add = true, strides = array<i32>} : memref<32896xf32, #tpu.memory_space<vmem>>, vector<16xf32>,
      %get3A_699 = arith.index_cast %add3A_649 : i32 to index
      %get3A_700 = arith.constant 112 : index
      %get3A_701 = tpu.vector_load %arg9[%get3A_699, %get3A_700] {strides = array<i32>} : memref<320x128xf32, #tpu.memory_space<vmem>>, vector<16xf32>,
      %add3A_702 = arith.constant 112 : i32
      %add3A_703 = arith.addi %squeeze3A_647, %add3A_702 : i32
      %swap3A_704 = arith.index_cast %add3A_703 : i32 to index
      %swap3A_705 = tpu.vector_load %arg6[%swap3A_704] {strides = array<i32>} : memref<32896xf32, #tpu.memory_space<vmem>>, vector<16xf32>,
      tpu.vector_store %arg6[%swap3A_704], %get3A_701 {add = true, strides = array<i32>} : memref<32896xf32, #tpu.memory_space<vmem>>, vector<16xf32>,
      %slice3A_706 = vector.extract_strided_slice %mul3A_36 {offsets = [11], sizes = [1], strides = [1]} : vector<16xi32> to vector<1xi32>
      %squeeze3A_707 = vector.extract %slice3A_706[0] : i32 from vector<1xi32>
      %add3A_708 = arith.constant 11 : i32
      %add3A_709 = arith.addi %select_n3A_47, %add3A_708 : i32
      %get3A_710 = arith.index_cast %add3A_709 : i32 to index
      %get3A_711 = arith.constant 0 : index
      %get3A_712 = tpu.vector_load %arg9[%get3A_710, %get3A_711] {strides = array<i32>} : memref<320x128xf32, #tpu.memory_space<vmem>>, vector<16xf32>,
      %add3A_713 = arith.constant 0 : i32
      %add3A_714 = arith.addi %squeeze3A_707, %add3A_713 : i32
      %swap3A_715 = arith.index_cast %add3A_714 : i32 to index
      %swap3A_716 = tpu.vector_load %arg6[%swap3A_715] {strides = array<i32>} : memref<32896xf32, #tpu.memory_space<vmem>>, vector<16xf32>,
      tpu.vector_store %arg6[%swap3A_715], %get3A_712 {add = true, strides = array<i32>} : memref<32896xf32, #tpu.memory_space<vmem>>, vector<16xf32>,
      %get3A_717 = arith.index_cast %add3A_709 : i32 to index
      %get3A_718 = arith.constant 16 : index
      %get3A_719 = tpu.vector_load %arg9[%get3A_717, %get3A_718] {strides = array<i32>} : memref<320x128xf32, #tpu.memory_space<vmem>>, vector<16xf32>,
      %add3A_720 = arith.constant 16 : i32
      %add3A_721 = arith.addi %squeeze3A_707, %add3A_720 : i32
      %swap3A_722 = arith.index_cast %add3A_721 : i32 to index
      %swap3A_723 = tpu.vector_load %arg6[%swap3A_722] {strides = array<i32>} : memref<32896xf32, #tpu.memory_space<vmem>>, vector<16xf32>,
      tpu.vector_store %arg6[%swap3A_722], %get3A_719 {add = true, strides = array<i32>} : memref<32896xf32, #tpu.memory_space<vmem>>, vector<16xf32>,
      %get3A_724 = arith.index_cast %add3A_709 : i32 to index
      %get3A_725 = arith.constant 32 : index
      %get3A_726 = tpu.vector_load %arg9[%get3A_724, %get3A_725] {strides = array<i32>} : memref<320x128xf32, #tpu.memory_space<vmem>>, vector<16xf32>,
      %add3A_727 = arith.constant 32 : i32
      %add3A_728 = arith.addi %squeeze3A_707, %add3A_727 : i32
      %swap3A_729 = arith.index_cast %add3A_728 : i32 to index
      %swap3A_730 = tpu.vector_load %arg6[%swap3A_729] {strides = array<i32>} : memref<32896xf32, #tpu.memory_space<vmem>>, vector<16xf32>,
      tpu.vector_store %arg6[%swap3A_729], %get3A_726 {add = true, strides = array<i32>} : memref<32896xf32, #tpu.memory_space<vmem>>, vector<16xf32>,
      %get3A_731 = arith.index_cast %add3A_709 : i32 to index
      %get3A_732 = arith.constant 48 : index
      %get3A_733 = tpu.vector_load %arg9[%get3A_731, %get3A_732] {strides = array<i32>} : memref<320x128xf32, #tpu.memory_space<vmem>>, vector<16xf32>,
      %add3A_734 = arith.constant 48 : i32
      %add3A_735 = arith.addi %squeeze3A_707, %add3A_734 : i32
      %swap3A_736 = arith.index_cast %add3A_735 : i32 to index
      %swap3A_737 = tpu.vector_load %arg6[%swap3A_736] {strides = array<i32>} : memref<32896xf32, #tpu.memory_space<vmem>>, vector<16xf32>,
      tpu.vector_store %arg6[%swap3A_736], %get3A_733 {add = true, strides = array<i32>} : memref<32896xf32, #tpu.memory_space<vmem>>, vector<16xf32>,
      %get3A_738 = arith.index_cast %add3A_709 : i32 to index
      %get3A_739 = arith.constant 64 : index
      %get3A_740 = tpu.vector_load %arg9[%get3A_738, %get3A_739] {strides = array<i32>} : memref<320x128xf32, #tpu.memory_space<vmem>>, vector<16xf32>,
      %add3A_741 = arith.constant 64 : i32
      %add3A_742 = arith.addi %squeeze3A_707, %add3A_741 : i32
      %swap3A_743 = arith.index_cast %add3A_742 : i32 to index
      %swap3A_744 = tpu.vector_load %arg6[%swap3A_743] {strides = array<i32>} : memref<32896xf32, #tpu.memory_space<vmem>>, vector<16xf32>,
      tpu.vector_store %arg6[%swap3A_743], %get3A_740 {add = true, strides = array<i32>} : memref<32896xf32, #tpu.memory_space<vmem>>, vector<16xf32>,
      %get3A_745 = arith.index_cast %add3A_709 : i32 to index
      %get3A_746 = arith.constant 80 : index
      %get3A_747 = tpu.vector_load %arg9[%get3A_745, %get3A_746] {strides = array<i32>} : memref<320x128xf32, #tpu.memory_space<vmem>>, vector<16xf32>,
      %add3A_748 = arith.constant 80 : i32
      %add3A_749 = arith.addi %squeeze3A_707, %add3A_748 : i32
      %swap3A_750 = arith.index_cast %add3A_749 : i32 to index
      %swap3A_751 = tpu.vector_load %arg6[%swap3A_750] {strides = array<i32>} : memref<32896xf32, #tpu.memory_space<vmem>>, vector<16xf32>,
      tpu.vector_store %arg6[%swap3A_750], %get3A_747 {add = true, strides = array<i32>} : memref<32896xf32, #tpu.memory_space<vmem>>, vector<16xf32>,
      %get3A_752 = arith.index_cast %add3A_709 : i32 to index
      %get3A_753 = arith.constant 96 : index
      %get3A_754 = tpu.vector_load %arg9[%get3A_752, %get3A_753] {strides = array<i32>} : memref<320x128xf32, #tpu.memory_space<vmem>>, vector<16xf32>,
      %add3A_755 = arith.constant 96 : i32
      %add3A_756 = arith.addi %squeeze3A_707, %add3A_755 : i32
      %swap3A_757 = arith.index_cast %add3A_756 : i32 to index
      %swap3A_758 = tpu.vector_load %arg6[%swap3A_757] {strides = array<i32>} : memref<32896xf32, #tpu.memory_space<vmem>>, vector<16xf32>,
      tpu.vector_store %arg6[%swap3A_757], %get3A_754 {add = true, strides = array<i32>} : memref<32896xf32, #tpu.memory_space<vmem>>, vector<16xf32>,
      %get3A_759 = arith.index_cast %add3A_709 : i32 to index
      %get3A_760 = arith.constant 112 : index
      %get3A_761 = tpu.vector_load %arg9[%get3A_759, %get3A_760] {strides = array<i32>} : memref<320x128xf32, #tpu.memory_space<vmem>>, vector<16xf32>,
      %add3A_762 = arith.constant 112 : i32
      %add3A_763 = arith.addi %squeeze3A_707, %add3A_762 : i32
      %swap3A_764 = arith.index_cast %add3A_763 : i32 to index
      %swap3A_765 = tpu.vector_load %arg6[%swap3A_764] {strides = array<i32>} : memref<32896xf32, #tpu.memory_space<vmem>>, vector<16xf32>,
      tpu.vector_store %arg6[%swap3A_764], %get3A_761 {add = true, strides = array<i32>} : memref<32896xf32, #tpu.memory_space<vmem>>, vector<16xf32>,
      %slice3A_766 = vector.extract_strided_slice %mul3A_36 {offsets = [12], sizes = [1], strides = [1]} : vector<16xi32> to vector<1xi32>
      %squeeze3A_767 = vector.extract %slice3A_766[0] : i32 from vector<1xi32>
      %add3A_768 = arith.constant 12 : i32
      %add3A_769 = arith.addi %select_n3A_47, %add3A_768 : i32
      %get3A_770 = arith.index_cast %add3A_769 : i32 to index
      %get3A_771 = arith.constant 0 : index
      %get3A_772 = tpu.vector_load %arg9[%get3A_770, %get3A_771] {strides = array<i32>} : memref<320x128xf32, #tpu.memory_space<vmem>>, vector<16xf32>,
      %add3A_773 = arith.constant 0 : i32
      %add3A_774 = arith.addi %squeeze3A_767, %add3A_773 : i32
      %swap3A_775 = arith.index_cast %add3A_774 : i32 to index
      %swap3A_776 = tpu.vector_load %arg6[%swap3A_775] {strides = array<i32>} : memref<32896xf32, #tpu.memory_space<vmem>>, vector<16xf32>,
      tpu.vector_store %arg6[%swap3A_775], %get3A_772 {add = true, strides = array<i32>} : memref<32896xf32, #tpu.memory_space<vmem>>, vector<16xf32>,
      %get3A_777 = arith.index_cast %add3A_769 : i32 to index
      %get3A_778 = arith.constant 16 : index
      %get3A_779 = tpu.vector_load %arg9[%get3A_777, %get3A_778] {strides = array<i32>} : memref<320x128xf32, #tpu.memory_space<vmem>>, vector<16xf32>,
      %add3A_780 = arith.constant 16 : i32
      %add3A_781 = arith.addi %squeeze3A_767, %add3A_780 : i32
      %swap3A_782 = arith.index_cast %add3A_781 : i32 to index
      %swap3A_783 = tpu.vector_load %arg6[%swap3A_782] {strides = array<i32>} : memref<32896xf32, #tpu.memory_space<vmem>>, vector<16xf32>,
      tpu.vector_store %arg6[%swap3A_782], %get3A_779 {add = true, strides = array<i32>} : memref<32896xf32, #tpu.memory_space<vmem>>, vector<16xf32>,
      %get3A_784 = arith.index_cast %add3A_769 : i32 to index
      %get3A_785 = arith.constant 32 : index
      %get3A_786 = tpu.vector_load %arg9[%get3A_784, %get3A_785] {strides = array<i32>} : memref<320x128xf32, #tpu.memory_space<vmem>>, vector<16xf32>,
      %add3A_787 = arith.constant 32 : i32
      %add3A_788 = arith.addi %squeeze3A_767, %add3A_787 : i32
      %swap3A_789 = arith.index_cast %add3A_788 : i32 to index
      %swap3A_790 = tpu.vector_load %arg6[%swap3A_789] {strides = array<i32>} : memref<32896xf32, #tpu.memory_space<vmem>>, vector<16xf32>,
      tpu.vector_store %arg6[%swap3A_789], %get3A_786 {add = true, strides = array<i32>} : memref<32896xf32, #tpu.memory_space<vmem>>, vector<16xf32>,
      %get3A_791 = arith.index_cast %add3A_769 : i32 to index
      %get3A_792 = arith.constant 48 : index
      %get3A_793 = tpu.vector_load %arg9[%get3A_791, %get3A_792] {strides = array<i32>} : memref<320x128xf32, #tpu.memory_space<vmem>>, vector<16xf32>,
      %add3A_794 = arith.constant 48 : i32
      %add3A_795 = arith.addi %squeeze3A_767, %add3A_794 : i32
      %swap3A_796 = arith.index_cast %add3A_795 : i32 to index
      %swap3A_797 = tpu.vector_load %arg6[%swap3A_796] {strides = array<i32>} : memref<32896xf32, #tpu.memory_space<vmem>>, vector<16xf32>,
      tpu.vector_store %arg6[%swap3A_796], %get3A_793 {add = true, strides = array<i32>} : memref<32896xf32, #tpu.memory_space<vmem>>, vector<16xf32>,
      %get3A_798 = arith.index_cast %add3A_769 : i32 to index
      %get3A_799 = arith.constant 64 : index
      %get3A_800 = tpu.vector_load %arg9[%get3A_798, %get3A_799] {strides = array<i32>} : memref<320x128xf32, #tpu.memory_space<vmem>>, vector<16xf32>,
      %add3A_801 = arith.constant 64 : i32
      %add3A_802 = arith.addi %squeeze3A_767, %add3A_801 : i32
      %swap3A_803 = arith.index_cast %add3A_802 : i32 to index
      %swap3A_804 = tpu.vector_load %arg6[%swap3A_803] {strides = array<i32>} : memref<32896xf32, #tpu.memory_space<vmem>>, vector<16xf32>,
      tpu.vector_store %arg6[%swap3A_803], %get3A_800 {add = true, strides = array<i32>} : memref<32896xf32, #tpu.memory_space<vmem>>, vector<16xf32>,
      %get3A_805 = arith.index_cast %add3A_769 : i32 to index
      %get3A_806 = arith.constant 80 : index
      %get3A_807 = tpu.vector_load %arg9[%get3A_805, %get3A_806] {strides = array<i32>} : memref<320x128xf32, #tpu.memory_space<vmem>>, vector<16xf32>,
      %add3A_808 = arith.constant 80 : i32
      %add3A_809 = arith.addi %squeeze3A_767, %add3A_808 : i32
      %swap3A_810 = arith.index_cast %add3A_809 : i32 to index
      %swap3A_811 = tpu.vector_load %arg6[%swap3A_810] {strides = array<i32>} : memref<32896xf32, #tpu.memory_space<vmem>>, vector<16xf32>,
      tpu.vector_store %arg6[%swap3A_810], %get3A_807 {add = true, strides = array<i32>} : memref<32896xf32, #tpu.memory_space<vmem>>, vector<16xf32>,
      %get3A_812 = arith.index_cast %add3A_769 : i32 to index
      %get3A_813 = arith.constant 96 : index
      %get3A_814 = tpu.vector_load %arg9[%get3A_812, %get3A_813] {strides = array<i32>} : memref<320x128xf32, #tpu.memory_space<vmem>>, vector<16xf32>,
      %add3A_815 = arith.constant 96 : i32
      %add3A_816 = arith.addi %squeeze3A_767, %add3A_815 : i32
      %swap3A_817 = arith.index_cast %add3A_816 : i32 to index
      %swap3A_818 = tpu.vector_load %arg6[%swap3A_817] {strides = array<i32>} : memref<32896xf32, #tpu.memory_space<vmem>>, vector<16xf32>,
      tpu.vector_store %arg6[%swap3A_817], %get3A_814 {add = true, strides = array<i32>} : memref<32896xf32, #tpu.memory_space<vmem>>, vector<16xf32>,
      %get3A_819 = arith.index_cast %add3A_769 : i32 to index
      %get3A_820 = arith.constant 112 : index
      %get3A_821 = tpu.vector_load %arg9[%get3A_819, %get3A_820] {strides = array<i32>} : memref<320x128xf32, #tpu.memory_space<vmem>>, vector<16xf32>,
      %add3A_822 = arith.constant 112 : i32
      %add3A_823 = arith.addi %squeeze3A_767, %add3A_822 : i32
      %swap3A_824 = arith.index_cast %add3A_823 : i32 to index
      %swap3A_825 = tpu.vector_load %arg6[%swap3A_824] {strides = array<i32>} : memref<32896xf32, #tpu.memory_space<vmem>>, vector<16xf32>,
      tpu.vector_store %arg6[%swap3A_824], %get3A_821 {add = true, strides = array<i32>} : memref<32896xf32, #tpu.memory_space<vmem>>, vector<16xf32>,
      %slice3A_826 = vector.extract_strided_slice %mul3A_36 {offsets = [13], sizes = [1], strides = [1]} : vector<16xi32> to vector<1xi32>
      %squeeze3A_827 = vector.extract %slice3A_826[0] : i32 from vector<1xi32>
      %add3A_828 = arith.constant 13 : i32
      %add3A_829 = arith.addi %select_n3A_47, %add3A_828 : i32
      %get3A_830 = arith.index_cast %add3A_829 : i32 to index
      %get3A_831 = arith.constant 0 : index
      %get3A_832 = tpu.vector_load %arg9[%get3A_830, %get3A_831] {strides = array<i32>} : memref<320x128xf32, #tpu.memory_space<vmem>>, vector<16xf32>,
      %add3A_833 = arith.constant 0 : i32
      %add3A_834 = arith.addi %squeeze3A_827, %add3A_833 : i32
      %swap3A_835 = arith.index_cast %add3A_834 : i32 to index
      %swap3A_836 = tpu.vector_load %arg6[%swap3A_835] {strides = array<i32>} : memref<32896xf32, #tpu.memory_space<vmem>>, vector<16xf32>,
      tpu.vector_store %arg6[%swap3A_835], %get3A_832 {add = true, strides = array<i32>} : memref<32896xf32, #tpu.memory_space<vmem>>, vector<16xf32>,
      %get3A_837 = arith.index_cast %add3A_829 : i32 to index
      %get3A_838 = arith.constant 16 : index
      %get3A_839 = tpu.vector_load %arg9[%get3A_837, %get3A_838] {strides = array<i32>} : memref<320x128xf32, #tpu.memory_space<vmem>>, vector<16xf32>,
      %add3A_840 = arith.constant 16 : i32
      %add3A_841 = arith.addi %squeeze3A_827, %add3A_840 : i32
      %swap3A_842 = arith.index_cast %add3A_841 : i32 to index
      %swap3A_843 = tpu.vector_load %arg6[%swap3A_842] {strides = array<i32>} : memref<32896xf32, #tpu.memory_space<vmem>>, vector<16xf32>,
      tpu.vector_store %arg6[%swap3A_842], %get3A_839 {add = true, strides = array<i32>} : memref<32896xf32, #tpu.memory_space<vmem>>, vector<16xf32>,
      %get3A_844 = arith.index_cast %add3A_829 : i32 to index
      %get3A_845 = arith.constant 32 : index
      %get3A_846 = tpu.vector_load %arg9[%get3A_844, %get3A_845] {strides = array<i32>} : memref<320x128xf32, #tpu.memory_space<vmem>>, vector<16xf32>,
      %add3A_847 = arith.constant 32 : i32
      %add3A_848 = arith.addi %squeeze3A_827, %add3A_847 : i32
      %swap3A_849 = arith.index_cast %add3A_848 : i32 to index
      %swap3A_850 = tpu.vector_load %arg6[%swap3A_849] {strides = array<i32>} : memref<32896xf32, #tpu.memory_space<vmem>>, vector<16xf32>,
      tpu.vector_store %arg6[%swap3A_849], %get3A_846 {add = true, strides = array<i32>} : memref<32896xf32, #tpu.memory_space<vmem>>, vector<16xf32>,
      %get3A_851 = arith.index_cast %add3A_829 : i32 to index
      %get3A_852 = arith.constant 48 : index
      %get3A_853 = tpu.vector_load %arg9[%get3A_851, %get3A_852] {strides = array<i32>} : memref<320x128xf32, #tpu.memory_space<vmem>>, vector<16xf32>,
      %add3A_854 = arith.constant 48 : i32
      %add3A_855 = arith.addi %squeeze3A_827, %add3A_854 : i32
      %swap3A_856 = arith.index_cast %add3A_855 : i32 to index
      %swap3A_857 = tpu.vector_load %arg6[%swap3A_856] {strides = array<i32>} : memref<32896xf32, #tpu.memory_space<vmem>>, vector<16xf32>,
      tpu.vector_store %arg6[%swap3A_856], %get3A_853 {add = true, strides = array<i32>} : memref<32896xf32, #tpu.memory_space<vmem>>, vector<16xf32>,
      %get3A_858 = arith.index_cast %add3A_829 : i32 to index
      %get3A_859 = arith.constant 64 : index
      %get3A_860 = tpu.vector_load %arg9[%get3A_858, %get3A_859] {strides = array<i32>} : memref<320x128xf32, #tpu.memory_space<vmem>>, vector<16xf32>,
      %add3A_861 = arith.constant 64 : i32
      %add3A_862 = arith.addi %squeeze3A_827, %add3A_861 : i32
      %swap3A_863 = arith.index_cast %add3A_862 : i32 to index
      %swap3A_864 = tpu.vector_load %arg6[%swap3A_863] {strides = array<i32>} : memref<32896xf32, #tpu.memory_space<vmem>>, vector<16xf32>,
      tpu.vector_store %arg6[%swap3A_863], %get3A_860 {add = true, strides = array<i32>} : memref<32896xf32, #tpu.memory_space<vmem>>, vector<16xf32>,
      %get3A_865 = arith.index_cast %add3A_829 : i32 to index
      %get3A_866 = arith.constant 80 : index
      %get3A_867 = tpu.vector_load %arg9[%get3A_865, %get3A_866] {strides = array<i32>} : memref<320x128xf32, #tpu.memory_space<vmem>>, vector<16xf32>,
      %add3A_868 = arith.constant 80 : i32
      %add3A_869 = arith.addi %squeeze3A_827, %add3A_868 : i32
      %swap3A_870 = arith.index_cast %add3A_869 : i32 to index
      %swap3A_871 = tpu.vector_load %arg6[%swap3A_870] {strides = array<i32>} : memref<32896xf32, #tpu.memory_space<vmem>>, vector<16xf32>,
      tpu.vector_store %arg6[%swap3A_870], %get3A_867 {add = true, strides = array<i32>} : memref<32896xf32, #tpu.memory_space<vmem>>, vector<16xf32>,
      %get3A_872 = arith.index_cast %add3A_829 : i32 to index
      %get3A_873 = arith.constant 96 : index
      %get3A_874 = tpu.vector_load %arg9[%get3A_872, %get3A_873] {strides = array<i32>} : memref<320x128xf32, #tpu.memory_space<vmem>>, vector<16xf32>,
      %add3A_875 = arith.constant 96 : i32
      %add3A_876 = arith.addi %squeeze3A_827, %add3A_875 : i32
      %swap3A_877 = arith.index_cast %add3A_876 : i32 to index
      %swap3A_878 = tpu.vector_load %arg6[%swap3A_877] {strides = array<i32>} : memref<32896xf32, #tpu.memory_space<vmem>>, vector<16xf32>,
      tpu.vector_store %arg6[%swap3A_877], %get3A_874 {add = true, strides = array<i32>} : memref<32896xf32, #tpu.memory_space<vmem>>, vector<16xf32>,
      %get3A_879 = arith.index_cast %add3A_829 : i32 to index
      %get3A_880 = arith.constant 112 : index
      %get3A_881 = tpu.vector_load %arg9[%get3A_879, %get3A_880] {strides = array<i32>} : memref<320x128xf32, #tpu.memory_space<vmem>>, vector<16xf32>,
      %add3A_882 = arith.constant 112 : i32
      %add3A_883 = arith.addi %squeeze3A_827, %add3A_882 : i32
      %swap3A_884 = arith.index_cast %add3A_883 : i32 to index
      %swap3A_885 = tpu.vector_load %arg6[%swap3A_884] {strides = array<i32>} : memref<32896xf32, #tpu.memory_space<vmem>>, vector<16xf32>,
      tpu.vector_store %arg6[%swap3A_884], %get3A_881 {add = true, strides = array<i32>} : memref<32896xf32, #tpu.memory_space<vmem>>, vector<16xf32>,
      %slice3A_886 = vector.extract_strided_slice %mul3A_36 {offsets = [14], sizes = [1], strides = [1]} : vector<16xi32> to vector<1xi32>
      %squeeze3A_887 = vector.extract %slice3A_886[0] : i32 from vector<1xi32>
      %add3A_888 = arith.constant 14 : i32
      %add3A_889 = arith.addi %select_n3A_47, %add3A_888 : i32
      %get3A_890 = arith.index_cast %add3A_889 : i32 to index
      %get3A_891 = arith.constant 0 : index
      %get3A_892 = tpu.vector_load %arg9[%get3A_890, %get3A_891] {strides = array<i32>} : memref<320x128xf32, #tpu.memory_space<vmem>>, vector<16xf32>,
      %add3A_893 = arith.constant 0 : i32
      %add3A_894 = arith.addi %squeeze3A_887, %add3A_893 : i32
      %swap3A_895 = arith.index_cast %add3A_894 : i32 to index
      %swap3A_896 = tpu.vector_load %arg6[%swap3A_895] {strides = array<i32>} : memref<32896xf32, #tpu.memory_space<vmem>>, vector<16xf32>,
      tpu.vector_store %arg6[%swap3A_895], %get3A_892 {add = true, strides = array<i32>} : memref<32896xf32, #tpu.memory_space<vmem>>, vector<16xf32>,
      %get3A_897 = arith.index_cast %add3A_889 : i32 to index
      %get3A_898 = arith.constant 16 : index
      %get3A_899 = tpu.vector_load %arg9[%get3A_897, %get3A_898] {strides = array<i32>} : memref<320x128xf32, #tpu.memory_space<vmem>>, vector<16xf32>,
      %add3A_900 = arith.constant 16 : i32
      %add3A_901 = arith.addi %squeeze3A_887, %add3A_900 : i32
      %swap3A_902 = arith.index_cast %add3A_901 : i32 to index
      %swap3A_903 = tpu.vector_load %arg6[%swap3A_902] {strides = array<i32>} : memref<32896xf32, #tpu.memory_space<vmem>>, vector<16xf32>,
      tpu.vector_store %arg6[%swap3A_902], %get3A_899 {add = true, strides = array<i32>} : memref<32896xf32, #tpu.memory_space<vmem>>, vector<16xf32>,
      %get3A_904 = arith.index_cast %add3A_889 : i32 to index
      %get3A_905 = arith.constant 32 : index
      %get3A_906 = tpu.vector_load %arg9[%get3A_904, %get3A_905] {strides = array<i32>} : memref<320x128xf32, #tpu.memory_space<vmem>>, vector<16xf32>,
      %add3A_907 = arith.constant 32 : i32
      %add3A_908 = arith.addi %squeeze3A_887, %add3A_907 : i32
      %swap3A_909 = arith.index_cast %add3A_908 : i32 to index
      %swap3A_910 = tpu.vector_load %arg6[%swap3A_909] {strides = array<i32>} : memref<32896xf32, #tpu.memory_space<vmem>>, vector<16xf32>,
      tpu.vector_store %arg6[%swap3A_909], %get3A_906 {add = true, strides = array<i32>} : memref<32896xf32, #tpu.memory_space<vmem>>, vector<16xf32>,
      %get3A_911 = arith.index_cast %add3A_889 : i32 to index
      %get3A_912 = arith.constant 48 : index
      %get3A_913 = tpu.vector_load %arg9[%get3A_911, %get3A_912] {strides = array<i32>} : memref<320x128xf32, #tpu.memory_space<vmem>>, vector<16xf32>,
      %add3A_914 = arith.constant 48 : i32
      %add3A_915 = arith.addi %squeeze3A_887, %add3A_914 : i32
      %swap3A_916 = arith.index_cast %add3A_915 : i32 to index
      %swap3A_917 = tpu.vector_load %arg6[%swap3A_916] {strides = array<i32>} : memref<32896xf32, #tpu.memory_space<vmem>>, vector<16xf32>,
      tpu.vector_store %arg6[%swap3A_916], %get3A_913 {add = true, strides = array<i32>} : memref<32896xf32, #tpu.memory_space<vmem>>, vector<16xf32>,
      %get3A_918 = arith.index_cast %add3A_889 : i32 to index
      %get3A_919 = arith.constant 64 : index
      %get3A_920 = tpu.vector_load %arg9[%get3A_918, %get3A_919] {strides = array<i32>} : memref<320x128xf32, #tpu.memory_space<vmem>>, vector<16xf32>,
      %add3A_921 = arith.constant 64 : i32
      %add3A_922 = arith.addi %squeeze3A_887, %add3A_921 : i32
      %swap3A_923 = arith.index_cast %add3A_922 : i32 to index
      %swap3A_924 = tpu.vector_load %arg6[%swap3A_923] {strides = array<i32>} : memref<32896xf32, #tpu.memory_space<vmem>>, vector<16xf32>,
      tpu.vector_store %arg6[%swap3A_923], %get3A_920 {add = true, strides = array<i32>} : memref<32896xf32, #tpu.memory_space<vmem>>, vector<16xf32>,
      %get3A_925 = arith.index_cast %add3A_889 : i32 to index
      %get3A_926 = arith.constant 80 : index
      %get3A_927 = tpu.vector_load %arg9[%get3A_925, %get3A_926] {strides = array<i32>} : memref<320x128xf32, #tpu.memory_space<vmem>>, vector<16xf32>,
      %add3A_928 = arith.constant 80 : i32
      %add3A_929 = arith.addi %squeeze3A_887, %add3A_928 : i32
      %swap3A_930 = arith.index_cast %add3A_929 : i32 to index
      %swap3A_931 = tpu.vector_load %arg6[%swap3A_930] {strides = array<i32>} : memref<32896xf32, #tpu.memory_space<vmem>>, vector<16xf32>,
      tpu.vector_store %arg6[%swap3A_930], %get3A_927 {add = true, strides = array<i32>} : memref<32896xf32, #tpu.memory_space<vmem>>, vector<16xf32>,
      %get3A_932 = arith.index_cast %add3A_889 : i32 to index
      %get3A_933 = arith.constant 96 : index
      %get3A_934 = tpu.vector_load %arg9[%get3A_932, %get3A_933] {strides = array<i32>} : memref<320x128xf32, #tpu.memory_space<vmem>>, vector<16xf32>,
      %add3A_935 = arith.constant 96 : i32
      %add3A_936 = arith.addi %squeeze3A_887, %add3A_935 : i32
      %swap3A_937 = arith.index_cast %add3A_936 : i32 to index
      %swap3A_938 = tpu.vector_load %arg6[%swap3A_937] {strides = array<i32>} : memref<32896xf32, #tpu.memory_space<vmem>>, vector<16xf32>,
      tpu.vector_store %arg6[%swap3A_937], %get3A_934 {add = true, strides = array<i32>} : memref<32896xf32, #tpu.memory_space<vmem>>, vector<16xf32>,
      %get3A_939 = arith.index_cast %add3A_889 : i32 to index
      %get3A_940 = arith.constant 112 : index
      %get3A_941 = tpu.vector_load %arg9[%get3A_939, %get3A_940] {strides = array<i32>} : memref<320x128xf32, #tpu.memory_space<vmem>>, vector<16xf32>,
      %add3A_942 = arith.constant 112 : i32
      %add3A_943 = arith.addi %squeeze3A_887, %add3A_942 : i32
      %swap3A_944 = arith.index_cast %add3A_943 : i32 to index
      %swap3A_945 = tpu.vector_load %arg6[%swap3A_944] {strides = array<i32>} : memref<32896xf32, #tpu.memory_space<vmem>>, vector<16xf32>,
      tpu.vector_store %arg6[%swap3A_944], %get3A_941 {add = true, strides = array<i32>} : memref<32896xf32, #tpu.memory_space<vmem>>, vector<16xf32>,
      %slice3A_946 = vector.extract_strided_slice %mul3A_36 {offsets = [15], sizes = [1], strides = [1]} : vector<16xi32> to vector<1xi32>
      %squeeze3A_947 = vector.extract %slice3A_946[0] : i32 from vector<1xi32>
      %add3A_948 = arith.constant 15 : i32
      %add3A_949 = arith.addi %select_n3A_47, %add3A_948 : i32
      %get3A_950 = arith.index_cast %add3A_949 : i32 to index
      %get3A_951 = arith.constant 0 : index
      %get3A_952 = tpu.vector_load %arg9[%get3A_950, %get3A_951] {strides = array<i32>} : memref<320x128xf32, #tpu.memory_space<vmem>>, vector<16xf32>,
      %add3A_953 = arith.constant 0 : i32
      %add3A_954 = arith.addi %squeeze3A_947, %add3A_953 : i32
      %swap3A_955 = arith.index_cast %add3A_954 : i32 to index
      %swap3A_956 = tpu.vector_load %arg6[%swap3A_955] {strides = array<i32>} : memref<32896xf32, #tpu.memory_space<vmem>>, vector<16xf32>,
      tpu.vector_store %arg6[%swap3A_955], %get3A_952 {add = true, strides = array<i32>} : memref<32896xf32, #tpu.memory_space<vmem>>, vector<16xf32>,
      %get3A_957 = arith.index_cast %add3A_949 : i32 to index
      %get3A_958 = arith.constant 16 : index
      %get3A_959 = tpu.vector_load %arg9[%get3A_957, %get3A_958] {strides = array<i32>} : memref<320x128xf32, #tpu.memory_space<vmem>>, vector<16xf32>,
      %add3A_960 = arith.constant 16 : i32
      %add3A_961 = arith.addi %squeeze3A_947, %add3A_960 : i32
      %swap3A_962 = arith.index_cast %add3A_961 : i32 to index
      %swap3A_963 = tpu.vector_load %arg6[%swap3A_962] {strides = array<i32>} : memref<32896xf32, #tpu.memory_space<vmem>>, vector<16xf32>,
      tpu.vector_store %arg6[%swap3A_962], %get3A_959 {add = true, strides = array<i32>} : memref<32896xf32, #tpu.memory_space<vmem>>, vector<16xf32>,
      %get3A_964 = arith.index_cast %add3A_949 : i32 to index
      %get3A_965 = arith.constant 32 : index
      %get3A_966 = tpu.vector_load %arg9[%get3A_964, %get3A_965] {strides = array<i32>} : memref<320x128xf32, #tpu.memory_space<vmem>>, vector<16xf32>,
      %add3A_967 = arith.constant 32 : i32
      %add3A_968 = arith.addi %squeeze3A_947, %add3A_967 : i32
      %swap3A_969 = arith.index_cast %add3A_968 : i32 to index
      %swap3A_970 = tpu.vector_load %arg6[%swap3A_969] {strides = array<i32>} : memref<32896xf32, #tpu.memory_space<vmem>>, vector<16xf32>,
      tpu.vector_store %arg6[%swap3A_969], %get3A_966 {add = true, strides = array<i32>} : memref<32896xf32, #tpu.memory_space<vmem>>, vector<16xf32>,
      %get3A_971 = arith.index_cast %add3A_949 : i32 to index
      %get3A_972 = arith.constant 48 : index
      %get3A_973 = tpu.vector_load %arg9[%get3A_971, %get3A_972] {strides = array<i32>} : memref<320x128xf32, #tpu.memory_space<vmem>>, vector<16xf32>,
      %add3A_974 = arith.constant 48 : i32
      %add3A_975 = arith.addi %squeeze3A_947, %add3A_974 : i32
      %swap3A_976 = arith.index_cast %add3A_975 : i32 to index
      %swap3A_977 = tpu.vector_load %arg6[%swap3A_976] {strides = array<i32>} : memref<32896xf32, #tpu.memory_space<vmem>>, vector<16xf32>,
      tpu.vector_store %arg6[%swap3A_976], %get3A_973 {add = true, strides = array<i32>} : memref<32896xf32, #tpu.memory_space<vmem>>, vector<16xf32>,
      %get3A_978 = arith.index_cast %add3A_949 : i32 to index
      %get3A_979 = arith.constant 64 : index
      %get3A_980 = tpu.vector_load %arg9[%get3A_978, %get3A_979] {strides = array<i32>} : memref<320x128xf32, #tpu.memory_space<vmem>>, vector<16xf32>,
      %add3A_981 = arith.constant 64 : i32
      %add3A_982 = arith.addi %squeeze3A_947, %add3A_981 : i32
      %swap3A_983 = arith.index_cast %add3A_982 : i32 to index
      %swap3A_984 = tpu.vector_load %arg6[%swap3A_983] {strides = array<i32>} : memref<32896xf32, #tpu.memory_space<vmem>>, vector<16xf32>,
      tpu.vector_store %arg6[%swap3A_983], %get3A_980 {add = true, strides = array<i32>} : memref<32896xf32, #tpu.memory_space<vmem>>, vector<16xf32>,
      %get3A_985 = arith.index_cast %add3A_949 : i32 to index
      %get3A_986 = arith.constant 80 : index
      %get3A_987 = tpu.vector_load %arg9[%get3A_985, %get3A_986] {strides = array<i32>} : memref<320x128xf32, #tpu.memory_space<vmem>>, vector<16xf32>,
      %add3A_988 = arith.constant 80 : i32
      %add3A_989 = arith.addi %squeeze3A_947, %add3A_988 : i32
      %swap3A_990 = arith.index_cast %add3A_989 : i32 to index
      %swap3A_991 = tpu.vector_load %arg6[%swap3A_990] {strides = array<i32>} : memref<32896xf32, #tpu.memory_space<vmem>>, vector<16xf32>,
      tpu.vector_store %arg6[%swap3A_990], %get3A_987 {add = true, strides = array<i32>} : memref<32896xf32, #tpu.memory_space<vmem>>, vector<16xf32>,
      %get3A_992 = arith.index_cast %add3A_949 : i32 to index
      %get3A_993 = arith.constant 96 : index
      %get3A_994 = tpu.vector_load %arg9[%get3A_992, %get3A_993] {strides = array<i32>} : memref<320x128xf32, #tpu.memory_space<vmem>>, vector<16xf32>,
      %add3A_995 = arith.constant 96 : i32
      %add3A_996 = arith.addi %squeeze3A_947, %add3A_995 : i32
      %swap3A_997 = arith.index_cast %add3A_996 : i32 to index
      %swap3A_998 = tpu.vector_load %arg6[%swap3A_997] {strides = array<i32>} : memref<32896xf32, #tpu.memory_space<vmem>>, vector<16xf32>,
      tpu.vector_store %arg6[%swap3A_997], %get3A_994 {add = true, strides = array<i32>} : memref<32896xf32, #tpu.memory_space<vmem>>, vector<16xf32>,
      %get3A_999 = arith.index_cast %add3A_949 : i32 to index
      %get3A_1000 = arith.constant 112 : index
      %get3A_1001 = tpu.vector_load %arg9[%get3A_999, %get3A_1000] {strides = array<i32>} : memref<320x128xf32, #tpu.memory_space<vmem>>, vector<16xf32>,
      %add3A_1002 = arith.constant 112 : i32
      %add3A_1003 = arith.addi %squeeze3A_947, %add3A_1002 : i32
      %swap3A_1004 = arith.index_cast %add3A_1003 : i32 to index
      %swap3A_1005 = tpu.vector_load %arg6[%swap3A_1004] {strides = array<i32>} : memref<32896xf32, #tpu.memory_space<vmem>>, vector<16xf32>,
      tpu.vector_store %arg6[%swap3A_1004], %get3A_1001 {add = true, strides = array<i32>} : memref<32896xf32, #tpu.memory_space<vmem>>, vector<16xf32>,
    }
    %scan3A_29 = arith.constant 16 : i32
    "tpu.region"() ({
      %run_scoped3A = tpu.sem_alloc : memref<!tpu.dma_semaphore, #tpu.memory_space<semaphore_mem>>
      %dma_start3A = arith.constant 0 : i32
      %dma_start3A_30 = tpu.memref_slice %arg6[%dma_start3A] : memref<32896xf32, #tpu.memory_space<vmem>> -> memref<32768xf32, #tpu.memory_space<vmem>>
      %dma_start3A_31 = arith.constant 0 : i32
      %dma_start3A_32 = tpu.memref_slice %arg4[%add3A, %dma_start3A_31] : memref<32x32768xf32, #tpu.memory_space<hbm>> -> memref<1x32768xf32, #tpu.memory_space<hbm>>
      %dma_start3A_33 = tpu.memref_squeeze %dma_start3A_32 : memref<1x32768xf32, #tpu.memory_space<hbm>> -> memref<32768xf32, #tpu.memory_space<hbm>>
      %dma_start3A_34 = arith.constant 0 : i32
      %dma_start3A_35 = tpu.memref_slice %arg4[%add3A, %dma_start3A_34] : memref<32x32768xf32, #tpu.memory_space<hbm>> -> memref<1x32768xf32, #tpu.memory_space<hbm>>
      %dma_start3A_36 = tpu.memref_squeeze %dma_start3A_35 : memref<1x32768xf32, #tpu.memory_space<hbm>> -> memref<32768xf32, #tpu.memory_space<hbm>>
      %dma_start3A_37 = arith.constant 0 : i32
      %dma_start3A_38 = tpu.memref_slice %arg6[%dma_start3A_37] : memref<32896xf32, #tpu.memory_space<vmem>> -> memref<32768xf32, #tpu.memory_space<vmem>>
      tpu.enqueue_dma source(%dma_start3A_38 : memref<32768xf32, #tpu.memory_space<vmem>>) target(%dma_start3A_36 : memref<32768xf32, #tpu.memory_space<hbm>>) target_semaphore(%run_scoped3A : memref<!tpu.dma_semaphore, #tpu.memory_space<semaphore_mem>>)
      %dma_wait3A = arith.constant 0 : i32
      %dma_wait3A_39 = tpu.memref_slice %arg6[%dma_wait3A] : memref<32896xf32, #tpu.memory_space<vmem>> -> memref<32768xf32, #tpu.memory_space<vmem>>
      %dma_wait3A_40 = arith.constant 0 : i32
      %dma_wait3A_41 = tpu.memref_slice %arg4[%add3A, %dma_wait3A_40] : memref<32x32768xf32, #tpu.memory_space<hbm>> -> memref<1x32768xf32, #tpu.memory_space<hbm>>
      %dma_wait3A_42 = tpu.memref_squeeze %dma_wait3A_41 : memref<1x32768xf32, #tpu.memory_space<hbm>> -> memref<32768xf32, #tpu.memory_space<hbm>>
      %dma_wait3A_43 = arith.constant 0 : i32
      %dma_wait3A_44 = tpu.memref_slice %arg4[%add3A, %dma_wait3A_43] : memref<32x32768xf32, #tpu.memory_space<hbm>> -> memref<1x32768xf32, #tpu.memory_space<hbm>>
      %dma_wait3A_45 = tpu.memref_squeeze %dma_wait3A_44 : memref<1x32768xf32, #tpu.memory_space<hbm>> -> memref<32768xf32, #tpu.memory_space<hbm>>
      %dma_wait3A_46 = arith.constant 0 : i32
      %dma_wait3A_47 = tpu.memref_slice %arg6[%dma_wait3A_46] : memref<32896xf32, #tpu.memory_space<vmem>> -> memref<32768xf32, #tpu.memory_space<vmem>>
      tpu.wait_dma2 semaphore(%run_scoped3A : memref<!tpu.dma_semaphore, #tpu.memory_space<semaphore_mem>>) src(%dma_wait3A_47 : memref<32768xf32, #tpu.memory_space<vmem>>) dst(%dma_wait3A_45 : memref<32768xf32, #tpu.memory_space<hbm>>)
      tpu.yield
    }) : () -> ()
    "tpu.region"() ({
      %run_scoped3A = tpu.sem_alloc : memref<!tpu.dma_semaphore, #tpu.memory_space<semaphore_mem>>
      %dma_start3A = arith.constant 0 : i32
      %dma_start3A_30 = arith.constant 0 : i32
      %dma_start3A_31 = tpu.memref_slice %arg7[%dma_start3A, %dma_start3A_30] : memref<257x16xf32, #tpu.memory_space<vmem>> -> memref<256x16xf32, #tpu.memory_space<vmem>>
      %dma_start3A_32 = arith.constant 0 : i32
      %dma_start3A_33 = arith.constant 0 : i32
      %dma_start3A_34 = tpu.memref_slice %arg5[%add3A, %dma_start3A_32, %dma_start3A_33] : memref<32x256x16xf32, #tpu.memory_space<hbm>> -> memref<1x256x16xf32, #tpu.memory_space<hbm>>
      %dma_start3A_35 = tpu.memref_squeeze %dma_start3A_34 : memref<1x256x16xf32, #tpu.memory_space<hbm>> -> memref<256x16xf32, #tpu.memory_space<hbm>>
      %dma_start3A_36 = arith.constant 0 : i32
      %dma_start3A_37 = arith.constant 0 : i32
      %dma_start3A_38 = tpu.memref_slice %arg5[%add3A, %dma_start3A_36, %dma_start3A_37] : memref<32x256x16xf32, #tpu.memory_space<hbm>> -> memref<1x256x16xf32, #tpu.memory_space<hbm>>
      %dma_start3A_39 = tpu.memref_squeeze %dma_start3A_38 : memref<1x256x16xf32, #tpu.memory_space<hbm>> -> memref<256x16xf32, #tpu.memory_space<hbm>>
      %dma_start3A_40 = arith.constant 0 : i32
      %dma_start3A_41 = arith.constant 0 : i32
      %dma_start3A_42 = tpu.memref_slice %arg7[%dma_start3A_40, %dma_start3A_41] : memref<257x16xf32, #tpu.memory_space<vmem>> -> memref<256x16xf32, #tpu.memory_space<vmem>>
      tpu.enqueue_dma source(%dma_start3A_42 : memref<256x16xf32, #tpu.memory_space<vmem>>) target(%dma_start3A_39 : memref<256x16xf32, #tpu.memory_space<hbm>>) target_semaphore(%run_scoped3A : memref<!tpu.dma_semaphore, #tpu.memory_space<semaphore_mem>>)
      %dma_wait3A = arith.constant 0 : i32
      %dma_wait3A_43 = arith.constant 0 : i32
      %dma_wait3A_44 = tpu.memref_slice %arg7[%dma_wait3A, %dma_wait3A_43] : memref<257x16xf32, #tpu.memory_space<vmem>> -> memref<256x16xf32, #tpu.memory_space<vmem>>
      %dma_wait3A_45 = arith.constant 0 : i32
      %dma_wait3A_46 = arith.constant 0 : i32
      %dma_wait3A_47 = tpu.memref_slice %arg5[%add3A, %dma_wait3A_45, %dma_wait3A_46] : memref<32x256x16xf32, #tpu.memory_space<hbm>> -> memref<1x256x16xf32, #tpu.memory_space<hbm>>
      %dma_wait3A_48 = tpu.memref_squeeze %dma_wait3A_47 : memref<1x256x16xf32, #tpu.memory_space<hbm>> -> memref<256x16xf32, #tpu.memory_space<hbm>>
      %dma_wait3A_49 = arith.constant 0 : i32
      %dma_wait3A_50 = arith.constant 0 : i32
      %dma_wait3A_51 = tpu.memref_slice %arg5[%add3A, %dma_wait3A_49, %dma_wait3A_50] : memref<32x256x16xf32, #tpu.memory_space<hbm>> -> memref<1x256x16xf32, #tpu.memory_space<hbm>>
      %dma_wait3A_52 = tpu.memref_squeeze %dma_wait3A_51 : memref<1x256x16xf32, #tpu.memory_space<hbm>> -> memref<256x16xf32, #tpu.memory_space<hbm>>
      %dma_wait3A_53 = arith.constant 0 : i32
      %dma_wait3A_54 = arith.constant 0 : i32
      %dma_wait3A_55 = tpu.memref_slice %arg7[%dma_wait3A_53, %dma_wait3A_54] : memref<257x16xf32, #tpu.memory_space<vmem>> -> memref<256x16xf32, #tpu.memory_space<vmem>>
      tpu.wait_dma2 semaphore(%run_scoped3A : memref<!tpu.dma_semaphore, #tpu.memory_space<semaphore_mem>>) src(%dma_wait3A_55 : memref<256x16xf32, #tpu.memory_space<vmem>>) dst(%dma_wait3A_52 : memref<256x16xf32, #tpu.memory_space<hbm>>)
      tpu.yield
    }) : () -> ()
    return
  }
}

module attributes {stable_mosaic.version = 14 : i64} {
  func.func @body(%arg0: memref<32x256x128xf32, #tpu.memory_space<vmem>>, %arg1: memref<32x256x16xf32, #tpu.memory_space<vmem>>, %arg2: memref<128x256xf32, #tpu.memory_space<vmem>>, %arg3: memref<1x256xf32, #tpu.memory_space<vmem>>, %arg4: memref<256x256xf32, #tpu.memory_space<vmem>>, %arg5: memref<1x256xf32, #tpu.memory_space<vmem>>, %arg6: memref<256x10xf32, #tpu.memory_space<vmem>>, %arg7: memref<1x10xf32, #tpu.memory_space<vmem>>, %arg8: memref<256x10xf32, #tpu.memory_space<vmem>>) attributes {dimension_semantics = [], scalar_prefetch = 0 : i64, scratch_operands = 0 : i64, tpu.core_type = #tpu.core_type<tc>} {
    %get3A = arith.constant 0 : index
    %get3A_0 = arith.constant 0 : index
    %get3A_1 = arith.constant 0 : index
    %get3A_2 = vector.load %arg0[%get3A, %get3A_0, %get3A_1] : memref<32x256x128xf32, #tpu.memory_space<vmem>>, vector<32x256x128xf32>
    %reduce_sum3A = arith.constant dense<0.000000e+00> : vector<256x128xf32>
    %reduce_sum3A_3 = vector.multi_reduction <add>, %get3A_2, %reduce_sum3A [0] : vector<32x256x128xf32> to vector<256x128xf32>
    %get3A_4 = arith.constant 0 : index
    %get3A_5 = arith.constant 0 : index
    %get3A_6 = arith.constant 0 : index
    %get3A_7 = vector.load %arg1[%get3A_4, %get3A_5, %get3A_6] : memref<32x256x16xf32, #tpu.memory_space<vmem>>, vector<32x256x16xf32>
    %reduce_sum3A_8 = arith.constant dense<0.000000e+00> : vector<256xf32>
    %reduce_sum3A_9 = vector.multi_reduction <add>, %get3A_7, %reduce_sum3A_8 [0, 2] : vector<32x256x16xf32> to vector<256xf32>
    %jit3A = arith.constant 1.000000e+00 : f32
    %max3A = vector.broadcast %jit3A : f32 to vector<256xf32>
    %max3A_10 = arith.maximumf %max3A, %reduce_sum3A_9 : vector<256xf32>
    %broadcast_in_dim3A = vector.shape_cast %max3A_10 : vector<256xf32> to vector<256x1xf32>
    %div3A = vector.broadcast %broadcast_in_dim3A : vector<256x1xf32> to vector<256x128xf32>
    %div3A_11 = arith.divf %reduce_sum3A_3, %div3A : vector<256x128xf32>
    %get3A_12 = arith.constant 0 : index
    %get3A_13 = arith.constant 0 : index
    %get3A_14 = vector.load %arg2[%get3A_12, %get3A_13] : memref<128x256xf32, #tpu.memory_space<vmem>>, vector<128x256xf32>
    %dot_general3A = arith.constant dense<0.000000e+00> : vector<256x256xf32>
    %dot_general3A_15 = tpu.matmul %div3A_11, %get3A_14, %dot_general3A {dimension_numbers = #tpu.dot_dimension_numbers<[1], [0], [0], [1], [0, 0, 1, 1], [], []>, transpose_lhs_hint = false} : vector<256x128xf32>, vector<128x256xf32>, vector<256x256xf32> -> vector<256x256xf32>
    %get3A_16 = arith.constant 0 : index
    %get3A_17 = arith.constant 0 : index
    %get3A_18 = vector.load %arg3[%get3A_16, %get3A_17] : memref<1x256xf32, #tpu.memory_space<vmem>>, vector<1x256xf32>
    %add3A = vector.broadcast %get3A_18 : vector<1x256xf32> to vector<256x256xf32>
    %add3A_19 = arith.addf %dot_general3A_15, %add3A : vector<256x256xf32>
    %max3A_20 = arith.constant 0.000000e+00 : f32
    %max3A_21 = vector.broadcast %max3A_20 : f32 to vector<256x256xf32>
    %max3A_22 = arith.maximumf %add3A_19, %max3A_21 : vector<256x256xf32>
    %get3A_23 = arith.constant 0 : index
    %get3A_24 = arith.constant 0 : index
    %get3A_25 = vector.load %arg4[%get3A_23, %get3A_24] : memref<256x256xf32, #tpu.memory_space<vmem>>, vector<256x256xf32>
    %dot_general3A_26 = arith.constant dense<0.000000e+00> : vector<256x256xf32>
    %dot_general3A_27 = tpu.matmul %max3A_22, %get3A_25, %dot_general3A_26 {dimension_numbers = #tpu.dot_dimension_numbers<[1], [0], [0], [1], [0, 0, 1, 1], [], []>, transpose_lhs_hint = false} : vector<256x256xf32>, vector<256x256xf32>, vector<256x256xf32> -> vector<256x256xf32>
    %get3A_28 = arith.constant 0 : index
    %get3A_29 = arith.constant 0 : index
    %get3A_30 = vector.load %arg5[%get3A_28, %get3A_29] : memref<1x256xf32, #tpu.memory_space<vmem>>, vector<1x256xf32>
    %add3A_31 = vector.broadcast %get3A_30 : vector<1x256xf32> to vector<256x256xf32>
    %add3A_32 = arith.addf %dot_general3A_27, %add3A_31 : vector<256x256xf32>
    %max3A_33 = arith.constant 0.000000e+00 : f32
    %max3A_34 = vector.broadcast %max3A_33 : f32 to vector<256x256xf32>
    %max3A_35 = arith.maximumf %add3A_32, %max3A_34 : vector<256x256xf32>
    %get3A_36 = arith.constant 0 : index
    %get3A_37 = arith.constant 0 : index
    %get3A_38 = vector.load %arg6[%get3A_36, %get3A_37] : memref<256x10xf32, #tpu.memory_space<vmem>>, vector<256x10xf32>
    %dot_general3A_39 = arith.constant dense<0.000000e+00> : vector<256x10xf32>
    %dot_general3A_40 = tpu.matmul %max3A_35, %get3A_38, %dot_general3A_39 {dimension_numbers = #tpu.dot_dimension_numbers<[1], [0], [0], [1], [0, 0, 1, 1], [], []>, transpose_lhs_hint = false} : vector<256x256xf32>, vector<256x10xf32>, vector<256x10xf32> -> vector<256x10xf32>
    %get3A_41 = arith.constant 0 : index
    %get3A_42 = arith.constant 0 : index
    %get3A_43 = vector.load %arg7[%get3A_41, %get3A_42] : memref<1x10xf32, #tpu.memory_space<vmem>>, vector<1x10xf32>
    %add3A_44 = vector.broadcast %get3A_43 : vector<1x10xf32> to vector<256x10xf32>
    %add3A_45 = arith.addf %dot_general3A_40, %add3A_44 : vector<256x10xf32>
    %swap3A = arith.constant 0 : index
    %swap3A_46 = arith.constant 0 : index
    %swap3A_47 = vector.load %arg8[%swap3A, %swap3A_46] : memref<256x10xf32, #tpu.memory_space<vmem>>, vector<256x10xf32>
    tpu.vector_store %arg8[%swap3A, %swap3A_46], %add3A_45 {strides = array<i32>} : memref<256x10xf32, #tpu.memory_space<vmem>>, vector<256x10xf32>,
    return
  }
}

</mosaic_0001>

<sc_bundles>
// kernel: kernel.4.cloned.1.call-start
scs
__scs_entry_jumppad:
0x0: {  	(pc) =	sbr.rel $0x88, $3  }
0x1: {  	(tag) =	ssettag $0x0;
	lr =	simm.s32 $0x1  }
0x2: {  	[smem:$0x3F99] =	sst lr;
	_ =	strace $0xD0000000  }
0x3: {  	_ = 	snop  }
0x4: {  	_ = 	snop  }
0x5: {  	_ = 	snop  }
0x6: {  	_ = 	snop  }
0x7: {  	_ = 	snop  }
__scs_overlays_trampoline_lowered:
0x8: {  	[smem:$0x3FA8] =	sst s0  }
0x9: {  	[smem:$0x3FA9] =	sst s1  }
0xa: {  	[smem:$0x3FAA] =	sst s2  }
0xb: {  	[smem:$0x3FAB] =	sst s3  }
0xc: {  	[smem:$0x3FAC] =	sst s4  }
0xd: {  	[smem:$0x3FAD] =	sst s5  }
0xe: {  	[smem:$0x3FAE] =	sst s6  }
0xf: {  	[smem:$0x3FAF] =	sst s7  }
0x10: {  	[smem:$0x3FB0] =	sst s8  }
0x11: {  	[smem:$0x3FB1] =	sst s9;
	s0 =	simm.s32 @!p0 $0x0  }
0x12: {  	s1 =	sld [smem:$0x3F97];
	s0 =	simm.s32 @p0 $0x1  }
0x13: {  	[smem:$0x3FB2] =	sst s0;
	s0 =	simm.s32 @!p1 $0x0  }
0x14: {  	s2 =	sld [smem:$0x3F96];
	s0 =	simm.s32 @p1 $0x1  }
0x15: {  	[smem:$0x3FB3] =	sst s0;
	s0 =	simm.s32 @!p2 $0x0  }
0x16: {  	s3 =	sld [smem:$0x3FDB];
	s0 =	simm.s32 @p2 $0x1  }
0x17: {  	s4 =	simm.s32 $0x1BF5;
	[smem:$0x3FB5] =	sst s0  }
0x18: {  	s0 =	sld [smem:$0x3F98];
	_ =	swait.ge [sflag:s4], $0x0  }
0x19: {  	s7 =	sld [smem:$0x3F99]  }
0x1a: {  	s8 =	sadd.s32 $0xFFFFE003, lr  }
0x1b: {  	s9 =	sadd.s32 $0xFFFFFEF7, lr;
	s5 =	simm.s32 $0xFFFFFFFF;
	p2 =	slt.u32 s8, $0xFFFFF086  }
0x1c: {  	p1 =	slt.u32 s9, $0xF7A;
	s5 =	simm.s32 @!p2 $0x0  }
0x1d: {  	s5 =	simm.s32 @p1 $0x1;
	p0 =	seq.s32 s7, s2  }
0x1e: {  	s7 =	smul.u32 @!p0 $0xF7A, s2;
	p2 =	seq.s32 @!p0 s5, $0x0  }
0x1f: {  	s9 =	smul.u32 $0xF7A, s1;
	s8 =	simm.s32 @!p0 $0x1BF5;
	p2 =	por !p2, p0  }
0x20: {  	[sflag:s8] =	ssyncset.s32 @!p0 $0xFFFFF086;
	s6 =	sadd.s32 @!p0 s3, s7;
	s7 =	simm.s32 @!p0 $0x108  }
0x21: {  	s3 =	sadd.s32 s3, s9;
	s6 =	sadd.s32 @!p0 $0x88, s6;
	s7 =	simm.s32 @p2 $0x1082  }
0x22: {  	[simem:s7], [sflag:s8] =	dma.local @!p0 [hbm:s6], $0xF7A  }
0x23: {  	s9 =	sor.u32 $0xD0000000, s2;
	s6 =	simm.s32 $0x108;
	_ =	swait.ge @!p0 [sflag:s8], $0x0  }
0x24: {  	s3 =	sadd.s32 $0x88, s3;
	s6 =	simm.s32 @!p1 $0x1082;
	[sflag:s4] =	ssyncset.s32 $0xFFFFF086  }
0x25: {  	[simem:s6], [sflag:s4] =	dma.local [hbm:s3], $0xF7A  }
0x26: {  	[smem:$0x3F99] =	sst s1;
	(tag) =	ssettag s2;
	_ =	strace s9  }
0x27: {  	s1 =	sld [smem:$0x3FA9]  }
0x28: {  	s2 =	sld [smem:$0x3FAA]  }
0x29: {  	s4 =	sld [smem:$0x3FAC]  }
0x2a: {  	p0 =	seq.s32 s5, $0x0;
	s5 =	sld [smem:$0x3FAD]  }
0x2b: {  	s6 =	sld [smem:$0x3FAE]  }
0x2c: {  	s7 =	sld [smem:$0x3FAF]  }
0x2d: {  	s3 =	simm.s32 $0x108;
	s8 =	sld [smem:$0x3FB0]  }
0x2e: {  	s3 =	simm.s32 @!p0 $0x1082;
	s9 =	sld [smem:$0x3FB1]  }
0x2f: {  	lr =	sadd.s32 s0, s3;
	s0 =	sld [smem:$0x3FA8]  }
0x30: {  	s3 =	sld [smem:$0x3FAB]  }
0x31: {  	[smem:$0x3FB4] =	sst s10  }
0x32: {  	s10 =	sld [smem:$0x3FB2];
	_ =	sdelay $0x3  }
0x33: {  	p0 =	seq.s32 s10, $0x1;
	s10 =	sld [smem:$0x3FB4];
	_ =	sdelay $0x3  }
0x34: {  	[smem:$0x3FB4] =	sst s10  }
0x35: {  	s10 =	sld [smem:$0x3FB3];
	_ =	sdelay $0x3  }
0x36: {  	p1 =	seq.s32 s10, $0x1;
	s10 =	sld [smem:$0x3FB4];
	_ =	sdelay $0x3  }
0x37: {  	[smem:$0x3FB4] =	sst s10  }
0x38: {  	s10 =	sld [smem:$0x3FB5]  }
0x39: {  	_ = 	snop;
	(pc) =	sbr.ind lr, $3  }
0x3a: {  	_ = 	snop  }
0x3b: {  	_ = 	snop  }
0x3c: {  	p2 =	seq.s32 s10, $0x1;
	s10 =	sld [smem:$0x3FB4]  }
0x3d: {  	_ =	shalt  }
0x3e: {  	_ =	shalt  }
0x3f: {  	_ =	shalt  }
0x40: {  	_ =	shalt  }
0x41: {  	_ =	shalt  }
0x42: {  	_ =	shalt  }
0x43: {  	_ =	shalt  }
0x44: {  	_ =	shalt  }
0x45: {  	_ =	shalt  }
0x46: {  	_ =	shalt  }
0x47: {  	_ =	shalt  }
0x48: {  	_ =	shalt  }
0x49: {  	_ =	shalt  }
0x4a: {  	_ =	shalt  }
0x4b: {  	_ =	shalt  }
0x4c: {  	_ =	shalt  }
0x4d: {  	_ =	shalt  }
0x4e: {  	_ =	shalt  }
0x4f: {  	_ =	shalt  }
0x50: {  	_ =	shalt  }
0x51: {  	_ =	shalt  }
0x52: {  	_ =	shalt  }
0x53: {  	_ =	shalt  }
0x54: {  	_ =	shalt  }
0x55: {  	_ =	shalt  }
0x56: {  	_ =	shalt  }
0x57: {  	_ =	shalt  }
0x58: {  	_ =	shalt  }
0x59: {  	_ =	shalt  }
0x5a: {  	_ =	shalt  }
0x5b: {  	_ =	shalt  }
0x5c: {  	_ =	shalt  }
0x5d: {  	_ =	shalt  }
0x5e: {  	_ =	shalt  }
0x5f: {  	_ =	shalt  }
0x60: {  	_ =	shalt  }
0x61: {  	_ =	shalt  }
0x62: {  	_ =	shalt  }
0x63: {  	_ =	shalt  }
0x64: {  	_ =	shalt  }
0x65: {  	_ =	shalt  }
0x66: {  	_ =	shalt  }
0x67: {  	_ =	shalt  }
0x68: {  	_ =	shalt  }
0x69: {  	_ =	shalt  }
0x6a: {  	_ =	shalt  }
0x6b: {  	_ =	shalt  }
0x6c: {  	_ =	shalt  }
0x6d: {  	_ =	shalt  }
0x6e: {  	_ =	shalt  }
0x6f: {  	_ =	shalt  }
0x70: {  	_ =	shalt  }
0x71: {  	_ =	shalt  }
0x72: {  	_ =	shalt  }
0x73: {  	_ =	shalt  }
0x74: {  	_ =	shalt  }
0x75: {  	_ =	shalt  }
0x76: {  	_ =	shalt  }
0x77: {  	_ =	shalt  }
0x78: {  	_ =	shalt  }
0x79: {  	_ =	shalt  }
0x7a: {  	_ =	shalt  }
0x7b: {  	_ =	shalt  }
0x7c: {  	_ =	shalt  }
0x7d: {  	_ =	shalt  }
0x7e: {  	_ =	shalt  }
0x7f: {  	_ =	shalt  }
0x80: {  	_ =	shalt  }
0x81: {  	_ =	shalt  }
0x82: {  	_ =	shalt  }
0x83: {  	_ =	shalt  }
0x84: {  	_ =	shalt  }
0x85: {  	_ =	shalt  }
0x86: {  	_ =	shalt  }
0x87: {  	_ =	shalt  }
.Lfunc_end0:
.L_simem_size_0:
called_computation_lowered:
.L_overlay_start_0:
0x88: {  	s2 =	sld [smem:$0x3FD9]  }
0x89: {  	s3 =	sld [smem:$0x3FFE];
	_ =	sdelay $0x1  }
0x8a: {  	s1 =	srdreg.scid  }
0x8b: {  	s0 =	sand.u32 $0x1, s1  }
0x8c: {  	s17 =	sshll.u32 s0, $0xA;
	s2 =	sadd.s32 s3, s2  }
0x8d: {  	s2 =	sadd.s32 s2, s17  }
0x8e: {  	[smem:$0x3FC0] =	sst s2  }
0x8f: {  	_ = 	snop  }
0x90: {  	s2 =	sld [smem:$0x3FC9];
	(tm) =	ssettm $0x1  }
0x91: {  	s18 =	sld [smem:$0x3FFB];
	_ =	sdelay $0x3  }
0x92: {  	_ =	strace s18  }
0x93: {  	s3 =	sld [smem:$0x3FFC];
	_ =	sdelay $0x3  }
0x94: {  	_ =	strace s3  }
0x95: {  	s3 =	sld [smem:$0x3FFD];
	_ =	sdelay $0x3  }
0x96: {  	_ =	strace s3  }
0x97: {  	_ =	strace $0x8FFFFFFF  }
0x98: {  	s19 =	sld [smem:$0x3FDB];
	_ =	sdelay $0x1  }
0x99: {  	s4 =	simm.s32 $_scs_section_size  }
0x9a: {  	s5 =	simm.s32 $_size__tile_overlayer_lowered;
	s6 =	simm.s32 $_tile_overlayer_lowered  }
0x9b: {  	s22 =	simm.s32 $0x1BFF;
	s21 =	sshll.u32 s6, $0x1;
	s3 =	sadd.s32 s4, s19  }
0x9c: {  	s7 =	simm.s32 $0x0;
	s20 =	sshll.u32 s5, $0x1;
	s5 =	sadd.s32 s21, s3  }
0x9d: {  	[timem:s7], [sflag:s22] =	dma.local [hbm:s5], s20  }
0x9e: {  	_ =	swait.ge [sflag:s22], s20  }
0x9f: {  	s4 =	ssub.s32 $0x0, s20;
	[sflag:s22] =	ssyncset.done $0x0  }
0xa0: {  	[sflag:s22] =	ssyncadd.s32 s4;
	_ =	sdelay $0x1  }
0xa1: {  	s23 =	simm.s32 $0x1B8B  }
0xa2: {  	_ =	swait.ge [sflag:s23], $0x1  }
0xa3: {  	[sflag:s23] =	ssyncset.done $0x0  }
0xa4: {  	s25 =	simm.s32 $0x1B8E;
	s24 =	sld [smem:$0x3FFE];
	[sflag:s23] =	ssyncadd.s32 $0xFFFFFFFF  }
0xa5: {  	s26 =	simm.s32 $execute0_lowered;
	[smem:$0x3FD2] =	sst s25  }
0xa6: {  	s5 =	sshll.u32 s26, $0x1;
	_ =	strace $0x80000046;
	[dreg:$0x1] =	wrdreg $0xFFFFFFFF  }
0xa7: {  	s28 =	simm.s32 $_size_execute0_lowered;
	s3 =	sadd.s32 s3, s5;
	[dreg:$0x0] =	wrdreg $0x0  }
0xa8: {  	s5 =	sshll.u32 s28, $0x1;
	[dreg:$0x2] =	wrdreg s3  }
0xa9: {  	[dreg:$0x3] =	wrdreg s5  }
0xaa: {  	[dreg:$0x4] =	wrdreg $0xC0  }
0xab: {  	_ =	task [dreg:s7], $0x5FFFF  }
0xac: {  	[dreg:$0x1] =	wrdreg $0xFFFFFFFF  }
0xad: {  	[dreg:$0x0] =	wrdreg $0x60  }
0xae: {  	[dreg:$0x2] =	wrdreg s2  }
0xaf: {  	[dreg:$0x3] =	wrdreg s24  }
0xb0: {  	[dreg:$0x4] =	wrdreg $0x9  }
0xb1: {  	_ =	task.clear_ibuf [dreg:s7], $0x5FFFF;
	_ =	strace $0x90000046  }
0xb2: {  	s29 =	simm.s32 $0x9;
	_ =	strace $0x80000048  }
0xb3: {  	_ =	swait.ge [sflag:s29], $0x1  }
0xb4: {  	[sflag:s29] =	ssyncadd.s32 $0xFFFFFFFF  }
0xb5: {  	_ =	strace $0x90000048  }
0xb6: {  	_ =	sfence  }
0xb7: {  	s30 =	sld [smem:$0x0];
	_ =	sdelay $0x2  }
0xb8: {  	s31 =	sshll.u32 s1, $0xD;
	s1 =	sshrl.u32 s1, $0x2  }
0xb9: {  	s3 =	sand.u32 $0x4000, s31;
	s1 =	sadd.s32 s1, s30  }
0xba: {  	s0 =	sor.u32 s3, s0;
	s1 =	sshll.u32 s1, $0x11  }
0xbb: {  	s0 =	sor.u32 s1, s0  }
0xbc: {  	s0 =	sadd.s32 $0x8F2B, s0  }
0xbd: {  	[sflag:s0] =	ssyncadd.remote.s32 $0x1  }
0xbe: {  	_ =	sfence.sel $0xFFFF  }
0xbf: {  	[dreg:$0x0] =	wrdreg $0xFFFFFFFF;
	(pc) =	sbr.abs _section_cstart, $3  }
0xc0: {  	[dreg:$0x1] =	wrdreg $0xFFFFFFFF  }
0xc1: {  	_ =	task.clear_ibuf [dreg:s7], $0x2FFFF;
	_ =	strace $0x9FFFFFFF  }
0xc2: {  	(tm) =	ssettm $0x7FFFFFFF  }
0xc3: {  	_ =	shalt  }
tec
execute0_lowered:
.L_overlay_start_1:
0x0: {  	(tag) =	ssettag $0x1  }
0x1: {  	s2 =	rddreg [dreg:$0x0];
	s1 =	srdreg.scid  }
0x2: {  	s0 =	stileid.u32;
	s5 =	rddreg [dreg:$0x1];
	s3 =	simm.s32 $0x0  }
0x3: {  	s6 =	sand.u32 $0x1, s1;
	s4 =	sshll.u32 s0, $0x1;
	s1 =	rddreg [dreg:$0x2]  }
0x4: {  	s13 =	simm.s32 $0x0;
	[smem:$0x7FF] =	sst s3;
	s7 =	sor.u32 s6, s4  }
0x5: {  	_ =	strace $0x80000047;
	s6 =	ssub.s32 $0x2, s6;
	s8 =	smul.u32 $0x187, s7  }
0x6: {  	s9 =	sshll.u32 s7, $0xC;
	s4 =	smul.u32 $0x61A80, s7;
	s7 =	sshll.u32 s7, $0x9  }
0x7: {  	s10 =	sshrl.u32 s6, $0x1;
	s9 =	sadd.s32 s9, s5;
	s12 =	sadd.s32 s7, s5  }
0x8: {  	s10 =	ssub.s32 s6, s10;
	s8 =	sadd.s32 s8, s5;
	s11 =	sshrl.u32 s4, $0x3  }
0x9: {  	s7 =	sadd.s32 $0x8800, s9;
	s9 =	smax.u32 s10, $0x1;
	s10 =	simm.s32 $0x1  }
0xa: {  	v0 =	vimm.f32 $0.0e+00;
	s31 =	sadd.s32 s2, s11;
	s5 =	sadd.s32 $0x1600, s8;
	s8 =	sadd.s32 $0x4800, s12  }
0xb: {  	v1 =	vimm.s32 $0x100;
	v2 =	vlaneseq.u32;
	v3 =	vimm.f32 $1.000000000e+00;
	s11 =	simm.s32 $0x9CE0;
	s12 =	simm.s32 $0x8080;
	s6 =	sadd.s32 $0xB400, s31  }
.LBB2_1:
0xc: {  	s14 =	simm.s32 $0x0  }
.LBB2_2:
0xd: {  	p0 =	sne.s32 s14, $0x201C0  }
.Ltmp0:
0xe: {  	_ = 	snop;
	(pc) =	sbr.rel @p0 .LBB2_2-.Ltmp0, $3  }
0xf: {  	_ =	sdelay $0x1  }
0x10: {  	s15 =	sshra.s32 s14, $0x2  }
0x11: {  	s14 =	sadd.s32 $0x40, s14;
	[tilespmem:s15+$0x0] =	vst v0  }
0x12: {  	s14 =	simm.s32 $0x40;
	s15 =	simm.s32 $0x0  }
.LBB2_4:
0x13: {  	p0 =	sne.s32 s14, $0x4000;
	[tilespmem:s15+$0x8080] =	vst v0;
	s15 =	smov.u32 s14;
	s14 =	sadd.s32 $0x40, s14  }
.Ltmp1:
0x14: {  	(pc) =	sbr.rel @p0 .LBB2_4-.Ltmp1, $2  }
0x15: {  	_ =	sdelay $0x2  }
0x16: {  	s15 =	sshra.s32 s15, $0x2  }
0x17: {  	[tilespmem:s15+$0x8080] =	vst v0;
	s14 =	simm.s32 $0x0;
	s15 =	simm.s32 $0x9090  }
0x18: {  	[tilespmem:s15], [sflag:$0x1] =	stream.linear.gather [hbm4b:s5+s14], $0xC35, $0x38;
	[tilespmem:$0x13CE0] =	vst v63  }
0x19: {  	_ =	swait.ge [sflag:s10], $0xC35  }
0x1a: {  	[sflag:s10] =	ssyncset.done $0x0  }
0x1b: {  	[sflag:s10] =	ssyncadd.s32 $0xFFFFF3CB  }
0x1c: {  	s16 =	simm.s32 $0x9CE0;
	s17 =	simm.s32 $0x0;
	s18 =	simm.s32 $0x0;
	[tilespmem:$0x9CC5] =	vst v1  }
.LBB2_7:
0x1d: {  	s19 =	smul.u32 $0xA000, s18;
	_ =	sdelay $0x1  }
0x1e: {  	s19 =	sadd.s32 s4, s19  }
0x1f: {  	s19 =	sshrl.u32 s19, $0x3  }
0x20: {  	s19 =	sadd.s32 s2, s19  }
0x21: {  	v4 =	vmov s15;
	[tilespmem:s11], [sflag:$0x1] =	stream.linear.gather [hbm4b:s19+s14], $0xA000, $0x38;
	[tilespmem:$0x13CE0] =	vst v63  }
0x22: {  	_ =	swait.ge [sflag:s10], $0xA000  }
0x23: {  	s18 =	sadd.s32 $0x1, s18;
	s20 =	smov.u32 s16;
	[sflag:s10] =	ssyncset.done $0x0  }
0x24: {  	s21 =	simm.s32 $0x0;
	s19 =	smov.u32 s17;
	[sflag:s10] =	ssyncadd.s32 $0xFFFF6000  }
.LBB2_8:
0x25: {  	s22 =	sshra.s32 s21, $0x2  }
0x26: {  	v6 =	vld.idx.msk [tilespmem:v4+s22+$0x0 ss:$0x1], $0xffff;
	_ =	sdelay $0x4  }
0x27: {  	v5 =	vshll.u32 v6, $0x7  }
0x28: {  	(v2sf) =	vpush v5, $0x0;
	_ =	sdelay $0x3  }
0x29: {  	s24 =	smulhi.u32 $0xCCCCCCCD, s19;
	v6 =	vshll.u32 v6, $0x4  }
0x2a: {  	v6 =	vor.u32 v2, v6  }
0x2b: {  	s22 =	sshrl.u32 s24, $0x8  }
0x2c: {  	s22 =	smul.u32 $0xFFFD8000, s22;
	_ =	sdelay $0x1  }
0x2d: {  	s22 =	sshra.s32 s22, $0x2  }
0x2e: {  	s22 =	sadd.s32 s22, s20;
	[tilespmem:v6+s12+$0x0] =	vst.idx.add.f32.msk $0xffff, v3  }
0x2f: {  	v6 =	vld [tilespmem:s22+$0x0];
	_ =	sdelay $0x3  }
0x30: {  	s23 =	spop (v2sf)  }
0x31: {  	[tilespmem:s23+$0x0] =	vst.add.f32.msk $0xffff, v6  }
0x32: {  	v6 =	vld [tilespmem:s22+$0x10];
	_ =	sdelay $0x3  }
0x33: {  	s24 =	sor.u32 $0x10, s23  }
0x34: {  	[tilespmem:s24+$0x0] =	vst.add.f32.msk $0xffff, v6  }
0x35: {  	v6 =	vld [tilespmem:s22+$0x20];
	_ =	sdelay $0x3  }
0x36: {  	s25 =	sor.u32 $0x20, s23  }
0x37: {  	[tilespmem:s25+$0x0] =	vst.add.f32.msk $0xffff, v6  }
0x38: {  	v6 =	vld [tilespmem:s22+$0x30];
	_ =	sdelay $0x3  }
0x39: {  	s26 =	sor.u32 $0x30, s23  }
0x3a: {  	[tilespmem:s26+$0x0] =	vst.add.f32.msk $0xffff, v6  }
0x3b: {  	v6 =	vld [tilespmem:s22+$0x40];
	_ =	sdelay $0x3  }
0x3c: {  	s28 =	sor.u32 $0x40, s23  }
0x3d: {  	[tilespmem:s28+$0x0] =	vst.add.f32.msk $0xffff, v6  }
0x3e: {  	v6 =	vld [tilespmem:s22+$0x50];
	_ =	sdelay $0x3  }
0x3f: {  	s29 =	sor.u32 $0x50, s23  }
0x40: {  	[tilespmem:s29+$0x0] =	vst.add.f32.msk $0xffff, v6  }
0x41: {  	v6 =	vld [tilespmem:s22+$0x60]  }
0x42: {  	(v2sf) =	vpush v5, $0x1;
	_ =	sdelay $0x2  }
0x43: {  	s30 =	sor.u32 $0x60, s23  }
0x44: {  	[tilespmem:s30+$0x0] =	vst.add.f32.msk $0xffff, v6  }
0x45: {  	v6 =	vld [tilespmem:s22+$0x70];
	_ =	sdelay $0x3  }
0x46: {  	s23 =	sor.u32 $0x70, s23  }
0x47: {  	[tilespmem:s23+$0x0] =	vst.add.f32.msk $0xffff, v6  }
0x48: {  	v6 =	vld [tilespmem:s22+$0x80];
	_ =	sdelay $0x3  }
0x49: {  	s23 =	spop (v2sf)  }
0x4a: {  	[tilespmem:s23+$0x0] =	vst.add.f32.msk $0xffff, v6  }
0x4b: {  	v6 =	vld [tilespmem:s22+$0x90];
	_ =	sdelay $0x3  }
0x4c: {  	s31 =	sor.u32 $0x10, s23  }
0x4d: {  	[tilespmem:s31+$0x0] =	vst.add.f32.msk $0xffff, v6  }
0x4e: {  	v6 =	vld [tilespmem:s22+$0xA0];
	_ =	sdelay $0x3  }
0x4f: {  	s25 =	sor.u32 $0x20, s23  }
0x50: {  	[tilespmem:s25+$0x0] =	vst.add.f32.msk $0xffff, v6  }
0x51: {  	v6 =	vld [tilespmem:s22+$0xB0];
	_ =	sdelay $0x3  }
0x52: {  	s26 =	sor.u32 $0x30, s23  }
0x53: {  	[tilespmem:s26+$0x0] =	vst.add.f32.msk $0xffff, v6  }
0x54: {  	v6 =	vld [tilespmem:s22+$0xC0];
	_ =	sdelay $0x3  }
0x55: {  	s28 =	sor.u32 $0x40, s23  }
0x56: {  	[tilespmem:s28+$0x0] =	vst.add.f32.msk $0xffff, v6  }
0x57: {  	v6 =	vld [tilespmem:s22+$0xD0];
	_ =	sdelay $0x3  }
0x58: {  	s29 =	sor.u32 $0x50, s23  }
0x59: {  	[tilespmem:s29+$0x0] =	vst.add.f32.msk $0xffff, v6  }
0x5a: {  	v6 =	vld [tilespmem:s22+$0xE0]  }
0x5b: {  	(v2sf) =	vpush v5, $0x2;
	_ =	sdelay $0x2  }
0x5c: {  	s30 =	sor.u32 $0x60, s23  }
0x5d: {  	[tilespmem:s30+$0x0] =	vst.add.f32.msk $0xffff, v6  }
0x5e: {  	v6 =	vld [tilespmem:s22+$0xF0];
	_ =	sdelay $0x3  }
0x5f: {  	s23 =	sor.u32 $0x70, s23  }
0x60: {  	[tilespmem:s23+$0x0] =	vst.add.f32.msk $0xffff, v6  }
0x61: {  	v6 =	vld [tilespmem:s22+$0x100];
	_ =	sdelay $0x3  }
0x62: {  	s23 =	spop (v2sf)  }
0x63: {  	[tilespmem:s23+$0x0] =	vst.add.f32.msk $0xffff, v6  }
0x64: {  	v6 =	vld [tilespmem:s22+$0x110];
	_ =	sdelay $0x3  }
0x65: {  	s31 =	sor.u32 $0x10, s23  }
0x66: {  	[tilespmem:s31+$0x0] =	vst.add.f32.msk $0xffff, v6  }
0x67: {  	v6 =	vld [tilespmem:s22+$0x120];
	_ =	sdelay $0x3  }
0x68: {  	s25 =	sor.u32 $0x20, s23  }
0x69: {  	[tilespmem:s25+$0x0] =	vst.add.f32.msk $0xffff, v6  }
0x6a: {  	v6 =	vld [tilespmem:s22+$0x130];
	_ =	sdelay $0x3  }
0x6b: {  	s26 =	sor.u32 $0x30, s23  }
0x6c: {  	[tilespmem:s26+$0x0] =	vst.add.f32.msk $0xffff, v6  }
0x6d: {  	v6 =	vld [tilespmem:s22+$0x140];
	_ =	sdelay $0x3  }
0x6e: {  	s28 =	sor.u32 $0x40, s23  }
0x6f: {  	[tilespmem:s28+$0x0] =	vst.add.f32.msk $0xffff, v6  }
0x70: {  	v6 =	vld [tilespmem:s22+$0x150];
	_ =	sdelay $0x3  }
0x71: {  	s29 =	sor.u32 $0x50, s23  }
0x72: {  	[tilespmem:s29+$0x0] =	vst.add.f32.msk $0xffff, v6  }
0x73: {  	v6 =	vld [tilespmem:s22+$0x160]  }
0x74: {  	(v2sf) =	vpush v5, $0x3;
	_ =	sdelay $0x2  }
0x75: {  	s30 =	sor.u32 $0x60, s23  }
0x76: {  	[tilespmem:s30+$0x0] =	vst.add.f32.msk $0xffff, v6  }
0x77: {  	v6 =	vld [tilespmem:s22+$0x170];
	_ =	sdelay $0x3  }
0x78: {  	s23 =	sor.u32 $0x70, s23  }
0x79: {  	[tilespmem:s23+$0x0] =	vst.add.f32.msk $0xffff, v6  }
0x7a: {  	v6 =	vld [tilespmem:s22+$0x180];
	_ =	sdelay $0x3  }
0x7b: {  	s23 =	spop (v2sf)  }
0x7c: {  	[tilespmem:s23+$0x0] =	vst.add.f32.msk $0xffff, v6  }
0x7d: {  	v6 =	vld [tilespmem:s22+$0x190];
	_ =	sdelay $0x3  }
0x7e: {  	s31 =	sor.u32 $0x10, s23  }
0x7f: {  	[tilespmem:s31+$0x0] =	vst.add.f32.msk $0xffff, v6  }
0x80: {  	v6 =	vld [tilespmem:s22+$0x1A0];
	_ =	sdelay $0x3  }
0x81: {  	s25 =	sor.u32 $0x20, s23  }
0x82: {  	[tilespmem:s25+$0x0] =	vst.add.f32.msk $0xffff, v6  }
0x83: {  	v6 =	vld [tilespmem:s22+$0x1B0];
	_ =	sdelay $0x3  }
0x84: {  	s26 =	sor.u32 $0x30, s23  }
0x85: {  	[tilespmem:s26+$0x0] =	vst.add.f32.msk $0xffff, v6  }
0x86: {  	v6 =	vld [tilespmem:s22+$0x1C0];
	_ =	sdelay $0x3  }
0x87: {  	s28 =	sor.u32 $0x40, s23  }
0x88: {  	[tilespmem:s28+$0x0] =	vst.add.f32.msk $0xffff, v6  }
0x89: {  	v6 =	vld [tilespmem:s22+$0x1D0];
	_ =	sdelay $0x3  }
0x8a: {  	s29 =	sor.u32 $0x50, s23  }
0x8b: {  	[tilespmem:s29+$0x0] =	vst.add.f32.msk $0xffff, v6  }
0x8c: {  	v6 =	vld [tilespmem:s22+$0x1E0]  }
0x8d: {  	(v2sf) =	vpush v5, $0x4;
	_ =	sdelay $0x2  }
0x8e: {  	s30 =	sor.u32 $0x60, s23  }
0x8f: {  	[tilespmem:s30+$0x0] =	vst.add.f32.msk $0xffff, v6  }
0x90: {  	v6 =	vld [tilespmem:s22+$0x1F0];
	_ =	sdelay $0x3  }
0x91: {  	s23 =	sor.u32 $0x70, s23  }
0x92: {  	[tilespmem:s23+$0x0] =	vst.add.f32.msk $0xffff, v6  }
0x93: {  	v6 =	vld [tilespmem:s22+$0x200];
	_ =	sdelay $0x3  }
0x94: {  	s23 =	spop (v2sf)  }
0x95: {  	[tilespmem:s23+$0x0] =	vst.add.f32.msk $0xffff, v6  }
0x96: {  	v6 =	vld [tilespmem:s22+$0x210];
	_ =	sdelay $0x3  }
0x97: {  	s31 =	sor.u32 $0x10, s23  }
0x98: {  	[tilespmem:s31+$0x0] =	vst.add.f32.msk $0xffff, v6  }
0x99: {  	v6 =	vld [tilespmem:s22+$0x220];
	_ =	sdelay $0x3  }
0x9a: {  	s25 =	sor.u32 $0x20, s23  }
0x9b: {  	[tilespmem:s25+$0x0] =	vst.add.f32.msk $0xffff, v6  }
0x9c: {  	v6 =	vld [tilespmem:s22+$0x230];
	_ =	sdelay $0x3  }
0x9d: {  	s26 =	sor.u32 $0x30, s23  }
0x9e: {  	[tilespmem:s26+$0x0] =	vst.add.f32.msk $0xffff, v6  }
0x9f: {  	v6 =	vld [tilespmem:s22+$0x240];
	_ =	sdelay $0x3  }
0xa0: {  	s28 =	sor.u32 $0x40, s23  }
0xa1: {  	[tilespmem:s28+$0x0] =	vst.add.f32.msk $0xffff, v6  }
0xa2: {  	v6 =	vld [tilespmem:s22+$0x250];
	_ =	sdelay $0x3  }
0xa3: {  	s29 =	sor.u32 $0x50, s23  }
0xa4: {  	[tilespmem:s29+$0x0] =	vst.add.f32.msk $0xffff, v6  }
0xa5: {  	v6 =	vld [tilespmem:s22+$0x260]  }
0xa6: {  	(v2sf) =	vpush v5, $0x5;
	_ =	sdelay $0x2  }
0xa7: {  	s30 =	sor.u32 $0x60, s23  }
0xa8: {  	[tilespmem:s30+$0x0] =	vst.add.f32.msk $0xffff, v6  }
0xa9: {  	v6 =	vld [tilespmem:s22+$0x270];
	_ =	sdelay $0x3  }
0xaa: {  	s23 =	sor.u32 $0x70, s23  }
0xab: {  	[tilespmem:s23+$0x0] =	vst.add.f32.msk $0xffff, v6  }
0xac: {  	v6 =	vld [tilespmem:s22+$0x280];
	_ =	sdelay $0x3  }
0xad: {  	s23 =	spop (v2sf)  }
0xae: {  	[tilespmem:s23+$0x0] =	vst.add.f32.msk $0xffff, v6  }
0xaf: {  	v6 =	vld [tilespmem:s22+$0x290];
	_ =	sdelay $0x3  }
0xb0: {  	s31 =	sor.u32 $0x10, s23  }
0xb1: {  	[tilespmem:s31+$0x0] =	vst.add.f32.msk $0xffff, v6  }
0xb2: {  	v6 =	vld [tilespmem:s22+$0x2A0];
	_ =	sdelay $0x3  }
0xb3: {  	s25 =	sor.u32 $0x20, s23  }
0xb4: {  	[tilespmem:s25+$0x0] =	vst.add.f32.msk $0xffff, v6  }
0xb5: {  	v6 =	vld [tilespmem:s22+$0x2B0];
	_ =	sdelay $0x3  }
0xb6: {  	s26 =	sor.u32 $0x30, s23  }
0xb7: {  	[tilespmem:s26+$0x0] =	vst.add.f32.msk $0xffff, v6  }
0xb8: {  	v6 =	vld [tilespmem:s22+$0x2C0];
	_ =	sdelay $0x3  }
0xb9: {  	s28 =	sor.u32 $0x40, s23  }
0xba: {  	[tilespmem:s28+$0x0] =	vst.add.f32.msk $0xffff, v6  }
0xbb: {  	v6 =	vld [tilespmem:s22+$0x2D0];
	_ =	sdelay $0x3  }
0xbc: {  	s29 =	sor.u32 $0x50, s23  }
0xbd: {  	[tilespmem:s29+$0x0] =	vst.add.f32.msk $0xffff, v6  }
0xbe: {  	v6 =	vld [tilespmem:s22+$0x2E0]  }
0xbf: {  	(v2sf) =	vpush v5, $0x6;
	_ =	sdelay $0x2  }
0xc0: {  	s30 =	sor.u32 $0x60, s23  }
0xc1: {  	[tilespmem:s30+$0x0] =	vst.add.f32.msk $0xffff, v6  }
0xc2: {  	v6 =	vld [tilespmem:s22+$0x2F0];
	_ =	sdelay $0x3  }
0xc3: {  	s23 =	sor.u32 $0x70, s23  }
0xc4: {  	[tilespmem:s23+$0x0] =	vst.add.f32.msk $0xffff, v6  }
0xc5: {  	v6 =	vld [tilespmem:s22+$0x300];
	_ =	sdelay $0x3  }
0xc6: {  	s23 =	spop (v2sf)  }
0xc7: {  	[tilespmem:s23+$0x0] =	vst.add.f32.msk $0xffff, v6  }
0xc8: {  	v6 =	vld [tilespmem:s22+$0x310];
	_ =	sdelay $0x3  }
0xc9: {  	s31 =	sor.u32 $0x10, s23  }
0xca: {  	[tilespmem:s31+$0x0] =	vst.add.f32.msk $0xffff, v6  }
0xcb: {  	v6 =	vld [tilespmem:s22+$0x320];
	_ =	sdelay $0x3  }
0xcc: {  	s25 =	sor.u32 $0x20, s23  }
0xcd: {  	[tilespmem:s25+$0x0] =	vst.add.f32.msk $0xffff, v6  }
0xce: {  	v6 =	vld [tilespmem:s22+$0x330];
	_ =	sdelay $0x3  }
0xcf: {  	s26 =	sor.u32 $0x30, s23  }
0xd0: {  	[tilespmem:s26+$0x0] =	vst.add.f32.msk $0xffff, v6  }
0xd1: {  	v6 =	vld [tilespmem:s22+$0x340];
	_ =	sdelay $0x3  }
0xd2: {  	s28 =	sor.u32 $0x40, s23  }
0xd3: {  	[tilespmem:s28+$0x0] =	vst.add.f32.msk $0xffff, v6  }
0xd4: {  	v6 =	vld [tilespmem:s22+$0x350];
	_ =	sdelay $0x3  }
0xd5: {  	s29 =	sor.u32 $0x50, s23  }
0xd6: {  	[tilespmem:s29+$0x0] =	vst.add.f32.msk $0xffff, v6  }
0xd7: {  	v6 =	vld [tilespmem:s22+$0x360]  }
0xd8: {  	(v2sf) =	vpush v5, $0x7;
	_ =	sdelay $0x2  }
0xd9: {  	s30 =	sor.u32 $0x60, s23  }
0xda: {  	[tilespmem:s30+$0x0] =	vst.add.f32.msk $0xffff, v6  }
0xdb: {  	v6 =	vld [tilespmem:s22+$0x370];
	_ =	sdelay $0x3  }
0xdc: {  	s23 =	sor.u32 $0x70, s23  }
0xdd: {  	[tilespmem:s23+$0x0] =	vst.add.f32.msk $0xffff, v6  }
0xde: {  	v6 =	vld [tilespmem:s22+$0x380];
	_ =	sdelay $0x3  }
0xdf: {  	s23 =	spop (v2sf)  }
0xe0: {  	[tilespmem:s23+$0x0] =	vst.add.f32.msk $0xffff, v6  }
0xe1: {  	v6 =	vld [tilespmem:s22+$0x390];
	_ =	sdelay $0x3  }
0xe2: {  	s31 =	sor.u32 $0x10, s23  }
0xe3: {  	[tilespmem:s31+$0x0] =	vst.add.f32.msk $0xffff, v6  }
0xe4: {  	v6 =	vld [tilespmem:s22+$0x3A0];
	_ =	sdelay $0x3  }
0xe5: {  	s25 =	sor.u32 $0x20, s23  }
0xe6: {  	[tilespmem:s25+$0x0] =	vst.add.f32.msk $0xffff, v6  }
0xe7: {  	v6 =	vld [tilespmem:s22+$0x3B0];
	_ =	sdelay $0x3  }
0xe8: {  	s26 =	sor.u32 $0x30, s23  }
0xe9: {  	[tilespmem:s26+$0x0] =	vst.add.f32.msk $0xffff, v6  }
0xea: {  	v6 =	vld [tilespmem:s22+$0x3C0];
	_ =	sdelay $0x3  }
0xeb: {  	s28 =	sor.u32 $0x40, s23  }
0xec: {  	[tilespmem:s28+$0x0] =	vst.add.f32.msk $0xffff, v6  }
0xed: {  	v6 =	vld [tilespmem:s22+$0x3D0];
	_ =	sdelay $0x3  }
0xee: {  	s29 =	sor.u32 $0x50, s23  }
0xef: {  	[tilespmem:s29+$0x0] =	vst.add.f32.msk $0xffff, v6  }
0xf0: {  	v6 =	vld [tilespmem:s22+$0x3E0]  }
0xf1: {  	(v2sf) =	vpush v5, $0x8;
	_ =	sdelay $0x2  }
0xf2: {  	s30 =	sor.u32 $0x60, s23  }
0xf3: {  	[tilespmem:s30+$0x0] =	vst.add.f32.msk $0xffff, v6  }
0xf4: {  	v6 =	vld [tilespmem:s22+$0x3F0];
	_ =	sdelay $0x3  }
0xf5: {  	s23 =	sor.u32 $0x70, s23  }
0xf6: {  	[tilespmem:s23+$0x0] =	vst.add.f32.msk $0xffff, v6  }
0xf7: {  	v6 =	vld [tilespmem:s22+$0x400];
	_ =	sdelay $0x3  }
0xf8: {  	s23 =	spop (v2sf)  }
0xf9: {  	[tilespmem:s23+$0x0] =	vst.add.f32.msk $0xffff, v6  }
0xfa: {  	v6 =	vld [tilespmem:s22+$0x410];
	_ =	sdelay $0x3  }
0xfb: {  	s31 =	sor.u32 $0x10, s23  }
0xfc: {  	[tilespmem:s31+$0x0] =	vst.add.f32.msk $0xffff, v6  }
0xfd: {  	v6 =	vld [tilespmem:s22+$0x420];
	_ =	sdelay $0x3  }
0xfe: {  	s25 =	sor.u32 $0x20, s23  }
0xff: {  	[tilespmem:s25+$0x0] =	vst.add.f32.msk $0xffff, v6  }
0x100: {  	v6 =	vld [tilespmem:s22+$0x430];
	_ =	sdelay $0x3  }
0x101: {  	s26 =	sor.u32 $0x30, s23  }
0x102: {  	[tilespmem:s26+$0x0] =	vst.add.f32.msk $0xffff, v6  }
0x103: {  	v6 =	vld [tilespmem:s22+$0x440];
	_ =	sdelay $0x3  }
0x104: {  	s28 =	sor.u32 $0x40, s23  }
0x105: {  	[tilespmem:s28+$0x0] =	vst.add.f32.msk $0xffff, v6  }
0x106: {  	v6 =	vld [tilespmem:s22+$0x450];
	_ =	sdelay $0x3  }
0x107: {  	s29 =	sor.u32 $0x50, s23  }
0x108: {  	[tilespmem:s29+$0x0] =	vst.add.f32.msk $0xffff, v6  }
0x109: {  	v6 =	vld [tilespmem:s22+$0x460]  }
0x10a: {  	(v2sf) =	vpush v5, $0x9;
	_ =	sdelay $0x2  }
0x10b: {  	s30 =	sor.u32 $0x60, s23  }
0x10c: {  	[tilespmem:s30+$0x0] =	vst.add.f32.msk $0xffff, v6  }
0x10d: {  	v6 =	vld [tilespmem:s22+$0x470];
	_ =	sdelay $0x3  }
0x10e: {  	s23 =	sor.u32 $0x70, s23  }
0x10f: {  	[tilespmem:s23+$0x0] =	vst.add.f32.msk $0xffff, v6  }
0x110: {  	v6 =	vld [tilespmem:s22+$0x480];
	_ =	sdelay $0x3  }
0x111: {  	s23 =	spop (v2sf)  }
0x112: {  	[tilespmem:s23+$0x0] =	vst.add.f32.msk $0xffff, v6  }
0x113: {  	v6 =	vld [tilespmem:s22+$0x490];
	_ =	sdelay $0x3  }
0x114: {  	s31 =	sor.u32 $0x10, s23  }
0x115: {  	[tilespmem:s31+$0x0] =	vst.add.f32.msk $0xffff, v6  }
0x116: {  	v6 =	vld [tilespmem:s22+$0x4A0];
	_ =	sdelay $0x3  }
0x117: {  	s25 =	sor.u32 $0x20, s23  }
0x118: {  	[tilespmem:s25+$0x0] =	vst.add.f32.msk $0xffff, v6  }
0x119: {  	v6 =	vld [tilespmem:s22+$0x4B0];
	_ =	sdelay $0x3  }
0x11a: {  	s26 =	sor.u32 $0x30, s23  }
0x11b: {  	[tilespmem:s26+$0x0] =	vst.add.f32.msk $0xffff, v6  }
0x11c: {  	v6 =	vld [tilespmem:s22+$0x4C0];
	_ =	sdelay $0x3  }
0x11d: {  	s28 =	sor.u32 $0x40, s23  }
0x11e: {  	[tilespmem:s28+$0x0] =	vst.add.f32.msk $0xffff, v6  }
0x11f: {  	v6 =	vld [tilespmem:s22+$0x4D0];
	_ =	sdelay $0x3  }
0x120: {  	s29 =	sor.u32 $0x50, s23  }
0x121: {  	[tilespmem:s29+$0x0] =	vst.add.f32.msk $0xffff, v6  }
0x122: {  	v6 =	vld [tilespmem:s22+$0x4E0]  }
0x123: {  	(v2sf) =	vpush v5, $0xA;
	_ =	sdelay $0x2  }
0x124: {  	s30 =	sor.u32 $0x60, s23  }
0x125: {  	[tilespmem:s30+$0x0] =	vst.add.f32.msk $0xffff, v6  }
0x126: {  	v6 =	vld [tilespmem:s22+$0x4F0];
	_ =	sdelay $0x3  }
0x127: {  	s23 =	sor.u32 $0x70, s23  }
0x128: {  	[tilespmem:s23+$0x0] =	vst.add.f32.msk $0xffff, v6  }
0x129: {  	v6 =	vld [tilespmem:s22+$0x500];
	_ =	sdelay $0x3  }
0x12a: {  	s23 =	spop (v2sf)  }
0x12b: {  	[tilespmem:s23+$0x0] =	vst.add.f32.msk $0xffff, v6  }
0x12c: {  	v6 =	vld [tilespmem:s22+$0x510];
	_ =	sdelay $0x3  }
0x12d: {  	s31 =	sor.u32 $0x10, s23  }
0x12e: {  	[tilespmem:s31+$0x0] =	vst.add.f32.msk $0xffff, v6  }
0x12f: {  	v6 =	vld [tilespmem:s22+$0x520];
	_ =	sdelay $0x3  }
0x130: {  	s25 =	sor.u32 $0x20, s23  }
0x131: {  	[tilespmem:s25+$0x0] =	vst.add.f32.msk $0xffff, v6  }
0x132: {  	v6 =	vld [tilespmem:s22+$0x530];
	_ =	sdelay $0x3  }
0x133: {  	s26 =	sor.u32 $0x30, s23  }
0x134: {  	[tilespmem:s26+$0x0] =	vst.add.f32.msk $0xffff, v6  }
0x135: {  	v6 =	vld [tilespmem:s22+$0x540];
	_ =	sdelay $0x3  }
0x136: {  	s28 =	sor.u32 $0x40, s23  }
0x137: {  	[tilespmem:s28+$0x0] =	vst.add.f32.msk $0xffff, v6  }
0x138: {  	v6 =	vld [tilespmem:s22+$0x550];
	_ =	sdelay $0x3  }
0x139: {  	s29 =	sor.u32 $0x50, s23  }
0x13a: {  	[tilespmem:s29+$0x0] =	vst.add.f32.msk $0xffff, v6  }
0x13b: {  	v6 =	vld [tilespmem:s22+$0x560]  }
0x13c: {  	(v2sf) =	vpush v5, $0xB;
	_ =	sdelay $0x2  }
0x13d: {  	s30 =	sor.u32 $0x60, s23  }
0x13e: {  	[tilespmem:s30+$0x0] =	vst.add.f32.msk $0xffff, v6  }
0x13f: {  	v6 =	vld [tilespmem:s22+$0x570];
	_ =	sdelay $0x3  }
0x140: {  	s23 =	sor.u32 $0x70, s23  }
0x141: {  	[tilespmem:s23+$0x0] =	vst.add.f32.msk $0xffff, v6  }
0x142: {  	v6 =	vld [tilespmem:s22+$0x580];
	_ =	sdelay $0x3  }
0x143: {  	s23 =	spop (v2sf)  }
0x144: {  	[tilespmem:s23+$0x0] =	vst.add.f32.msk $0xffff, v6  }
0x145: {  	v6 =	vld [tilespmem:s22+$0x590];
	_ =	sdelay $0x3  }
0x146: {  	s31 =	sor.u32 $0x10, s23  }
0x147: {  	[tilespmem:s31+$0x0] =	vst.add.f32.msk $0xffff, v6  }
0x148: {  	v6 =	vld [tilespmem:s22+$0x5A0];
	_ =	sdelay $0x3  }
0x149: {  	s25 =	sor.u32 $0x20, s23  }
0x14a: {  	[tilespmem:s25+$0x0] =	vst.add.f32.msk $0xffff, v6  }
0x14b: {  	v6 =	vld [tilespmem:s22+$0x5B0];
	_ =	sdelay $0x3  }
0x14c: {  	s26 =	sor.u32 $0x30, s23  }
0x14d: {  	[tilespmem:s26+$0x0] =	vst.add.f32.msk $0xffff, v6  }
0x14e: {  	v6 =	vld [tilespmem:s22+$0x5C0];
	_ =	sdelay $0x3  }
0x14f: {  	s28 =	sor.u32 $0x40, s23  }
0x150: {  	[tilespmem:s28+$0x0] =	vst.add.f32.msk $0xffff, v6  }
0x151: {  	v6 =	vld [tilespmem:s22+$0x5D0];
	_ =	sdelay $0x3  }
0x152: {  	s29 =	sor.u32 $0x50, s23  }
0x153: {  	[tilespmem:s29+$0x0] =	vst.add.f32.msk $0xffff, v6  }
0x154: {  	v6 =	vld [tilespmem:s22+$0x5E0]  }
0x155: {  	(v2sf) =	vpush v5, $0xC;
	_ =	sdelay $0x2  }
0x156: {  	s30 =	sor.u32 $0x60, s23  }
0x157: {  	[tilespmem:s30+$0x0] =	vst.add.f32.msk $0xffff, v6  }
0x158: {  	v6 =	vld [tilespmem:s22+$0x5F0];
	_ =	sdelay $0x3  }
0x159: {  	s23 =	sor.u32 $0x70, s23  }
0x15a: {  	[tilespmem:s23+$0x0] =	vst.add.f32.msk $0xffff, v6  }
0x15b: {  	v6 =	vld [tilespmem:s22+$0x600];
	_ =	sdelay $0x3  }
0x15c: {  	s23 =	spop (v2sf)  }
0x15d: {  	[tilespmem:s23+$0x0] =	vst.add.f32.msk $0xffff, v6  }
0x15e: {  	v6 =	vld [tilespmem:s22+$0x610];
	_ =	sdelay $0x3  }
0x15f: {  	s31 =	sor.u32 $0x10, s23  }
0x160: {  	[tilespmem:s31+$0x0] =	vst.add.f32.msk $0xffff, v6  }
0x161: {  	v6 =	vld [tilespmem:s22+$0x620];
	_ =	sdelay $0x3  }
0x162: {  	s25 =	sor.u32 $0x20, s23  }
0x163: {  	[tilespmem:s25+$0x0] =	vst.add.f32.msk $0xffff, v6  }
0x164: {  	v6 =	vld [tilespmem:s22+$0x630];
	_ =	sdelay $0x3  }
0x165: {  	s26 =	sor.u32 $0x30, s23  }
0x166: {  	[tilespmem:s26+$0x0] =	vst.add.f32.msk $0xffff, v6  }
0x167: {  	v6 =	vld [tilespmem:s22+$0x640];
	_ =	sdelay $0x3  }
0x168: {  	s28 =	sor.u32 $0x40, s23  }
0x169: {  	[tilespmem:s28+$0x0] =	vst.add.f32.msk $0xffff, v6  }
0x16a: {  	v6 =	vld [tilespmem:s22+$0x650];
	_ =	sdelay $0x3  }
0x16b: {  	s29 =	sor.u32 $0x50, s23  }
0x16c: {  	[tilespmem:s29+$0x0] =	vst.add.f32.msk $0xffff, v6  }
0x16d: {  	v6 =	vld [tilespmem:s22+$0x660]  }
0x16e: {  	(v2sf) =	vpush v5, $0xD;
	_ =	sdelay $0x2  }
0x16f: {  	s30 =	sor.u32 $0x60, s23  }
0x170: {  	[tilespmem:s30+$0x0] =	vst.add.f32.msk $0xffff, v6  }
0x171: {  	v6 =	vld [tilespmem:s22+$0x670];
	_ =	sdelay $0x3  }
0x172: {  	s23 =	sor.u32 $0x70, s23  }
0x173: {  	[tilespmem:s23+$0x0] =	vst.add.f32.msk $0xffff, v6  }
0x174: {  	v6 =	vld [tilespmem:s22+$0x680];
	_ =	sdelay $0x3  }
0x175: {  	s23 =	spop (v2sf)  }
0x176: {  	[tilespmem:s23+$0x0] =	vst.add.f32.msk $0xffff, v6  }
0x177: {  	v6 =	vld [tilespmem:s22+$0x690];
	_ =	sdelay $0x3  }
0x178: {  	s31 =	sor.u32 $0x10, s23  }
0x179: {  	[tilespmem:s31+$0x0] =	vst.add.f32.msk $0xffff, v6  }
0x17a: {  	v6 =	vld [tilespmem:s22+$0x6A0];
	_ =	sdelay $0x3  }
0x17b: {  	s25 =	sor.u32 $0x20, s23  }
0x17c: {  	[tilespmem:s25+$0x0] =	vst.add.f32.msk $0xffff, v6  }
0x17d: {  	v6 =	vld [tilespmem:s22+$0x6B0];
	_ =	sdelay $0x3  }
0x17e: {  	s26 =	sor.u32 $0x30, s23  }
0x17f: {  	[tilespmem:s26+$0x0] =	vst.add.f32.msk $0xffff, v6  }
0x180: {  	v6 =	vld [tilespmem:s22+$0x6C0];
	_ =	sdelay $0x3  }
0x181: {  	s28 =	sor.u32 $0x40, s23  }
0x182: {  	[tilespmem:s28+$0x0] =	vst.add.f32.msk $0xffff, v6  }
0x183: {  	v6 =	vld [tilespmem:s22+$0x6D0];
	_ =	sdelay $0x3  }
0x184: {  	s29 =	sor.u32 $0x50, s23  }
0x185: {  	[tilespmem:s29+$0x0] =	vst.add.f32.msk $0xffff, v6  }
0x186: {  	v6 =	vld [tilespmem:s22+$0x6E0]  }
0x187: {  	(v2sf) =	vpush v5, $0xE;
	_ =	sdelay $0x2  }
0x188: {  	s30 =	sor.u32 $0x60, s23  }
0x189: {  	[tilespmem:s30+$0x0] =	vst.add.f32.msk $0xffff, v6  }
0x18a: {  	v6 =	vld [tilespmem:s22+$0x6F0];
	_ =	sdelay $0x3  }
0x18b: {  	s23 =	sor.u32 $0x70, s23  }
0x18c: {  	[tilespmem:s23+$0x0] =	vst.add.f32.msk $0xffff, v6  }
0x18d: {  	v6 =	vld [tilespmem:s22+$0x700];
	_ =	sdelay $0x3  }
0x18e: {  	s23 =	spop (v2sf)  }
0x18f: {  	[tilespmem:s23+$0x0] =	vst.add.f32.msk $0xffff, v6  }
0x190: {  	v6 =	vld [tilespmem:s22+$0x710];
	_ =	sdelay $0x3  }
0x191: {  	s31 =	sor.u32 $0x10, s23  }
0x192: {  	[tilespmem:s31+$0x0] =	vst.add.f32.msk $0xffff, v6  }
0x193: {  	v6 =	vld [tilespmem:s22+$0x720];
	_ =	sdelay $0x3  }
0x194: {  	s25 =	sor.u32 $0x20, s23  }
0x195: {  	[tilespmem:s25+$0x0] =	vst.add.f32.msk $0xffff, v6  }
0x196: {  	v6 =	vld [tilespmem:s22+$0x730];
	_ =	sdelay $0x3  }
0x197: {  	s26 =	sor.u32 $0x30, s23  }
0x198: {  	[tilespmem:s26+$0x0] =	vst.add.f32.msk $0xffff, v6  }
0x199: {  	v6 =	vld [tilespmem:s22+$0x740];
	_ =	sdelay $0x3  }
0x19a: {  	s28 =	sor.u32 $0x40, s23  }
0x19b: {  	[tilespmem:s28+$0x0] =	vst.add.f32.msk $0xffff, v6  }
0x19c: {  	v6 =	vld [tilespmem:s22+$0x750];
	_ =	sdelay $0x3  }
0x19d: {  	s29 =	sor.u32 $0x50, s23  }
0x19e: {  	[tilespmem:s29+$0x0] =	vst.add.f32.msk $0xffff, v6  }
0x19f: {  	v6 =	vld [tilespmem:s22+$0x760]  }
0x1a0: {  	(v2sf) =	vpush v5, $0xF;
	_ =	sdelay $0x2  }
0x1a1: {  	s30 =	sor.u32 $0x60, s23  }
0x1a2: {  	[tilespmem:s30+$0x0] =	vst.add.f32.msk $0xffff, v6  }
0x1a3: {  	v5 =	vld [tilespmem:s22+$0x770];
	_ =	sdelay $0x3  }
0x1a4: {  	s23 =	sor.u32 $0x70, s23  }
0x1a5: {  	[tilespmem:s23+$0x0] =	vst.add.f32.msk $0xffff, v5  }
0x1a6: {  	v5 =	vld [tilespmem:s22+$0x780];
	_ =	sdelay $0x3  }
0x1a7: {  	s23 =	spop (v2sf)  }
0x1a8: {  	[tilespmem:s23+$0x0] =	vst.add.f32.msk $0xffff, v5  }
0x1a9: {  	v5 =	vld [tilespmem:s22+$0x790];
	_ =	sdelay $0x3  }
0x1aa: {  	s31 =	sor.u32 $0x10, s23  }
0x1ab: {  	[tilespmem:s31+$0x0] =	vst.add.f32.msk $0xffff, v5  }
0x1ac: {  	v5 =	vld [tilespmem:s22+$0x7A0];
	_ =	sdelay $0x3  }
0x1ad: {  	s25 =	sor.u32 $0x20, s23  }
0x1ae: {  	[tilespmem:s25+$0x0] =	vst.add.f32.msk $0xffff, v5  }
0x1af: {  	v5 =	vld [tilespmem:s22+$0x7B0];
	_ =	sdelay $0x3  }
0x1b0: {  	s26 =	sor.u32 $0x30, s23  }
0x1b1: {  	[tilespmem:s26+$0x0] =	vst.add.f32.msk $0xffff, v5  }
0x1b2: {  	v5 =	vld [tilespmem:s22+$0x7C0];
	_ =	sdelay $0x3  }
0x1b3: {  	s28 =	sor.u32 $0x40, s23  }
0x1b4: {  	[tilespmem:s28+$0x0] =	vst.add.f32.msk $0xffff, v5  }
0x1b5: {  	v5 =	vld [tilespmem:s22+$0x7D0];
	_ =	sdelay $0x3  }
0x1b6: {  	s29 =	sor.u32 $0x50, s23  }
0x1b7: {  	[tilespmem:s29+$0x0] =	vst.add.f32.msk $0xffff, v5  }
0x1b8: {  	v5 =	vld [tilespmem:s22+$0x7E0];
	_ =	sdelay $0x3  }
0x1b9: {  	s30 =	sor.u32 $0x60, s23  }
0x1ba: {  	[tilespmem:s30+$0x0] =	vst.add.f32.msk $0xffff, v5  }
0x1bb: {  	p0 =	seq.s32 s21, $0x4C0;
	v5 =	vld [tilespmem:s22+$0x7F0]  }
.Ltmp2:
0x1bc: {  	_ = 	snop;
	(pc) =	sbr.rel @!p0 .LBB2_8-.Ltmp2, $3  }
0x1bd: {  	_ =	sdelay $0x1  }
0x1be: {  	s31 =	sor.u32 $0x70, s23  }
0x1bf: {  	s19 =	sadd.s32 $0x10, s19;
	s21 =	sadd.s32 $0x40, s21;
	s20 =	sadd.s32 $0x800, s20;
	[tilespmem:s31+$0x0] =	vst.add.f32.msk $0xffff, v5  }
0x1c0: {  	p0 =	seq.s32 s18, $0x9  }
.Ltmp3:
0x1c1: {  	_ = 	snop;
	(pc) =	sbr.rel @!p0 .LBB2_7-.Ltmp3, $2  }
0x1c2: {  	_ =	sdelay $0x2  }
0x1c3: {  	s16 =	sadd.s32 $0xA000, s16;
	s17 =	sadd.s32 $0x140, s17;
	s15 =	sadd.s32 $0x140, s15  }
0x1c4: {  	[tilespmem:s11], [sflag:$0x1] =	stream.linear.gather [hbm4b:s6+s3], $0x7A80, $0x38;
	[tilespmem:$0x13CE0] =	vst v63  }
0x1c5: {  	_ =	swait.ge [sflag:s10], $0x7A80  }
0x1c6: {  	[sflag:s10] =	ssyncset.done $0x0  }
0x1c7: {  	s14 =	simm.s32 $0xB40;
	s15 =	simm.s32 $0x9BD0;
	[sflag:s10] =	ssyncadd.s32 $0xFFFF8580  }
.LBB2_10:
0x1c8: {  	v5 =	vld [tilespmem:s15+$0x0];
	_ =	sdelay $0x4  }
0x1c9: {  	v4 =	vshll.u32 v5, $0x7  }
0x1ca: {  	(v2sf) =	vpush v4, $0x0;
	_ =	sdelay $0x2  }
0x1cb: {  	s16 =	smul.u32 $0xCCCD, s14  }
0x1cc: {  	v5 =	vshll.u32 v5, $0x4  }
0x1cd: {  	s16 =	sshrl.u32 s16, $0x18;
	v5 =	vor.u32 v2, v5  }
0x1ce: {  	s16 =	smul.u32 $0x140, s16;
	_ =	sdelay $0x1  }
0x1cf: {  	s16 =	ssub.s32 s14, s16  }
0x1d0: {  	s16 =	sshll.u32 s16, $0x7  }
0x1d1: {  	s16 =	sand.u32 $0xFF80, s16;
	[tilespmem:v5+s12+$0x0] =	vst.idx.add.f32.msk $0xffff, v3  }
0x1d2: {  	v5 =	vld [tilespmem:s16+$0x9CE0];
	_ =	sdelay $0x3  }
0x1d3: {  	s17 =	spop (v2sf)  }
0x1d4: {  	[tilespmem:s17+$0x0] =	vst.add.f32.msk $0xffff, v5  }
0x1d5: {  	v5 =	vld [tilespmem:s16+$0x9CF0];
	_ =	sdelay $0x3  }
0x1d6: {  	s18 =	sor.u32 $0x10, s17  }
0x1d7: {  	[tilespmem:s18+$0x0] =	vst.add.f32.msk $0xffff, v5  }
0x1d8: {  	v5 =	vld [tilespmem:s16+$0x9D00];
	_ =	sdelay $0x3  }
0x1d9: {  	s29 =	sor.u32 $0x20, s17  }
0x1da: {  	[tilespmem:s29+$0x0] =	vst.add.f32.msk $0xffff, v5  }
0x1db: {  	v5 =	vld [tilespmem:s16+$0x9D10];
	_ =	sdelay $0x3  }
0x1dc: {  	s30 =	sor.u32 $0x30, s17  }
0x1dd: {  	[tilespmem:s30+$0x0] =	vst.add.f32.msk $0xffff, v5  }
0x1de: {  	v5 =	vld [tilespmem:s16+$0x9D20];
	_ =	sdelay $0x3  }
0x1df: {  	s31 =	sor.u32 $0x40, s17  }
0x1e0: {  	[tilespmem:s31+$0x0] =	vst.add.f32.msk $0xffff, v5  }
0x1e1: {  	v5 =	vld [tilespmem:s16+$0x9D30];
	_ =	sdelay $0x3  }
0x1e2: {  	s19 =	sor.u32 $0x50, s17  }
0x1e3: {  	[tilespmem:s19+$0x0] =	vst.add.f32.msk $0xffff, v5  }
0x1e4: {  	v5 =	vld [tilespmem:s16+$0x9D40]  }
0x1e5: {  	(v2sf) =	vpush v4, $0x1;
	_ =	sdelay $0x2  }
0x1e6: {  	s20 =	sor.u32 $0x60, s17  }
0x1e7: {  	[tilespmem:s20+$0x0] =	vst.add.f32.msk $0xffff, v5  }
0x1e8: {  	v5 =	vld [tilespmem:s16+$0x9D50];
	_ =	sdelay $0x3  }
0x1e9: {  	s17 =	sor.u32 $0x70, s17  }
0x1ea: {  	[tilespmem:s17+$0x0] =	vst.add.f32.msk $0xffff, v5  }
0x1eb: {  	v5 =	vld [tilespmem:s16+$0x9D60];
	_ =	sdelay $0x3  }
0x1ec: {  	s21 =	spop (v2sf)  }
0x1ed: {  	[tilespmem:s21+$0x0] =	vst.add.f32.msk $0xffff, v5  }
0x1ee: {  	v5 =	vld [tilespmem:s16+$0x9D70];
	_ =	sdelay $0x3  }
0x1ef: {  	s22 =	sor.u32 $0x10, s21  }
0x1f0: {  	[tilespmem:s22+$0x0] =	vst.add.f32.msk $0xffff, v5  }
0x1f1: {  	v5 =	vld [tilespmem:s16+$0x9D80];
	_ =	sdelay $0x3  }
0x1f2: {  	s23 =	sor.u32 $0x20, s21  }
0x1f3: {  	[tilespmem:s23+$0x0] =	vst.add.f32.msk $0xffff, v5  }
0x1f4: {  	v5 =	vld [tilespmem:s16+$0x9D90];
	_ =	sdelay $0x3  }
0x1f5: {  	s24 =	sor.u32 $0x30, s21  }
0x1f6: {  	[tilespmem:s24+$0x0] =	vst.add.f32.msk $0xffff, v5  }
0x1f7: {  	v5 =	vld [tilespmem:s16+$0x9DA0];
	_ =	sdelay $0x3  }
0x1f8: {  	s25 =	sor.u32 $0x40, s21  }
0x1f9: {  	[tilespmem:s25+$0x0] =	vst.add.f32.msk $0xffff, v5  }
0x1fa: {  	v5 =	vld [tilespmem:s16+$0x9DB0];
	_ =	sdelay $0x3  }
0x1fb: {  	s26 =	sor.u32 $0x50, s21  }
0x1fc: {  	[tilespmem:s26+$0x0] =	vst.add.f32.msk $0xffff, v5  }
0x1fd: {  	v5 =	vld [tilespmem:s16+$0x9DC0]  }
0x1fe: {  	(v2sf) =	vpush v4, $0x2;
	_ =	sdelay $0x2  }
0x1ff: {  	s28 =	sor.u32 $0x60, s21  }
0x200: {  	[tilespmem:s28+$0x0] =	vst.add.f32.msk $0xffff, v5  }
0x201: {  	v5 =	vld [tilespmem:s16+$0x9DD0];
	_ =	sdelay $0x3  }
0x202: {  	s17 =	sor.u32 $0x70, s21  }
0x203: {  	[tilespmem:s17+$0x0] =	vst.add.f32.msk $0xffff, v5  }
0x204: {  	v5 =	vld [tilespmem:s16+$0x9DE0];
	_ =	sdelay $0x3  }
0x205: {  	s29 =	spop (v2sf)  }
0x206: {  	[tilespmem:s29+$0x0] =	vst.add.f32.msk $0xffff, v5  }
0x207: {  	v5 =	vld [tilespmem:s16+$0x9DF0];
	_ =	sdelay $0x3  }
0x208: {  	s30 =	sor.u32 $0x10, s29  }
0x209: {  	[tilespmem:s30+$0x0] =	vst.add.f32.msk $0xffff, v5  }
0x20a: {  	v5 =	vld [tilespmem:s16+$0x9E00];
	_ =	sdelay $0x3  }
0x20b: {  	s31 =	sor.u32 $0x20, s29  }
0x20c: {  	[tilespmem:s31+$0x0] =	vst.add.f32.msk $0xffff, v5  }
0x20d: {  	v5 =	vld [tilespmem:s16+$0x9E10];
	_ =	sdelay $0x3  }
0x20e: {  	s19 =	sor.u32 $0x30, s29  }
0x20f: {  	[tilespmem:s19+$0x0] =	vst.add.f32.msk $0xffff, v5  }
0x210: {  	v5 =	vld [tilespmem:s16+$0x9E20];
	_ =	sdelay $0x3  }
0x211: {  	s20 =	sor.u32 $0x40, s29  }
0x212: {  	[tilespmem:s20+$0x0] =	vst.add.f32.msk $0xffff, v5  }
0x213: {  	v5 =	vld [tilespmem:s16+$0x9E30];
	_ =	sdelay $0x3  }
0x214: {  	s21 =	sor.u32 $0x50, s29  }
0x215: {  	[tilespmem:s21+$0x0] =	vst.add.f32.msk $0xffff, v5  }
0x216: {  	v5 =	vld [tilespmem:s16+$0x9E40]  }
0x217: {  	(v2sf) =	vpush v4, $0x3;
	_ =	sdelay $0x2  }
0x218: {  	s22 =	sor.u32 $0x60, s29  }
0x219: {  	[tilespmem:s22+$0x0] =	vst.add.f32.msk $0xffff, v5  }
0x21a: {  	v5 =	vld [tilespmem:s16+$0x9E50];
	_ =	sdelay $0x3  }
0x21b: {  	s17 =	sor.u32 $0x70, s29  }
0x21c: {  	[tilespmem:s17+$0x0] =	vst.add.f32.msk $0xffff, v5  }
0x21d: {  	v5 =	vld [tilespmem:s16+$0x9E60];
	_ =	sdelay $0x3  }
0x21e: {  	s23 =	spop (v2sf)  }
0x21f: {  	[tilespmem:s23+$0x0] =	vst.add.f32.msk $0xffff, v5  }
0x220: {  	v5 =	vld [tilespmem:s16+$0x9E70];
	_ =	sdelay $0x3  }
0x221: {  	s24 =	sor.u32 $0x10, s23  }
0x222: {  	[tilespmem:s24+$0x0] =	vst.add.f32.msk $0xffff, v5  }
0x223: {  	v5 =	vld [tilespmem:s16+$0x9E80];
	_ =	sdelay $0x3  }
0x224: {  	s25 =	sor.u32 $0x20, s23  }
0x225: {  	[tilespmem:s25+$0x0] =	vst.add.f32.msk $0xffff, v5  }
0x226: {  	v5 =	vld [tilespmem:s16+$0x9E90];
	_ =	sdelay $0x3  }
0x227: {  	s26 =	sor.u32 $0x30, s23  }
0x228: {  	[tilespmem:s26+$0x0] =	vst.add.f32.msk $0xffff, v5  }
0x229: {  	v5 =	vld [tilespmem:s16+$0x9EA0];
	_ =	sdelay $0x3  }
0x22a: {  	s28 =	sor.u32 $0x40, s23  }
0x22b: {  	[tilespmem:s28+$0x0] =	vst.add.f32.msk $0xffff, v5  }
0x22c: {  	v5 =	vld [tilespmem:s16+$0x9EB0];
	_ =	sdelay $0x3  }
0x22d: {  	s29 =	sor.u32 $0x50, s23  }
0x22e: {  	[tilespmem:s29+$0x0] =	vst.add.f32.msk $0xffff, v5  }
0x22f: {  	v5 =	vld [tilespmem:s16+$0x9EC0]  }
0x230: {  	(v2sf) =	vpush v4, $0x4;
	_ =	sdelay $0x2  }
0x231: {  	s30 =	sor.u32 $0x60, s23  }
0x232: {  	[tilespmem:s30+$0x0] =	vst.add.f32.msk $0xffff, v5  }
0x233: {  	v5 =	vld [tilespmem:s16+$0x9ED0];
	_ =	sdelay $0x3  }
0x234: {  	s17 =	sor.u32 $0x70, s23  }
0x235: {  	[tilespmem:s17+$0x0] =	vst.add.f32.msk $0xffff, v5  }
0x236: {  	v5 =	vld [tilespmem:s16+$0x9EE0];
	_ =	sdelay $0x3  }
0x237: {  	s31 =	spop (v2sf)  }
0x238: {  	[tilespmem:s31+$0x0] =	vst.add.f32.msk $0xffff, v5  }
0x239: {  	v5 =	vld [tilespmem:s16+$0x9EF0];
	_ =	sdelay $0x3  }
0x23a: {  	s19 =	sor.u32 $0x10, s31  }
0x23b: {  	[tilespmem:s19+$0x0] =	vst.add.f32.msk $0xffff, v5  }
0x23c: {  	v5 =	vld [tilespmem:s16+$0x9F00];
	_ =	sdelay $0x3  }
0x23d: {  	s20 =	sor.u32 $0x20, s31  }
0x23e: {  	[tilespmem:s20+$0x0] =	vst.add.f32.msk $0xffff, v5  }
0x23f: {  	v5 =	vld [tilespmem:s16+$0x9F10];
	_ =	sdelay $0x3  }
0x240: {  	s21 =	sor.u32 $0x30, s31  }
0x241: {  	[tilespmem:s21+$0x0] =	vst.add.f32.msk $0xffff, v5  }
0x242: {  	v5 =	vld [tilespmem:s16+$0x9F20];
	_ =	sdelay $0x3  }
0x243: {  	s22 =	sor.u32 $0x40, s31  }
0x244: {  	[tilespmem:s22+$0x0] =	vst.add.f32.msk $0xffff, v5  }
0x245: {  	v5 =	vld [tilespmem:s16+$0x9F30];
	_ =	sdelay $0x3  }
0x246: {  	s23 =	sor.u32 $0x50, s31  }
0x247: {  	[tilespmem:s23+$0x0] =	vst.add.f32.msk $0xffff, v5  }
0x248: {  	v5 =	vld [tilespmem:s16+$0x9F40]  }
0x249: {  	(v2sf) =	vpush v4, $0x5;
	_ =	sdelay $0x2  }
0x24a: {  	s24 =	sor.u32 $0x60, s31  }
0x24b: {  	[tilespmem:s24+$0x0] =	vst.add.f32.msk $0xffff, v5  }
0x24c: {  	v5 =	vld [tilespmem:s16+$0x9F50];
	_ =	sdelay $0x3  }
0x24d: {  	s17 =	sor.u32 $0x70, s31  }
0x24e: {  	[tilespmem:s17+$0x0] =	vst.add.f32.msk $0xffff, v5  }
0x24f: {  	v5 =	vld [tilespmem:s16+$0x9F60];
	_ =	sdelay $0x3  }
0x250: {  	s25 =	spop (v2sf)  }
0x251: {  	[tilespmem:s25+$0x0] =	vst.add.f32.msk $0xffff, v5  }
0x252: {  	v5 =	vld [tilespmem:s16+$0x9F70];
	_ =	sdelay $0x3  }
0x253: {  	s26 =	sor.u32 $0x10, s25  }
0x254: {  	[tilespmem:s26+$0x0] =	vst.add.f32.msk $0xffff, v5  }
0x255: {  	v5 =	vld [tilespmem:s16+$0x9F80];
	_ =	sdelay $0x3  }
0x256: {  	s28 =	sor.u32 $0x20, s25  }
0x257: {  	[tilespmem:s28+$0x0] =	vst.add.f32.msk $0xffff, v5  }
0x258: {  	v5 =	vld [tilespmem:s16+$0x9F90];
	_ =	sdelay $0x3  }
0x259: {  	s29 =	sor.u32 $0x30, s25  }
0x25a: {  	[tilespmem:s29+$0x0] =	vst.add.f32.msk $0xffff, v5  }
0x25b: {  	v5 =	vld [tilespmem:s16+$0x9FA0];
	_ =	sdelay $0x3  }
0x25c: {  	s30 =	sor.u32 $0x40, s25  }
0x25d: {  	[tilespmem:s30+$0x0] =	vst.add.f32.msk $0xffff, v5  }
0x25e: {  	v5 =	vld [tilespmem:s16+$0x9FB0];
	_ =	sdelay $0x3  }
0x25f: {  	s31 =	sor.u32 $0x50, s25  }
0x260: {  	[tilespmem:s31+$0x0] =	vst.add.f32.msk $0xffff, v5  }
0x261: {  	v5 =	vld [tilespmem:s16+$0x9FC0]  }
0x262: {  	(v2sf) =	vpush v4, $0x6;
	_ =	sdelay $0x2  }
0x263: {  	s19 =	sor.u32 $0x60, s25  }
0x264: {  	[tilespmem:s19+$0x0] =	vst.add.f32.msk $0xffff, v5  }
0x265: {  	v5 =	vld [tilespmem:s16+$0x9FD0];
	_ =	sdelay $0x3  }
0x266: {  	s17 =	sor.u32 $0x70, s25  }
0x267: {  	[tilespmem:s17+$0x0] =	vst.add.f32.msk $0xffff, v5  }
0x268: {  	v5 =	vld [tilespmem:s16+$0x9FE0];
	_ =	sdelay $0x3  }
0x269: {  	s20 =	spop (v2sf)  }
0x26a: {  	[tilespmem:s20+$0x0] =	vst.add.f32.msk $0xffff, v5  }
0x26b: {  	v5 =	vld [tilespmem:s16+$0x9FF0];
	_ =	sdelay $0x3  }
0x26c: {  	s21 =	sor.u32 $0x10, s20  }
0x26d: {  	[tilespmem:s21+$0x0] =	vst.add.f32.msk $0xffff, v5  }
0x26e: {  	v5 =	vld [tilespmem:s16+$0xA000];
	_ =	sdelay $0x3  }
0x26f: {  	s22 =	sor.u32 $0x20, s20  }
0x270: {  	[tilespmem:s22+$0x0] =	vst.add.f32.msk $0xffff, v5  }
0x271: {  	v5 =	vld [tilespmem:s16+$0xA010];
	_ =	sdelay $0x3  }
0x272: {  	s23 =	sor.u32 $0x30, s20  }
0x273: {  	[tilespmem:s23+$0x0] =	vst.add.f32.msk $0xffff, v5  }
0x274: {  	v5 =	vld [tilespmem:s16+$0xA020];
	_ =	sdelay $0x3  }
0x275: {  	s24 =	sor.u32 $0x40, s20  }
0x276: {  	[tilespmem:s24+$0x0] =	vst.add.f32.msk $0xffff, v5  }
0x277: {  	v5 =	vld [tilespmem:s16+$0xA030];
	_ =	sdelay $0x3  }
0x278: {  	s25 =	sor.u32 $0x50, s20  }
0x279: {  	[tilespmem:s25+$0x0] =	vst.add.f32.msk $0xffff, v5  }
0x27a: {  	v5 =	vld [tilespmem:s16+$0xA040]  }
0x27b: {  	(v2sf) =	vpush v4, $0x7;
	_ =	sdelay $0x2  }
0x27c: {  	s26 =	sor.u32 $0x60, s20  }
0x27d: {  	[tilespmem:s26+$0x0] =	vst.add.f32.msk $0xffff, v5  }
0x27e: {  	v5 =	vld [tilespmem:s16+$0xA050];
	_ =	sdelay $0x3  }
0x27f: {  	s17 =	sor.u32 $0x70, s20  }
0x280: {  	[tilespmem:s17+$0x0] =	vst.add.f32.msk $0xffff, v5  }
0x281: {  	v5 =	vld [tilespmem:s16+$0xA060];
	_ =	sdelay $0x3  }
0x282: {  	s28 =	spop (v2sf)  }
0x283: {  	[tilespmem:s28+$0x0] =	vst.add.f32.msk $0xffff, v5  }
0x284: {  	v5 =	vld [tilespmem:s16+$0xA070];
	_ =	sdelay $0x3  }
0x285: {  	s29 =	sor.u32 $0x10, s28  }
0x286: {  	[tilespmem:s29+$0x0] =	vst.add.f32.msk $0xffff, v5  }
0x287: {  	v5 =	vld [tilespmem:s16+$0xA080];
	_ =	sdelay $0x3  }
0x288: {  	s30 =	sor.u32 $0x20, s28  }
0x289: {  	[tilespmem:s30+$0x0] =	vst.add.f32.msk $0xffff, v5  }
0x28a: {  	v5 =	vld [tilespmem:s16+$0xA090];
	_ =	sdelay $0x3  }
0x28b: {  	s31 =	sor.u32 $0x30, s28  }
0x28c: {  	[tilespmem:s31+$0x0] =	vst.add.f32.msk $0xffff, v5  }
0x28d: {  	v5 =	vld [tilespmem:s16+$0xA0A0];
	_ =	sdelay $0x3  }
0x28e: {  	s19 =	sor.u32 $0x40, s28  }
0x28f: {  	[tilespmem:s19+$0x0] =	vst.add.f32.msk $0xffff, v5  }
0x290: {  	v5 =	vld [tilespmem:s16+$0xA0B0];
	_ =	sdelay $0x3  }
0x291: {  	s20 =	sor.u32 $0x50, s28  }
0x292: {  	[tilespmem:s20+$0x0] =	vst.add.f32.msk $0xffff, v5  }
0x293: {  	v5 =	vld [tilespmem:s16+$0xA0C0]  }
0x294: {  	(v2sf) =	vpush v4, $0x8;
	_ =	sdelay $0x2  }
0x295: {  	s21 =	sor.u32 $0x60, s28  }
0x296: {  	[tilespmem:s21+$0x0] =	vst.add.f32.msk $0xffff, v5  }
0x297: {  	v5 =	vld [tilespmem:s16+$0xA0D0];
	_ =	sdelay $0x3  }
0x298: {  	s17 =	sor.u32 $0x70, s28  }
0x299: {  	[tilespmem:s17+$0x0] =	vst.add.f32.msk $0xffff, v5  }
0x29a: {  	v5 =	vld [tilespmem:s16+$0xA0E0];
	_ =	sdelay $0x3  }
0x29b: {  	s22 =	spop (v2sf)  }
0x29c: {  	[tilespmem:s22+$0x0] =	vst.add.f32.msk $0xffff, v5  }
0x29d: {  	v5 =	vld [tilespmem:s16+$0xA0F0];
	_ =	sdelay $0x3  }
0x29e: {  	s23 =	sor.u32 $0x10, s22  }
0x29f: {  	[tilespmem:s23+$0x0] =	vst.add.f32.msk $0xffff, v5  }
0x2a0: {  	v5 =	vld [tilespmem:s16+$0xA100];
	_ =	sdelay $0x3  }
0x2a1: {  	s24 =	sor.u32 $0x20, s22  }
0x2a2: {  	[tilespmem:s24+$0x0] =	vst.add.f32.msk $0xffff, v5  }
0x2a3: {  	v5 =	vld [tilespmem:s16+$0xA110];
	_ =	sdelay $0x3  }
0x2a4: {  	s25 =	sor.u32 $0x30, s22  }
0x2a5: {  	[tilespmem:s25+$0x0] =	vst.add.f32.msk $0xffff, v5  }
0x2a6: {  	v5 =	vld [tilespmem:s16+$0xA120];
	_ =	sdelay $0x3  }
0x2a7: {  	s26 =	sor.u32 $0x40, s22  }
0x2a8: {  	[tilespmem:s26+$0x0] =	vst.add.f32.msk $0xffff, v5  }
0x2a9: {  	v5 =	vld [tilespmem:s16+$0xA130];
	_ =	sdelay $0x3  }
0x2aa: {  	s28 =	sor.u32 $0x50, s22  }
0x2ab: {  	[tilespmem:s28+$0x0] =	vst.add.f32.msk $0xffff, v5  }
0x2ac: {  	v5 =	vld [tilespmem:s16+$0xA140]  }
0x2ad: {  	(v2sf) =	vpush v4, $0x9;
	_ =	sdelay $0x2  }
0x2ae: {  	s29 =	sor.u32 $0x60, s22  }
0x2af: {  	[tilespmem:s29+$0x0] =	vst.add.f32.msk $0xffff, v5  }
0x2b0: {  	v5 =	vld [tilespmem:s16+$0xA150];
	_ =	sdelay $0x3  }
0x2b1: {  	s17 =	sor.u32 $0x70, s22  }
0x2b2: {  	[tilespmem:s17+$0x0] =	vst.add.f32.msk $0xffff, v5  }
0x2b3: {  	v5 =	vld [tilespmem:s16+$0xA160];
	_ =	sdelay $0x3  }
0x2b4: {  	s30 =	spop (v2sf)  }
0x2b5: {  	[tilespmem:s30+$0x0] =	vst.add.f32.msk $0xffff, v5  }
0x2b6: {  	v5 =	vld [tilespmem:s16+$0xA170];
	_ =	sdelay $0x3  }
0x2b7: {  	s31 =	sor.u32 $0x10, s30  }
0x2b8: {  	[tilespmem:s31+$0x0] =	vst.add.f32.msk $0xffff, v5  }
0x2b9: {  	v5 =	vld [tilespmem:s16+$0xA180];
	_ =	sdelay $0x3  }
0x2ba: {  	s19 =	sor.u32 $0x20, s30  }
0x2bb: {  	[tilespmem:s19+$0x0] =	vst.add.f32.msk $0xffff, v5  }
0x2bc: {  	v5 =	vld [tilespmem:s16+$0xA190];
	_ =	sdelay $0x3  }
0x2bd: {  	s20 =	sor.u32 $0x30, s30  }
0x2be: {  	[tilespmem:s20+$0x0] =	vst.add.f32.msk $0xffff, v5  }
0x2bf: {  	v5 =	vld [tilespmem:s16+$0xA1A0];
	_ =	sdelay $0x3  }
0x2c0: {  	s21 =	sor.u32 $0x40, s30  }
0x2c1: {  	[tilespmem:s21+$0x0] =	vst.add.f32.msk $0xffff, v5  }
0x2c2: {  	v5 =	vld [tilespmem:s16+$0xA1B0];
	_ =	sdelay $0x3  }
0x2c3: {  	s22 =	sor.u32 $0x50, s30  }
0x2c4: {  	[tilespmem:s22+$0x0] =	vst.add.f32.msk $0xffff, v5  }
0x2c5: {  	v5 =	vld [tilespmem:s16+$0xA1C0]  }
0x2c6: {  	(v2sf) =	vpush v4, $0xA;
	_ =	sdelay $0x2  }
0x2c7: {  	s23 =	sor.u32 $0x60, s30  }
0x2c8: {  	[tilespmem:s23+$0x0] =	vst.add.f32.msk $0xffff, v5  }
0x2c9: {  	v5 =	vld [tilespmem:s16+$0xA1D0];
	_ =	sdelay $0x3  }
0x2ca: {  	s17 =	sor.u32 $0x70, s30  }
0x2cb: {  	[tilespmem:s17+$0x0] =	vst.add.f32.msk $0xffff, v5  }
0x2cc: {  	v5 =	vld [tilespmem:s16+$0xA1E0];
	_ =	sdelay $0x3  }
0x2cd: {  	s24 =	spop (v2sf)  }
0x2ce: {  	[tilespmem:s24+$0x0] =	vst.add.f32.msk $0xffff, v5  }
0x2cf: {  	v5 =	vld [tilespmem:s16+$0xA1F0];
	_ =	sdelay $0x3  }
0x2d0: {  	s25 =	sor.u32 $0x10, s24  }
0x2d1: {  	[tilespmem:s25+$0x0] =	vst.add.f32.msk $0xffff, v5  }
0x2d2: {  	v5 =	vld [tilespmem:s16+$0xA200];
	_ =	sdelay $0x3  }
0x2d3: {  	s26 =	sor.u32 $0x20, s24  }
0x2d4: {  	[tilespmem:s26+$0x0] =	vst.add.f32.msk $0xffff, v5  }
0x2d5: {  	v5 =	vld [tilespmem:s16+$0xA210];
	_ =	sdelay $0x3  }
0x2d6: {  	s28 =	sor.u32 $0x30, s24  }
0x2d7: {  	[tilespmem:s28+$0x0] =	vst.add.f32.msk $0xffff, v5  }
0x2d8: {  	v5 =	vld [tilespmem:s16+$0xA220];
	_ =	sdelay $0x3  }
0x2d9: {  	s29 =	sor.u32 $0x40, s24  }
0x2da: {  	[tilespmem:s29+$0x0] =	vst.add.f32.msk $0xffff, v5  }
0x2db: {  	v5 =	vld [tilespmem:s16+$0xA230];
	_ =	sdelay $0x3  }
0x2dc: {  	s30 =	sor.u32 $0x50, s24  }
0x2dd: {  	[tilespmem:s30+$0x0] =	vst.add.f32.msk $0xffff, v5  }
0x2de: {  	v5 =	vld [tilespmem:s16+$0xA240]  }
0x2df: {  	(v2sf) =	vpush v4, $0xB;
	_ =	sdelay $0x2  }
0x2e0: {  	s31 =	sor.u32 $0x60, s24  }
0x2e1: {  	[tilespmem:s31+$0x0] =	vst.add.f32.msk $0xffff, v5  }
0x2e2: {  	v5 =	vld [tilespmem:s16+$0xA250];
	_ =	sdelay $0x3  }
0x2e3: {  	s17 =	sor.u32 $0x70, s24  }
0x2e4: {  	[tilespmem:s17+$0x0] =	vst.add.f32.msk $0xffff, v5  }
0x2e5: {  	v5 =	vld [tilespmem:s16+$0xA260];
	_ =	sdelay $0x3  }
0x2e6: {  	s19 =	spop (v2sf)  }
0x2e7: {  	[tilespmem:s19+$0x0] =	vst.add.f32.msk $0xffff, v5  }
0x2e8: {  	v5 =	vld [tilespmem:s16+$0xA270];
	_ =	sdelay $0x3  }
0x2e9: {  	s20 =	sor.u32 $0x10, s19  }
0x2ea: {  	[tilespmem:s20+$0x0] =	vst.add.f32.msk $0xffff, v5  }
0x2eb: {  	v5 =	vld [tilespmem:s16+$0xA280];
	_ =	sdelay $0x3  }
0x2ec: {  	s21 =	sor.u32 $0x20, s19  }
0x2ed: {  	[tilespmem:s21+$0x0] =	vst.add.f32.msk $0xffff, v5  }
0x2ee: {  	v5 =	vld [tilespmem:s16+$0xA290];
	_ =	sdelay $0x3  }
0x2ef: {  	s22 =	sor.u32 $0x30, s19  }
0x2f0: {  	[tilespmem:s22+$0x0] =	vst.add.f32.msk $0xffff, v5  }
0x2f1: {  	v5 =	vld [tilespmem:s16+$0xA2A0];
	_ =	sdelay $0x3  }
0x2f2: {  	s23 =	sor.u32 $0x40, s19  }
0x2f3: {  	[tilespmem:s23+$0x0] =	vst.add.f32.msk $0xffff, v5  }
0x2f4: {  	v5 =	vld [tilespmem:s16+$0xA2B0];
	_ =	sdelay $0x3  }
0x2f5: {  	s24 =	sor.u32 $0x50, s19  }
0x2f6: {  	[tilespmem:s24+$0x0] =	vst.add.f32.msk $0xffff, v5  }
0x2f7: {  	v5 =	vld [tilespmem:s16+$0xA2C0]  }
0x2f8: {  	(v2sf) =	vpush v4, $0xC;
	_ =	sdelay $0x2  }
0x2f9: {  	s25 =	sor.u32 $0x60, s19  }
0x2fa: {  	[tilespmem:s25+$0x0] =	vst.add.f32.msk $0xffff, v5  }
0x2fb: {  	v5 =	vld [tilespmem:s16+$0xA2D0];
	_ =	sdelay $0x3  }
0x2fc: {  	s17 =	sor.u32 $0x70, s19  }
0x2fd: {  	[tilespmem:s17+$0x0] =	vst.add.f32.msk $0xffff, v5  }
0x2fe: {  	v5 =	vld [tilespmem:s16+$0xA2E0];
	_ =	sdelay $0x3  }
0x2ff: {  	s26 =	spop (v2sf)  }
0x300: {  	[tilespmem:s26+$0x0] =	vst.add.f32.msk $0xffff, v5  }
0x301: {  	v5 =	vld [tilespmem:s16+$0xA2F0];
	_ =	sdelay $0x3  }
0x302: {  	s28 =	sor.u32 $0x10, s26  }
0x303: {  	[tilespmem:s28+$0x0] =	vst.add.f32.msk $0xffff, v5  }
0x304: {  	v5 =	vld [tilespmem:s16+$0xA300];
	_ =	sdelay $0x3  }
0x305: {  	s29 =	sor.u32 $0x20, s26  }
0x306: {  	[tilespmem:s29+$0x0] =	vst.add.f32.msk $0xffff, v5  }
0x307: {  	v5 =	vld [tilespmem:s16+$0xA310];
	_ =	sdelay $0x3  }
0x308: {  	s30 =	sor.u32 $0x30, s26  }
0x309: {  	[tilespmem:s30+$0x0] =	vst.add.f32.msk $0xffff, v5  }
0x30a: {  	v5 =	vld [tilespmem:s16+$0xA320];
	_ =	sdelay $0x3  }
0x30b: {  	s31 =	sor.u32 $0x40, s26  }
0x30c: {  	[tilespmem:s31+$0x0] =	vst.add.f32.msk $0xffff, v5  }
0x30d: {  	v5 =	vld [tilespmem:s16+$0xA330];
	_ =	sdelay $0x3  }
0x30e: {  	s19 =	sor.u32 $0x50, s26  }
0x30f: {  	[tilespmem:s19+$0x0] =	vst.add.f32.msk $0xffff, v5  }
0x310: {  	v5 =	vld [tilespmem:s16+$0xA340]  }
0x311: {  	(v2sf) =	vpush v4, $0xD;
	_ =	sdelay $0x2  }
0x312: {  	s20 =	sor.u32 $0x60, s26  }
0x313: {  	[tilespmem:s20+$0x0] =	vst.add.f32.msk $0xffff, v5  }
0x314: {  	v5 =	vld [tilespmem:s16+$0xA350];
	_ =	sdelay $0x3  }
0x315: {  	s17 =	sor.u32 $0x70, s26  }
0x316: {  	[tilespmem:s17+$0x0] =	vst.add.f32.msk $0xffff, v5  }
0x317: {  	v5 =	vld [tilespmem:s16+$0xA360];
	_ =	sdelay $0x3  }
0x318: {  	s21 =	spop (v2sf)  }
0x319: {  	[tilespmem:s21+$0x0] =	vst.add.f32.msk $0xffff, v5  }
0x31a: {  	v5 =	vld [tilespmem:s16+$0xA370];
	_ =	sdelay $0x3  }
0x31b: {  	s22 =	sor.u32 $0x10, s21  }
0x31c: {  	[tilespmem:s22+$0x0] =	vst.add.f32.msk $0xffff, v5  }
0x31d: {  	v5 =	vld [tilespmem:s16+$0xA380];
	_ =	sdelay $0x3  }
0x31e: {  	s23 =	sor.u32 $0x20, s21  }
0x31f: {  	[tilespmem:s23+$0x0] =	vst.add.f32.msk $0xffff, v5  }
0x320: {  	v5 =	vld [tilespmem:s16+$0xA390];
	_ =	sdelay $0x3  }
0x321: {  	s24 =	sor.u32 $0x30, s21  }
0x322: {  	[tilespmem:s24+$0x0] =	vst.add.f32.msk $0xffff, v5  }
0x323: {  	v5 =	vld [tilespmem:s16+$0xA3A0];
	_ =	sdelay $0x3  }
0x324: {  	s25 =	sor.u32 $0x40, s21  }
0x325: {  	[tilespmem:s25+$0x0] =	vst.add.f32.msk $0xffff, v5  }
0x326: {  	v5 =	vld [tilespmem:s16+$0xA3B0];
	_ =	sdelay $0x3  }
0x327: {  	s26 =	sor.u32 $0x50, s21  }
0x328: {  	[tilespmem:s26+$0x0] =	vst.add.f32.msk $0xffff, v5  }
0x329: {  	v5 =	vld [tilespmem:s16+$0xA3C0]  }
0x32a: {  	(v2sf) =	vpush v4, $0xE;
	_ =	sdelay $0x2  }
0x32b: {  	s28 =	sor.u32 $0x60, s21  }
0x32c: {  	[tilespmem:s28+$0x0] =	vst.add.f32.msk $0xffff, v5  }
0x32d: {  	v5 =	vld [tilespmem:s16+$0xA3D0];
	_ =	sdelay $0x3  }
0x32e: {  	s17 =	sor.u32 $0x70, s21  }
0x32f: {  	[tilespmem:s17+$0x0] =	vst.add.f32.msk $0xffff, v5  }
0x330: {  	v5 =	vld [tilespmem:s16+$0xA3E0];
	_ =	sdelay $0x3  }
0x331: {  	s29 =	spop (v2sf)  }
0x332: {  	[tilespmem:s29+$0x0] =	vst.add.f32.msk $0xffff, v5  }
0x333: {  	v5 =	vld [tilespmem:s16+$0xA3F0];
	_ =	sdelay $0x3  }
0x334: {  	s30 =	sor.u32 $0x10, s29  }
0x335: {  	[tilespmem:s30+$0x0] =	vst.add.f32.msk $0xffff, v5  }
0x336: {  	v5 =	vld [tilespmem:s16+$0xA400];
	_ =	sdelay $0x3  }
0x337: {  	s31 =	sor.u32 $0x20, s29  }
0x338: {  	[tilespmem:s31+$0x0] =	vst.add.f32.msk $0xffff, v5  }
0x339: {  	v5 =	vld [tilespmem:s16+$0xA410];
	_ =	sdelay $0x3  }
0x33a: {  	s19 =	sor.u32 $0x30, s29  }
0x33b: {  	[tilespmem:s19+$0x0] =	vst.add.f32.msk $0xffff, v5  }
0x33c: {  	v5 =	vld [tilespmem:s16+$0xA420];
	_ =	sdelay $0x3  }
0x33d: {  	s20 =	sor.u32 $0x40, s29  }
0x33e: {  	[tilespmem:s20+$0x0] =	vst.add.f32.msk $0xffff, v5  }
0x33f: {  	v5 =	vld [tilespmem:s16+$0xA430];
	_ =	sdelay $0x3  }
0x340: {  	s21 =	sor.u32 $0x50, s29  }
0x341: {  	[tilespmem:s21+$0x0] =	vst.add.f32.msk $0xffff, v5  }
0x342: {  	v5 =	vld [tilespmem:s16+$0xA440]  }
0x343: {  	(v2sf) =	vpush v4, $0xF;
	_ =	sdelay $0x2  }
0x344: {  	s22 =	sor.u32 $0x60, s29  }
0x345: {  	[tilespmem:s22+$0x0] =	vst.add.f32.msk $0xffff, v5  }
0x346: {  	v4 =	vld [tilespmem:s16+$0xA450];
	_ =	sdelay $0x3  }
0x347: {  	s17 =	sor.u32 $0x70, s29  }
0x348: {  	[tilespmem:s17+$0x0] =	vst.add.f32.msk $0xffff, v4  }
0x349: {  	v4 =	vld [tilespmem:s16+$0xA460];
	_ =	sdelay $0x3  }
0x34a: {  	s23 =	spop (v2sf)  }
0x34b: {  	[tilespmem:s23+$0x0] =	vst.add.f32.msk $0xffff, v4  }
0x34c: {  	v4 =	vld [tilespmem:s16+$0xA470];
	_ =	sdelay $0x3  }
0x34d: {  	s24 =	sor.u32 $0x10, s23  }
0x34e: {  	[tilespmem:s24+$0x0] =	vst.add.f32.msk $0xffff, v4  }
0x34f: {  	v4 =	vld [tilespmem:s16+$0xA480];
	_ =	sdelay $0x3  }
0x350: {  	s25 =	sor.u32 $0x20, s23  }
0x351: {  	[tilespmem:s25+$0x0] =	vst.add.f32.msk $0xffff, v4  }
0x352: {  	v4 =	vld [tilespmem:s16+$0xA490];
	_ =	sdelay $0x3  }
0x353: {  	s26 =	sor.u32 $0x30, s23  }
0x354: {  	[tilespmem:s26+$0x0] =	vst.add.f32.msk $0xffff, v4  }
0x355: {  	v4 =	vld [tilespmem:s16+$0xA4A0];
	_ =	sdelay $0x3  }
0x356: {  	s28 =	sor.u32 $0x40, s23  }
0x357: {  	[tilespmem:s28+$0x0] =	vst.add.f32.msk $0xffff, v4  }
0x358: {  	v4 =	vld [tilespmem:s16+$0xA4B0];
	_ =	sdelay $0x3  }
0x359: {  	s29 =	sor.u32 $0x50, s23  }
0x35a: {  	[tilespmem:s29+$0x0] =	vst.add.f32.msk $0xffff, v4  }
0x35b: {  	v4 =	vld [tilespmem:s16+$0xA4C0];
	_ =	sdelay $0x3  }
0x35c: {  	s30 =	sor.u32 $0x60, s23  }
0x35d: {  	[tilespmem:s30+$0x0] =	vst.add.f32.msk $0xffff, v4  }
0x35e: {  	p0 =	sne.s32 s14, $0xC30;
	v4 =	vld [tilespmem:s16+$0xA4D0]  }
.Ltmp4:
0x35f: {  	_ = 	snop;
	(pc) =	sbr.rel @p0 .LBB2_10-.Ltmp4, $3  }
0x360: {  	_ =	sdelay $0x1  }
0x361: {  	s31 =	sor.u32 $0x70, s23  }
0x362: {  	s15 =	sadd.s32 $0x10, s15;
	s14 =	sadd.s32 $0x10, s14;
	[tilespmem:s31+$0x0] =	vst.add.f32.msk $0xffff, v4  }
0x363: {  	[hbm4b:s7+s3] =	stream.linear.scatter [tilespmem:s3], [sflag:$0x1], $0x8000, $0x38;
	[tilespmem:$0x13CE0] =	vst v63  }
0x364: {  	s13 =	sadd.s32 $0x1, s13;
	_ =	swait.ge [sflag:s10], $0x8000  }
0x365: {  	p0 =	sne.s32 s13, s9;
	[sflag:s10] =	ssyncset.done $0x0  }
.Ltmp5:
0x366: {  	[sflag:s10] =	ssyncadd.s32 $0xFFFF8000;
	(pc) =	sbr.rel @p0 .LBB2_1-.Ltmp5, $4  }
0x367: {  	[hbm4b:s8+s3] =	stream.linear.scatter [tilespmem:s12], [sflag:$0x1], $0x1000, $0x38;
	[tilespmem:$0x13CE0] =	vst v63  }
0x368: {  	_ =	swait.ge [sflag:s10], $0x1000  }
0x369: {  	[sflag:s10] =	ssyncset.done $0x0  }
0x36a: {  	[sflag:s10] =	ssyncadd.s32 $0xFFFFF000  }
0x36b: {  	_ =	sfence.sel $0x180000  }
0x36c: {  	[bflag:$0x0] =	sbarrier.arrive $0xFFFF  }
0x36d: {  	p0 =	sne.s32 s0, $0x0;
	_ =	strace $0x90000047  }
0x36e: {  	s0 =	sadd.s32 @!p0 $0x100000, s1;
	[bflag:$0x2] =	sbarrier.arrive $0xFFFF  }
0x36f: {  	[sflag:s0] =	ssyncadd.tile.s32 @!p0 $0x1;
	_ =	shalt  }
.Lfunc_end2:
_tile_overlayer_lowered:
.L_overlay_start_2:
0x370: {  	(tag) =	ssettag $0x2  }
0x371: {  	s0 =	rddreg [dreg:$0x0];
	s2 =	stileid.u32  }
0x372: {  	s1 =	rddreg [dreg:$0x1];
	p0 =	sne.s32 s2, $0x0  }
0x373: {  	s3 =	rddreg [dreg:$0x2];
	[bflag:$0x3] =	sbarrier.arrive $0xFFFF;
	s2 =	simm.s32 @!p0 $0x1C01  }
0x374: {  	[timem:s3], [sflag:s2] =	dma.local @!p0 [hbm:s0], s1  }
0x375: {  	s0 =	simm.s32 @!p0 $0x1  }
0x376: {  	_ =	swait.ge @!p0 [sflag:s0], s1  }
0x377: {  	s1 =	ssub.s32 @!p0 $0x0, s1;
	[sflag:s0] =	ssyncset.done @!p0 $0x0  }
0x378: {  	[sflag:s0] =	ssyncadd.s32 @!p0 s1  }
0x379: {  	[bflag:$0x3] =	sbarrier.arrive $0xFFFF  }
0x37a: {  	_ =	shalt  }

</sc_bundles>
